<compile_context>
chip_gen: v7x
topology: tpu7x:2x2x1
jax: 0.10.2.dev20260603
libtpu: 0.0.44.dev20260713+nightly
codegen_flags: <defaults>
</compile_context>

<pallas_src>
import functools

import jax
import jax.numpy as jnp
from jax import lax
from jax.experimental import pallas as pl
from jax.experimental.pallas import tpu as pltpu
from jax.experimental.pallas import tpu_sc as plsc

_N = 10000
_E = 320000
_D = 128
_H = 64
_G = 64
_NC = 2
_NS = 16
_NW = _NC * _NS
_NP = 10240
_RPT = _NP // _NS


def _segsum_sc(p, src3d, dst3d, zrows, K):
    width = p.shape[1]
    tch, ch = src3d.shape[1], src3d.shape[2]
    R = tch // K
    mesh = plsc.VectorSubcoreMesh(core_axis_name="c", subcore_axis_name="s")

    @functools.partial(
        pl.kernel,
        out_type=jax.ShapeDtypeStruct((_NC * _NP, width), jnp.float32),
        mesh=mesh,
        scratch_types=[
            pltpu.VMEM_SHARED((_NP, width), jnp.float32),
            pltpu.VMEM((tch, ch), jnp.int32),
            pltpu.VMEM((tch, ch), jnp.int32),
            pltpu.VMEM((2 * K, ch, width), jnp.float32),
            pltpu.SemaphoreType.DMA((2 * K,)),
            pltpu.SemaphoreType.DMA((2 * K,)),
        ],
        compiler_params=pltpu.CompilerParams(use_tc_tiling_on_sc=False),
    )
    def k(p_hbm, src_hbm, dst_hbm, z_hbm, out_hbm, acc, si, di, rows,
          gsem, ssem):
        c = lax.axis_index("c")
        s = lax.axis_index("s")
        pltpu.sync_copy(z_hbm.at[pl.ds(s * _RPT, _RPT)],
                        acc.at[pl.ds(s * _RPT, _RPT)])
        wid = c * _NS + s
        pltpu.sync_copy(src_hbm.at[wid], si)
        pltpu.sync_copy(dst_hbm.at[wid], di)
        plsc.subcore_barrier()

        def g_start(j, b):
            pltpu.async_copy(p_hbm.at[si.at[j]], rows.at[b], gsem.at[b])

        def g_drain(j, b):
            pltpu.make_async_copy(p_hbm.at[si.at[j]], rows.at[b],
                                  gsem.at[b]).wait()

        def s_start(j, b):
            pltpu.async_copy(rows.at[b], acc.at[di.at[j]], ssem.at[b],
                             add=True)

        def s_drain(j, b):
            pltpu.make_async_copy(rows.at[b], acc.at[di.at[j]],
                                  ssem.at[b]).wait()

        def do_round(r, sel, start_next):
            boff = 0 if sel == 0 else K
            boff_n = K - boff
            for b in range(K):
                g_drain(r * K + b, boff + b)
            for b in range(K):
                s_start(r * K + b, boff + b)
            if start_next:
                for b in range(K):
                    g_start((r + 1) * K + b, boff_n + b)
            for b in range(K):
                s_drain(r * K + b, boff + b)

        for b in range(K):
            g_start(b, b)

        if R % 2 == 0:
            @pl.loop(0, R - 2, step=2)
            def _(r0):
                do_round(r0, 0, True)
                do_round(r0 + 1, 1, True)

            do_round(R - 2, 0, True)
            do_round(R - 1, 1, False)
        else:
            @pl.loop(0, R - 1, step=2)
            def _(r0):
                do_round(r0, 0, True)
                do_round(r0 + 1, 1, True)

            do_round(R - 1, 0, False)

        plsc.subcore_barrier()
        pltpu.sync_copy(acc.at[pl.ds(s * _RPT, _RPT)],
                        out_hbm.at[pl.ds(c * _NP + s * _RPT, _RPT)])

    return k(p, src3d, dst3d, zrows)


def _combine_mm_kernel(h_ref, m_ref, eps_ref, b_ref, w_ref, o_ref):
    msg = m_ref[:_N, :] + m_ref[_NP:_NP + _N, :]
    a = (1.0 + eps_ref[0, 0]) * h_ref[...] + msg
    o_ref[...] = jax.nn.relu(
        jnp.dot(a, w_ref[...], preferred_element_type=jnp.float32) + b_ref[...])


def _combine_mm(h, m, eps, b, w):
    return pl.pallas_call(
        _combine_mm_kernel,
        out_shape=jax.ShapeDtypeStruct((_N, w.shape[1]), jnp.float32),
    )(h, m, jnp.reshape(eps, (1, 1)), jnp.reshape(b, (1, w.shape[1])), w)


def _final_kernel(h2_ref, m_ref, eps_ref, b_ref, w_ref, batch_ref, wf_ref,
                  bf_ref, wl_ref, bl_ref, o_ref):
    msg = m_ref[:_N, :] + m_ref[_NP:_NP + _N, :]
    a = (1.0 + eps_ref[0, 0]) * h2_ref[...] + msg
    h = jax.nn.relu(
        jnp.dot(a, w_ref[...], preferred_element_type=jnp.float32) + b_ref[...])
    ind = (batch_ref[...] == lax.broadcasted_iota(jnp.int32, (_G, _N), 0))
    ind = ind.astype(jnp.float32)
    sums = jnp.dot(ind, h, preferred_element_type=jnp.float32,
                   precision=lax.Precision.HIGHEST)
    counts = jnp.sum(ind, axis=1, keepdims=True)
    g = sums / jnp.maximum(counts, 1.0)
    g = jax.nn.relu(
        jnp.dot(g, wf_ref[...], preferred_element_type=jnp.float32)
        + bf_ref[...])
    gb = g.astype(jnp.bfloat16).astype(jnp.float32)
    wlb = wl_ref[...].astype(jnp.bfloat16).astype(jnp.float32)
    o_ref[...] = jnp.sum(gb * wlb, axis=1, keepdims=True) + bl_ref[...]


def _final(h2, m, eps, b, w, batch, wf, bf, wl, bl):
    return pl.pallas_call(
        _final_kernel,
        out_shape=jax.ShapeDtypeStruct((_G, 1), jnp.float32),
    )(h2, m, jnp.reshape(eps, (1, 1)), jnp.reshape(b, (1, _H)), w,
      jnp.reshape(batch, (1, _N)), wf, jnp.reshape(bf, (1, 10)),
      jnp.reshape(wl, (1, 10)), jnp.reshape(bl, (1, 1)))


def kernel(x, edge_index, batch, eps1, eps2, eps3, W1, b1, W2, b2, W3, b3,
           Wf, bf, Wl, bl):
    src3d = jnp.reshape(edge_index[0], (_NW, 100, 100))
    dst3d = jnp.reshape(edge_index[1], (_NW, 100, 100))
    src3n = jnp.reshape(edge_index[0], (_NW, 200, 50))
    dst3n = jnp.reshape(edge_index[1], (_NW, 200, 50))
    zd = jnp.zeros((_NP, _D), dtype=jnp.float32)
    zh = jnp.zeros((_NP, _H), dtype=jnp.float32)

    m0 = _segsum_sc(x, src3n, dst3n, zd, 2)
    h1 = _combine_mm(x, m0, eps1, b1, W1)
    m1 = _segsum_sc(h1, src3d, dst3d, zh, 5)
    h2 = _combine_mm(h1, m1, eps2, b2, W2)
    m2 = _segsum_sc(h2, src3d, dst3d, zh, 5)
    return _final(h2, m2, eps3, b3, W3, batch, Wf, bf, Wl, bl)

# --- scband reference (transcript-rebuilt; emitter-appended) ---
"""Pipeline reference for scband-gin-net-75050258530749 (READ-ONLY COPY).

The authoritative reference and input builder live on the scoring server;
editing this copy changes nothing except your own understanding.
"""

import jax, jax.numpy as jnp
import numpy as np

N = 10000
E = 320000
D = 128
H = 64
G = 64


def setup_inputs(seed: int = 0) -> dict:
    key = jax.random.key(seed)
    ks = jax.random.split(key, 20)
    x = jax.random.normal(ks[0], (N, D), dtype=jnp.float32)
    edge_index = jax.random.randint(ks[1], (2, E), 0, N, dtype=jnp.int32)
    batch = jnp.sort(jax.random.randint(ks[2], (N,), 0, G, dtype=jnp.int32))
    # GINConv eps values (train_eps=True -> learned scalars, init ~ U[0,1))
    eps1 = jnp.float32(0.37)
    eps2 = jnp.float32(0.72)
    eps3 = jnp.float32(0.11)
    # Linear weights (stored as [in, out] for x @ W + b)
    W1 = jax.random.normal(ks[3], (D, H), dtype=jnp.float32) * (1.0 / np.sqrt(D))
    b1 = jnp.zeros((H,), dtype=jnp.float32)
    W2 = jax.random.normal(ks[4], (H, H), dtype=jnp.float32) * (1.0 / np.sqrt(H))
    b2 = jnp.zeros((H,), dtype=jnp.float32)
    W3 = jax.random.normal(ks[5], (H, H), dtype=jnp.float32) * (1.0 / np.sqrt(H))
    b3 = jnp.zeros((H,), dtype=jnp.float32)
    Wf = jax.random.normal(ks[6], (H, 10), dtype=jnp.float32) * (1.0 / np.sqrt(H))
    bf = jnp.zeros((10,), dtype=jnp.float32)
    Wl = jax.random.normal(ks[7], (10, 1), dtype=jnp.float32) * (1.0 / np.sqrt(10))
    bl = jnp.zeros((1,), dtype=jnp.float32)
    return {"x": x, "edge_index": edge_index, "batch": batch,
            "eps1": eps1, "eps2": eps2, "eps3": eps3,
            "W1": W1, "b1": b1, "W2": W2, "b2": b2, "W3": W3, "b3": b3,
            "Wf": Wf, "bf": bf, "Wl": Wl, "bl": bl}


def _gin_conv(h, edge_index, eps, W, b):
    # PyG GINConv with sum aggregation: out_i = nn((1+eps)*x_i + sum_{j->i} x_j)
    src = edge_index[0]
    dst = edge_index[1]
    msg = jax.ops.segment_sum(h[src], dst, num_segments=N)
    return ((1.0 + eps) * h + msg) @ W + b


def _global_mean_pool(h, batch):
    sums = jax.ops.segment_sum(h, batch, num_segments=G)
    counts = jax.ops.segment_sum(jnp.ones((h.shape[0],), dtype=h.dtype), batch, num_segments=G)
    return sums / jnp.maximum(counts, 1.0)[:, None]


def reference(x, edge_index, batch, eps1, eps2, eps3, W1, b1, W2, b2, W3, b3, Wf, bf, Wl, bl):
    h = jax.nn.relu(_gin_conv(x, edge_index, eps1, W1, b1))
    h = jax.nn.relu(_gin_conv(h, edge_index, eps2, W2, b2))
    h = jax.nn.relu(_gin_conv(h, edge_index, eps3, W3, b3))
    g = _global_mean_pool(h, batch)
    g = jax.nn.relu(g @ Wf + bf)
    out = g @ Wl + bl
    return out

if __name__ == "__main__":
    import jax
    _d = setup_inputs()
    print(jax.jit(kernel)(*tuple(_d.values())))

</pallas_src>

<mosaic_0001>
#map = affine_map<(d0, d1) -> (0, 0)>
#map1 = affine_map<(d0, d1) -> (0, 0, 0)>
module attributes {stable_mosaic.version = 14 : i64} {
  func.func @k(%arg0: i32, %arg1: i32, %arg2: memref<10000x128xf32, #tpu.memory_space<hbm>>, %arg3: memref<32x200x50xi32, #tpu.memory_space<hbm>>, %arg4: memref<32x200x50xi32, #tpu.memory_space<hbm>>, %arg5: memref<10240x128xf32, #tpu.memory_space<hbm>>, %arg6: memref<20480x128xf32, #tpu.memory_space<hbm>>, %arg7: memref<10240x128xf32, #tpu.memory_space<vmem_shared>>, %arg8: memref<200x50xi32, #tpu.memory_space<vmem>>, %arg9: memref<200x50xi32, #tpu.memory_space<vmem>>, %arg10: memref<4x50x128xf32, #tpu.memory_space<vmem>>, %arg11: memref<4x!tpu.dma_semaphore, #tpu.memory_space<semaphore_mem>>, %arg12: memref<4x!tpu.dma_semaphore, #tpu.memory_space<semaphore_mem>>) attributes {dimension_semantics = [#tpu.dimension_semantics<core_parallel>, #tpu.dimension_semantics<subcore_parallel>], iteration_bounds = array<i64: 2, 16>, scalar_prefetch = 0 : i64, scratch_operands = 6 : i64, tpu.core_type = #tpu.core_type<sc_vector_subcore>, window_params = [{transform_indices = #map}, {transform_indices = #map1}, {transform_indices = #map1}, {transform_indices = #map}, {transform_indices = #map}]} {
    %mul3A = arith.constant 640 : i32
    %mul3A_0 = arith.muli %arg1, %mul3A : i32
    %mul3A_1 = arith.constant 640 : i32
    %mul3A_2 = arith.muli %arg1, %mul3A_1 : i32
    "tpu.region"() ({
      %run_scoped3A = tpu.sem_alloc : memref<!tpu.dma_semaphore, #tpu.memory_space<semaphore_mem>>
      %dma_start3A_255 = arith.constant 0 : i32
      %dma_start3A_256 = tpu.memref_slice %arg7[%mul3A_2, %dma_start3A_255] : memref<10240x128xf32, #tpu.memory_space<vmem_shared>> -> memref<640x128xf32, #tpu.memory_space<vmem_shared>>
      %dma_start3A_257 = arith.constant 0 : i32
      %dma_start3A_258 = tpu.memref_slice %arg5[%mul3A_0, %dma_start3A_257] : memref<10240x128xf32, #tpu.memory_space<hbm>> -> memref<640x128xf32, #tpu.memory_space<hbm>>
      tpu.enqueue_dma source(%dma_start3A_258 : memref<640x128xf32, #tpu.memory_space<hbm>>) target(%dma_start3A_256 : memref<640x128xf32, #tpu.memory_space<vmem_shared>>) target_semaphore(%run_scoped3A : memref<!tpu.dma_semaphore, #tpu.memory_space<semaphore_mem>>)
      %dma_wait3A_259 = arith.constant 0 : i32
      %dma_wait3A_260 = tpu.memref_slice %arg7[%mul3A_2, %dma_wait3A_259] : memref<10240x128xf32, #tpu.memory_space<vmem_shared>> -> memref<640x128xf32, #tpu.memory_space<vmem_shared>>
      %dma_wait3A_261 = arith.constant 0 : i32
      %dma_wait3A_262 = tpu.memref_slice %arg5[%mul3A_0, %dma_wait3A_261] : memref<10240x128xf32, #tpu.memory_space<hbm>> -> memref<640x128xf32, #tpu.memory_space<hbm>>
      tpu.wait_dma2 semaphore(%run_scoped3A : memref<!tpu.dma_semaphore, #tpu.memory_space<semaphore_mem>>) src(%dma_wait3A_262 : memref<640x128xf32, #tpu.memory_space<hbm>>) dst(%dma_wait3A_260 : memref<640x128xf32, #tpu.memory_space<vmem_shared>>)
      tpu.yield
    }) : () -> ()
    %mul3A_3 = arith.constant 16 : i32
    %mul3A_4 = arith.muli %arg0, %mul3A_3 : i32
    %add3A = arith.addi %mul3A_4, %arg1 : i32
    "tpu.region"() ({
      %run_scoped3A = tpu.sem_alloc : memref<!tpu.dma_semaphore, #tpu.memory_space<semaphore_mem>>
      %dma_start3A_255 = arith.constant 0 : i32
      %dma_start3A_256 = arith.constant 0 : i32
      %dma_start3A_257 = tpu.memref_slice %arg3[%add3A, %dma_start3A_255, %dma_start3A_256] : memref<32x200x50xi32, #tpu.memory_space<hbm>> -> memref<1x200x50xi32, #tpu.memory_space<hbm>>
      %dma_start3A_258 = tpu.memref_squeeze %dma_start3A_257 : memref<1x200x50xi32, #tpu.memory_space<hbm>> -> memref<200x50xi32, #tpu.memory_space<hbm>>
      %dma_start3A_259 = arith.constant 0 : i32
      %dma_start3A_260 = arith.constant 0 : i32
      %dma_start3A_261 = tpu.memref_slice %arg3[%add3A, %dma_start3A_259, %dma_start3A_260] : memref<32x200x50xi32, #tpu.memory_space<hbm>> -> memref<1x200x50xi32, #tpu.memory_space<hbm>>
      %dma_start3A_262 = tpu.memref_squeeze %dma_start3A_261 : memref<1x200x50xi32, #tpu.memory_space<hbm>> -> memref<200x50xi32, #tpu.memory_space<hbm>>
      tpu.enqueue_dma source(%dma_start3A_262 : memref<200x50xi32, #tpu.memory_space<hbm>>) target(%arg8 : memref<200x50xi32, #tpu.memory_space<vmem>>) target_semaphore(%run_scoped3A : memref<!tpu.dma_semaphore, #tpu.memory_space<semaphore_mem>>)
      %dma_wait3A_263 = arith.constant 0 : i32
      %dma_wait3A_264 = arith.constant 0 : i32
      %dma_wait3A_265 = tpu.memref_slice %arg3[%add3A, %dma_wait3A_263, %dma_wait3A_264] : memref<32x200x50xi32, #tpu.memory_space<hbm>> -> memref<1x200x50xi32, #tpu.memory_space<hbm>>
      %dma_wait3A_266 = tpu.memref_squeeze %dma_wait3A_265 : memref<1x200x50xi32, #tpu.memory_space<hbm>> -> memref<200x50xi32, #tpu.memory_space<hbm>>
      %dma_wait3A_267 = arith.constant 0 : i32
      %dma_wait3A_268 = arith.constant 0 : i32
      %dma_wait3A_269 = tpu.memref_slice %arg3[%add3A, %dma_wait3A_267, %dma_wait3A_268] : memref<32x200x50xi32, #tpu.memory_space<hbm>> -> memref<1x200x50xi32, #tpu.memory_space<hbm>>
      %dma_wait3A_270 = tpu.memref_squeeze %dma_wait3A_269 : memref<1x200x50xi32, #tpu.memory_space<hbm>> -> memref<200x50xi32, #tpu.memory_space<hbm>>
      tpu.wait_dma2 semaphore(%run_scoped3A : memref<!tpu.dma_semaphore, #tpu.memory_space<semaphore_mem>>) src(%dma_wait3A_270 : memref<200x50xi32, #tpu.memory_space<hbm>>) dst(%arg8 : memref<200x50xi32, #tpu.memory_space<vmem>>)
      tpu.yield
    }) : () -> ()
    "tpu.region"() ({
      %run_scoped3A = tpu.sem_alloc : memref<!tpu.dma_semaphore, #tpu.memory_space<semaphore_mem>>
      %dma_start3A_255 = arith.constant 0 : i32
      %dma_start3A_256 = arith.constant 0 : i32
      %dma_start3A_257 = tpu.memref_slice %arg4[%add3A, %dma_start3A_255, %dma_start3A_256] : memref<32x200x50xi32, #tpu.memory_space<hbm>> -> memref<1x200x50xi32, #tpu.memory_space<hbm>>
      %dma_start3A_258 = tpu.memref_squeeze %dma_start3A_257 : memref<1x200x50xi32, #tpu.memory_space<hbm>> -> memref<200x50xi32, #tpu.memory_space<hbm>>
      %dma_start3A_259 = arith.constant 0 : i32
      %dma_start3A_260 = arith.constant 0 : i32
      %dma_start3A_261 = tpu.memref_slice %arg4[%add3A, %dma_start3A_259, %dma_start3A_260] : memref<32x200x50xi32, #tpu.memory_space<hbm>> -> memref<1x200x50xi32, #tpu.memory_space<hbm>>
      %dma_start3A_262 = tpu.memref_squeeze %dma_start3A_261 : memref<1x200x50xi32, #tpu.memory_space<hbm>> -> memref<200x50xi32, #tpu.memory_space<hbm>>
      tpu.enqueue_dma source(%dma_start3A_262 : memref<200x50xi32, #tpu.memory_space<hbm>>) target(%arg9 : memref<200x50xi32, #tpu.memory_space<vmem>>) target_semaphore(%run_scoped3A : memref<!tpu.dma_semaphore, #tpu.memory_space<semaphore_mem>>)
      %dma_wait3A_263 = arith.constant 0 : i32
      %dma_wait3A_264 = arith.constant 0 : i32
      %dma_wait3A_265 = tpu.memref_slice %arg4[%add3A, %dma_wait3A_263, %dma_wait3A_264] : memref<32x200x50xi32, #tpu.memory_space<hbm>> -> memref<1x200x50xi32, #tpu.memory_space<hbm>>
      %dma_wait3A_266 = tpu.memref_squeeze %dma_wait3A_265 : memref<1x200x50xi32, #tpu.memory_space<hbm>> -> memref<200x50xi32, #tpu.memory_space<hbm>>
      %dma_wait3A_267 = arith.constant 0 : i32
      %dma_wait3A_268 = arith.constant 0 : i32
      %dma_wait3A_269 = tpu.memref_slice %arg4[%add3A, %dma_wait3A_267, %dma_wait3A_268] : memref<32x200x50xi32, #tpu.memory_space<hbm>> -> memref<1x200x50xi32, #tpu.memory_space<hbm>>
      %dma_wait3A_270 = tpu.memref_squeeze %dma_wait3A_269 : memref<1x200x50xi32, #tpu.memory_space<hbm>> -> memref<200x50xi32, #tpu.memory_space<hbm>>
      tpu.wait_dma2 semaphore(%run_scoped3A : memref<!tpu.dma_semaphore, #tpu.memory_space<semaphore_mem>>) src(%dma_wait3A_270 : memref<200x50xi32, #tpu.memory_space<hbm>>) dst(%arg9 : memref<200x50xi32, #tpu.memory_space<vmem>>)
      tpu.yield
    }) : () -> ()
    %barrier3A = arith.constant 0 : index
    tpu.barrier barrier_id(%barrier3A)
    %dma_start3A = arith.constant 0 : i32
    %dma_start3A_5 = arith.constant 0 : i32
    %dma_start3A_6 = arith.constant 0 : i32
    %dma_start3A_7 = arith.constant 0 : i32
    %dma_start3A_8 = arith.constant 0 : i32
    %dma_start3A_9 = tpu.memref_slice %arg10[%dma_start3A_5, %dma_start3A_7, %dma_start3A_8] : memref<4x50x128xf32, #tpu.memory_space<vmem>> -> memref<1x50x128xf32, #tpu.memory_space<vmem>>
    %dma_start3A_10 = tpu.memref_squeeze %dma_start3A_9 : memref<1x50x128xf32, #tpu.memory_space<vmem>> -> memref<50x128xf32, #tpu.memory_space<vmem>>
    %dma_start3A_11 = arith.constant 0 : i32
    %dma_start3A_12 = tpu.memref_slice %arg8[%dma_start3A, %dma_start3A_11] : memref<200x50xi32, #tpu.memory_space<vmem>> -> memref<1x50xi32, #tpu.memory_space<vmem>>
    %dma_start3A_13 = tpu.memref_squeeze %dma_start3A_12 : memref<1x50xi32, #tpu.memory_space<vmem>> -> memref<50xi32, #tpu.memory_space<vmem>>
    %dma_start3A_14 = arith.constant 0 : i32
    %dma_start3A_15 = arith.constant 0 : i32
    %dma_start3A_16 = tpu.memref_slice %arg2[%dma_start3A_14, %dma_start3A_15] : memref<10000x128xf32, #tpu.memory_space<hbm>> -> memref<10000x128xf32, #tpu.memory_space<hbm>>
    %dma_start3A_17 = tpu.memref_slice %arg11[%dma_start3A_6] : memref<4x!tpu.dma_semaphore, #tpu.memory_space<semaphore_mem>> -> memref<1x!tpu.dma_semaphore, #tpu.memory_space<semaphore_mem>>
    %dma_start3A_18 = tpu.memref_squeeze %dma_start3A_17 : memref<1x!tpu.dma_semaphore, #tpu.memory_space<semaphore_mem>> -> memref<!tpu.dma_semaphore, #tpu.memory_space<semaphore_mem>>
    tpu.enqueue_indirect_dma source(%dma_start3A_16 : memref<10000x128xf32, #tpu.memory_space<hbm>>) target(%dma_start3A_10 : memref<50x128xf32, #tpu.memory_space<vmem>>) offsets(%dma_start3A_13 : memref<50xi32, #tpu.memory_space<vmem>>) semaphore(%dma_start3A_18 : memref<!tpu.dma_semaphore, #tpu.memory_space<semaphore_mem>>)
    %dma_start3A_19 = arith.constant 1 : i32
    %dma_start3A_20 = arith.constant 1 : i32
    %dma_start3A_21 = arith.constant 1 : i32
    %dma_start3A_22 = arith.constant 0 : i32
    %dma_start3A_23 = arith.constant 0 : i32
    %dma_start3A_24 = tpu.memref_slice %arg10[%dma_start3A_20, %dma_start3A_22, %dma_start3A_23] : memref<4x50x128xf32, #tpu.memory_space<vmem>> -> memref<1x50x128xf32, #tpu.memory_space<vmem>>
    %dma_start3A_25 = tpu.memref_squeeze %dma_start3A_24 : memref<1x50x128xf32, #tpu.memory_space<vmem>> -> memref<50x128xf32, #tpu.memory_space<vmem>>
    %dma_start3A_26 = arith.constant 0 : i32
    %dma_start3A_27 = tpu.memref_slice %arg8[%dma_start3A_19, %dma_start3A_26] : memref<200x50xi32, #tpu.memory_space<vmem>> -> memref<1x50xi32, #tpu.memory_space<vmem>>
    %dma_start3A_28 = tpu.memref_squeeze %dma_start3A_27 : memref<1x50xi32, #tpu.memory_space<vmem>> -> memref<50xi32, #tpu.memory_space<vmem>>
    %dma_start3A_29 = arith.constant 0 : i32
    %dma_start3A_30 = arith.constant 0 : i32
    %dma_start3A_31 = tpu.memref_slice %arg2[%dma_start3A_29, %dma_start3A_30] : memref<10000x128xf32, #tpu.memory_space<hbm>> -> memref<10000x128xf32, #tpu.memory_space<hbm>>
    %dma_start3A_32 = tpu.memref_slice %arg11[%dma_start3A_21] : memref<4x!tpu.dma_semaphore, #tpu.memory_space<semaphore_mem>> -> memref<1x!tpu.dma_semaphore, #tpu.memory_space<semaphore_mem>>
    %dma_start3A_33 = tpu.memref_squeeze %dma_start3A_32 : memref<1x!tpu.dma_semaphore, #tpu.memory_space<semaphore_mem>> -> memref<!tpu.dma_semaphore, #tpu.memory_space<semaphore_mem>>
    tpu.enqueue_indirect_dma source(%dma_start3A_31 : memref<10000x128xf32, #tpu.memory_space<hbm>>) target(%dma_start3A_25 : memref<50x128xf32, #tpu.memory_space<vmem>>) offsets(%dma_start3A_28 : memref<50xi32, #tpu.memory_space<vmem>>) semaphore(%dma_start3A_33 : memref<!tpu.dma_semaphore, #tpu.memory_space<semaphore_mem>>)
    %scan3A = arith.constant 0 : i32
    %scan3A_34 = arith.constant 49 : i32
    %scan3A_35 = arith.addi %scan3A, %scan3A_34 : i32
    %scan3A_36 = arith.constant 1 : i32
    scf.for %scan3A_255 = %scan3A to %scan3A_35 step %scan3A_36  : i32 {
      %mul3A_256 = arith.constant 2 : i32
      %mul3A_257 = arith.muli %scan3A_255, %mul3A_256 : i32
      %add3A_258 = arith.constant 0 : i32
      %add3A_259 = arith.addi %add3A_258, %mul3A_257 : i32
      %mul3A_260 = arith.constant 2 : i32
      %mul3A_261 = arith.muli %add3A_259, %mul3A_260 : i32
      %add3A_262 = arith.constant 0 : i32
      %add3A_263 = arith.addi %mul3A_261, %add3A_262 : i32
      %dma_wait3A_264 = arith.constant 0 : i32
      %dma_wait3A_265 = arith.constant 0 : i32
      %dma_wait3A_266 = arith.constant 0 : i32
      %dma_wait3A_267 = arith.constant 0 : i32
      %dma_wait3A_268 = tpu.memref_slice %arg10[%dma_wait3A_264, %dma_wait3A_266, %dma_wait3A_267] : memref<4x50x128xf32, #tpu.memory_space<vmem>> -> memref<1x50x128xf32, #tpu.memory_space<vmem>>
      %dma_wait3A_269 = tpu.memref_squeeze %dma_wait3A_268 : memref<1x50x128xf32, #tpu.memory_space<vmem>> -> memref<50x128xf32, #tpu.memory_space<vmem>>
      %dma_wait3A_270 = arith.constant 0 : i32
      %dma_wait3A_271 = tpu.memref_slice %arg8[%add3A_263, %dma_wait3A_270] : memref<200x50xi32, #tpu.memory_space<vmem>> -> memref<1x50xi32, #tpu.memory_space<vmem>>
      %dma_wait3A_272 = tpu.memref_squeeze %dma_wait3A_271 : memref<1x50xi32, #tpu.memory_space<vmem>> -> memref<50xi32, #tpu.memory_space<vmem>>
      %dma_wait3A_273 = arith.constant 0 : i32
      %dma_wait3A_274 = arith.constant 0 : i32
      %dma_wait3A_275 = tpu.memref_slice %arg2[%dma_wait3A_273, %dma_wait3A_274] : memref<10000x128xf32, #tpu.memory_space<hbm>> -> memref<10000x128xf32, #tpu.memory_space<hbm>>
      %dma_wait3A_276 = tpu.memref_slice %arg11[%dma_wait3A_265] : memref<4x!tpu.dma_semaphore, #tpu.memory_space<semaphore_mem>> -> memref<1x!tpu.dma_semaphore, #tpu.memory_space<semaphore_mem>>
      %dma_wait3A_277 = tpu.memref_squeeze %dma_wait3A_276 : memref<1x!tpu.dma_semaphore, #tpu.memory_space<semaphore_mem>> -> memref<!tpu.dma_semaphore, #tpu.memory_space<semaphore_mem>>
      tpu.wait_indirect_dma semaphore(%dma_wait3A_277 : memref<!tpu.dma_semaphore, #tpu.memory_space<semaphore_mem>>) src(%dma_wait3A_275 : memref<10000x128xf32, #tpu.memory_space<hbm>>) dst(%dma_wait3A_269 : memref<50x128xf32, #tpu.memory_space<vmem>>)
      %mul3A_278 = arith.constant 2 : i32
      %mul3A_279 = arith.muli %add3A_259, %mul3A_278 : i32
      %add3A_280 = arith.constant 1 : i32
      %add3A_281 = arith.addi %mul3A_279, %add3A_280 : i32
      %dma_wait3A_282 = arith.constant 1 : i32
      %dma_wait3A_283 = arith.constant 1 : i32
      %dma_wait3A_284 = arith.constant 0 : i32
      %dma_wait3A_285 = arith.constant 0 : i32
      %dma_wait3A_286 = tpu.memref_slice %arg10[%dma_wait3A_282, %dma_wait3A_284, %dma_wait3A_285] : memref<4x50x128xf32, #tpu.memory_space<vmem>> -> memref<1x50x128xf32, #tpu.memory_space<vmem>>
      %dma_wait3A_287 = tpu.memref_squeeze %dma_wait3A_286 : memref<1x50x128xf32, #tpu.memory_space<vmem>> -> memref<50x128xf32, #tpu.memory_space<vmem>>
      %dma_wait3A_288 = arith.constant 0 : i32
      %dma_wait3A_289 = tpu.memref_slice %arg8[%add3A_281, %dma_wait3A_288] : memref<200x50xi32, #tpu.memory_space<vmem>> -> memref<1x50xi32, #tpu.memory_space<vmem>>
      %dma_wait3A_290 = tpu.memref_squeeze %dma_wait3A_289 : memref<1x50xi32, #tpu.memory_space<vmem>> -> memref<50xi32, #tpu.memory_space<vmem>>
      %dma_wait3A_291 = arith.constant 0 : i32
      %dma_wait3A_292 = arith.constant 0 : i32
      %dma_wait3A_293 = tpu.memref_slice %arg2[%dma_wait3A_291, %dma_wait3A_292] : memref<10000x128xf32, #tpu.memory_space<hbm>> -> memref<10000x128xf32, #tpu.memory_space<hbm>>
      %dma_wait3A_294 = tpu.memref_slice %arg11[%dma_wait3A_283] : memref<4x!tpu.dma_semaphore, #tpu.memory_space<semaphore_mem>> -> memref<1x!tpu.dma_semaphore, #tpu.memory_space<semaphore_mem>>
      %dma_wait3A_295 = tpu.memref_squeeze %dma_wait3A_294 : memref<1x!tpu.dma_semaphore, #tpu.memory_space<semaphore_mem>> -> memref<!tpu.dma_semaphore, #tpu.memory_space<semaphore_mem>>
      tpu.wait_indirect_dma semaphore(%dma_wait3A_295 : memref<!tpu.dma_semaphore, #tpu.memory_space<semaphore_mem>>) src(%dma_wait3A_293 : memref<10000x128xf32, #tpu.memory_space<hbm>>) dst(%dma_wait3A_287 : memref<50x128xf32, #tpu.memory_space<vmem>>)
      %mul3A_296 = arith.constant 2 : i32
      %mul3A_297 = arith.muli %add3A_259, %mul3A_296 : i32
      %add3A_298 = arith.constant 0 : i32
      %add3A_299 = arith.addi %mul3A_297, %add3A_298 : i32
      %dma_start3A_300 = arith.constant 0 : i32
      %dma_start3A_301 = arith.constant 0 : i32
      %dma_start3A_302 = arith.constant 0 : i32
      %dma_start3A_303 = arith.constant 0 : i32
      %dma_start3A_304 = tpu.memref_slice %arg10[%dma_start3A_300, %dma_start3A_302, %dma_start3A_303] : memref<4x50x128xf32, #tpu.memory_space<vmem>> -> memref<1x50x128xf32, #tpu.memory_space<vmem>>
      %dma_start3A_305 = tpu.memref_squeeze %dma_start3A_304 : memref<1x50x128xf32, #tpu.memory_space<vmem>> -> memref<50x128xf32, #tpu.memory_space<vmem>>
      %dma_start3A_306 = arith.constant 0 : i32
      %dma_start3A_307 = tpu.memref_slice %arg9[%add3A_299, %dma_start3A_306] : memref<200x50xi32, #tpu.memory_space<vmem>> -> memref<1x50xi32, #tpu.memory_space<vmem>>
      %dma_start3A_308 = tpu.memref_squeeze %dma_start3A_307 : memref<1x50xi32, #tpu.memory_space<vmem>> -> memref<50xi32, #tpu.memory_space<vmem>>
      %dma_start3A_309 = arith.constant 0 : i32
      %dma_start3A_310 = arith.constant 0 : i32
      %dma_start3A_311 = tpu.memref_slice %arg7[%dma_start3A_309, %dma_start3A_310] : memref<10240x128xf32, #tpu.memory_space<vmem_shared>> -> memref<10240x128xf32, #tpu.memory_space<vmem_shared>>
      %dma_start3A_312 = tpu.memref_slice %arg12[%dma_start3A_301] : memref<4x!tpu.dma_semaphore, #tpu.memory_space<semaphore_mem>> -> memref<1x!tpu.dma_semaphore, #tpu.memory_space<semaphore_mem>>
      %dma_start3A_313 = tpu.memref_squeeze %dma_start3A_312 : memref<1x!tpu.dma_semaphore, #tpu.memory_space<semaphore_mem>> -> memref<!tpu.dma_semaphore, #tpu.memory_space<semaphore_mem>>
      tpu.enqueue_indirect_dma source(%dma_start3A_305 : memref<50x128xf32, #tpu.memory_space<vmem>>) target(%dma_start3A_311 : memref<10240x128xf32, #tpu.memory_space<vmem_shared>>) offsets(%dma_start3A_308 : memref<50xi32, #tpu.memory_space<vmem>>) semaphore(%dma_start3A_313 : memref<!tpu.dma_semaphore, #tpu.memory_space<semaphore_mem>>) {add = true}
      %mul3A_314 = arith.constant 2 : i32
      %mul3A_315 = arith.muli %add3A_259, %mul3A_314 : i32
      %add3A_316 = arith.constant 1 : i32
      %add3A_317 = arith.addi %mul3A_315, %add3A_316 : i32
      %dma_start3A_318 = arith.constant 1 : i32
      %dma_start3A_319 = arith.constant 1 : i32
      %dma_start3A_320 = arith.constant 0 : i32
      %dma_start3A_321 = arith.constant 0 : i32
      %dma_start3A_322 = tpu.memref_slice %arg10[%dma_start3A_318, %dma_start3A_320, %dma_start3A_321] : memref<4x50x128xf32, #tpu.memory_space<vmem>> -> memref<1x50x128xf32, #tpu.memory_space<vmem>>
      %dma_start3A_323 = tpu.memref_squeeze %dma_start3A_322 : memref<1x50x128xf32, #tpu.memory_space<vmem>> -> memref<50x128xf32, #tpu.memory_space<vmem>>
      %dma_start3A_324 = arith.constant 0 : i32
      %dma_start3A_325 = tpu.memref_slice %arg9[%add3A_317, %dma_start3A_324] : memref<200x50xi32, #tpu.memory_space<vmem>> -> memref<1x50xi32, #tpu.memory_space<vmem>>
      %dma_start3A_326 = tpu.memref_squeeze %dma_start3A_325 : memref<1x50xi32, #tpu.memory_space<vmem>> -> memref<50xi32, #tpu.memory_space<vmem>>
      %dma_start3A_327 = arith.constant 0 : i32
      %dma_start3A_328 = arith.constant 0 : i32
      %dma_start3A_329 = tpu.memref_slice %arg7[%dma_start3A_327, %dma_start3A_328] : memref<10240x128xf32, #tpu.memory_space<vmem_shared>> -> memref<10240x128xf32, #tpu.memory_space<vmem_shared>>
      %dma_start3A_330 = tpu.memref_slice %arg12[%dma_start3A_319] : memref<4x!tpu.dma_semaphore, #tpu.memory_space<semaphore_mem>> -> memref<1x!tpu.dma_semaphore, #tpu.memory_space<semaphore_mem>>
      %dma_start3A_331 = tpu.memref_squeeze %dma_start3A_330 : memref<1x!tpu.dma_semaphore, #tpu.memory_space<semaphore_mem>> -> memref<!tpu.dma_semaphore, #tpu.memory_space<semaphore_mem>>
      tpu.enqueue_indirect_dma source(%dma_start3A_323 : memref<50x128xf32, #tpu.memory_space<vmem>>) target(%dma_start3A_329 : memref<10240x128xf32, #tpu.memory_space<vmem_shared>>) offsets(%dma_start3A_326 : memref<50xi32, #tpu.memory_space<vmem>>) semaphore(%dma_start3A_331 : memref<!tpu.dma_semaphore, #tpu.memory_space<semaphore_mem>>) {add = true}
      %add3A_332 = arith.constant 1 : i32
      %add3A_333 = arith.addi %add3A_259, %add3A_332 : i32
      %mul3A_334 = arith.constant 2 : i32
      %mul3A_335 = arith.muli %add3A_333, %mul3A_334 : i32
      %add3A_336 = arith.constant 0 : i32
      %add3A_337 = arith.addi %mul3A_335, %add3A_336 : i32
      %dma_start3A_338 = arith.constant 2 : i32
      %dma_start3A_339 = arith.constant 2 : i32
      %dma_start3A_340 = arith.constant 0 : i32
      %dma_start3A_341 = arith.constant 0 : i32
      %dma_start3A_342 = tpu.memref_slice %arg10[%dma_start3A_338, %dma_start3A_340, %dma_start3A_341] : memref<4x50x128xf32, #tpu.memory_space<vmem>> -> memref<1x50x128xf32, #tpu.memory_space<vmem>>
      %dma_start3A_343 = tpu.memref_squeeze %dma_start3A_342 : memref<1x50x128xf32, #tpu.memory_space<vmem>> -> memref<50x128xf32, #tpu.memory_space<vmem>>
      %dma_start3A_344 = arith.constant 0 : i32
      %dma_start3A_345 = tpu.memref_slice %arg8[%add3A_337, %dma_start3A_344] : memref<200x50xi32, #tpu.memory_space<vmem>> -> memref<1x50xi32, #tpu.memory_space<vmem>>
      %dma_start3A_346 = tpu.memref_squeeze %dma_start3A_345 : memref<1x50xi32, #tpu.memory_space<vmem>> -> memref<50xi32, #tpu.memory_space<vmem>>
      %dma_start3A_347 = arith.constant 0 : i32
      %dma_start3A_348 = arith.constant 0 : i32
      %dma_start3A_349 = tpu.memref_slice %arg2[%dma_start3A_347, %dma_start3A_348] : memref<10000x128xf32, #tpu.memory_space<hbm>> -> memref<10000x128xf32, #tpu.memory_space<hbm>>
      %dma_start3A_350 = tpu.memref_slice %arg11[%dma_start3A_339] : memref<4x!tpu.dma_semaphore, #tpu.memory_space<semaphore_mem>> -> memref<1x!tpu.dma_semaphore, #tpu.memory_space<semaphore_mem>>
      %dma_start3A_351 = tpu.memref_squeeze %dma_start3A_350 : memref<1x!tpu.dma_semaphore, #tpu.memory_space<semaphore_mem>> -> memref<!tpu.dma_semaphore, #tpu.memory_space<semaphore_mem>>
      tpu.enqueue_indirect_dma source(%dma_start3A_349 : memref<10000x128xf32, #tpu.memory_space<hbm>>) target(%dma_start3A_343 : memref<50x128xf32, #tpu.memory_space<vmem>>) offsets(%dma_start3A_346 : memref<50xi32, #tpu.memory_space<vmem>>) semaphore(%dma_start3A_351 : memref<!tpu.dma_semaphore, #tpu.memory_space<semaphore_mem>>)
      %add3A_352 = arith.constant 1 : i32
      %add3A_353 = arith.addi %add3A_259, %add3A_352 : i32
      %mul3A_354 = arith.constant 2 : i32
      %mul3A_355 = arith.muli %add3A_353, %mul3A_354 : i32
      %add3A_356 = arith.constant 1 : i32
      %add3A_357 = arith.addi %mul3A_355, %add3A_356 : i32
      %dma_start3A_358 = arith.constant 3 : i32
      %dma_start3A_359 = arith.constant 3 : i32
      %dma_start3A_360 = arith.constant 0 : i32
      %dma_start3A_361 = arith.constant 0 : i32
      %dma_start3A_362 = tpu.memref_slice %arg10[%dma_start3A_358, %dma_start3A_360, %dma_start3A_361] : memref<4x50x128xf32, #tpu.memory_space<vmem>> -> memref<1x50x128xf32, #tpu.memory_space<vmem>>
      %dma_start3A_363 = tpu.memref_squeeze %dma_start3A_362 : memref<1x50x128xf32, #tpu.memory_space<vmem>> -> memref<50x128xf32, #tpu.memory_space<vmem>>
      %dma_start3A_364 = arith.constant 0 : i32
      %dma_start3A_365 = tpu.memref_slice %arg8[%add3A_357, %dma_start3A_364] : memref<200x50xi32, #tpu.memory_space<vmem>> -> memref<1x50xi32, #tpu.memory_space<vmem>>
      %dma_start3A_366 = tpu.memref_squeeze %dma_start3A_365 : memref<1x50xi32, #tpu.memory_space<vmem>> -> memref<50xi32, #tpu.memory_space<vmem>>
      %dma_start3A_367 = arith.constant 0 : i32
      %dma_start3A_368 = arith.constant 0 : i32
      %dma_start3A_369 = tpu.memref_slice %arg2[%dma_start3A_367, %dma_start3A_368] : memref<10000x128xf32, #tpu.memory_space<hbm>> -> memref<10000x128xf32, #tpu.memory_space<hbm>>
      %dma_start3A_370 = tpu.memref_slice %arg11[%dma_start3A_359] : memref<4x!tpu.dma_semaphore, #tpu.memory_space<semaphore_mem>> -> memref<1x!tpu.dma_semaphore, #tpu.memory_space<semaphore_mem>>
      %dma_start3A_371 = tpu.memref_squeeze %dma_start3A_370 : memref<1x!tpu.dma_semaphore, #tpu.memory_space<semaphore_mem>> -> memref<!tpu.dma_semaphore, #tpu.memory_space<semaphore_mem>>
      tpu.enqueue_indirect_dma source(%dma_start3A_369 : memref<10000x128xf32, #tpu.memory_space<hbm>>) target(%dma_start3A_363 : memref<50x128xf32, #tpu.memory_space<vmem>>) offsets(%dma_start3A_366 : memref<50xi32, #tpu.memory_space<vmem>>) semaphore(%dma_start3A_371 : memref<!tpu.dma_semaphore, #tpu.memory_space<semaphore_mem>>)
      %mul3A_372 = arith.constant 2 : i32
      %mul3A_373 = arith.muli %add3A_259, %mul3A_372 : i32
      %add3A_374 = arith.constant 0 : i32
      %add3A_375 = arith.addi %mul3A_373, %add3A_374 : i32
      %dma_wait3A_376 = arith.constant 0 : i32
      %dma_wait3A_377 = arith.constant 0 : i32
      %dma_wait3A_378 = arith.constant 0 : i32
      %dma_wait3A_379 = arith.constant 0 : i32
      %dma_wait3A_380 = tpu.memref_slice %arg10[%dma_wait3A_376, %dma_wait3A_378, %dma_wait3A_379] : memref<4x50x128xf32, #tpu.memory_space<vmem>> -> memref<1x50x128xf32, #tpu.memory_space<vmem>>
      %dma_wait3A_381 = tpu.memref_squeeze %dma_wait3A_380 : memref<1x50x128xf32, #tpu.memory_space<vmem>> -> memref<50x128xf32, #tpu.memory_space<vmem>>
      %dma_wait3A_382 = arith.constant 0 : i32
      %dma_wait3A_383 = tpu.memref_slice %arg9[%add3A_375, %dma_wait3A_382] : memref<200x50xi32, #tpu.memory_space<vmem>> -> memref<1x50xi32, #tpu.memory_space<vmem>>
      %dma_wait3A_384 = tpu.memref_squeeze %dma_wait3A_383 : memref<1x50xi32, #tpu.memory_space<vmem>> -> memref<50xi32, #tpu.memory_space<vmem>>
      %dma_wait3A_385 = arith.constant 0 : i32
      %dma_wait3A_386 = arith.constant 0 : i32
      %dma_wait3A_387 = tpu.memref_slice %arg7[%dma_wait3A_385, %dma_wait3A_386] : memref<10240x128xf32, #tpu.memory_space<vmem_shared>> -> memref<10240x128xf32, #tpu.memory_space<vmem_shared>>
      %dma_wait3A_388 = tpu.memref_slice %arg12[%dma_wait3A_377] : memref<4x!tpu.dma_semaphore, #tpu.memory_space<semaphore_mem>> -> memref<1x!tpu.dma_semaphore, #tpu.memory_space<semaphore_mem>>
      %dma_wait3A_389 = tpu.memref_squeeze %dma_wait3A_388 : memref<1x!tpu.dma_semaphore, #tpu.memory_space<semaphore_mem>> -> memref<!tpu.dma_semaphore, #tpu.memory_space<semaphore_mem>>
      tpu.wait_indirect_dma semaphore(%dma_wait3A_389 : memref<!tpu.dma_semaphore, #tpu.memory_space<semaphore_mem>>) src(%dma_wait3A_381 : memref<50x128xf32, #tpu.memory_space<vmem>>) dst(%dma_wait3A_387 : memref<10240x128xf32, #tpu.memory_space<vmem_shared>>)
      %mul3A_390 = arith.constant 2 : i32
      %mul3A_391 = arith.muli %add3A_259, %mul3A_390 : i32
      %add3A_392 = arith.constant 1 : i32
      %add3A_393 = arith.addi %mul3A_391, %add3A_392 : i32
      %dma_wait3A_394 = arith.constant 1 : i32
      %dma_wait3A_395 = arith.constant 1 : i32
      %dma_wait3A_396 = arith.constant 0 : i32
      %dma_wait3A_397 = arith.constant 0 : i32
      %dma_wait3A_398 = tpu.memref_slice %arg10[%dma_wait3A_394, %dma_wait3A_396, %dma_wait3A_397] : memref<4x50x128xf32, #tpu.memory_space<vmem>> -> memref<1x50x128xf32, #tpu.memory_space<vmem>>
      %dma_wait3A_399 = tpu.memref_squeeze %dma_wait3A_398 : memref<1x50x128xf32, #tpu.memory_space<vmem>> -> memref<50x128xf32, #tpu.memory_space<vmem>>
      %dma_wait3A_400 = arith.constant 0 : i32
      %dma_wait3A_401 = tpu.memref_slice %arg9[%add3A_393, %dma_wait3A_400] : memref<200x50xi32, #tpu.memory_space<vmem>> -> memref<1x50xi32, #tpu.memory_space<vmem>>
      %dma_wait3A_402 = tpu.memref_squeeze %dma_wait3A_401 : memref<1x50xi32, #tpu.memory_space<vmem>> -> memref<50xi32, #tpu.memory_space<vmem>>
      %dma_wait3A_403 = arith.constant 0 : i32
      %dma_wait3A_404 = arith.constant 0 : i32
      %dma_wait3A_405 = tpu.memref_slice %arg7[%dma_wait3A_403, %dma_wait3A_404] : memref<10240x128xf32, #tpu.memory_space<vmem_shared>> -> memref<10240x128xf32, #tpu.memory_space<vmem_shared>>
      %dma_wait3A_406 = tpu.memref_slice %arg12[%dma_wait3A_395] : memref<4x!tpu.dma_semaphore, #tpu.memory_space<semaphore_mem>> -> memref<1x!tpu.dma_semaphore, #tpu.memory_space<semaphore_mem>>
      %dma_wait3A_407 = tpu.memref_squeeze %dma_wait3A_406 : memref<1x!tpu.dma_semaphore, #tpu.memory_space<semaphore_mem>> -> memref<!tpu.dma_semaphore, #tpu.memory_space<semaphore_mem>>
      tpu.wait_indirect_dma semaphore(%dma_wait3A_407 : memref<!tpu.dma_semaphore, #tpu.memory_space<semaphore_mem>>) src(%dma_wait3A_399 : memref<50x128xf32, #tpu.memory_space<vmem>>) dst(%dma_wait3A_405 : memref<10240x128xf32, #tpu.memory_space<vmem_shared>>)
      %add3A_408 = arith.constant 1 : i32
      %add3A_409 = arith.addi %add3A_259, %add3A_408 : i32
      %mul3A_410 = arith.constant 2 : i32
      %mul3A_411 = arith.muli %add3A_409, %mul3A_410 : i32
      %add3A_412 = arith.constant 0 : i32
      %add3A_413 = arith.addi %mul3A_411, %add3A_412 : i32
      %dma_wait3A_414 = arith.constant 2 : i32
      %dma_wait3A_415 = arith.constant 2 : i32
      %dma_wait3A_416 = arith.constant 0 : i32
      %dma_wait3A_417 = arith.constant 0 : i32
      %dma_wait3A_418 = tpu.memref_slice %arg10[%dma_wait3A_414, %dma_wait3A_416, %dma_wait3A_417] : memref<4x50x128xf32, #tpu.memory_space<vmem>> -> memref<1x50x128xf32, #tpu.memory_space<vmem>>
      %dma_wait3A_419 = tpu.memref_squeeze %dma_wait3A_418 : memref<1x50x128xf32, #tpu.memory_space<vmem>> -> memref<50x128xf32, #tpu.memory_space<vmem>>
      %dma_wait3A_420 = arith.constant 0 : i32
      %dma_wait3A_421 = tpu.memref_slice %arg8[%add3A_413, %dma_wait3A_420] : memref<200x50xi32, #tpu.memory_space<vmem>> -> memref<1x50xi32, #tpu.memory_space<vmem>>
      %dma_wait3A_422 = tpu.memref_squeeze %dma_wait3A_421 : memref<1x50xi32, #tpu.memory_space<vmem>> -> memref<50xi32, #tpu.memory_space<vmem>>
      %dma_wait3A_423 = arith.constant 0 : i32
      %dma_wait3A_424 = arith.constant 0 : i32
      %dma_wait3A_425 = tpu.memref_slice %arg2[%dma_wait3A_423, %dma_wait3A_424] : memref<10000x128xf32, #tpu.memory_space<hbm>> -> memref<10000x128xf32, #tpu.memory_space<hbm>>
      %dma_wait3A_426 = tpu.memref_slice %arg11[%dma_wait3A_415] : memref<4x!tpu.dma_semaphore, #tpu.memory_space<semaphore_mem>> -> memref<1x!tpu.dma_semaphore, #tpu.memory_space<semaphore_mem>>
      %dma_wait3A_427 = tpu.memref_squeeze %dma_wait3A_426 : memref<1x!tpu.dma_semaphore, #tpu.memory_space<semaphore_mem>> -> memref<!tpu.dma_semaphore, #tpu.memory_space<semaphore_mem>>
      tpu.wait_indirect_dma semaphore(%dma_wait3A_427 : memref<!tpu.dma_semaphore, #tpu.memory_space<semaphore_mem>>) src(%dma_wait3A_425 : memref<10000x128xf32, #tpu.memory_space<hbm>>) dst(%dma_wait3A_419 : memref<50x128xf32, #tpu.memory_space<vmem>>)
      %mul3A_428 = arith.constant 2 : i32
      %mul3A_429 = arith.muli %add3A_409, %mul3A_428 : i32
      %add3A_430 = arith.constant 1 : i32
      %add3A_431 = arith.addi %mul3A_429, %add3A_430 : i32
      %dma_wait3A_432 = arith.constant 3 : i32
      %dma_wait3A_433 = arith.constant 3 : i32
      %dma_wait3A_434 = arith.constant 0 : i32
      %dma_wait3A_435 = arith.constant 0 : i32
      %dma_wait3A_436 = tpu.memref_slice %arg10[%dma_wait3A_432, %dma_wait3A_434, %dma_wait3A_435] : memref<4x50x128xf32, #tpu.memory_space<vmem>> -> memref<1x50x128xf32, #tpu.memory_space<vmem>>
      %dma_wait3A_437 = tpu.memref_squeeze %dma_wait3A_436 : memref<1x50x128xf32, #tpu.memory_space<vmem>> -> memref<50x128xf32, #tpu.memory_space<vmem>>
      %dma_wait3A_438 = arith.constant 0 : i32
      %dma_wait3A_439 = tpu.memref_slice %arg8[%add3A_431, %dma_wait3A_438] : memref<200x50xi32, #tpu.memory_space<vmem>> -> memref<1x50xi32, #tpu.memory_space<vmem>>
      %dma_wait3A_440 = tpu.memref_squeeze %dma_wait3A_439 : memref<1x50xi32, #tpu.memory_space<vmem>> -> memref<50xi32, #tpu.memory_space<vmem>>
      %dma_wait3A_441 = arith.constant 0 : i32
      %dma_wait3A_442 = arith.constant 0 : i32
      %dma_wait3A_443 = tpu.memref_slice %arg2[%dma_wait3A_441, %dma_wait3A_442] : memref<10000x128xf32, #tpu.memory_space<hbm>> -> memref<10000x128xf32, #tpu.memory_space<hbm>>
      %dma_wait3A_444 = tpu.memref_slice %arg11[%dma_wait3A_433] : memref<4x!tpu.dma_semaphore, #tpu.memory_space<semaphore_mem>> -> memref<1x!tpu.dma_semaphore, #tpu.memory_space<semaphore_mem>>
      %dma_wait3A_445 = tpu.memref_squeeze %dma_wait3A_444 : memref<1x!tpu.dma_semaphore, #tpu.memory_space<semaphore_mem>> -> memref<!tpu.dma_semaphore, #tpu.memory_space<semaphore_mem>>
      tpu.wait_indirect_dma semaphore(%dma_wait3A_445 : memref<!tpu.dma_semaphore, #tpu.memory_space<semaphore_mem>>) src(%dma_wait3A_443 : memref<10000x128xf32, #tpu.memory_space<hbm>>) dst(%dma_wait3A_437 : memref<50x128xf32, #tpu.memory_space<vmem>>)
      %mul3A_446 = arith.constant 2 : i32
      %mul3A_447 = arith.muli %add3A_409, %mul3A_446 : i32
      %add3A_448 = arith.constant 0 : i32
      %add3A_449 = arith.addi %mul3A_447, %add3A_448 : i32
      %dma_start3A_450 = arith.constant 2 : i32
      %dma_start3A_451 = arith.constant 2 : i32
      %dma_start3A_452 = arith.constant 0 : i32
      %dma_start3A_453 = arith.constant 0 : i32
      %dma_start3A_454 = tpu.memref_slice %arg10[%dma_start3A_450, %dma_start3A_452, %dma_start3A_453] : memref<4x50x128xf32, #tpu.memory_space<vmem>> -> memref<1x50x128xf32, #tpu.memory_space<vmem>>
      %dma_start3A_455 = tpu.memref_squeeze %dma_start3A_454 : memref<1x50x128xf32, #tpu.memory_space<vmem>> -> memref<50x128xf32, #tpu.memory_space<vmem>>
      %dma_start3A_456 = arith.constant 0 : i32
      %dma_start3A_457 = tpu.memref_slice %arg9[%add3A_449, %dma_start3A_456] : memref<200x50xi32, #tpu.memory_space<vmem>> -> memref<1x50xi32, #tpu.memory_space<vmem>>
      %dma_start3A_458 = tpu.memref_squeeze %dma_start3A_457 : memref<1x50xi32, #tpu.memory_space<vmem>> -> memref<50xi32, #tpu.memory_space<vmem>>
      %dma_start3A_459 = arith.constant 0 : i32
      %dma_start3A_460 = arith.constant 0 : i32
      %dma_start3A_461 = tpu.memref_slice %arg7[%dma_start3A_459, %dma_start3A_460] : memref<10240x128xf32, #tpu.memory_space<vmem_shared>> -> memref<10240x128xf32, #tpu.memory_space<vmem_shared>>
      %dma_start3A_462 = tpu.memref_slice %arg12[%dma_start3A_451] : memref<4x!tpu.dma_semaphore, #tpu.memory_space<semaphore_mem>> -> memref<1x!tpu.dma_semaphore, #tpu.memory_space<semaphore_mem>>
      %dma_start3A_463 = tpu.memref_squeeze %dma_start3A_462 : memref<1x!tpu.dma_semaphore, #tpu.memory_space<semaphore_mem>> -> memref<!tpu.dma_semaphore, #tpu.memory_space<semaphore_mem>>
      tpu.enqueue_indirect_dma source(%dma_start3A_455 : memref<50x128xf32, #tpu.memory_space<vmem>>) target(%dma_start3A_461 : memref<10240x128xf32, #tpu.memory_space<vmem_shared>>) offsets(%dma_start3A_458 : memref<50xi32, #tpu.memory_space<vmem>>) semaphore(%dma_start3A_463 : memref<!tpu.dma_semaphore, #tpu.memory_space<semaphore_mem>>) {add = true}
      %mul3A_464 = arith.constant 2 : i32
      %mul3A_465 = arith.muli %add3A_409, %mul3A_464 : i32
      %add3A_466 = arith.constant 1 : i32
      %add3A_467 = arith.addi %mul3A_465, %add3A_466 : i32
      %dma_start3A_468 = arith.constant 3 : i32
      %dma_start3A_469 = arith.constant 3 : i32
      %dma_start3A_470 = arith.constant 0 : i32
      %dma_start3A_471 = arith.constant 0 : i32
      %dma_start3A_472 = tpu.memref_slice %arg10[%dma_start3A_468, %dma_start3A_470, %dma_start3A_471] : memref<4x50x128xf32, #tpu.memory_space<vmem>> -> memref<1x50x128xf32, #tpu.memory_space<vmem>>
      %dma_start3A_473 = tpu.memref_squeeze %dma_start3A_472 : memref<1x50x128xf32, #tpu.memory_space<vmem>> -> memref<50x128xf32, #tpu.memory_space<vmem>>
      %dma_start3A_474 = arith.constant 0 : i32
      %dma_start3A_475 = tpu.memref_slice %arg9[%add3A_467, %dma_start3A_474] : memref<200x50xi32, #tpu.memory_space<vmem>> -> memref<1x50xi32, #tpu.memory_space<vmem>>
      %dma_start3A_476 = tpu.memref_squeeze %dma_start3A_475 : memref<1x50xi32, #tpu.memory_space<vmem>> -> memref<50xi32, #tpu.memory_space<vmem>>
      %dma_start3A_477 = arith.constant 0 : i32
      %dma_start3A_478 = arith.constant 0 : i32
      %dma_start3A_479 = tpu.memref_slice %arg7[%dma_start3A_477, %dma_start3A_478] : memref<10240x128xf32, #tpu.memory_space<vmem_shared>> -> memref<10240x128xf32, #tpu.memory_space<vmem_shared>>
      %dma_start3A_480 = tpu.memref_slice %arg12[%dma_start3A_469] : memref<4x!tpu.dma_semaphore, #tpu.memory_space<semaphore_mem>> -> memref<1x!tpu.dma_semaphore, #tpu.memory_space<semaphore_mem>>
      %dma_start3A_481 = tpu.memref_squeeze %dma_start3A_480 : memref<1x!tpu.dma_semaphore, #tpu.memory_space<semaphore_mem>> -> memref<!tpu.dma_semaphore, #tpu.memory_space<semaphore_mem>>
      tpu.enqueue_indirect_dma source(%dma_start3A_473 : memref<50x128xf32, #tpu.memory_space<vmem>>) target(%dma_start3A_479 : memref<10240x128xf32, #tpu.memory_space<vmem_shared>>) offsets(%dma_start3A_476 : memref<50xi32, #tpu.memory_space<vmem>>) semaphore(%dma_start3A_481 : memref<!tpu.dma_semaphore, #tpu.memory_space<semaphore_mem>>) {add = true}
      %add3A_482 = arith.constant 1 : i32
      %add3A_483 = arith.addi %add3A_409, %add3A_482 : i32
      %mul3A_484 = arith.constant 2 : i32
      %mul3A_485 = arith.muli %add3A_483, %mul3A_484 : i32
      %add3A_486 = arith.constant 0 : i32
      %add3A_487 = arith.addi %mul3A_485, %add3A_486 : i32
      %dma_start3A_488 = arith.constant 0 : i32
      %dma_start3A_489 = arith.constant 0 : i32
      %dma_start3A_490 = arith.constant 0 : i32
      %dma_start3A_491 = arith.constant 0 : i32
      %dma_start3A_492 = tpu.memref_slice %arg10[%dma_start3A_488, %dma_start3A_490, %dma_start3A_491] : memref<4x50x128xf32, #tpu.memory_space<vmem>> -> memref<1x50x128xf32, #tpu.memory_space<vmem>>
      %dma_start3A_493 = tpu.memref_squeeze %dma_start3A_492 : memref<1x50x128xf32, #tpu.memory_space<vmem>> -> memref<50x128xf32, #tpu.memory_space<vmem>>
      %dma_start3A_494 = arith.constant 0 : i32
      %dma_start3A_495 = tpu.memref_slice %arg8[%add3A_487, %dma_start3A_494] : memref<200x50xi32, #tpu.memory_space<vmem>> -> memref<1x50xi32, #tpu.memory_space<vmem>>
      %dma_start3A_496 = tpu.memref_squeeze %dma_start3A_495 : memref<1x50xi32, #tpu.memory_space<vmem>> -> memref<50xi32, #tpu.memory_space<vmem>>
      %dma_start3A_497 = arith.constant 0 : i32
      %dma_start3A_498 = arith.constant 0 : i32
      %dma_start3A_499 = tpu.memref_slice %arg2[%dma_start3A_497, %dma_start3A_498] : memref<10000x128xf32, #tpu.memory_space<hbm>> -> memref<10000x128xf32, #tpu.memory_space<hbm>>
      %dma_start3A_500 = tpu.memref_slice %arg11[%dma_start3A_489] : memref<4x!tpu.dma_semaphore, #tpu.memory_space<semaphore_mem>> -> memref<1x!tpu.dma_semaphore, #tpu.memory_space<semaphore_mem>>
      %dma_start3A_501 = tpu.memref_squeeze %dma_start3A_500 : memref<1x!tpu.dma_semaphore, #tpu.memory_space<semaphore_mem>> -> memref<!tpu.dma_semaphore, #tpu.memory_space<semaphore_mem>>
      tpu.enqueue_indirect_dma source(%dma_start3A_499 : memref<10000x128xf32, #tpu.memory_space<hbm>>) target(%dma_start3A_493 : memref<50x128xf32, #tpu.memory_space<vmem>>) offsets(%dma_start3A_496 : memref<50xi32, #tpu.memory_space<vmem>>) semaphore(%dma_start3A_501 : memref<!tpu.dma_semaphore, #tpu.memory_space<semaphore_mem>>)
      %add3A_502 = arith.constant 1 : i32
      %add3A_503 = arith.addi %add3A_409, %add3A_502 : i32
      %mul3A_504 = arith.constant 2 : i32
      %mul3A_505 = arith.muli %add3A_503, %mul3A_504 : i32
      %add3A_506 = arith.constant 1 : i32
      %add3A_507 = arith.addi %mul3A_505, %add3A_506 : i32
      %dma_start3A_508 = arith.constant 1 : i32
      %dma_start3A_509 = arith.constant 1 : i32
      %dma_start3A_510 = arith.constant 0 : i32
      %dma_start3A_511 = arith.constant 0 : i32
      %dma_start3A_512 = tpu.memref_slice %arg10[%dma_start3A_508, %dma_start3A_510, %dma_start3A_511] : memref<4x50x128xf32, #tpu.memory_space<vmem>> -> memref<1x50x128xf32, #tpu.memory_space<vmem>>
      %dma_start3A_513 = tpu.memref_squeeze %dma_start3A_512 : memref<1x50x128xf32, #tpu.memory_space<vmem>> -> memref<50x128xf32, #tpu.memory_space<vmem>>
      %dma_start3A_514 = arith.constant 0 : i32
      %dma_start3A_515 = tpu.memref_slice %arg8[%add3A_507, %dma_start3A_514] : memref<200x50xi32, #tpu.memory_space<vmem>> -> memref<1x50xi32, #tpu.memory_space<vmem>>
      %dma_start3A_516 = tpu.memref_squeeze %dma_start3A_515 : memref<1x50xi32, #tpu.memory_space<vmem>> -> memref<50xi32, #tpu.memory_space<vmem>>
      %dma_start3A_517 = arith.constant 0 : i32
      %dma_start3A_518 = arith.constant 0 : i32
      %dma_start3A_519 = tpu.memref_slice %arg2[%dma_start3A_517, %dma_start3A_518] : memref<10000x128xf32, #tpu.memory_space<hbm>> -> memref<10000x128xf32, #tpu.memory_space<hbm>>
      %dma_start3A_520 = tpu.memref_slice %arg11[%dma_start3A_509] : memref<4x!tpu.dma_semaphore, #tpu.memory_space<semaphore_mem>> -> memref<1x!tpu.dma_semaphore, #tpu.memory_space<semaphore_mem>>
      %dma_start3A_521 = tpu.memref_squeeze %dma_start3A_520 : memref<1x!tpu.dma_semaphore, #tpu.memory_space<semaphore_mem>> -> memref<!tpu.dma_semaphore, #tpu.memory_space<semaphore_mem>>
      tpu.enqueue_indirect_dma source(%dma_start3A_519 : memref<10000x128xf32, #tpu.memory_space<hbm>>) target(%dma_start3A_513 : memref<50x128xf32, #tpu.memory_space<vmem>>) offsets(%dma_start3A_516 : memref<50xi32, #tpu.memory_space<vmem>>) semaphore(%dma_start3A_521 : memref<!tpu.dma_semaphore, #tpu.memory_space<semaphore_mem>>)
      %mul3A_522 = arith.constant 2 : i32
      %mul3A_523 = arith.muli %add3A_409, %mul3A_522 : i32
      %add3A_524 = arith.constant 0 : i32
      %add3A_525 = arith.addi %mul3A_523, %add3A_524 : i32
      %dma_wait3A_526 = arith.constant 2 : i32
      %dma_wait3A_527 = arith.constant 2 : i32
      %dma_wait3A_528 = arith.constant 0 : i32
      %dma_wait3A_529 = arith.constant 0 : i32
      %dma_wait3A_530 = tpu.memref_slice %arg10[%dma_wait3A_526, %dma_wait3A_528, %dma_wait3A_529] : memref<4x50x128xf32, #tpu.memory_space<vmem>> -> memref<1x50x128xf32, #tpu.memory_space<vmem>>
      %dma_wait3A_531 = tpu.memref_squeeze %dma_wait3A_530 : memref<1x50x128xf32, #tpu.memory_space<vmem>> -> memref<50x128xf32, #tpu.memory_space<vmem>>
      %dma_wait3A_532 = arith.constant 0 : i32
      %dma_wait3A_533 = tpu.memref_slice %arg9[%add3A_525, %dma_wait3A_532] : memref<200x50xi32, #tpu.memory_space<vmem>> -> memref<1x50xi32, #tpu.memory_space<vmem>>
      %dma_wait3A_534 = tpu.memref_squeeze %dma_wait3A_533 : memref<1x50xi32, #tpu.memory_space<vmem>> -> memref<50xi32, #tpu.memory_space<vmem>>
      %dma_wait3A_535 = arith.constant 0 : i32
      %dma_wait3A_536 = arith.constant 0 : i32
      %dma_wait3A_537 = tpu.memref_slice %arg7[%dma_wait3A_535, %dma_wait3A_536] : memref<10240x128xf32, #tpu.memory_space<vmem_shared>> -> memref<10240x128xf32, #tpu.memory_space<vmem_shared>>
      %dma_wait3A_538 = tpu.memref_slice %arg12[%dma_wait3A_527] : memref<4x!tpu.dma_semaphore, #tpu.memory_space<semaphore_mem>> -> memref<1x!tpu.dma_semaphore, #tpu.memory_space<semaphore_mem>>
      %dma_wait3A_539 = tpu.memref_squeeze %dma_wait3A_538 : memref<1x!tpu.dma_semaphore, #tpu.memory_space<semaphore_mem>> -> memref<!tpu.dma_semaphore, #tpu.memory_space<semaphore_mem>>
      tpu.wait_indirect_dma semaphore(%dma_wait3A_539 : memref<!tpu.dma_semaphore, #tpu.memory_space<semaphore_mem>>) src(%dma_wait3A_531 : memref<50x128xf32, #tpu.memory_space<vmem>>) dst(%dma_wait3A_537 : memref<10240x128xf32, #tpu.memory_space<vmem_shared>>)
      %mul3A_540 = arith.constant 2 : i32
      %mul3A_541 = arith.muli %add3A_409, %mul3A_540 : i32
      %add3A_542 = arith.constant 1 : i32
      %add3A_543 = arith.addi %mul3A_541, %add3A_542 : i32
      %dma_wait3A_544 = arith.constant 3 : i32
      %dma_wait3A_545 = arith.constant 3 : i32
      %dma_wait3A_546 = arith.constant 0 : i32
      %dma_wait3A_547 = arith.constant 0 : i32
      %dma_wait3A_548 = tpu.memref_slice %arg10[%dma_wait3A_544, %dma_wait3A_546, %dma_wait3A_547] : memref<4x50x128xf32, #tpu.memory_space<vmem>> -> memref<1x50x128xf32, #tpu.memory_space<vmem>>
      %dma_wait3A_549 = tpu.memref_squeeze %dma_wait3A_548 : memref<1x50x128xf32, #tpu.memory_space<vmem>> -> memref<50x128xf32, #tpu.memory_space<vmem>>
      %dma_wait3A_550 = arith.constant 0 : i32
      %dma_wait3A_551 = tpu.memref_slice %arg9[%add3A_543, %dma_wait3A_550] : memref<200x50xi32, #tpu.memory_space<vmem>> -> memref<1x50xi32, #tpu.memory_space<vmem>>
      %dma_wait3A_552 = tpu.memref_squeeze %dma_wait3A_551 : memref<1x50xi32, #tpu.memory_space<vmem>> -> memref<50xi32, #tpu.memory_space<vmem>>
      %dma_wait3A_553 = arith.constant 0 : i32
      %dma_wait3A_554 = arith.constant 0 : i32
      %dma_wait3A_555 = tpu.memref_slice %arg7[%dma_wait3A_553, %dma_wait3A_554] : memref<10240x128xf32, #tpu.memory_space<vmem_shared>> -> memref<10240x128xf32, #tpu.memory_space<vmem_shared>>
      %dma_wait3A_556 = tpu.memref_slice %arg12[%dma_wait3A_545] : memref<4x!tpu.dma_semaphore, #tpu.memory_space<semaphore_mem>> -> memref<1x!tpu.dma_semaphore, #tpu.memory_space<semaphore_mem>>
      %dma_wait3A_557 = tpu.memref_squeeze %dma_wait3A_556 : memref<1x!tpu.dma_semaphore, #tpu.memory_space<semaphore_mem>> -> memref<!tpu.dma_semaphore, #tpu.memory_space<semaphore_mem>>
      tpu.wait_indirect_dma semaphore(%dma_wait3A_557 : memref<!tpu.dma_semaphore, #tpu.memory_space<semaphore_mem>>) src(%dma_wait3A_549 : memref<50x128xf32, #tpu.memory_space<vmem>>) dst(%dma_wait3A_555 : memref<10240x128xf32, #tpu.memory_space<vmem_shared>>)
    }
    %scan3A_37 = arith.constant 49 : i32
    %dma_wait3A = arith.constant 196 : i32
    %dma_wait3A_38 = arith.constant 0 : i32
    %dma_wait3A_39 = arith.constant 0 : i32
    %dma_wait3A_40 = arith.constant 0 : i32
    %dma_wait3A_41 = arith.constant 0 : i32
    %dma_wait3A_42 = tpu.memref_slice %arg10[%dma_wait3A_38, %dma_wait3A_40, %dma_wait3A_41] : memref<4x50x128xf32, #tpu.memory_space<vmem>> -> memref<1x50x128xf32, #tpu.memory_space<vmem>>
    %dma_wait3A_43 = tpu.memref_squeeze %dma_wait3A_42 : memref<1x50x128xf32, #tpu.memory_space<vmem>> -> memref<50x128xf32, #tpu.memory_space<vmem>>
    %dma_wait3A_44 = arith.constant 0 : i32
    %dma_wait3A_45 = tpu.memref_slice %arg8[%dma_wait3A, %dma_wait3A_44] : memref<200x50xi32, #tpu.memory_space<vmem>> -> memref<1x50xi32, #tpu.memory_space<vmem>>
    %dma_wait3A_46 = tpu.memref_squeeze %dma_wait3A_45 : memref<1x50xi32, #tpu.memory_space<vmem>> -> memref<50xi32, #tpu.memory_space<vmem>>
    %dma_wait3A_47 = arith.constant 0 : i32
    %dma_wait3A_48 = arith.constant 0 : i32
    %dma_wait3A_49 = tpu.memref_slice %arg2[%dma_wait3A_47, %dma_wait3A_48] : memref<10000x128xf32, #tpu.memory_space<hbm>> -> memref<10000x128xf32, #tpu.memory_space<hbm>>
    %dma_wait3A_50 = tpu.memref_slice %arg11[%dma_wait3A_39] : memref<4x!tpu.dma_semaphore, #tpu.memory_space<semaphore_mem>> -> memref<1x!tpu.dma_semaphore, #tpu.memory_space<semaphore_mem>>
    %dma_wait3A_51 = tpu.memref_squeeze %dma_wait3A_50 : memref<1x!tpu.dma_semaphore, #tpu.memory_space<semaphore_mem>> -> memref<!tpu.dma_semaphore, #tpu.memory_space<semaphore_mem>>
    tpu.wait_indirect_dma semaphore(%dma_wait3A_51 : memref<!tpu.dma_semaphore, #tpu.memory_space<semaphore_mem>>) src(%dma_wait3A_49 : memref<10000x128xf32, #tpu.memory_space<hbm>>) dst(%dma_wait3A_43 : memref<50x128xf32, #tpu.memory_space<vmem>>)
    %dma_wait3A_52 = arith.constant 197 : i32
    %dma_wait3A_53 = arith.constant 1 : i32
    %dma_wait3A_54 = arith.constant 1 : i32
    %dma_wait3A_55 = arith.constant 0 : i32
    %dma_wait3A_56 = arith.constant 0 : i32
    %dma_wait3A_57 = tpu.memref_slice %arg10[%dma_wait3A_53, %dma_wait3A_55, %dma_wait3A_56] : memref<4x50x128xf32, #tpu.memory_space<vmem>> -> memref<1x50x128xf32, #tpu.memory_space<vmem>>
    %dma_wait3A_58 = tpu.memref_squeeze %dma_wait3A_57 : memref<1x50x128xf32, #tpu.memory_space<vmem>> -> memref<50x128xf32, #tpu.memory_space<vmem>>
    %dma_wait3A_59 = arith.constant 0 : i32
    %dma_wait3A_60 = tpu.memref_slice %arg8[%dma_wait3A_52, %dma_wait3A_59] : memref<200x50xi32, #tpu.memory_space<vmem>> -> memref<1x50xi32, #tpu.memory_space<vmem>>
    %dma_wait3A_61 = tpu.memref_squeeze %dma_wait3A_60 : memref<1x50xi32, #tpu.memory_space<vmem>> -> memref<50xi32, #tpu.memory_space<vmem>>
    %dma_wait3A_62 = arith.constant 0 : i32
    %dma_wait3A_63 = arith.constant 0 : i32
    %dma_wait3A_64 = tpu.memref_slice %arg2[%dma_wait3A_62, %dma_wait3A_63] : memref<10000x128xf32, #tpu.memory_space<hbm>> -> memref<10000x128xf32, #tpu.memory_space<hbm>>
    %dma_wait3A_65 = tpu.memref_slice %arg11[%dma_wait3A_54] : memref<4x!tpu.dma_semaphore, #tpu.memory_space<semaphore_mem>> -> memref<1x!tpu.dma_semaphore, #tpu.memory_space<semaphore_mem>>
    %dma_wait3A_66 = tpu.memref_squeeze %dma_wait3A_65 : memref<1x!tpu.dma_semaphore, #tpu.memory_space<semaphore_mem>> -> memref<!tpu.dma_semaphore, #tpu.memory_space<semaphore_mem>>
    tpu.wait_indirect_dma semaphore(%dma_wait3A_66 : memref<!tpu.dma_semaphore, #tpu.memory_space<semaphore_mem>>) src(%dma_wait3A_64 : memref<10000x128xf32, #tpu.memory_space<hbm>>) dst(%dma_wait3A_58 : memref<50x128xf32, #tpu.memory_space<vmem>>)
    %dma_start3A_67 = arith.constant 0 : i32
    %dma_start3A_68 = arith.constant 196 : i32
    %dma_start3A_69 = arith.constant 0 : i32
    %dma_start3A_70 = arith.constant 0 : i32
    %dma_start3A_71 = arith.constant 0 : i32
    %dma_start3A_72 = tpu.memref_slice %arg10[%dma_start3A_67, %dma_start3A_70, %dma_start3A_71] : memref<4x50x128xf32, #tpu.memory_space<vmem>> -> memref<1x50x128xf32, #tpu.memory_space<vmem>>
    %dma_start3A_73 = tpu.memref_squeeze %dma_start3A_72 : memref<1x50x128xf32, #tpu.memory_space<vmem>> -> memref<50x128xf32, #tpu.memory_space<vmem>>
    %dma_start3A_74 = arith.constant 0 : i32
    %dma_start3A_75 = tpu.memref_slice %arg9[%dma_start3A_68, %dma_start3A_74] : memref<200x50xi32, #tpu.memory_space<vmem>> -> memref<1x50xi32, #tpu.memory_space<vmem>>
    %dma_start3A_76 = tpu.memref_squeeze %dma_start3A_75 : memref<1x50xi32, #tpu.memory_space<vmem>> -> memref<50xi32, #tpu.memory_space<vmem>>
    %dma_start3A_77 = arith.constant 0 : i32
    %dma_start3A_78 = arith.constant 0 : i32
    %dma_start3A_79 = tpu.memref_slice %arg7[%dma_start3A_77, %dma_start3A_78] : memref<10240x128xf32, #tpu.memory_space<vmem_shared>> -> memref<10240x128xf32, #tpu.memory_space<vmem_shared>>
    %dma_start3A_80 = tpu.memref_slice %arg12[%dma_start3A_69] : memref<4x!tpu.dma_semaphore, #tpu.memory_space<semaphore_mem>> -> memref<1x!tpu.dma_semaphore, #tpu.memory_space<semaphore_mem>>
    %dma_start3A_81 = tpu.memref_squeeze %dma_start3A_80 : memref<1x!tpu.dma_semaphore, #tpu.memory_space<semaphore_mem>> -> memref<!tpu.dma_semaphore, #tpu.memory_space<semaphore_mem>>
    tpu.enqueue_indirect_dma source(%dma_start3A_73 : memref<50x128xf32, #tpu.memory_space<vmem>>) target(%dma_start3A_79 : memref<10240x128xf32, #tpu.memory_space<vmem_shared>>) offsets(%dma_start3A_76 : memref<50xi32, #tpu.memory_space<vmem>>) semaphore(%dma_start3A_81 : memref<!tpu.dma_semaphore, #tpu.memory_space<semaphore_mem>>) {add = true}
    %dma_start3A_82 = arith.constant 1 : i32
    %dma_start3A_83 = arith.constant 197 : i32
    %dma_start3A_84 = arith.constant 1 : i32
    %dma_start3A_85 = arith.constant 0 : i32
    %dma_start3A_86 = arith.constant 0 : i32
    %dma_start3A_87 = tpu.memref_slice %arg10[%dma_start3A_82, %dma_start3A_85, %dma_start3A_86] : memref<4x50x128xf32, #tpu.memory_space<vmem>> -> memref<1x50x128xf32, #tpu.memory_space<vmem>>
    %dma_start3A_88 = tpu.memref_squeeze %dma_start3A_87 : memref<1x50x128xf32, #tpu.memory_space<vmem>> -> memref<50x128xf32, #tpu.memory_space<vmem>>
    %dma_start3A_89 = arith.constant 0 : i32
    %dma_start3A_90 = tpu.memref_slice %arg9[%dma_start3A_83, %dma_start3A_89] : memref<200x50xi32, #tpu.memory_space<vmem>> -> memref<1x50xi32, #tpu.memory_space<vmem>>
    %dma_start3A_91 = tpu.memref_squeeze %dma_start3A_90 : memref<1x50xi32, #tpu.memory_space<vmem>> -> memref<50xi32, #tpu.memory_space<vmem>>
    %dma_start3A_92 = arith.constant 0 : i32
    %dma_start3A_93 = arith.constant 0 : i32
    %dma_start3A_94 = tpu.memref_slice %arg7[%dma_start3A_92, %dma_start3A_93] : memref<10240x128xf32, #tpu.memory_space<vmem_shared>> -> memref<10240x128xf32, #tpu.memory_space<vmem_shared>>
    %dma_start3A_95 = tpu.memref_slice %arg12[%dma_start3A_84] : memref<4x!tpu.dma_semaphore, #tpu.memory_space<semaphore_mem>> -> memref<1x!tpu.dma_semaphore, #tpu.memory_space<semaphore_mem>>
    %dma_start3A_96 = tpu.memref_squeeze %dma_start3A_95 : memref<1x!tpu.dma_semaphore, #tpu.memory_space<semaphore_mem>> -> memref<!tpu.dma_semaphore, #tpu.memory_space<semaphore_mem>>
    tpu.enqueue_indirect_dma source(%dma_start3A_88 : memref<50x128xf32, #tpu.memory_space<vmem>>) target(%dma_start3A_94 : memref<10240x128xf32, #tpu.memory_space<vmem_shared>>) offsets(%dma_start3A_91 : memref<50xi32, #tpu.memory_space<vmem>>) semaphore(%dma_start3A_96 : memref<!tpu.dma_semaphore, #tpu.memory_space<semaphore_mem>>) {add = true}
    %dma_start3A_97 = arith.constant 198 : i32
    %dma_start3A_98 = arith.constant 2 : i32
    %dma_start3A_99 = arith.constant 2 : i32
    %dma_start3A_100 = arith.constant 0 : i32
    %dma_start3A_101 = arith.constant 0 : i32
    %dma_start3A_102 = tpu.memref_slice %arg10[%dma_start3A_98, %dma_start3A_100, %dma_start3A_101] : memref<4x50x128xf32, #tpu.memory_space<vmem>> -> memref<1x50x128xf32, #tpu.memory_space<vmem>>
    %dma_start3A_103 = tpu.memref_squeeze %dma_start3A_102 : memref<1x50x128xf32, #tpu.memory_space<vmem>> -> memref<50x128xf32, #tpu.memory_space<vmem>>
    %dma_start3A_104 = arith.constant 0 : i32
    %dma_start3A_105 = tpu.memref_slice %arg8[%dma_start3A_97, %dma_start3A_104] : memref<200x50xi32, #tpu.memory_space<vmem>> -> memref<1x50xi32, #tpu.memory_space<vmem>>
    %dma_start3A_106 = tpu.memref_squeeze %dma_start3A_105 : memref<1x50xi32, #tpu.memory_space<vmem>> -> memref<50xi32, #tpu.memory_space<vmem>>
    %dma_start3A_107 = arith.constant 0 : i32
    %dma_start3A_108 = arith.constant 0 : i32
    %dma_start3A_109 = tpu.memref_slice %arg2[%dma_start3A_107, %dma_start3A_108] : memref<10000x128xf32, #tpu.memory_space<hbm>> -> memref<10000x128xf32, #tpu.memory_space<hbm>>
    %dma_start3A_110 = tpu.memref_slice %arg11[%dma_start3A_99] : memref<4x!tpu.dma_semaphore, #tpu.memory_space<semaphore_mem>> -> memref<1x!tpu.dma_semaphore, #tpu.memory_space<semaphore_mem>>
    %dma_start3A_111 = tpu.memref_squeeze %dma_start3A_110 : memref<1x!tpu.dma_semaphore, #tpu.memory_space<semaphore_mem>> -> memref<!tpu.dma_semaphore, #tpu.memory_space<semaphore_mem>>
    tpu.enqueue_indirect_dma source(%dma_start3A_109 : memref<10000x128xf32, #tpu.memory_space<hbm>>) target(%dma_start3A_103 : memref<50x128xf32, #tpu.memory_space<vmem>>) offsets(%dma_start3A_106 : memref<50xi32, #tpu.memory_space<vmem>>) semaphore(%dma_start3A_111 : memref<!tpu.dma_semaphore, #tpu.memory_space<semaphore_mem>>)
    %dma_start3A_112 = arith.constant 199 : i32
    %dma_start3A_113 = arith.constant 3 : i32
    %dma_start3A_114 = arith.constant 3 : i32
    %dma_start3A_115 = arith.constant 0 : i32
    %dma_start3A_116 = arith.constant 0 : i32
    %dma_start3A_117 = tpu.memref_slice %arg10[%dma_start3A_113, %dma_start3A_115, %dma_start3A_116] : memref<4x50x128xf32, #tpu.memory_space<vmem>> -> memref<1x50x128xf32, #tpu.memory_space<vmem>>
    %dma_start3A_118 = tpu.memref_squeeze %dma_start3A_117 : memref<1x50x128xf32, #tpu.memory_space<vmem>> -> memref<50x128xf32, #tpu.memory_space<vmem>>
    %dma_start3A_119 = arith.constant 0 : i32
    %dma_start3A_120 = tpu.memref_slice %arg8[%dma_start3A_112, %dma_start3A_119] : memref<200x50xi32, #tpu.memory_space<vmem>> -> memref<1x50xi32, #tpu.memory_space<vmem>>
    %dma_start3A_121 = tpu.memref_squeeze %dma_start3A_120 : memref<1x50xi32, #tpu.memory_space<vmem>> -> memref<50xi32, #tpu.memory_space<vmem>>
    %dma_start3A_122 = arith.constant 0 : i32
    %dma_start3A_123 = arith.constant 0 : i32
    %dma_start3A_124 = tpu.memref_slice %arg2[%dma_start3A_122, %dma_start3A_123] : memref<10000x128xf32, #tpu.memory_space<hbm>> -> memref<10000x128xf32, #tpu.memory_space<hbm>>
    %dma_start3A_125 = tpu.memref_slice %arg11[%dma_start3A_114] : memref<4x!tpu.dma_semaphore, #tpu.memory_space<semaphore_mem>> -> memref<1x!tpu.dma_semaphore, #tpu.memory_space<semaphore_mem>>
    %dma_start3A_126 = tpu.memref_squeeze %dma_start3A_125 : memref<1x!tpu.dma_semaphore, #tpu.memory_space<semaphore_mem>> -> memref<!tpu.dma_semaphore, #tpu.memory_space<semaphore_mem>>
    tpu.enqueue_indirect_dma source(%dma_start3A_124 : memref<10000x128xf32, #tpu.memory_space<hbm>>) target(%dma_start3A_118 : memref<50x128xf32, #tpu.memory_space<vmem>>) offsets(%dma_start3A_121 : memref<50xi32, #tpu.memory_space<vmem>>) semaphore(%dma_start3A_126 : memref<!tpu.dma_semaphore, #tpu.memory_space<semaphore_mem>>)
    %dma_wait3A_127 = arith.constant 0 : i32
    %dma_wait3A_128 = arith.constant 196 : i32
    %dma_wait3A_129 = arith.constant 0 : i32
    %dma_wait3A_130 = arith.constant 0 : i32
    %dma_wait3A_131 = arith.constant 0 : i32
    %dma_wait3A_132 = tpu.memref_slice %arg10[%dma_wait3A_127, %dma_wait3A_130, %dma_wait3A_131] : memref<4x50x128xf32, #tpu.memory_space<vmem>> -> memref<1x50x128xf32, #tpu.memory_space<vmem>>
    %dma_wait3A_133 = tpu.memref_squeeze %dma_wait3A_132 : memref<1x50x128xf32, #tpu.memory_space<vmem>> -> memref<50x128xf32, #tpu.memory_space<vmem>>
    %dma_wait3A_134 = arith.constant 0 : i32
    %dma_wait3A_135 = tpu.memref_slice %arg9[%dma_wait3A_128, %dma_wait3A_134] : memref<200x50xi32, #tpu.memory_space<vmem>> -> memref<1x50xi32, #tpu.memory_space<vmem>>
    %dma_wait3A_136 = tpu.memref_squeeze %dma_wait3A_135 : memref<1x50xi32, #tpu.memory_space<vmem>> -> memref<50xi32, #tpu.memory_space<vmem>>
    %dma_wait3A_137 = arith.constant 0 : i32
    %dma_wait3A_138 = arith.constant 0 : i32
    %dma_wait3A_139 = tpu.memref_slice %arg7[%dma_wait3A_137, %dma_wait3A_138] : memref<10240x128xf32, #tpu.memory_space<vmem_shared>> -> memref<10240x128xf32, #tpu.memory_space<vmem_shared>>
    %dma_wait3A_140 = tpu.memref_slice %arg12[%dma_wait3A_129] : memref<4x!tpu.dma_semaphore, #tpu.memory_space<semaphore_mem>> -> memref<1x!tpu.dma_semaphore, #tpu.memory_space<semaphore_mem>>
    %dma_wait3A_141 = tpu.memref_squeeze %dma_wait3A_140 : memref<1x!tpu.dma_semaphore, #tpu.memory_space<semaphore_mem>> -> memref<!tpu.dma_semaphore, #tpu.memory_space<semaphore_mem>>
    tpu.wait_indirect_dma semaphore(%dma_wait3A_141 : memref<!tpu.dma_semaphore, #tpu.memory_space<semaphore_mem>>) src(%dma_wait3A_133 : memref<50x128xf32, #tpu.memory_space<vmem>>) dst(%dma_wait3A_139 : memref<10240x128xf32, #tpu.memory_space<vmem_shared>>)
    %dma_wait3A_142 = arith.constant 1 : i32
    %dma_wait3A_143 = arith.constant 197 : i32
    %dma_wait3A_144 = arith.constant 1 : i32
    %dma_wait3A_145 = arith.constant 0 : i32
    %dma_wait3A_146 = arith.constant 0 : i32
    %dma_wait3A_147 = tpu.memref_slice %arg10[%dma_wait3A_142, %dma_wait3A_145, %dma_wait3A_146] : memref<4x50x128xf32, #tpu.memory_space<vmem>> -> memref<1x50x128xf32, #tpu.memory_space<vmem>>
    %dma_wait3A_148 = tpu.memref_squeeze %dma_wait3A_147 : memref<1x50x128xf32, #tpu.memory_space<vmem>> -> memref<50x128xf32, #tpu.memory_space<vmem>>
    %dma_wait3A_149 = arith.constant 0 : i32
    %dma_wait3A_150 = tpu.memref_slice %arg9[%dma_wait3A_143, %dma_wait3A_149] : memref<200x50xi32, #tpu.memory_space<vmem>> -> memref<1x50xi32, #tpu.memory_space<vmem>>
    %dma_wait3A_151 = tpu.memref_squeeze %dma_wait3A_150 : memref<1x50xi32, #tpu.memory_space<vmem>> -> memref<50xi32, #tpu.memory_space<vmem>>
    %dma_wait3A_152 = arith.constant 0 : i32
    %dma_wait3A_153 = arith.constant 0 : i32
    %dma_wait3A_154 = tpu.memref_slice %arg7[%dma_wait3A_152, %dma_wait3A_153] : memref<10240x128xf32, #tpu.memory_space<vmem_shared>> -> memref<10240x128xf32, #tpu.memory_space<vmem_shared>>
    %dma_wait3A_155 = tpu.memref_slice %arg12[%dma_wait3A_144] : memref<4x!tpu.dma_semaphore, #tpu.memory_space<semaphore_mem>> -> memref<1x!tpu.dma_semaphore, #tpu.memory_space<semaphore_mem>>
    %dma_wait3A_156 = tpu.memref_squeeze %dma_wait3A_155 : memref<1x!tpu.dma_semaphore, #tpu.memory_space<semaphore_mem>> -> memref<!tpu.dma_semaphore, #tpu.memory_space<semaphore_mem>>
    tpu.wait_indirect_dma semaphore(%dma_wait3A_156 : memref<!tpu.dma_semaphore, #tpu.memory_space<semaphore_mem>>) src(%dma_wait3A_148 : memref<50x128xf32, #tpu.memory_space<vmem>>) dst(%dma_wait3A_154 : memref<10240x128xf32, #tpu.memory_space<vmem_shared>>)
    %dma_wait3A_157 = arith.constant 198 : i32
    %dma_wait3A_158 = arith.constant 2 : i32
    %dma_wait3A_159 = arith.constant 2 : i32
    %dma_wait3A_160 = arith.constant 0 : i32
    %dma_wait3A_161 = arith.constant 0 : i32
    %dma_wait3A_162 = tpu.memref_slice %arg10[%dma_wait3A_158, %dma_wait3A_160, %dma_wait3A_161] : memref<4x50x128xf32, #tpu.memory_space<vmem>> -> memref<1x50x128xf32, #tpu.memory_space<vmem>>
    %dma_wait3A_163 = tpu.memref_squeeze %dma_wait3A_162 : memref<1x50x128xf32, #tpu.memory_space<vmem>> -> memref<50x128xf32, #tpu.memory_space<vmem>>
    %dma_wait3A_164 = arith.constant 0 : i32
    %dma_wait3A_165 = tpu.memref_slice %arg8[%dma_wait3A_157, %dma_wait3A_164] : memref<200x50xi32, #tpu.memory_space<vmem>> -> memref<1x50xi32, #tpu.memory_space<vmem>>
    %dma_wait3A_166 = tpu.memref_squeeze %dma_wait3A_165 : memref<1x50xi32, #tpu.memory_space<vmem>> -> memref<50xi32, #tpu.memory_space<vmem>>
    %dma_wait3A_167 = arith.constant 0 : i32
    %dma_wait3A_168 = arith.constant 0 : i32
    %dma_wait3A_169 = tpu.memref_slice %arg2[%dma_wait3A_167, %dma_wait3A_168] : memref<10000x128xf32, #tpu.memory_space<hbm>> -> memref<10000x128xf32, #tpu.memory_space<hbm>>
    %dma_wait3A_170 = tpu.memref_slice %arg11[%dma_wait3A_159] : memref<4x!tpu.dma_semaphore, #tpu.memory_space<semaphore_mem>> -> memref<1x!tpu.dma_semaphore, #tpu.memory_space<semaphore_mem>>
    %dma_wait3A_171 = tpu.memref_squeeze %dma_wait3A_170 : memref<1x!tpu.dma_semaphore, #tpu.memory_space<semaphore_mem>> -> memref<!tpu.dma_semaphore, #tpu.memory_space<semaphore_mem>>
    tpu.wait_indirect_dma semaphore(%dma_wait3A_171 : memref<!tpu.dma_semaphore, #tpu.memory_space<semaphore_mem>>) src(%dma_wait3A_169 : memref<10000x128xf32, #tpu.memory_space<hbm>>) dst(%dma_wait3A_163 : memref<50x128xf32, #tpu.memory_space<vmem>>)
    %dma_wait3A_172 = arith.constant 199 : i32
    %dma_wait3A_173 = arith.constant 3 : i32
    %dma_wait3A_174 = arith.constant 3 : i32
    %dma_wait3A_175 = arith.constant 0 : i32
    %dma_wait3A_176 = arith.constant 0 : i32
    %dma_wait3A_177 = tpu.memref_slice %arg10[%dma_wait3A_173, %dma_wait3A_175, %dma_wait3A_176] : memref<4x50x128xf32, #tpu.memory_space<vmem>> -> memref<1x50x128xf32, #tpu.memory_space<vmem>>
    %dma_wait3A_178 = tpu.memref_squeeze %dma_wait3A_177 : memref<1x50x128xf32, #tpu.memory_space<vmem>> -> memref<50x128xf32, #tpu.memory_space<vmem>>
    %dma_wait3A_179 = arith.constant 0 : i32
    %dma_wait3A_180 = tpu.memref_slice %arg8[%dma_wait3A_172, %dma_wait3A_179] : memref<200x50xi32, #tpu.memory_space<vmem>> -> memref<1x50xi32, #tpu.memory_space<vmem>>
    %dma_wait3A_181 = tpu.memref_squeeze %dma_wait3A_180 : memref<1x50xi32, #tpu.memory_space<vmem>> -> memref<50xi32, #tpu.memory_space<vmem>>
    %dma_wait3A_182 = arith.constant 0 : i32
    %dma_wait3A_183 = arith.constant 0 : i32
    %dma_wait3A_184 = tpu.memref_slice %arg2[%dma_wait3A_182, %dma_wait3A_183] : memref<10000x128xf32, #tpu.memory_space<hbm>> -> memref<10000x128xf32, #tpu.memory_space<hbm>>
    %dma_wait3A_185 = tpu.memref_slice %arg11[%dma_wait3A_174] : memref<4x!tpu.dma_semaphore, #tpu.memory_space<semaphore_mem>> -> memref<1x!tpu.dma_semaphore, #tpu.memory_space<semaphore_mem>>
    %dma_wait3A_186 = tpu.memref_squeeze %dma_wait3A_185 : memref<1x!tpu.dma_semaphore, #tpu.memory_space<semaphore_mem>> -> memref<!tpu.dma_semaphore, #tpu.memory_space<semaphore_mem>>
    tpu.wait_indirect_dma semaphore(%dma_wait3A_186 : memref<!tpu.dma_semaphore, #tpu.memory_space<semaphore_mem>>) src(%dma_wait3A_184 : memref<10000x128xf32, #tpu.memory_space<hbm>>) dst(%dma_wait3A_178 : memref<50x128xf32, #tpu.memory_space<vmem>>)
    %dma_start3A_187 = arith.constant 2 : i32
    %dma_start3A_188 = arith.constant 198 : i32
    %dma_start3A_189 = arith.constant 2 : i32
    %dma_start3A_190 = arith.constant 0 : i32
    %dma_start3A_191 = arith.constant 0 : i32
    %dma_start3A_192 = tpu.memref_slice %arg10[%dma_start3A_187, %dma_start3A_190, %dma_start3A_191] : memref<4x50x128xf32, #tpu.memory_space<vmem>> -> memref<1x50x128xf32, #tpu.memory_space<vmem>>
    %dma_start3A_193 = tpu.memref_squeeze %dma_start3A_192 : memref<1x50x128xf32, #tpu.memory_space<vmem>> -> memref<50x128xf32, #tpu.memory_space<vmem>>
    %dma_start3A_194 = arith.constant 0 : i32
    %dma_start3A_195 = tpu.memref_slice %arg9[%dma_start3A_188, %dma_start3A_194] : memref<200x50xi32, #tpu.memory_space<vmem>> -> memref<1x50xi32, #tpu.memory_space<vmem>>
    %dma_start3A_196 = tpu.memref_squeeze %dma_start3A_195 : memref<1x50xi32, #tpu.memory_space<vmem>> -> memref<50xi32, #tpu.memory_space<vmem>>
    %dma_start3A_197 = arith.constant 0 : i32
    %dma_start3A_198 = arith.constant 0 : i32
    %dma_start3A_199 = tpu.memref_slice %arg7[%dma_start3A_197, %dma_start3A_198] : memref<10240x128xf32, #tpu.memory_space<vmem_shared>> -> memref<10240x128xf32, #tpu.memory_space<vmem_shared>>
    %dma_start3A_200 = tpu.memref_slice %arg12[%dma_start3A_189] : memref<4x!tpu.dma_semaphore, #tpu.memory_space<semaphore_mem>> -> memref<1x!tpu.dma_semaphore, #tpu.memory_space<semaphore_mem>>
    %dma_start3A_201 = tpu.memref_squeeze %dma_start3A_200 : memref<1x!tpu.dma_semaphore, #tpu.memory_space<semaphore_mem>> -> memref<!tpu.dma_semaphore, #tpu.memory_space<semaphore_mem>>
    tpu.enqueue_indirect_dma source(%dma_start3A_193 : memref<50x128xf32, #tpu.memory_space<vmem>>) target(%dma_start3A_199 : memref<10240x128xf32, #tpu.memory_space<vmem_shared>>) offsets(%dma_start3A_196 : memref<50xi32, #tpu.memory_space<vmem>>) semaphore(%dma_start3A_201 : memref<!tpu.dma_semaphore, #tpu.memory_space<semaphore_mem>>) {add = true}
    %dma_start3A_202 = arith.constant 3 : i32
    %dma_start3A_203 = arith.constant 199 : i32
    %dma_start3A_204 = arith.constant 3 : i32
    %dma_start3A_205 = arith.constant 0 : i32
    %dma_start3A_206 = arith.constant 0 : i32
    %dma_start3A_207 = tpu.memref_slice %arg10[%dma_start3A_202, %dma_start3A_205, %dma_start3A_206] : memref<4x50x128xf32, #tpu.memory_space<vmem>> -> memref<1x50x128xf32, #tpu.memory_space<vmem>>
    %dma_start3A_208 = tpu.memref_squeeze %dma_start3A_207 : memref<1x50x128xf32, #tpu.memory_space<vmem>> -> memref<50x128xf32, #tpu.memory_space<vmem>>
    %dma_start3A_209 = arith.constant 0 : i32
    %dma_start3A_210 = tpu.memref_slice %arg9[%dma_start3A_203, %dma_start3A_209] : memref<200x50xi32, #tpu.memory_space<vmem>> -> memref<1x50xi32, #tpu.memory_space<vmem>>
    %dma_start3A_211 = tpu.memref_squeeze %dma_start3A_210 : memref<1x50xi32, #tpu.memory_space<vmem>> -> memref<50xi32, #tpu.memory_space<vmem>>
    %dma_start3A_212 = arith.constant 0 : i32
    %dma_start3A_213 = arith.constant 0 : i32
    %dma_start3A_214 = tpu.memref_slice %arg7[%dma_start3A_212, %dma_start3A_213] : memref<10240x128xf32, #tpu.memory_space<vmem_shared>> -> memref<10240x128xf32, #tpu.memory_space<vmem_shared>>
    %dma_start3A_215 = tpu.memref_slice %arg12[%dma_start3A_204] : memref<4x!tpu.dma_semaphore, #tpu.memory_space<semaphore_mem>> -> memref<1x!tpu.dma_semaphore, #tpu.memory_space<semaphore_mem>>
    %dma_start3A_216 = tpu.memref_squeeze %dma_start3A_215 : memref<1x!tpu.dma_semaphore, #tpu.memory_space<semaphore_mem>> -> memref<!tpu.dma_semaphore, #tpu.memory_space<semaphore_mem>>
    tpu.enqueue_indirect_dma source(%dma_start3A_208 : memref<50x128xf32, #tpu.memory_space<vmem>>) target(%dma_start3A_214 : memref<10240x128xf32, #tpu.memory_space<vmem_shared>>) offsets(%dma_start3A_211 : memref<50xi32, #tpu.memory_space<vmem>>) semaphore(%dma_start3A_216 : memref<!tpu.dma_semaphore, #tpu.memory_space<semaphore_mem>>) {add = true}
    %dma_wait3A_217 = arith.constant 2 : i32
    %dma_wait3A_218 = arith.constant 198 : i32
    %dma_wait3A_219 = arith.constant 2 : i32
    %dma_wait3A_220 = arith.constant 0 : i32
    %dma_wait3A_221 = arith.constant 0 : i32
    %dma_wait3A_222 = tpu.memref_slice %arg10[%dma_wait3A_217, %dma_wait3A_220, %dma_wait3A_221] : memref<4x50x128xf32, #tpu.memory_space<vmem>> -> memref<1x50x128xf32, #tpu.memory_space<vmem>>
    %dma_wait3A_223 = tpu.memref_squeeze %dma_wait3A_222 : memref<1x50x128xf32, #tpu.memory_space<vmem>> -> memref<50x128xf32, #tpu.memory_space<vmem>>
    %dma_wait3A_224 = arith.constant 0 : i32
    %dma_wait3A_225 = tpu.memref_slice %arg9[%dma_wait3A_218, %dma_wait3A_224] : memref<200x50xi32, #tpu.memory_space<vmem>> -> memref<1x50xi32, #tpu.memory_space<vmem>>
    %dma_wait3A_226 = tpu.memref_squeeze %dma_wait3A_225 : memref<1x50xi32, #tpu.memory_space<vmem>> -> memref<50xi32, #tpu.memory_space<vmem>>
    %dma_wait3A_227 = arith.constant 0 : i32
    %dma_wait3A_228 = arith.constant 0 : i32
    %dma_wait3A_229 = tpu.memref_slice %arg7[%dma_wait3A_227, %dma_wait3A_228] : memref<10240x128xf32, #tpu.memory_space<vmem_shared>> -> memref<10240x128xf32, #tpu.memory_space<vmem_shared>>
    %dma_wait3A_230 = tpu.memref_slice %arg12[%dma_wait3A_219] : memref<4x!tpu.dma_semaphore, #tpu.memory_space<semaphore_mem>> -> memref<1x!tpu.dma_semaphore, #tpu.memory_space<semaphore_mem>>
    %dma_wait3A_231 = tpu.memref_squeeze %dma_wait3A_230 : memref<1x!tpu.dma_semaphore, #tpu.memory_space<semaphore_mem>> -> memref<!tpu.dma_semaphore, #tpu.memory_space<semaphore_mem>>
    tpu.wait_indirect_dma semaphore(%dma_wait3A_231 : memref<!tpu.dma_semaphore, #tpu.memory_space<semaphore_mem>>) src(%dma_wait3A_223 : memref<50x128xf32, #tpu.memory_space<vmem>>) dst(%dma_wait3A_229 : memref<10240x128xf32, #tpu.memory_space<vmem_shared>>)
    %dma_wait3A_232 = arith.constant 3 : i32
    %dma_wait3A_233 = arith.constant 199 : i32
    %dma_wait3A_234 = arith.constant 3 : i32
    %dma_wait3A_235 = arith.constant 0 : i32
    %dma_wait3A_236 = arith.constant 0 : i32
    %dma_wait3A_237 = tpu.memref_slice %arg10[%dma_wait3A_232, %dma_wait3A_235, %dma_wait3A_236] : memref<4x50x128xf32, #tpu.memory_space<vmem>> -> memref<1x50x128xf32, #tpu.memory_space<vmem>>
    %dma_wait3A_238 = tpu.memref_squeeze %dma_wait3A_237 : memref<1x50x128xf32, #tpu.memory_space<vmem>> -> memref<50x128xf32, #tpu.memory_space<vmem>>
    %dma_wait3A_239 = arith.constant 0 : i32
    %dma_wait3A_240 = tpu.memref_slice %arg9[%dma_wait3A_233, %dma_wait3A_239] : memref<200x50xi32, #tpu.memory_space<vmem>> -> memref<1x50xi32, #tpu.memory_space<vmem>>
    %dma_wait3A_241 = tpu.memref_squeeze %dma_wait3A_240 : memref<1x50xi32, #tpu.memory_space<vmem>> -> memref<50xi32, #tpu.memory_space<vmem>>
    %dma_wait3A_242 = arith.constant 0 : i32
    %dma_wait3A_243 = arith.constant 0 : i32
    %dma_wait3A_244 = tpu.memref_slice %arg7[%dma_wait3A_242, %dma_wait3A_243] : memref<10240x128xf32, #tpu.memory_space<vmem_shared>> -> memref<10240x128xf32, #tpu.memory_space<vmem_shared>>
    %dma_wait3A_245 = tpu.memref_slice %arg12[%dma_wait3A_234] : memref<4x!tpu.dma_semaphore, #tpu.memory_space<semaphore_mem>> -> memref<1x!tpu.dma_semaphore, #tpu.memory_space<semaphore_mem>>
    %dma_wait3A_246 = tpu.memref_squeeze %dma_wait3A_245 : memref<1x!tpu.dma_semaphore, #tpu.memory_space<semaphore_mem>> -> memref<!tpu.dma_semaphore, #tpu.memory_space<semaphore_mem>>
    tpu.wait_indirect_dma semaphore(%dma_wait3A_246 : memref<!tpu.dma_semaphore, #tpu.memory_space<semaphore_mem>>) src(%dma_wait3A_238 : memref<50x128xf32, #tpu.memory_space<vmem>>) dst(%dma_wait3A_244 : memref<10240x128xf32, #tpu.memory_space<vmem_shared>>)
    %barrier3A_247 = arith.constant 0 : index
    tpu.barrier barrier_id(%barrier3A_247)
    %mul3A_248 = arith.constant 640 : i32
    %mul3A_249 = arith.muli %arg1, %mul3A_248 : i32
    %mul3A_250 = arith.constant 10240 : i32
    %mul3A_251 = arith.muli %arg0, %mul3A_250 : i32
    %mul3A_252 = arith.constant 640 : i32
    %mul3A_253 = arith.muli %arg1, %mul3A_252 : i32
    %add3A_254 = arith.addi %mul3A_251, %mul3A_253 : i32
    "tpu.region"() ({
      %run_scoped3A = tpu.sem_alloc : memref<!tpu.dma_semaphore, #tpu.memory_space<semaphore_mem>>
      %dma_start3A_255 = arith.constant 0 : i32
      %dma_start3A_256 = tpu.memref_slice %arg6[%add3A_254, %dma_start3A_255] : memref<20480x128xf32, #tpu.memory_space<hbm>> -> memref<640x128xf32, #tpu.memory_space<hbm>>
      %dma_start3A_257 = arith.constant 0 : i32
      %dma_start3A_258 = tpu.memref_slice %arg7[%mul3A_249, %dma_start3A_257] : memref<10240x128xf32, #tpu.memory_space<vmem_shared>> -> memref<640x128xf32, #tpu.memory_space<vmem_shared>>
      tpu.enqueue_dma source(%dma_start3A_258 : memref<640x128xf32, #tpu.memory_space<vmem_shared>>) target(%dma_start3A_256 : memref<640x128xf32, #tpu.memory_space<hbm>>) target_semaphore(%run_scoped3A : memref<!tpu.dma_semaphore, #tpu.memory_space<semaphore_mem>>)
      %dma_wait3A_259 = arith.constant 0 : i32
      %dma_wait3A_260 = tpu.memref_slice %arg6[%add3A_254, %dma_wait3A_259] : memref<20480x128xf32, #tpu.memory_space<hbm>> -> memref<640x128xf32, #tpu.memory_space<hbm>>
      %dma_wait3A_261 = arith.constant 0 : i32
      %dma_wait3A_262 = tpu.memref_slice %arg7[%mul3A_249, %dma_wait3A_261] : memref<10240x128xf32, #tpu.memory_space<vmem_shared>> -> memref<640x128xf32, #tpu.memory_space<vmem_shared>>
      tpu.wait_dma2 semaphore(%run_scoped3A : memref<!tpu.dma_semaphore, #tpu.memory_space<semaphore_mem>>) src(%dma_wait3A_262 : memref<640x128xf32, #tpu.memory_space<vmem_shared>>) dst(%dma_wait3A_260 : memref<640x128xf32, #tpu.memory_space<hbm>>)
      tpu.yield
    }) : () -> ()
    return
  }
}

#map = affine_map<(d0, d1) -> (0, 0)>
#map1 = affine_map<(d0, d1) -> (0, 0, 0)>
module attributes {stable_mosaic.version = 14 : i64} {
  func.func @k(%arg0: i32, %arg1: i32, %arg2: memref<10000x64xf32, #tpu.memory_space<hbm>>, %arg3: memref<32x100x100xi32, #tpu.memory_space<hbm>>, %arg4: memref<32x100x100xi32, #tpu.memory_space<hbm>>, %arg5: memref<10240x64xf32, #tpu.memory_space<hbm>>, %arg6: memref<20480x64xf32, #tpu.memory_space<hbm>>, %arg7: memref<10240x64xf32, #tpu.memory_space<vmem_shared>>, %arg8: memref<100x100xi32, #tpu.memory_space<vmem>>, %arg9: memref<100x100xi32, #tpu.memory_space<vmem>>, %arg10: memref<10x100x64xf32, #tpu.memory_space<vmem>>, %arg11: memref<10x!tpu.dma_semaphore, #tpu.memory_space<semaphore_mem>>, %arg12: memref<10x!tpu.dma_semaphore, #tpu.memory_space<semaphore_mem>>) attributes {dimension_semantics = [#tpu.dimension_semantics<core_parallel>, #tpu.dimension_semantics<subcore_parallel>], iteration_bounds = array<i64: 2, 16>, scalar_prefetch = 0 : i64, scratch_operands = 6 : i64, tpu.core_type = #tpu.core_type<sc_vector_subcore>, window_params = [{transform_indices = #map}, {transform_indices = #map1}, {transform_indices = #map1}, {transform_indices = #map}, {transform_indices = #map}]} {
    %mul3A = arith.constant 640 : i32
    %mul3A_0 = arith.muli %arg1, %mul3A : i32
    %mul3A_1 = arith.constant 640 : i32
    %mul3A_2 = arith.muli %arg1, %mul3A_1 : i32
    "tpu.region"() ({
      %run_scoped3A = tpu.sem_alloc : memref<!tpu.dma_semaphore, #tpu.memory_space<semaphore_mem>>
      %dma_start3A_615 = arith.constant 0 : i32
      %dma_start3A_616 = tpu.memref_slice %arg7[%mul3A_2, %dma_start3A_615] : memref<10240x64xf32, #tpu.memory_space<vmem_shared>> -> memref<640x64xf32, #tpu.memory_space<vmem_shared>>
      %dma_start3A_617 = arith.constant 0 : i32
      %dma_start3A_618 = tpu.memref_slice %arg5[%mul3A_0, %dma_start3A_617] : memref<10240x64xf32, #tpu.memory_space<hbm>> -> memref<640x64xf32, #tpu.memory_space<hbm>>
      tpu.enqueue_dma source(%dma_start3A_618 : memref<640x64xf32, #tpu.memory_space<hbm>>) target(%dma_start3A_616 : memref<640x64xf32, #tpu.memory_space<vmem_shared>>) target_semaphore(%run_scoped3A : memref<!tpu.dma_semaphore, #tpu.memory_space<semaphore_mem>>)
      %dma_wait3A_619 = arith.constant 0 : i32
      %dma_wait3A_620 = tpu.memref_slice %arg7[%mul3A_2, %dma_wait3A_619] : memref<10240x64xf32, #tpu.memory_space<vmem_shared>> -> memref<640x64xf32, #tpu.memory_space<vmem_shared>>
      %dma_wait3A_621 = arith.constant 0 : i32
      %dma_wait3A_622 = tpu.memref_slice %arg5[%mul3A_0, %dma_wait3A_621] : memref<10240x64xf32, #tpu.memory_space<hbm>> -> memref<640x64xf32, #tpu.memory_space<hbm>>
      tpu.wait_dma2 semaphore(%run_scoped3A : memref<!tpu.dma_semaphore, #tpu.memory_space<semaphore_mem>>) src(%dma_wait3A_622 : memref<640x64xf32, #tpu.memory_space<hbm>>) dst(%dma_wait3A_620 : memref<640x64xf32, #tpu.memory_space<vmem_shared>>)
      tpu.yield
    }) : () -> ()
    %mul3A_3 = arith.constant 16 : i32
    %mul3A_4 = arith.muli %arg0, %mul3A_3 : i32
    %add3A = arith.addi %mul3A_4, %arg1 : i32
    "tpu.region"() ({
      %run_scoped3A = tpu.sem_alloc : memref<!tpu.dma_semaphore, #tpu.memory_space<semaphore_mem>>
      %dma_start3A_615 = arith.constant 0 : i32
      %dma_start3A_616 = arith.constant 0 : i32
      %dma_start3A_617 = tpu.memref_slice %arg3[%add3A, %dma_start3A_615, %dma_start3A_616] : memref<32x100x100xi32, #tpu.memory_space<hbm>> -> memref<1x100x100xi32, #tpu.memory_space<hbm>>
      %dma_start3A_618 = tpu.memref_squeeze %dma_start3A_617 : memref<1x100x100xi32, #tpu.memory_space<hbm>> -> memref<100x100xi32, #tpu.memory_space<hbm>>
      %dma_start3A_619 = arith.constant 0 : i32
      %dma_start3A_620 = arith.constant 0 : i32
      %dma_start3A_621 = tpu.memref_slice %arg3[%add3A, %dma_start3A_619, %dma_start3A_620] : memref<32x100x100xi32, #tpu.memory_space<hbm>> -> memref<1x100x100xi32, #tpu.memory_space<hbm>>
      %dma_start3A_622 = tpu.memref_squeeze %dma_start3A_621 : memref<1x100x100xi32, #tpu.memory_space<hbm>> -> memref<100x100xi32, #tpu.memory_space<hbm>>
      tpu.enqueue_dma source(%dma_start3A_622 : memref<100x100xi32, #tpu.memory_space<hbm>>) target(%arg8 : memref<100x100xi32, #tpu.memory_space<vmem>>) target_semaphore(%run_scoped3A : memref<!tpu.dma_semaphore, #tpu.memory_space<semaphore_mem>>)
      %dma_wait3A_623 = arith.constant 0 : i32
      %dma_wait3A_624 = arith.constant 0 : i32
      %dma_wait3A_625 = tpu.memref_slice %arg3[%add3A, %dma_wait3A_623, %dma_wait3A_624] : memref<32x100x100xi32, #tpu.memory_space<hbm>> -> memref<1x100x100xi32, #tpu.memory_space<hbm>>
      %dma_wait3A_626 = tpu.memref_squeeze %dma_wait3A_625 : memref<1x100x100xi32, #tpu.memory_space<hbm>> -> memref<100x100xi32, #tpu.memory_space<hbm>>
      %dma_wait3A_627 = arith.constant 0 : i32
      %dma_wait3A_628 = arith.constant 0 : i32
      %dma_wait3A_629 = tpu.memref_slice %arg3[%add3A, %dma_wait3A_627, %dma_wait3A_628] : memref<32x100x100xi32, #tpu.memory_space<hbm>> -> memref<1x100x100xi32, #tpu.memory_space<hbm>>
      %dma_wait3A_630 = tpu.memref_squeeze %dma_wait3A_629 : memref<1x100x100xi32, #tpu.memory_space<hbm>> -> memref<100x100xi32, #tpu.memory_space<hbm>>
      tpu.wait_dma2 semaphore(%run_scoped3A : memref<!tpu.dma_semaphore, #tpu.memory_space<semaphore_mem>>) src(%dma_wait3A_630 : memref<100x100xi32, #tpu.memory_space<hbm>>) dst(%arg8 : memref<100x100xi32, #tpu.memory_space<vmem>>)
      tpu.yield
    }) : () -> ()
    "tpu.region"() ({
      %run_scoped3A = tpu.sem_alloc : memref<!tpu.dma_semaphore, #tpu.memory_space<semaphore_mem>>
      %dma_start3A_615 = arith.constant 0 : i32
      %dma_start3A_616 = arith.constant 0 : i32
      %dma_start3A_617 = tpu.memref_slice %arg4[%add3A, %dma_start3A_615, %dma_start3A_616] : memref<32x100x100xi32, #tpu.memory_space<hbm>> -> memref<1x100x100xi32, #tpu.memory_space<hbm>>
      %dma_start3A_618 = tpu.memref_squeeze %dma_start3A_617 : memref<1x100x100xi32, #tpu.memory_space<hbm>> -> memref<100x100xi32, #tpu.memory_space<hbm>>
      %dma_start3A_619 = arith.constant 0 : i32
      %dma_start3A_620 = arith.constant 0 : i32
      %dma_start3A_621 = tpu.memref_slice %arg4[%add3A, %dma_start3A_619, %dma_start3A_620] : memref<32x100x100xi32, #tpu.memory_space<hbm>> -> memref<1x100x100xi32, #tpu.memory_space<hbm>>
      %dma_start3A_622 = tpu.memref_squeeze %dma_start3A_621 : memref<1x100x100xi32, #tpu.memory_space<hbm>> -> memref<100x100xi32, #tpu.memory_space<hbm>>
      tpu.enqueue_dma source(%dma_start3A_622 : memref<100x100xi32, #tpu.memory_space<hbm>>) target(%arg9 : memref<100x100xi32, #tpu.memory_space<vmem>>) target_semaphore(%run_scoped3A : memref<!tpu.dma_semaphore, #tpu.memory_space<semaphore_mem>>)
      %dma_wait3A_623 = arith.constant 0 : i32
      %dma_wait3A_624 = arith.constant 0 : i32
      %dma_wait3A_625 = tpu.memref_slice %arg4[%add3A, %dma_wait3A_623, %dma_wait3A_624] : memref<32x100x100xi32, #tpu.memory_space<hbm>> -> memref<1x100x100xi32, #tpu.memory_space<hbm>>
      %dma_wait3A_626 = tpu.memref_squeeze %dma_wait3A_625 : memref<1x100x100xi32, #tpu.memory_space<hbm>> -> memref<100x100xi32, #tpu.memory_space<hbm>>
      %dma_wait3A_627 = arith.constant 0 : i32
      %dma_wait3A_628 = arith.constant 0 : i32
      %dma_wait3A_629 = tpu.memref_slice %arg4[%add3A, %dma_wait3A_627, %dma_wait3A_628] : memref<32x100x100xi32, #tpu.memory_space<hbm>> -> memref<1x100x100xi32, #tpu.memory_space<hbm>>
      %dma_wait3A_630 = tpu.memref_squeeze %dma_wait3A_629 : memref<1x100x100xi32, #tpu.memory_space<hbm>> -> memref<100x100xi32, #tpu.memory_space<hbm>>
      tpu.wait_dma2 semaphore(%run_scoped3A : memref<!tpu.dma_semaphore, #tpu.memory_space<semaphore_mem>>) src(%dma_wait3A_630 : memref<100x100xi32, #tpu.memory_space<hbm>>) dst(%arg9 : memref<100x100xi32, #tpu.memory_space<vmem>>)
      tpu.yield
    }) : () -> ()
    %barrier3A = arith.constant 0 : index
    tpu.barrier barrier_id(%barrier3A)
    %dma_start3A = arith.constant 0 : i32
    %dma_start3A_5 = arith.constant 0 : i32
    %dma_start3A_6 = arith.constant 0 : i32
    %dma_start3A_7 = arith.constant 0 : i32
    %dma_start3A_8 = arith.constant 0 : i32
    %dma_start3A_9 = tpu.memref_slice %arg10[%dma_start3A_5, %dma_start3A_7, %dma_start3A_8] : memref<10x100x64xf32, #tpu.memory_space<vmem>> -> memref<1x100x64xf32, #tpu.memory_space<vmem>>
    %dma_start3A_10 = tpu.memref_squeeze %dma_start3A_9 : memref<1x100x64xf32, #tpu.memory_space<vmem>> -> memref<100x64xf32, #tpu.memory_space<vmem>>
    %dma_start3A_11 = arith.constant 0 : i32
    %dma_start3A_12 = tpu.memref_slice %arg8[%dma_start3A, %dma_start3A_11] : memref<100x100xi32, #tpu.memory_space<vmem>> -> memref<1x100xi32, #tpu.memory_space<vmem>>
    %dma_start3A_13 = tpu.memref_squeeze %dma_start3A_12 : memref<1x100xi32, #tpu.memory_space<vmem>> -> memref<100xi32, #tpu.memory_space<vmem>>
    %dma_start3A_14 = arith.constant 0 : i32
    %dma_start3A_15 = arith.constant 0 : i32
    %dma_start3A_16 = tpu.memref_slice %arg2[%dma_start3A_14, %dma_start3A_15] : memref<10000x64xf32, #tpu.memory_space<hbm>> -> memref<10000x64xf32, #tpu.memory_space<hbm>>
    %dma_start3A_17 = tpu.memref_slice %arg11[%dma_start3A_6] : memref<10x!tpu.dma_semaphore, #tpu.memory_space<semaphore_mem>> -> memref<1x!tpu.dma_semaphore, #tpu.memory_space<semaphore_mem>>
    %dma_start3A_18 = tpu.memref_squeeze %dma_start3A_17 : memref<1x!tpu.dma_semaphore, #tpu.memory_space<semaphore_mem>> -> memref<!tpu.dma_semaphore, #tpu.memory_space<semaphore_mem>>
    tpu.enqueue_indirect_dma source(%dma_start3A_16 : memref<10000x64xf32, #tpu.memory_space<hbm>>) target(%dma_start3A_10 : memref<100x64xf32, #tpu.memory_space<vmem>>) offsets(%dma_start3A_13 : memref<100xi32, #tpu.memory_space<vmem>>) semaphore(%dma_start3A_18 : memref<!tpu.dma_semaphore, #tpu.memory_space<semaphore_mem>>)
    %dma_start3A_19 = arith.constant 1 : i32
    %dma_start3A_20 = arith.constant 1 : i32
    %dma_start3A_21 = arith.constant 1 : i32
    %dma_start3A_22 = arith.constant 0 : i32
    %dma_start3A_23 = arith.constant 0 : i32
    %dma_start3A_24 = tpu.memref_slice %arg10[%dma_start3A_20, %dma_start3A_22, %dma_start3A_23] : memref<10x100x64xf32, #tpu.memory_space<vmem>> -> memref<1x100x64xf32, #tpu.memory_space<vmem>>
    %dma_start3A_25 = tpu.memref_squeeze %dma_start3A_24 : memref<1x100x64xf32, #tpu.memory_space<vmem>> -> memref<100x64xf32, #tpu.memory_space<vmem>>
    %dma_start3A_26 = arith.constant 0 : i32
    %dma_start3A_27 = tpu.memref_slice %arg8[%dma_start3A_19, %dma_start3A_26] : memref<100x100xi32, #tpu.memory_space<vmem>> -> memref<1x100xi32, #tpu.memory_space<vmem>>
    %dma_start3A_28 = tpu.memref_squeeze %dma_start3A_27 : memref<1x100xi32, #tpu.memory_space<vmem>> -> memref<100xi32, #tpu.memory_space<vmem>>
    %dma_start3A_29 = arith.constant 0 : i32
    %dma_start3A_30 = arith.constant 0 : i32
    %dma_start3A_31 = tpu.memref_slice %arg2[%dma_start3A_29, %dma_start3A_30] : memref<10000x64xf32, #tpu.memory_space<hbm>> -> memref<10000x64xf32, #tpu.memory_space<hbm>>
    %dma_start3A_32 = tpu.memref_slice %arg11[%dma_start3A_21] : memref<10x!tpu.dma_semaphore, #tpu.memory_space<semaphore_mem>> -> memref<1x!tpu.dma_semaphore, #tpu.memory_space<semaphore_mem>>
    %dma_start3A_33 = tpu.memref_squeeze %dma_start3A_32 : memref<1x!tpu.dma_semaphore, #tpu.memory_space<semaphore_mem>> -> memref<!tpu.dma_semaphore, #tpu.memory_space<semaphore_mem>>
    tpu.enqueue_indirect_dma source(%dma_start3A_31 : memref<10000x64xf32, #tpu.memory_space<hbm>>) target(%dma_start3A_25 : memref<100x64xf32, #tpu.memory_space<vmem>>) offsets(%dma_start3A_28 : memref<100xi32, #tpu.memory_space<vmem>>) semaphore(%dma_start3A_33 : memref<!tpu.dma_semaphore, #tpu.memory_space<semaphore_mem>>)
    %dma_start3A_34 = arith.constant 2 : i32
    %dma_start3A_35 = arith.constant 2 : i32
    %dma_start3A_36 = arith.constant 2 : i32
    %dma_start3A_37 = arith.constant 0 : i32
    %dma_start3A_38 = arith.constant 0 : i32
    %dma_start3A_39 = tpu.memref_slice %arg10[%dma_start3A_35, %dma_start3A_37, %dma_start3A_38] : memref<10x100x64xf32, #tpu.memory_space<vmem>> -> memref<1x100x64xf32, #tpu.memory_space<vmem>>
    %dma_start3A_40 = tpu.memref_squeeze %dma_start3A_39 : memref<1x100x64xf32, #tpu.memory_space<vmem>> -> memref<100x64xf32, #tpu.memory_space<vmem>>
    %dma_start3A_41 = arith.constant 0 : i32
    %dma_start3A_42 = tpu.memref_slice %arg8[%dma_start3A_34, %dma_start3A_41] : memref<100x100xi32, #tpu.memory_space<vmem>> -> memref<1x100xi32, #tpu.memory_space<vmem>>
    %dma_start3A_43 = tpu.memref_squeeze %dma_start3A_42 : memref<1x100xi32, #tpu.memory_space<vmem>> -> memref<100xi32, #tpu.memory_space<vmem>>
    %dma_start3A_44 = arith.constant 0 : i32
    %dma_start3A_45 = arith.constant 0 : i32
    %dma_start3A_46 = tpu.memref_slice %arg2[%dma_start3A_44, %dma_start3A_45] : memref<10000x64xf32, #tpu.memory_space<hbm>> -> memref<10000x64xf32, #tpu.memory_space<hbm>>
    %dma_start3A_47 = tpu.memref_slice %arg11[%dma_start3A_36] : memref<10x!tpu.dma_semaphore, #tpu.memory_space<semaphore_mem>> -> memref<1x!tpu.dma_semaphore, #tpu.memory_space<semaphore_mem>>
    %dma_start3A_48 = tpu.memref_squeeze %dma_start3A_47 : memref<1x!tpu.dma_semaphore, #tpu.memory_space<semaphore_mem>> -> memref<!tpu.dma_semaphore, #tpu.memory_space<semaphore_mem>>
    tpu.enqueue_indirect_dma source(%dma_start3A_46 : memref<10000x64xf32, #tpu.memory_space<hbm>>) target(%dma_start3A_40 : memref<100x64xf32, #tpu.memory_space<vmem>>) offsets(%dma_start3A_43 : memref<100xi32, #tpu.memory_space<vmem>>) semaphore(%dma_start3A_48 : memref<!tpu.dma_semaphore, #tpu.memory_space<semaphore_mem>>)
    %dma_start3A_49 = arith.constant 3 : i32
    %dma_start3A_50 = arith.constant 3 : i32
    %dma_start3A_51 = arith.constant 3 : i32
    %dma_start3A_52 = arith.constant 0 : i32
    %dma_start3A_53 = arith.constant 0 : i32
    %dma_start3A_54 = tpu.memref_slice %arg10[%dma_start3A_50, %dma_start3A_52, %dma_start3A_53] : memref<10x100x64xf32, #tpu.memory_space<vmem>> -> memref<1x100x64xf32, #tpu.memory_space<vmem>>
    %dma_start3A_55 = tpu.memref_squeeze %dma_start3A_54 : memref<1x100x64xf32, #tpu.memory_space<vmem>> -> memref<100x64xf32, #tpu.memory_space<vmem>>
    %dma_start3A_56 = arith.constant 0 : i32
    %dma_start3A_57 = tpu.memref_slice %arg8[%dma_start3A_49, %dma_start3A_56] : memref<100x100xi32, #tpu.memory_space<vmem>> -> memref<1x100xi32, #tpu.memory_space<vmem>>
    %dma_start3A_58 = tpu.memref_squeeze %dma_start3A_57 : memref<1x100xi32, #tpu.memory_space<vmem>> -> memref<100xi32, #tpu.memory_space<vmem>>
    %dma_start3A_59 = arith.constant 0 : i32
    %dma_start3A_60 = arith.constant 0 : i32
    %dma_start3A_61 = tpu.memref_slice %arg2[%dma_start3A_59, %dma_start3A_60] : memref<10000x64xf32, #tpu.memory_space<hbm>> -> memref<10000x64xf32, #tpu.memory_space<hbm>>
    %dma_start3A_62 = tpu.memref_slice %arg11[%dma_start3A_51] : memref<10x!tpu.dma_semaphore, #tpu.memory_space<semaphore_mem>> -> memref<1x!tpu.dma_semaphore, #tpu.memory_space<semaphore_mem>>
    %dma_start3A_63 = tpu.memref_squeeze %dma_start3A_62 : memref<1x!tpu.dma_semaphore, #tpu.memory_space<semaphore_mem>> -> memref<!tpu.dma_semaphore, #tpu.memory_space<semaphore_mem>>
    tpu.enqueue_indirect_dma source(%dma_start3A_61 : memref<10000x64xf32, #tpu.memory_space<hbm>>) target(%dma_start3A_55 : memref<100x64xf32, #tpu.memory_space<vmem>>) offsets(%dma_start3A_58 : memref<100xi32, #tpu.memory_space<vmem>>) semaphore(%dma_start3A_63 : memref<!tpu.dma_semaphore, #tpu.memory_space<semaphore_mem>>)
    %dma_start3A_64 = arith.constant 4 : i32
    %dma_start3A_65 = arith.constant 4 : i32
    %dma_start3A_66 = arith.constant 4 : i32
    %dma_start3A_67 = arith.constant 0 : i32
    %dma_start3A_68 = arith.constant 0 : i32
    %dma_start3A_69 = tpu.memref_slice %arg10[%dma_start3A_65, %dma_start3A_67, %dma_start3A_68] : memref<10x100x64xf32, #tpu.memory_space<vmem>> -> memref<1x100x64xf32, #tpu.memory_space<vmem>>
    %dma_start3A_70 = tpu.memref_squeeze %dma_start3A_69 : memref<1x100x64xf32, #tpu.memory_space<vmem>> -> memref<100x64xf32, #tpu.memory_space<vmem>>
    %dma_start3A_71 = arith.constant 0 : i32
    %dma_start3A_72 = tpu.memref_slice %arg8[%dma_start3A_64, %dma_start3A_71] : memref<100x100xi32, #tpu.memory_space<vmem>> -> memref<1x100xi32, #tpu.memory_space<vmem>>
    %dma_start3A_73 = tpu.memref_squeeze %dma_start3A_72 : memref<1x100xi32, #tpu.memory_space<vmem>> -> memref<100xi32, #tpu.memory_space<vmem>>
    %dma_start3A_74 = arith.constant 0 : i32
    %dma_start3A_75 = arith.constant 0 : i32
    %dma_start3A_76 = tpu.memref_slice %arg2[%dma_start3A_74, %dma_start3A_75] : memref<10000x64xf32, #tpu.memory_space<hbm>> -> memref<10000x64xf32, #tpu.memory_space<hbm>>
    %dma_start3A_77 = tpu.memref_slice %arg11[%dma_start3A_66] : memref<10x!tpu.dma_semaphore, #tpu.memory_space<semaphore_mem>> -> memref<1x!tpu.dma_semaphore, #tpu.memory_space<semaphore_mem>>
    %dma_start3A_78 = tpu.memref_squeeze %dma_start3A_77 : memref<1x!tpu.dma_semaphore, #tpu.memory_space<semaphore_mem>> -> memref<!tpu.dma_semaphore, #tpu.memory_space<semaphore_mem>>
    tpu.enqueue_indirect_dma source(%dma_start3A_76 : memref<10000x64xf32, #tpu.memory_space<hbm>>) target(%dma_start3A_70 : memref<100x64xf32, #tpu.memory_space<vmem>>) offsets(%dma_start3A_73 : memref<100xi32, #tpu.memory_space<vmem>>) semaphore(%dma_start3A_78 : memref<!tpu.dma_semaphore, #tpu.memory_space<semaphore_mem>>)
    %scan3A = arith.constant 0 : i32
    %scan3A_79 = arith.constant 9 : i32
    %scan3A_80 = arith.addi %scan3A, %scan3A_79 : i32
    %scan3A_81 = arith.constant 1 : i32
    scf.for %scan3A_615 = %scan3A to %scan3A_80 step %scan3A_81  : i32 {
      %mul3A_616 = arith.constant 2 : i32
      %mul3A_617 = arith.muli %scan3A_615, %mul3A_616 : i32
      %add3A_618 = arith.constant 0 : i32
      %add3A_619 = arith.addi %add3A_618, %mul3A_617 : i32
      %mul3A_620 = arith.constant 5 : i32
      %mul3A_621 = arith.muli %add3A_619, %mul3A_620 : i32
      %add3A_622 = arith.constant 0 : i32
      %add3A_623 = arith.addi %mul3A_621, %add3A_622 : i32
      %dma_wait3A_624 = arith.constant 0 : i32
      %dma_wait3A_625 = arith.constant 0 : i32
      %dma_wait3A_626 = arith.constant 0 : i32
      %dma_wait3A_627 = arith.constant 0 : i32
      %dma_wait3A_628 = tpu.memref_slice %arg10[%dma_wait3A_624, %dma_wait3A_626, %dma_wait3A_627] : memref<10x100x64xf32, #tpu.memory_space<vmem>> -> memref<1x100x64xf32, #tpu.memory_space<vmem>>
      %dma_wait3A_629 = tpu.memref_squeeze %dma_wait3A_628 : memref<1x100x64xf32, #tpu.memory_space<vmem>> -> memref<100x64xf32, #tpu.memory_space<vmem>>
      %dma_wait3A_630 = arith.constant 0 : i32
      %dma_wait3A_631 = tpu.memref_slice %arg8[%add3A_623, %dma_wait3A_630] : memref<100x100xi32, #tpu.memory_space<vmem>> -> memref<1x100xi32, #tpu.memory_space<vmem>>
      %dma_wait3A_632 = tpu.memref_squeeze %dma_wait3A_631 : memref<1x100xi32, #tpu.memory_space<vmem>> -> memref<100xi32, #tpu.memory_space<vmem>>
      %dma_wait3A_633 = arith.constant 0 : i32
      %dma_wait3A_634 = arith.constant 0 : i32
      %dma_wait3A_635 = tpu.memref_slice %arg2[%dma_wait3A_633, %dma_wait3A_634] : memref<10000x64xf32, #tpu.memory_space<hbm>> -> memref<10000x64xf32, #tpu.memory_space<hbm>>
      %dma_wait3A_636 = tpu.memref_slice %arg11[%dma_wait3A_625] : memref<10x!tpu.dma_semaphore, #tpu.memory_space<semaphore_mem>> -> memref<1x!tpu.dma_semaphore, #tpu.memory_space<semaphore_mem>>
      %dma_wait3A_637 = tpu.memref_squeeze %dma_wait3A_636 : memref<1x!tpu.dma_semaphore, #tpu.memory_space<semaphore_mem>> -> memref<!tpu.dma_semaphore, #tpu.memory_space<semaphore_mem>>
      tpu.wait_indirect_dma semaphore(%dma_wait3A_637 : memref<!tpu.dma_semaphore, #tpu.memory_space<semaphore_mem>>) src(%dma_wait3A_635 : memref<10000x64xf32, #tpu.memory_space<hbm>>) dst(%dma_wait3A_629 : memref<100x64xf32, #tpu.memory_space<vmem>>)
      %mul3A_638 = arith.constant 5 : i32
      %mul3A_639 = arith.muli %add3A_619, %mul3A_638 : i32
      %add3A_640 = arith.constant 1 : i32
      %add3A_641 = arith.addi %mul3A_639, %add3A_640 : i32
      %dma_wait3A_642 = arith.constant 1 : i32
      %dma_wait3A_643 = arith.constant 1 : i32
      %dma_wait3A_644 = arith.constant 0 : i32
      %dma_wait3A_645 = arith.constant 0 : i32
      %dma_wait3A_646 = tpu.memref_slice %arg10[%dma_wait3A_642, %dma_wait3A_644, %dma_wait3A_645] : memref<10x100x64xf32, #tpu.memory_space<vmem>> -> memref<1x100x64xf32, #tpu.memory_space<vmem>>
      %dma_wait3A_647 = tpu.memref_squeeze %dma_wait3A_646 : memref<1x100x64xf32, #tpu.memory_space<vmem>> -> memref<100x64xf32, #tpu.memory_space<vmem>>
      %dma_wait3A_648 = arith.constant 0 : i32
      %dma_wait3A_649 = tpu.memref_slice %arg8[%add3A_641, %dma_wait3A_648] : memref<100x100xi32, #tpu.memory_space<vmem>> -> memref<1x100xi32, #tpu.memory_space<vmem>>
      %dma_wait3A_650 = tpu.memref_squeeze %dma_wait3A_649 : memref<1x100xi32, #tpu.memory_space<vmem>> -> memref<100xi32, #tpu.memory_space<vmem>>
      %dma_wait3A_651 = arith.constant 0 : i32
      %dma_wait3A_652 = arith.constant 0 : i32
      %dma_wait3A_653 = tpu.memref_slice %arg2[%dma_wait3A_651, %dma_wait3A_652] : memref<10000x64xf32, #tpu.memory_space<hbm>> -> memref<10000x64xf32, #tpu.memory_space<hbm>>
      %dma_wait3A_654 = tpu.memref_slice %arg11[%dma_wait3A_643] : memref<10x!tpu.dma_semaphore, #tpu.memory_space<semaphore_mem>> -> memref<1x!tpu.dma_semaphore, #tpu.memory_space<semaphore_mem>>
      %dma_wait3A_655 = tpu.memref_squeeze %dma_wait3A_654 : memref<1x!tpu.dma_semaphore, #tpu.memory_space<semaphore_mem>> -> memref<!tpu.dma_semaphore, #tpu.memory_space<semaphore_mem>>
      tpu.wait_indirect_dma semaphore(%dma_wait3A_655 : memref<!tpu.dma_semaphore, #tpu.memory_space<semaphore_mem>>) src(%dma_wait3A_653 : memref<10000x64xf32, #tpu.memory_space<hbm>>) dst(%dma_wait3A_647 : memref<100x64xf32, #tpu.memory_space<vmem>>)
      %mul3A_656 = arith.constant 5 : i32
      %mul3A_657 = arith.muli %add3A_619, %mul3A_656 : i32
      %add3A_658 = arith.constant 2 : i32
      %add3A_659 = arith.addi %mul3A_657, %add3A_658 : i32
      %dma_wait3A_660 = arith.constant 2 : i32
      %dma_wait3A_661 = arith.constant 2 : i32
      %dma_wait3A_662 = arith.constant 0 : i32
      %dma_wait3A_663 = arith.constant 0 : i32
      %dma_wait3A_664 = tpu.memref_slice %arg10[%dma_wait3A_660, %dma_wait3A_662, %dma_wait3A_663] : memref<10x100x64xf32, #tpu.memory_space<vmem>> -> memref<1x100x64xf32, #tpu.memory_space<vmem>>
      %dma_wait3A_665 = tpu.memref_squeeze %dma_wait3A_664 : memref<1x100x64xf32, #tpu.memory_space<vmem>> -> memref<100x64xf32, #tpu.memory_space<vmem>>
      %dma_wait3A_666 = arith.constant 0 : i32
      %dma_wait3A_667 = tpu.memref_slice %arg8[%add3A_659, %dma_wait3A_666] : memref<100x100xi32, #tpu.memory_space<vmem>> -> memref<1x100xi32, #tpu.memory_space<vmem>>
      %dma_wait3A_668 = tpu.memref_squeeze %dma_wait3A_667 : memref<1x100xi32, #tpu.memory_space<vmem>> -> memref<100xi32, #tpu.memory_space<vmem>>
      %dma_wait3A_669 = arith.constant 0 : i32
      %dma_wait3A_670 = arith.constant 0 : i32
      %dma_wait3A_671 = tpu.memref_slice %arg2[%dma_wait3A_669, %dma_wait3A_670] : memref<10000x64xf32, #tpu.memory_space<hbm>> -> memref<10000x64xf32, #tpu.memory_space<hbm>>
      %dma_wait3A_672 = tpu.memref_slice %arg11[%dma_wait3A_661] : memref<10x!tpu.dma_semaphore, #tpu.memory_space<semaphore_mem>> -> memref<1x!tpu.dma_semaphore, #tpu.memory_space<semaphore_mem>>
      %dma_wait3A_673 = tpu.memref_squeeze %dma_wait3A_672 : memref<1x!tpu.dma_semaphore, #tpu.memory_space<semaphore_mem>> -> memref<!tpu.dma_semaphore, #tpu.memory_space<semaphore_mem>>
      tpu.wait_indirect_dma semaphore(%dma_wait3A_673 : memref<!tpu.dma_semaphore, #tpu.memory_space<semaphore_mem>>) src(%dma_wait3A_671 : memref<10000x64xf32, #tpu.memory_space<hbm>>) dst(%dma_wait3A_665 : memref<100x64xf32, #tpu.memory_space<vmem>>)
      %mul3A_674 = arith.constant 5 : i32
      %mul3A_675 = arith.muli %add3A_619, %mul3A_674 : i32
      %add3A_676 = arith.constant 3 : i32
      %add3A_677 = arith.addi %mul3A_675, %add3A_676 : i32
      %dma_wait3A_678 = arith.constant 3 : i32
      %dma_wait3A_679 = arith.constant 3 : i32
      %dma_wait3A_680 = arith.constant 0 : i32
      %dma_wait3A_681 = arith.constant 0 : i32
      %dma_wait3A_682 = tpu.memref_slice %arg10[%dma_wait3A_678, %dma_wait3A_680, %dma_wait3A_681] : memref<10x100x64xf32, #tpu.memory_space<vmem>> -> memref<1x100x64xf32, #tpu.memory_space<vmem>>
      %dma_wait3A_683 = tpu.memref_squeeze %dma_wait3A_682 : memref<1x100x64xf32, #tpu.memory_space<vmem>> -> memref<100x64xf32, #tpu.memory_space<vmem>>
      %dma_wait3A_684 = arith.constant 0 : i32
      %dma_wait3A_685 = tpu.memref_slice %arg8[%add3A_677, %dma_wait3A_684] : memref<100x100xi32, #tpu.memory_space<vmem>> -> memref<1x100xi32, #tpu.memory_space<vmem>>
      %dma_wait3A_686 = tpu.memref_squeeze %dma_wait3A_685 : memref<1x100xi32, #tpu.memory_space<vmem>> -> memref<100xi32, #tpu.memory_space<vmem>>
      %dma_wait3A_687 = arith.constant 0 : i32
      %dma_wait3A_688 = arith.constant 0 : i32
      %dma_wait3A_689 = tpu.memref_slice %arg2[%dma_wait3A_687, %dma_wait3A_688] : memref<10000x64xf32, #tpu.memory_space<hbm>> -> memref<10000x64xf32, #tpu.memory_space<hbm>>
      %dma_wait3A_690 = tpu.memref_slice %arg11[%dma_wait3A_679] : memref<10x!tpu.dma_semaphore, #tpu.memory_space<semaphore_mem>> -> memref<1x!tpu.dma_semaphore, #tpu.memory_space<semaphore_mem>>
      %dma_wait3A_691 = tpu.memref_squeeze %dma_wait3A_690 : memref<1x!tpu.dma_semaphore, #tpu.memory_space<semaphore_mem>> -> memref<!tpu.dma_semaphore, #tpu.memory_space<semaphore_mem>>
      tpu.wait_indirect_dma semaphore(%dma_wait3A_691 : memref<!tpu.dma_semaphore, #tpu.memory_space<semaphore_mem>>) src(%dma_wait3A_689 : memref<10000x64xf32, #tpu.memory_space<hbm>>) dst(%dma_wait3A_683 : memref<100x64xf32, #tpu.memory_space<vmem>>)
      %mul3A_692 = arith.constant 5 : i32
      %mul3A_693 = arith.muli %add3A_619, %mul3A_692 : i32
      %add3A_694 = arith.constant 4 : i32
      %add3A_695 = arith.addi %mul3A_693, %add3A_694 : i32
      %dma_wait3A_696 = arith.constant 4 : i32
      %dma_wait3A_697 = arith.constant 4 : i32
      %dma_wait3A_698 = arith.constant 0 : i32
      %dma_wait3A_699 = arith.constant 0 : i32
      %dma_wait3A_700 = tpu.memref_slice %arg10[%dma_wait3A_696, %dma_wait3A_698, %dma_wait3A_699] : memref<10x100x64xf32, #tpu.memory_space<vmem>> -> memref<1x100x64xf32, #tpu.memory_space<vmem>>
      %dma_wait3A_701 = tpu.memref_squeeze %dma_wait3A_700 : memref<1x100x64xf32, #tpu.memory_space<vmem>> -> memref<100x64xf32, #tpu.memory_space<vmem>>
      %dma_wait3A_702 = arith.constant 0 : i32
      %dma_wait3A_703 = tpu.memref_slice %arg8[%add3A_695, %dma_wait3A_702] : memref<100x100xi32, #tpu.memory_space<vmem>> -> memref<1x100xi32, #tpu.memory_space<vmem>>
      %dma_wait3A_704 = tpu.memref_squeeze %dma_wait3A_703 : memref<1x100xi32, #tpu.memory_space<vmem>> -> memref<100xi32, #tpu.memory_space<vmem>>
      %dma_wait3A_705 = arith.constant 0 : i32
      %dma_wait3A_706 = arith.constant 0 : i32
      %dma_wait3A_707 = tpu.memref_slice %arg2[%dma_wait3A_705, %dma_wait3A_706] : memref<10000x64xf32, #tpu.memory_space<hbm>> -> memref<10000x64xf32, #tpu.memory_space<hbm>>
      %dma_wait3A_708 = tpu.memref_slice %arg11[%dma_wait3A_697] : memref<10x!tpu.dma_semaphore, #tpu.memory_space<semaphore_mem>> -> memref<1x!tpu.dma_semaphore, #tpu.memory_space<semaphore_mem>>
      %dma_wait3A_709 = tpu.memref_squeeze %dma_wait3A_708 : memref<1x!tpu.dma_semaphore, #tpu.memory_space<semaphore_mem>> -> memref<!tpu.dma_semaphore, #tpu.memory_space<semaphore_mem>>
      tpu.wait_indirect_dma semaphore(%dma_wait3A_709 : memref<!tpu.dma_semaphore, #tpu.memory_space<semaphore_mem>>) src(%dma_wait3A_707 : memref<10000x64xf32, #tpu.memory_space<hbm>>) dst(%dma_wait3A_701 : memref<100x64xf32, #tpu.memory_space<vmem>>)
      %mul3A_710 = arith.constant 5 : i32
      %mul3A_711 = arith.muli %add3A_619, %mul3A_710 : i32
      %add3A_712 = arith.constant 0 : i32
      %add3A_713 = arith.addi %mul3A_711, %add3A_712 : i32
      %dma_start3A_714 = arith.constant 0 : i32
      %dma_start3A_715 = arith.constant 0 : i32
      %dma_start3A_716 = arith.constant 0 : i32
      %dma_start3A_717 = arith.constant 0 : i32
      %dma_start3A_718 = tpu.memref_slice %arg10[%dma_start3A_714, %dma_start3A_716, %dma_start3A_717] : memref<10x100x64xf32, #tpu.memory_space<vmem>> -> memref<1x100x64xf32, #tpu.memory_space<vmem>>
      %dma_start3A_719 = tpu.memref_squeeze %dma_start3A_718 : memref<1x100x64xf32, #tpu.memory_space<vmem>> -> memref<100x64xf32, #tpu.memory_space<vmem>>
      %dma_start3A_720 = arith.constant 0 : i32
      %dma_start3A_721 = tpu.memref_slice %arg9[%add3A_713, %dma_start3A_720] : memref<100x100xi32, #tpu.memory_space<vmem>> -> memref<1x100xi32, #tpu.memory_space<vmem>>
      %dma_start3A_722 = tpu.memref_squeeze %dma_start3A_721 : memref<1x100xi32, #tpu.memory_space<vmem>> -> memref<100xi32, #tpu.memory_space<vmem>>
      %dma_start3A_723 = arith.constant 0 : i32
      %dma_start3A_724 = arith.constant 0 : i32
      %dma_start3A_725 = tpu.memref_slice %arg7[%dma_start3A_723, %dma_start3A_724] : memref<10240x64xf32, #tpu.memory_space<vmem_shared>> -> memref<10240x64xf32, #tpu.memory_space<vmem_shared>>
      %dma_start3A_726 = tpu.memref_slice %arg12[%dma_start3A_715] : memref<10x!tpu.dma_semaphore, #tpu.memory_space<semaphore_mem>> -> memref<1x!tpu.dma_semaphore, #tpu.memory_space<semaphore_mem>>
      %dma_start3A_727 = tpu.memref_squeeze %dma_start3A_726 : memref<1x!tpu.dma_semaphore, #tpu.memory_space<semaphore_mem>> -> memref<!tpu.dma_semaphore, #tpu.memory_space<semaphore_mem>>
      tpu.enqueue_indirect_dma source(%dma_start3A_719 : memref<100x64xf32, #tpu.memory_space<vmem>>) target(%dma_start3A_725 : memref<10240x64xf32, #tpu.memory_space<vmem_shared>>) offsets(%dma_start3A_722 : memref<100xi32, #tpu.memory_space<vmem>>) semaphore(%dma_start3A_727 : memref<!tpu.dma_semaphore, #tpu.memory_space<semaphore_mem>>) {add = true}
      %mul3A_728 = arith.constant 5 : i32
      %mul3A_729 = arith.muli %add3A_619, %mul3A_728 : i32
      %add3A_730 = arith.constant 1 : i32
      %add3A_731 = arith.addi %mul3A_729, %add3A_730 : i32
      %dma_start3A_732 = arith.constant 1 : i32
      %dma_start3A_733 = arith.constant 1 : i32
      %dma_start3A_734 = arith.constant 0 : i32
      %dma_start3A_735 = arith.constant 0 : i32
      %dma_start3A_736 = tpu.memref_slice %arg10[%dma_start3A_732, %dma_start3A_734, %dma_start3A_735] : memref<10x100x64xf32, #tpu.memory_space<vmem>> -> memref<1x100x64xf32, #tpu.memory_space<vmem>>
      %dma_start3A_737 = tpu.memref_squeeze %dma_start3A_736 : memref<1x100x64xf32, #tpu.memory_space<vmem>> -> memref<100x64xf32, #tpu.memory_space<vmem>>
      %dma_start3A_738 = arith.constant 0 : i32
      %dma_start3A_739 = tpu.memref_slice %arg9[%add3A_731, %dma_start3A_738] : memref<100x100xi32, #tpu.memory_space<vmem>> -> memref<1x100xi32, #tpu.memory_space<vmem>>
      %dma_start3A_740 = tpu.memref_squeeze %dma_start3A_739 : memref<1x100xi32, #tpu.memory_space<vmem>> -> memref<100xi32, #tpu.memory_space<vmem>>
      %dma_start3A_741 = arith.constant 0 : i32
      %dma_start3A_742 = arith.constant 0 : i32
      %dma_start3A_743 = tpu.memref_slice %arg7[%dma_start3A_741, %dma_start3A_742] : memref<10240x64xf32, #tpu.memory_space<vmem_shared>> -> memref<10240x64xf32, #tpu.memory_space<vmem_shared>>
      %dma_start3A_744 = tpu.memref_slice %arg12[%dma_start3A_733] : memref<10x!tpu.dma_semaphore, #tpu.memory_space<semaphore_mem>> -> memref<1x!tpu.dma_semaphore, #tpu.memory_space<semaphore_mem>>
      %dma_start3A_745 = tpu.memref_squeeze %dma_start3A_744 : memref<1x!tpu.dma_semaphore, #tpu.memory_space<semaphore_mem>> -> memref<!tpu.dma_semaphore, #tpu.memory_space<semaphore_mem>>
      tpu.enqueue_indirect_dma source(%dma_start3A_737 : memref<100x64xf32, #tpu.memory_space<vmem>>) target(%dma_start3A_743 : memref<10240x64xf32, #tpu.memory_space<vmem_shared>>) offsets(%dma_start3A_740 : memref<100xi32, #tpu.memory_space<vmem>>) semaphore(%dma_start3A_745 : memref<!tpu.dma_semaphore, #tpu.memory_space<semaphore_mem>>) {add = true}
      %mul3A_746 = arith.constant 5 : i32
      %mul3A_747 = arith.muli %add3A_619, %mul3A_746 : i32
      %add3A_748 = arith.constant 2 : i32
      %add3A_749 = arith.addi %mul3A_747, %add3A_748 : i32
      %dma_start3A_750 = arith.constant 2 : i32
      %dma_start3A_751 = arith.constant 2 : i32
      %dma_start3A_752 = arith.constant 0 : i32
      %dma_start3A_753 = arith.constant 0 : i32
      %dma_start3A_754 = tpu.memref_slice %arg10[%dma_start3A_750, %dma_start3A_752, %dma_start3A_753] : memref<10x100x64xf32, #tpu.memory_space<vmem>> -> memref<1x100x64xf32, #tpu.memory_space<vmem>>
      %dma_start3A_755 = tpu.memref_squeeze %dma_start3A_754 : memref<1x100x64xf32, #tpu.memory_space<vmem>> -> memref<100x64xf32, #tpu.memory_space<vmem>>
      %dma_start3A_756 = arith.constant 0 : i32
      %dma_start3A_757 = tpu.memref_slice %arg9[%add3A_749, %dma_start3A_756] : memref<100x100xi32, #tpu.memory_space<vmem>> -> memref<1x100xi32, #tpu.memory_space<vmem>>
      %dma_start3A_758 = tpu.memref_squeeze %dma_start3A_757 : memref<1x100xi32, #tpu.memory_space<vmem>> -> memref<100xi32, #tpu.memory_space<vmem>>
      %dma_start3A_759 = arith.constant 0 : i32
      %dma_start3A_760 = arith.constant 0 : i32
      %dma_start3A_761 = tpu.memref_slice %arg7[%dma_start3A_759, %dma_start3A_760] : memref<10240x64xf32, #tpu.memory_space<vmem_shared>> -> memref<10240x64xf32, #tpu.memory_space<vmem_shared>>
      %dma_start3A_762 = tpu.memref_slice %arg12[%dma_start3A_751] : memref<10x!tpu.dma_semaphore, #tpu.memory_space<semaphore_mem>> -> memref<1x!tpu.dma_semaphore, #tpu.memory_space<semaphore_mem>>
      %dma_start3A_763 = tpu.memref_squeeze %dma_start3A_762 : memref<1x!tpu.dma_semaphore, #tpu.memory_space<semaphore_mem>> -> memref<!tpu.dma_semaphore, #tpu.memory_space<semaphore_mem>>
      tpu.enqueue_indirect_dma source(%dma_start3A_755 : memref<100x64xf32, #tpu.memory_space<vmem>>) target(%dma_start3A_761 : memref<10240x64xf32, #tpu.memory_space<vmem_shared>>) offsets(%dma_start3A_758 : memref<100xi32, #tpu.memory_space<vmem>>) semaphore(%dma_start3A_763 : memref<!tpu.dma_semaphore, #tpu.memory_space<semaphore_mem>>) {add = true}
      %mul3A_764 = arith.constant 5 : i32
      %mul3A_765 = arith.muli %add3A_619, %mul3A_764 : i32
      %add3A_766 = arith.constant 3 : i32
      %add3A_767 = arith.addi %mul3A_765, %add3A_766 : i32
      %dma_start3A_768 = arith.constant 3 : i32
      %dma_start3A_769 = arith.constant 3 : i32
      %dma_start3A_770 = arith.constant 0 : i32
      %dma_start3A_771 = arith.constant 0 : i32
      %dma_start3A_772 = tpu.memref_slice %arg10[%dma_start3A_768, %dma_start3A_770, %dma_start3A_771] : memref<10x100x64xf32, #tpu.memory_space<vmem>> -> memref<1x100x64xf32, #tpu.memory_space<vmem>>
      %dma_start3A_773 = tpu.memref_squeeze %dma_start3A_772 : memref<1x100x64xf32, #tpu.memory_space<vmem>> -> memref<100x64xf32, #tpu.memory_space<vmem>>
      %dma_start3A_774 = arith.constant 0 : i32
      %dma_start3A_775 = tpu.memref_slice %arg9[%add3A_767, %dma_start3A_774] : memref<100x100xi32, #tpu.memory_space<vmem>> -> memref<1x100xi32, #tpu.memory_space<vmem>>
      %dma_start3A_776 = tpu.memref_squeeze %dma_start3A_775 : memref<1x100xi32, #tpu.memory_space<vmem>> -> memref<100xi32, #tpu.memory_space<vmem>>
      %dma_start3A_777 = arith.constant 0 : i32
      %dma_start3A_778 = arith.constant 0 : i32
      %dma_start3A_779 = tpu.memref_slice %arg7[%dma_start3A_777, %dma_start3A_778] : memref<10240x64xf32, #tpu.memory_space<vmem_shared>> -> memref<10240x64xf32, #tpu.memory_space<vmem_shared>>
      %dma_start3A_780 = tpu.memref_slice %arg12[%dma_start3A_769] : memref<10x!tpu.dma_semaphore, #tpu.memory_space<semaphore_mem>> -> memref<1x!tpu.dma_semaphore, #tpu.memory_space<semaphore_mem>>
      %dma_start3A_781 = tpu.memref_squeeze %dma_start3A_780 : memref<1x!tpu.dma_semaphore, #tpu.memory_space<semaphore_mem>> -> memref<!tpu.dma_semaphore, #tpu.memory_space<semaphore_mem>>
      tpu.enqueue_indirect_dma source(%dma_start3A_773 : memref<100x64xf32, #tpu.memory_space<vmem>>) target(%dma_start3A_779 : memref<10240x64xf32, #tpu.memory_space<vmem_shared>>) offsets(%dma_start3A_776 : memref<100xi32, #tpu.memory_space<vmem>>) semaphore(%dma_start3A_781 : memref<!tpu.dma_semaphore, #tpu.memory_space<semaphore_mem>>) {add = true}
      %mul3A_782 = arith.constant 5 : i32
      %mul3A_783 = arith.muli %add3A_619, %mul3A_782 : i32
      %add3A_784 = arith.constant 4 : i32
      %add3A_785 = arith.addi %mul3A_783, %add3A_784 : i32
      %dma_start3A_786 = arith.constant 4 : i32
      %dma_start3A_787 = arith.constant 4 : i32
      %dma_start3A_788 = arith.constant 0 : i32
      %dma_start3A_789 = arith.constant 0 : i32
      %dma_start3A_790 = tpu.memref_slice %arg10[%dma_start3A_786, %dma_start3A_788, %dma_start3A_789] : memref<10x100x64xf32, #tpu.memory_space<vmem>> -> memref<1x100x64xf32, #tpu.memory_space<vmem>>
      %dma_start3A_791 = tpu.memref_squeeze %dma_start3A_790 : memref<1x100x64xf32, #tpu.memory_space<vmem>> -> memref<100x64xf32, #tpu.memory_space<vmem>>
      %dma_start3A_792 = arith.constant 0 : i32
      %dma_start3A_793 = tpu.memref_slice %arg9[%add3A_785, %dma_start3A_792] : memref<100x100xi32, #tpu.memory_space<vmem>> -> memref<1x100xi32, #tpu.memory_space<vmem>>
      %dma_start3A_794 = tpu.memref_squeeze %dma_start3A_793 : memref<1x100xi32, #tpu.memory_space<vmem>> -> memref<100xi32, #tpu.memory_space<vmem>>
      %dma_start3A_795 = arith.constant 0 : i32
      %dma_start3A_796 = arith.constant 0 : i32
      %dma_start3A_797 = tpu.memref_slice %arg7[%dma_start3A_795, %dma_start3A_796] : memref<10240x64xf32, #tpu.memory_space<vmem_shared>> -> memref<10240x64xf32, #tpu.memory_space<vmem_shared>>
      %dma_start3A_798 = tpu.memref_slice %arg12[%dma_start3A_787] : memref<10x!tpu.dma_semaphore, #tpu.memory_space<semaphore_mem>> -> memref<1x!tpu.dma_semaphore, #tpu.memory_space<semaphore_mem>>
      %dma_start3A_799 = tpu.memref_squeeze %dma_start3A_798 : memref<1x!tpu.dma_semaphore, #tpu.memory_space<semaphore_mem>> -> memref<!tpu.dma_semaphore, #tpu.memory_space<semaphore_mem>>
      tpu.enqueue_indirect_dma source(%dma_start3A_791 : memref<100x64xf32, #tpu.memory_space<vmem>>) target(%dma_start3A_797 : memref<10240x64xf32, #tpu.memory_space<vmem_shared>>) offsets(%dma_start3A_794 : memref<100xi32, #tpu.memory_space<vmem>>) semaphore(%dma_start3A_799 : memref<!tpu.dma_semaphore, #tpu.memory_space<semaphore_mem>>) {add = true}
      %add3A_800 = arith.constant 1 : i32
      %add3A_801 = arith.addi %add3A_619, %add3A_800 : i32
      %mul3A_802 = arith.constant 5 : i32
      %mul3A_803 = arith.muli %add3A_801, %mul3A_802 : i32
      %add3A_804 = arith.constant 0 : i32
      %add3A_805 = arith.addi %mul3A_803, %add3A_804 : i32
      %dma_start3A_806 = arith.constant 5 : i32
      %dma_start3A_807 = arith.constant 5 : i32
      %dma_start3A_808 = arith.constant 0 : i32
      %dma_start3A_809 = arith.constant 0 : i32
      %dma_start3A_810 = tpu.memref_slice %arg10[%dma_start3A_806, %dma_start3A_808, %dma_start3A_809] : memref<10x100x64xf32, #tpu.memory_space<vmem>> -> memref<1x100x64xf32, #tpu.memory_space<vmem>>
      %dma_start3A_811 = tpu.memref_squeeze %dma_start3A_810 : memref<1x100x64xf32, #tpu.memory_space<vmem>> -> memref<100x64xf32, #tpu.memory_space<vmem>>
      %dma_start3A_812 = arith.constant 0 : i32
      %dma_start3A_813 = tpu.memref_slice %arg8[%add3A_805, %dma_start3A_812] : memref<100x100xi32, #tpu.memory_space<vmem>> -> memref<1x100xi32, #tpu.memory_space<vmem>>
      %dma_start3A_814 = tpu.memref_squeeze %dma_start3A_813 : memref<1x100xi32, #tpu.memory_space<vmem>> -> memref<100xi32, #tpu.memory_space<vmem>>
      %dma_start3A_815 = arith.constant 0 : i32
      %dma_start3A_816 = arith.constant 0 : i32
      %dma_start3A_817 = tpu.memref_slice %arg2[%dma_start3A_815, %dma_start3A_816] : memref<10000x64xf32, #tpu.memory_space<hbm>> -> memref<10000x64xf32, #tpu.memory_space<hbm>>
      %dma_start3A_818 = tpu.memref_slice %arg11[%dma_start3A_807] : memref<10x!tpu.dma_semaphore, #tpu.memory_space<semaphore_mem>> -> memref<1x!tpu.dma_semaphore, #tpu.memory_space<semaphore_mem>>
      %dma_start3A_819 = tpu.memref_squeeze %dma_start3A_818 : memref<1x!tpu.dma_semaphore, #tpu.memory_space<semaphore_mem>> -> memref<!tpu.dma_semaphore, #tpu.memory_space<semaphore_mem>>
      tpu.enqueue_indirect_dma source(%dma_start3A_817 : memref<10000x64xf32, #tpu.memory_space<hbm>>) target(%dma_start3A_811 : memref<100x64xf32, #tpu.memory_space<vmem>>) offsets(%dma_start3A_814 : memref<100xi32, #tpu.memory_space<vmem>>) semaphore(%dma_start3A_819 : memref<!tpu.dma_semaphore, #tpu.memory_space<semaphore_mem>>)
      %add3A_820 = arith.constant 1 : i32
      %add3A_821 = arith.addi %add3A_619, %add3A_820 : i32
      %mul3A_822 = arith.constant 5 : i32
      %mul3A_823 = arith.muli %add3A_821, %mul3A_822 : i32
      %add3A_824 = arith.constant 1 : i32
      %add3A_825 = arith.addi %mul3A_823, %add3A_824 : i32
      %dma_start3A_826 = arith.constant 6 : i32
      %dma_start3A_827 = arith.constant 6 : i32
      %dma_start3A_828 = arith.constant 0 : i32
      %dma_start3A_829 = arith.constant 0 : i32
      %dma_start3A_830 = tpu.memref_slice %arg10[%dma_start3A_826, %dma_start3A_828, %dma_start3A_829] : memref<10x100x64xf32, #tpu.memory_space<vmem>> -> memref<1x100x64xf32, #tpu.memory_space<vmem>>
      %dma_start3A_831 = tpu.memref_squeeze %dma_start3A_830 : memref<1x100x64xf32, #tpu.memory_space<vmem>> -> memref<100x64xf32, #tpu.memory_space<vmem>>
      %dma_start3A_832 = arith.constant 0 : i32
      %dma_start3A_833 = tpu.memref_slice %arg8[%add3A_825, %dma_start3A_832] : memref<100x100xi32, #tpu.memory_space<vmem>> -> memref<1x100xi32, #tpu.memory_space<vmem>>
      %dma_start3A_834 = tpu.memref_squeeze %dma_start3A_833 : memref<1x100xi32, #tpu.memory_space<vmem>> -> memref<100xi32, #tpu.memory_space<vmem>>
      %dma_start3A_835 = arith.constant 0 : i32
      %dma_start3A_836 = arith.constant 0 : i32
      %dma_start3A_837 = tpu.memref_slice %arg2[%dma_start3A_835, %dma_start3A_836] : memref<10000x64xf32, #tpu.memory_space<hbm>> -> memref<10000x64xf32, #tpu.memory_space<hbm>>
      %dma_start3A_838 = tpu.memref_slice %arg11[%dma_start3A_827] : memref<10x!tpu.dma_semaphore, #tpu.memory_space<semaphore_mem>> -> memref<1x!tpu.dma_semaphore, #tpu.memory_space<semaphore_mem>>
      %dma_start3A_839 = tpu.memref_squeeze %dma_start3A_838 : memref<1x!tpu.dma_semaphore, #tpu.memory_space<semaphore_mem>> -> memref<!tpu.dma_semaphore, #tpu.memory_space<semaphore_mem>>
      tpu.enqueue_indirect_dma source(%dma_start3A_837 : memref<10000x64xf32, #tpu.memory_space<hbm>>) target(%dma_start3A_831 : memref<100x64xf32, #tpu.memory_space<vmem>>) offsets(%dma_start3A_834 : memref<100xi32, #tpu.memory_space<vmem>>) semaphore(%dma_start3A_839 : memref<!tpu.dma_semaphore, #tpu.memory_space<semaphore_mem>>)
      %add3A_840 = arith.constant 1 : i32
      %add3A_841 = arith.addi %add3A_619, %add3A_840 : i32
      %mul3A_842 = arith.constant 5 : i32
      %mul3A_843 = arith.muli %add3A_841, %mul3A_842 : i32
      %add3A_844 = arith.constant 2 : i32
      %add3A_845 = arith.addi %mul3A_843, %add3A_844 : i32
      %dma_start3A_846 = arith.constant 7 : i32
      %dma_start3A_847 = arith.constant 7 : i32
      %dma_start3A_848 = arith.constant 0 : i32
      %dma_start3A_849 = arith.constant 0 : i32
      %dma_start3A_850 = tpu.memref_slice %arg10[%dma_start3A_846, %dma_start3A_848, %dma_start3A_849] : memref<10x100x64xf32, #tpu.memory_space<vmem>> -> memref<1x100x64xf32, #tpu.memory_space<vmem>>
      %dma_start3A_851 = tpu.memref_squeeze %dma_start3A_850 : memref<1x100x64xf32, #tpu.memory_space<vmem>> -> memref<100x64xf32, #tpu.memory_space<vmem>>
      %dma_start3A_852 = arith.constant 0 : i32
      %dma_start3A_853 = tpu.memref_slice %arg8[%add3A_845, %dma_start3A_852] : memref<100x100xi32, #tpu.memory_space<vmem>> -> memref<1x100xi32, #tpu.memory_space<vmem>>
      %dma_start3A_854 = tpu.memref_squeeze %dma_start3A_853 : memref<1x100xi32, #tpu.memory_space<vmem>> -> memref<100xi32, #tpu.memory_space<vmem>>
      %dma_start3A_855 = arith.constant 0 : i32
      %dma_start3A_856 = arith.constant 0 : i32
      %dma_start3A_857 = tpu.memref_slice %arg2[%dma_start3A_855, %dma_start3A_856] : memref<10000x64xf32, #tpu.memory_space<hbm>> -> memref<10000x64xf32, #tpu.memory_space<hbm>>
      %dma_start3A_858 = tpu.memref_slice %arg11[%dma_start3A_847] : memref<10x!tpu.dma_semaphore, #tpu.memory_space<semaphore_mem>> -> memref<1x!tpu.dma_semaphore, #tpu.memory_space<semaphore_mem>>
      %dma_start3A_859 = tpu.memref_squeeze %dma_start3A_858 : memref<1x!tpu.dma_semaphore, #tpu.memory_space<semaphore_mem>> -> memref<!tpu.dma_semaphore, #tpu.memory_space<semaphore_mem>>
      tpu.enqueue_indirect_dma source(%dma_start3A_857 : memref<10000x64xf32, #tpu.memory_space<hbm>>) target(%dma_start3A_851 : memref<100x64xf32, #tpu.memory_space<vmem>>) offsets(%dma_start3A_854 : memref<100xi32, #tpu.memory_space<vmem>>) semaphore(%dma_start3A_859 : memref<!tpu.dma_semaphore, #tpu.memory_space<semaphore_mem>>)
      %add3A_860 = arith.constant 1 : i32
      %add3A_861 = arith.addi %add3A_619, %add3A_860 : i32
      %mul3A_862 = arith.constant 5 : i32
      %mul3A_863 = arith.muli %add3A_861, %mul3A_862 : i32
      %add3A_864 = arith.constant 3 : i32
      %add3A_865 = arith.addi %mul3A_863, %add3A_864 : i32
      %dma_start3A_866 = arith.constant 8 : i32
      %dma_start3A_867 = arith.constant 8 : i32
      %dma_start3A_868 = arith.constant 0 : i32
      %dma_start3A_869 = arith.constant 0 : i32
      %dma_start3A_870 = tpu.memref_slice %arg10[%dma_start3A_866, %dma_start3A_868, %dma_start3A_869] : memref<10x100x64xf32, #tpu.memory_space<vmem>> -> memref<1x100x64xf32, #tpu.memory_space<vmem>>
      %dma_start3A_871 = tpu.memref_squeeze %dma_start3A_870 : memref<1x100x64xf32, #tpu.memory_space<vmem>> -> memref<100x64xf32, #tpu.memory_space<vmem>>
      %dma_start3A_872 = arith.constant 0 : i32
      %dma_start3A_873 = tpu.memref_slice %arg8[%add3A_865, %dma_start3A_872] : memref<100x100xi32, #tpu.memory_space<vmem>> -> memref<1x100xi32, #tpu.memory_space<vmem>>
      %dma_start3A_874 = tpu.memref_squeeze %dma_start3A_873 : memref<1x100xi32, #tpu.memory_space<vmem>> -> memref<100xi32, #tpu.memory_space<vmem>>
      %dma_start3A_875 = arith.constant 0 : i32
      %dma_start3A_876 = arith.constant 0 : i32
      %dma_start3A_877 = tpu.memref_slice %arg2[%dma_start3A_875, %dma_start3A_876] : memref<10000x64xf32, #tpu.memory_space<hbm>> -> memref<10000x64xf32, #tpu.memory_space<hbm>>
      %dma_start3A_878 = tpu.memref_slice %arg11[%dma_start3A_867] : memref<10x!tpu.dma_semaphore, #tpu.memory_space<semaphore_mem>> -> memref<1x!tpu.dma_semaphore, #tpu.memory_space<semaphore_mem>>
      %dma_start3A_879 = tpu.memref_squeeze %dma_start3A_878 : memref<1x!tpu.dma_semaphore, #tpu.memory_space<semaphore_mem>> -> memref<!tpu.dma_semaphore, #tpu.memory_space<semaphore_mem>>
      tpu.enqueue_indirect_dma source(%dma_start3A_877 : memref<10000x64xf32, #tpu.memory_space<hbm>>) target(%dma_start3A_871 : memref<100x64xf32, #tpu.memory_space<vmem>>) offsets(%dma_start3A_874 : memref<100xi32, #tpu.memory_space<vmem>>) semaphore(%dma_start3A_879 : memref<!tpu.dma_semaphore, #tpu.memory_space<semaphore_mem>>)
      %add3A_880 = arith.constant 1 : i32
      %add3A_881 = arith.addi %add3A_619, %add3A_880 : i32
      %mul3A_882 = arith.constant 5 : i32
      %mul3A_883 = arith.muli %add3A_881, %mul3A_882 : i32
      %add3A_884 = arith.constant 4 : i32
      %add3A_885 = arith.addi %mul3A_883, %add3A_884 : i32
      %dma_start3A_886 = arith.constant 9 : i32
      %dma_start3A_887 = arith.constant 9 : i32
      %dma_start3A_888 = arith.constant 0 : i32
      %dma_start3A_889 = arith.constant 0 : i32
      %dma_start3A_890 = tpu.memref_slice %arg10[%dma_start3A_886, %dma_start3A_888, %dma_start3A_889] : memref<10x100x64xf32, #tpu.memory_space<vmem>> -> memref<1x100x64xf32, #tpu.memory_space<vmem>>
      %dma_start3A_891 = tpu.memref_squeeze %dma_start3A_890 : memref<1x100x64xf32, #tpu.memory_space<vmem>> -> memref<100x64xf32, #tpu.memory_space<vmem>>
      %dma_start3A_892 = arith.constant 0 : i32
      %dma_start3A_893 = tpu.memref_slice %arg8[%add3A_885, %dma_start3A_892] : memref<100x100xi32, #tpu.memory_space<vmem>> -> memref<1x100xi32, #tpu.memory_space<vmem>>
      %dma_start3A_894 = tpu.memref_squeeze %dma_start3A_893 : memref<1x100xi32, #tpu.memory_space<vmem>> -> memref<100xi32, #tpu.memory_space<vmem>>
      %dma_start3A_895 = arith.constant 0 : i32
      %dma_start3A_896 = arith.constant 0 : i32
      %dma_start3A_897 = tpu.memref_slice %arg2[%dma_start3A_895, %dma_start3A_896] : memref<10000x64xf32, #tpu.memory_space<hbm>> -> memref<10000x64xf32, #tpu.memory_space<hbm>>
      %dma_start3A_898 = tpu.memref_slice %arg11[%dma_start3A_887] : memref<10x!tpu.dma_semaphore, #tpu.memory_space<semaphore_mem>> -> memref<1x!tpu.dma_semaphore, #tpu.memory_space<semaphore_mem>>
      %dma_start3A_899 = tpu.memref_squeeze %dma_start3A_898 : memref<1x!tpu.dma_semaphore, #tpu.memory_space<semaphore_mem>> -> memref<!tpu.dma_semaphore, #tpu.memory_space<semaphore_mem>>
      tpu.enqueue_indirect_dma source(%dma_start3A_897 : memref<10000x64xf32, #tpu.memory_space<hbm>>) target(%dma_start3A_891 : memref<100x64xf32, #tpu.memory_space<vmem>>) offsets(%dma_start3A_894 : memref<100xi32, #tpu.memory_space<vmem>>) semaphore(%dma_start3A_899 : memref<!tpu.dma_semaphore, #tpu.memory_space<semaphore_mem>>)
      %mul3A_900 = arith.constant 5 : i32
      %mul3A_901 = arith.muli %add3A_619, %mul3A_900 : i32
      %add3A_902 = arith.constant 0 : i32
      %add3A_903 = arith.addi %mul3A_901, %add3A_902 : i32
      %dma_wait3A_904 = arith.constant 0 : i32
      %dma_wait3A_905 = arith.constant 0 : i32
      %dma_wait3A_906 = arith.constant 0 : i32
      %dma_wait3A_907 = arith.constant 0 : i32
      %dma_wait3A_908 = tpu.memref_slice %arg10[%dma_wait3A_904, %dma_wait3A_906, %dma_wait3A_907] : memref<10x100x64xf32, #tpu.memory_space<vmem>> -> memref<1x100x64xf32, #tpu.memory_space<vmem>>
      %dma_wait3A_909 = tpu.memref_squeeze %dma_wait3A_908 : memref<1x100x64xf32, #tpu.memory_space<vmem>> -> memref<100x64xf32, #tpu.memory_space<vmem>>
      %dma_wait3A_910 = arith.constant 0 : i32
      %dma_wait3A_911 = tpu.memref_slice %arg9[%add3A_903, %dma_wait3A_910] : memref<100x100xi32, #tpu.memory_space<vmem>> -> memref<1x100xi32, #tpu.memory_space<vmem>>
      %dma_wait3A_912 = tpu.memref_squeeze %dma_wait3A_911 : memref<1x100xi32, #tpu.memory_space<vmem>> -> memref<100xi32, #tpu.memory_space<vmem>>
      %dma_wait3A_913 = arith.constant 0 : i32
      %dma_wait3A_914 = arith.constant 0 : i32
      %dma_wait3A_915 = tpu.memref_slice %arg7[%dma_wait3A_913, %dma_wait3A_914] : memref<10240x64xf32, #tpu.memory_space<vmem_shared>> -> memref<10240x64xf32, #tpu.memory_space<vmem_shared>>
      %dma_wait3A_916 = tpu.memref_slice %arg12[%dma_wait3A_905] : memref<10x!tpu.dma_semaphore, #tpu.memory_space<semaphore_mem>> -> memref<1x!tpu.dma_semaphore, #tpu.memory_space<semaphore_mem>>
      %dma_wait3A_917 = tpu.memref_squeeze %dma_wait3A_916 : memref<1x!tpu.dma_semaphore, #tpu.memory_space<semaphore_mem>> -> memref<!tpu.dma_semaphore, #tpu.memory_space<semaphore_mem>>
      tpu.wait_indirect_dma semaphore(%dma_wait3A_917 : memref<!tpu.dma_semaphore, #tpu.memory_space<semaphore_mem>>) src(%dma_wait3A_909 : memref<100x64xf32, #tpu.memory_space<vmem>>) dst(%dma_wait3A_915 : memref<10240x64xf32, #tpu.memory_space<vmem_shared>>)
      %mul3A_918 = arith.constant 5 : i32
      %mul3A_919 = arith.muli %add3A_619, %mul3A_918 : i32
      %add3A_920 = arith.constant 1 : i32
      %add3A_921 = arith.addi %mul3A_919, %add3A_920 : i32
      %dma_wait3A_922 = arith.constant 1 : i32
      %dma_wait3A_923 = arith.constant 1 : i32
      %dma_wait3A_924 = arith.constant 0 : i32
      %dma_wait3A_925 = arith.constant 0 : i32
      %dma_wait3A_926 = tpu.memref_slice %arg10[%dma_wait3A_922, %dma_wait3A_924, %dma_wait3A_925] : memref<10x100x64xf32, #tpu.memory_space<vmem>> -> memref<1x100x64xf32, #tpu.memory_space<vmem>>
      %dma_wait3A_927 = tpu.memref_squeeze %dma_wait3A_926 : memref<1x100x64xf32, #tpu.memory_space<vmem>> -> memref<100x64xf32, #tpu.memory_space<vmem>>
      %dma_wait3A_928 = arith.constant 0 : i32
      %dma_wait3A_929 = tpu.memref_slice %arg9[%add3A_921, %dma_wait3A_928] : memref<100x100xi32, #tpu.memory_space<vmem>> -> memref<1x100xi32, #tpu.memory_space<vmem>>
      %dma_wait3A_930 = tpu.memref_squeeze %dma_wait3A_929 : memref<1x100xi32, #tpu.memory_space<vmem>> -> memref<100xi32, #tpu.memory_space<vmem>>
      %dma_wait3A_931 = arith.constant 0 : i32
      %dma_wait3A_932 = arith.constant 0 : i32
      %dma_wait3A_933 = tpu.memref_slice %arg7[%dma_wait3A_931, %dma_wait3A_932] : memref<10240x64xf32, #tpu.memory_space<vmem_shared>> -> memref<10240x64xf32, #tpu.memory_space<vmem_shared>>
      %dma_wait3A_934 = tpu.memref_slice %arg12[%dma_wait3A_923] : memref<10x!tpu.dma_semaphore, #tpu.memory_space<semaphore_mem>> -> memref<1x!tpu.dma_semaphore, #tpu.memory_space<semaphore_mem>>
      %dma_wait3A_935 = tpu.memref_squeeze %dma_wait3A_934 : memref<1x!tpu.dma_semaphore, #tpu.memory_space<semaphore_mem>> -> memref<!tpu.dma_semaphore, #tpu.memory_space<semaphore_mem>>
      tpu.wait_indirect_dma semaphore(%dma_wait3A_935 : memref<!tpu.dma_semaphore, #tpu.memory_space<semaphore_mem>>) src(%dma_wait3A_927 : memref<100x64xf32, #tpu.memory_space<vmem>>) dst(%dma_wait3A_933 : memref<10240x64xf32, #tpu.memory_space<vmem_shared>>)
      %mul3A_936 = arith.constant 5 : i32
      %mul3A_937 = arith.muli %add3A_619, %mul3A_936 : i32
      %add3A_938 = arith.constant 2 : i32
      %add3A_939 = arith.addi %mul3A_937, %add3A_938 : i32
      %dma_wait3A_940 = arith.constant 2 : i32
      %dma_wait3A_941 = arith.constant 2 : i32
      %dma_wait3A_942 = arith.constant 0 : i32
      %dma_wait3A_943 = arith.constant 0 : i32
      %dma_wait3A_944 = tpu.memref_slice %arg10[%dma_wait3A_940, %dma_wait3A_942, %dma_wait3A_943] : memref<10x100x64xf32, #tpu.memory_space<vmem>> -> memref<1x100x64xf32, #tpu.memory_space<vmem>>
      %dma_wait3A_945 = tpu.memref_squeeze %dma_wait3A_944 : memref<1x100x64xf32, #tpu.memory_space<vmem>> -> memref<100x64xf32, #tpu.memory_space<vmem>>
      %dma_wait3A_946 = arith.constant 0 : i32
      %dma_wait3A_947 = tpu.memref_slice %arg9[%add3A_939, %dma_wait3A_946] : memref<100x100xi32, #tpu.memory_space<vmem>> -> memref<1x100xi32, #tpu.memory_space<vmem>>
      %dma_wait3A_948 = tpu.memref_squeeze %dma_wait3A_947 : memref<1x100xi32, #tpu.memory_space<vmem>> -> memref<100xi32, #tpu.memory_space<vmem>>
      %dma_wait3A_949 = arith.constant 0 : i32
      %dma_wait3A_950 = arith.constant 0 : i32
      %dma_wait3A_951 = tpu.memref_slice %arg7[%dma_wait3A_949, %dma_wait3A_950] : memref<10240x64xf32, #tpu.memory_space<vmem_shared>> -> memref<10240x64xf32, #tpu.memory_space<vmem_shared>>
      %dma_wait3A_952 = tpu.memref_slice %arg12[%dma_wait3A_941] : memref<10x!tpu.dma_semaphore, #tpu.memory_space<semaphore_mem>> -> memref<1x!tpu.dma_semaphore, #tpu.memory_space<semaphore_mem>>
      %dma_wait3A_953 = tpu.memref_squeeze %dma_wait3A_952 : memref<1x!tpu.dma_semaphore, #tpu.memory_space<semaphore_mem>> -> memref<!tpu.dma_semaphore, #tpu.memory_space<semaphore_mem>>
      tpu.wait_indirect_dma semaphore(%dma_wait3A_953 : memref<!tpu.dma_semaphore, #tpu.memory_space<semaphore_mem>>) src(%dma_wait3A_945 : memref<100x64xf32, #tpu.memory_space<vmem>>) dst(%dma_wait3A_951 : memref<10240x64xf32, #tpu.memory_space<vmem_shared>>)
      %mul3A_954 = arith.constant 5 : i32
      %mul3A_955 = arith.muli %add3A_619, %mul3A_954 : i32
      %add3A_956 = arith.constant 3 : i32
      %add3A_957 = arith.addi %mul3A_955, %add3A_956 : i32
      %dma_wait3A_958 = arith.constant 3 : i32
      %dma_wait3A_959 = arith.constant 3 : i32
      %dma_wait3A_960 = arith.constant 0 : i32
      %dma_wait3A_961 = arith.constant 0 : i32
      %dma_wait3A_962 = tpu.memref_slice %arg10[%dma_wait3A_958, %dma_wait3A_960, %dma_wait3A_961] : memref<10x100x64xf32, #tpu.memory_space<vmem>> -> memref<1x100x64xf32, #tpu.memory_space<vmem>>
      %dma_wait3A_963 = tpu.memref_squeeze %dma_wait3A_962 : memref<1x100x64xf32, #tpu.memory_space<vmem>> -> memref<100x64xf32, #tpu.memory_space<vmem>>
      %dma_wait3A_964 = arith.constant 0 : i32
      %dma_wait3A_965 = tpu.memref_slice %arg9[%add3A_957, %dma_wait3A_964] : memref<100x100xi32, #tpu.memory_space<vmem>> -> memref<1x100xi32, #tpu.memory_space<vmem>>
      %dma_wait3A_966 = tpu.memref_squeeze %dma_wait3A_965 : memref<1x100xi32, #tpu.memory_space<vmem>> -> memref<100xi32, #tpu.memory_space<vmem>>
      %dma_wait3A_967 = arith.constant 0 : i32
      %dma_wait3A_968 = arith.constant 0 : i32
      %dma_wait3A_969 = tpu.memref_slice %arg7[%dma_wait3A_967, %dma_wait3A_968] : memref<10240x64xf32, #tpu.memory_space<vmem_shared>> -> memref<10240x64xf32, #tpu.memory_space<vmem_shared>>
      %dma_wait3A_970 = tpu.memref_slice %arg12[%dma_wait3A_959] : memref<10x!tpu.dma_semaphore, #tpu.memory_space<semaphore_mem>> -> memref<1x!tpu.dma_semaphore, #tpu.memory_space<semaphore_mem>>
      %dma_wait3A_971 = tpu.memref_squeeze %dma_wait3A_970 : memref<1x!tpu.dma_semaphore, #tpu.memory_space<semaphore_mem>> -> memref<!tpu.dma_semaphore, #tpu.memory_space<semaphore_mem>>
      tpu.wait_indirect_dma semaphore(%dma_wait3A_971 : memref<!tpu.dma_semaphore, #tpu.memory_space<semaphore_mem>>) src(%dma_wait3A_963 : memref<100x64xf32, #tpu.memory_space<vmem>>) dst(%dma_wait3A_969 : memref<10240x64xf32, #tpu.memory_space<vmem_shared>>)
      %mul3A_972 = arith.constant 5 : i32
      %mul3A_973 = arith.muli %add3A_619, %mul3A_972 : i32
      %add3A_974 = arith.constant 4 : i32
      %add3A_975 = arith.addi %mul3A_973, %add3A_974 : i32
      %dma_wait3A_976 = arith.constant 4 : i32
      %dma_wait3A_977 = arith.constant 4 : i32
      %dma_wait3A_978 = arith.constant 0 : i32
      %dma_wait3A_979 = arith.constant 0 : i32
      %dma_wait3A_980 = tpu.memref_slice %arg10[%dma_wait3A_976, %dma_wait3A_978, %dma_wait3A_979] : memref<10x100x64xf32, #tpu.memory_space<vmem>> -> memref<1x100x64xf32, #tpu.memory_space<vmem>>
      %dma_wait3A_981 = tpu.memref_squeeze %dma_wait3A_980 : memref<1x100x64xf32, #tpu.memory_space<vmem>> -> memref<100x64xf32, #tpu.memory_space<vmem>>
      %dma_wait3A_982 = arith.constant 0 : i32
      %dma_wait3A_983 = tpu.memref_slice %arg9[%add3A_975, %dma_wait3A_982] : memref<100x100xi32, #tpu.memory_space<vmem>> -> memref<1x100xi32, #tpu.memory_space<vmem>>
      %dma_wait3A_984 = tpu.memref_squeeze %dma_wait3A_983 : memref<1x100xi32, #tpu.memory_space<vmem>> -> memref<100xi32, #tpu.memory_space<vmem>>
      %dma_wait3A_985 = arith.constant 0 : i32
      %dma_wait3A_986 = arith.constant 0 : i32
      %dma_wait3A_987 = tpu.memref_slice %arg7[%dma_wait3A_985, %dma_wait3A_986] : memref<10240x64xf32, #tpu.memory_space<vmem_shared>> -> memref<10240x64xf32, #tpu.memory_space<vmem_shared>>
      %dma_wait3A_988 = tpu.memref_slice %arg12[%dma_wait3A_977] : memref<10x!tpu.dma_semaphore, #tpu.memory_space<semaphore_mem>> -> memref<1x!tpu.dma_semaphore, #tpu.memory_space<semaphore_mem>>
      %dma_wait3A_989 = tpu.memref_squeeze %dma_wait3A_988 : memref<1x!tpu.dma_semaphore, #tpu.memory_space<semaphore_mem>> -> memref<!tpu.dma_semaphore, #tpu.memory_space<semaphore_mem>>
      tpu.wait_indirect_dma semaphore(%dma_wait3A_989 : memref<!tpu.dma_semaphore, #tpu.memory_space<semaphore_mem>>) src(%dma_wait3A_981 : memref<100x64xf32, #tpu.memory_space<vmem>>) dst(%dma_wait3A_987 : memref<10240x64xf32, #tpu.memory_space<vmem_shared>>)
      %add3A_990 = arith.constant 1 : i32
      %add3A_991 = arith.addi %add3A_619, %add3A_990 : i32
      %mul3A_992 = arith.constant 5 : i32
      %mul3A_993 = arith.muli %add3A_991, %mul3A_992 : i32
      %add3A_994 = arith.constant 0 : i32
      %add3A_995 = arith.addi %mul3A_993, %add3A_994 : i32
      %dma_wait3A_996 = arith.constant 5 : i32
      %dma_wait3A_997 = arith.constant 5 : i32
      %dma_wait3A_998 = arith.constant 0 : i32
      %dma_wait3A_999 = arith.constant 0 : i32
      %dma_wait3A_1000 = tpu.memref_slice %arg10[%dma_wait3A_996, %dma_wait3A_998, %dma_wait3A_999] : memref<10x100x64xf32, #tpu.memory_space<vmem>> -> memref<1x100x64xf32, #tpu.memory_space<vmem>>
      %dma_wait3A_1001 = tpu.memref_squeeze %dma_wait3A_1000 : memref<1x100x64xf32, #tpu.memory_space<vmem>> -> memref<100x64xf32, #tpu.memory_space<vmem>>
      %dma_wait3A_1002 = arith.constant 0 : i32
      %dma_wait3A_1003 = tpu.memref_slice %arg8[%add3A_995, %dma_wait3A_1002] : memref<100x100xi32, #tpu.memory_space<vmem>> -> memref<1x100xi32, #tpu.memory_space<vmem>>
      %dma_wait3A_1004 = tpu.memref_squeeze %dma_wait3A_1003 : memref<1x100xi32, #tpu.memory_space<vmem>> -> memref<100xi32, #tpu.memory_space<vmem>>
      %dma_wait3A_1005 = arith.constant 0 : i32
      %dma_wait3A_1006 = arith.constant 0 : i32
      %dma_wait3A_1007 = tpu.memref_slice %arg2[%dma_wait3A_1005, %dma_wait3A_1006] : memref<10000x64xf32, #tpu.memory_space<hbm>> -> memref<10000x64xf32, #tpu.memory_space<hbm>>
      %dma_wait3A_1008 = tpu.memref_slice %arg11[%dma_wait3A_997] : memref<10x!tpu.dma_semaphore, #tpu.memory_space<semaphore_mem>> -> memref<1x!tpu.dma_semaphore, #tpu.memory_space<semaphore_mem>>
      %dma_wait3A_1009 = tpu.memref_squeeze %dma_wait3A_1008 : memref<1x!tpu.dma_semaphore, #tpu.memory_space<semaphore_mem>> -> memref<!tpu.dma_semaphore, #tpu.memory_space<semaphore_mem>>
      tpu.wait_indirect_dma semaphore(%dma_wait3A_1009 : memref<!tpu.dma_semaphore, #tpu.memory_space<semaphore_mem>>) src(%dma_wait3A_1007 : memref<10000x64xf32, #tpu.memory_space<hbm>>) dst(%dma_wait3A_1001 : memref<100x64xf32, #tpu.memory_space<vmem>>)
      %mul3A_1010 = arith.constant 5 : i32
      %mul3A_1011 = arith.muli %add3A_991, %mul3A_1010 : i32
      %add3A_1012 = arith.constant 1 : i32
      %add3A_1013 = arith.addi %mul3A_1011, %add3A_1012 : i32
      %dma_wait3A_1014 = arith.constant 6 : i32
      %dma_wait3A_1015 = arith.constant 6 : i32
      %dma_wait3A_1016 = arith.constant 0 : i32
      %dma_wait3A_1017 = arith.constant 0 : i32
      %dma_wait3A_1018 = tpu.memref_slice %arg10[%dma_wait3A_1014, %dma_wait3A_1016, %dma_wait3A_1017] : memref<10x100x64xf32, #tpu.memory_space<vmem>> -> memref<1x100x64xf32, #tpu.memory_space<vmem>>
      %dma_wait3A_1019 = tpu.memref_squeeze %dma_wait3A_1018 : memref<1x100x64xf32, #tpu.memory_space<vmem>> -> memref<100x64xf32, #tpu.memory_space<vmem>>
      %dma_wait3A_1020 = arith.constant 0 : i32
      %dma_wait3A_1021 = tpu.memref_slice %arg8[%add3A_1013, %dma_wait3A_1020] : memref<100x100xi32, #tpu.memory_space<vmem>> -> memref<1x100xi32, #tpu.memory_space<vmem>>
      %dma_wait3A_1022 = tpu.memref_squeeze %dma_wait3A_1021 : memref<1x100xi32, #tpu.memory_space<vmem>> -> memref<100xi32, #tpu.memory_space<vmem>>
      %dma_wait3A_1023 = arith.constant 0 : i32
      %dma_wait3A_1024 = arith.constant 0 : i32
      %dma_wait3A_1025 = tpu.memref_slice %arg2[%dma_wait3A_1023, %dma_wait3A_1024] : memref<10000x64xf32, #tpu.memory_space<hbm>> -> memref<10000x64xf32, #tpu.memory_space<hbm>>
      %dma_wait3A_1026 = tpu.memref_slice %arg11[%dma_wait3A_1015] : memref<10x!tpu.dma_semaphore, #tpu.memory_space<semaphore_mem>> -> memref<1x!tpu.dma_semaphore, #tpu.memory_space<semaphore_mem>>
      %dma_wait3A_1027 = tpu.memref_squeeze %dma_wait3A_1026 : memref<1x!tpu.dma_semaphore, #tpu.memory_space<semaphore_mem>> -> memref<!tpu.dma_semaphore, #tpu.memory_space<semaphore_mem>>
      tpu.wait_indirect_dma semaphore(%dma_wait3A_1027 : memref<!tpu.dma_semaphore, #tpu.memory_space<semaphore_mem>>) src(%dma_wait3A_1025 : memref<10000x64xf32, #tpu.memory_space<hbm>>) dst(%dma_wait3A_1019 : memref<100x64xf32, #tpu.memory_space<vmem>>)
      %mul3A_1028 = arith.constant 5 : i32
      %mul3A_1029 = arith.muli %add3A_991, %mul3A_1028 : i32
      %add3A_1030 = arith.constant 2 : i32
      %add3A_1031 = arith.addi %mul3A_1029, %add3A_1030 : i32
      %dma_wait3A_1032 = arith.constant 7 : i32
      %dma_wait3A_1033 = arith.constant 7 : i32
      %dma_wait3A_1034 = arith.constant 0 : i32
      %dma_wait3A_1035 = arith.constant 0 : i32
      %dma_wait3A_1036 = tpu.memref_slice %arg10[%dma_wait3A_1032, %dma_wait3A_1034, %dma_wait3A_1035] : memref<10x100x64xf32, #tpu.memory_space<vmem>> -> memref<1x100x64xf32, #tpu.memory_space<vmem>>
      %dma_wait3A_1037 = tpu.memref_squeeze %dma_wait3A_1036 : memref<1x100x64xf32, #tpu.memory_space<vmem>> -> memref<100x64xf32, #tpu.memory_space<vmem>>
      %dma_wait3A_1038 = arith.constant 0 : i32
      %dma_wait3A_1039 = tpu.memref_slice %arg8[%add3A_1031, %dma_wait3A_1038] : memref<100x100xi32, #tpu.memory_space<vmem>> -> memref<1x100xi32, #tpu.memory_space<vmem>>
      %dma_wait3A_1040 = tpu.memref_squeeze %dma_wait3A_1039 : memref<1x100xi32, #tpu.memory_space<vmem>> -> memref<100xi32, #tpu.memory_space<vmem>>
      %dma_wait3A_1041 = arith.constant 0 : i32
      %dma_wait3A_1042 = arith.constant 0 : i32
      %dma_wait3A_1043 = tpu.memref_slice %arg2[%dma_wait3A_1041, %dma_wait3A_1042] : memref<10000x64xf32, #tpu.memory_space<hbm>> -> memref<10000x64xf32, #tpu.memory_space<hbm>>
      %dma_wait3A_1044 = tpu.memref_slice %arg11[%dma_wait3A_1033] : memref<10x!tpu.dma_semaphore, #tpu.memory_space<semaphore_mem>> -> memref<1x!tpu.dma_semaphore, #tpu.memory_space<semaphore_mem>>
      %dma_wait3A_1045 = tpu.memref_squeeze %dma_wait3A_1044 : memref<1x!tpu.dma_semaphore, #tpu.memory_space<semaphore_mem>> -> memref<!tpu.dma_semaphore, #tpu.memory_space<semaphore_mem>>
      tpu.wait_indirect_dma semaphore(%dma_wait3A_1045 : memref<!tpu.dma_semaphore, #tpu.memory_space<semaphore_mem>>) src(%dma_wait3A_1043 : memref<10000x64xf32, #tpu.memory_space<hbm>>) dst(%dma_wait3A_1037 : memref<100x64xf32, #tpu.memory_space<vmem>>)
      %mul3A_1046 = arith.constant 5 : i32
      %mul3A_1047 = arith.muli %add3A_991, %mul3A_1046 : i32
      %add3A_1048 = arith.constant 3 : i32
      %add3A_1049 = arith.addi %mul3A_1047, %add3A_1048 : i32
      %dma_wait3A_1050 = arith.constant 8 : i32
      %dma_wait3A_1051 = arith.constant 8 : i32
      %dma_wait3A_1052 = arith.constant 0 : i32
      %dma_wait3A_1053 = arith.constant 0 : i32
      %dma_wait3A_1054 = tpu.memref_slice %arg10[%dma_wait3A_1050, %dma_wait3A_1052, %dma_wait3A_1053] : memref<10x100x64xf32, #tpu.memory_space<vmem>> -> memref<1x100x64xf32, #tpu.memory_space<vmem>>
      %dma_wait3A_1055 = tpu.memref_squeeze %dma_wait3A_1054 : memref<1x100x64xf32, #tpu.memory_space<vmem>> -> memref<100x64xf32, #tpu.memory_space<vmem>>
      %dma_wait3A_1056 = arith.constant 0 : i32
      %dma_wait3A_1057 = tpu.memref_slice %arg8[%add3A_1049, %dma_wait3A_1056] : memref<100x100xi32, #tpu.memory_space<vmem>> -> memref<1x100xi32, #tpu.memory_space<vmem>>
      %dma_wait3A_1058 = tpu.memref_squeeze %dma_wait3A_1057 : memref<1x100xi32, #tpu.memory_space<vmem>> -> memref<100xi32, #tpu.memory_space<vmem>>
      %dma_wait3A_1059 = arith.constant 0 : i32
      %dma_wait3A_1060 = arith.constant 0 : i32
      %dma_wait3A_1061 = tpu.memref_slice %arg2[%dma_wait3A_1059, %dma_wait3A_1060] : memref<10000x64xf32, #tpu.memory_space<hbm>> -> memref<10000x64xf32, #tpu.memory_space<hbm>>
      %dma_wait3A_1062 = tpu.memref_slice %arg11[%dma_wait3A_1051] : memref<10x!tpu.dma_semaphore, #tpu.memory_space<semaphore_mem>> -> memref<1x!tpu.dma_semaphore, #tpu.memory_space<semaphore_mem>>
      %dma_wait3A_1063 = tpu.memref_squeeze %dma_wait3A_1062 : memref<1x!tpu.dma_semaphore, #tpu.memory_space<semaphore_mem>> -> memref<!tpu.dma_semaphore, #tpu.memory_space<semaphore_mem>>
      tpu.wait_indirect_dma semaphore(%dma_wait3A_1063 : memref<!tpu.dma_semaphore, #tpu.memory_space<semaphore_mem>>) src(%dma_wait3A_1061 : memref<10000x64xf32, #tpu.memory_space<hbm>>) dst(%dma_wait3A_1055 : memref<100x64xf32, #tpu.memory_space<vmem>>)
      %mul3A_1064 = arith.constant 5 : i32
      %mul3A_1065 = arith.muli %add3A_991, %mul3A_1064 : i32
      %add3A_1066 = arith.constant 4 : i32
      %add3A_1067 = arith.addi %mul3A_1065, %add3A_1066 : i32
      %dma_wait3A_1068 = arith.constant 9 : i32
      %dma_wait3A_1069 = arith.constant 9 : i32
      %dma_wait3A_1070 = arith.constant 0 : i32
      %dma_wait3A_1071 = arith.constant 0 : i32
      %dma_wait3A_1072 = tpu.memref_slice %arg10[%dma_wait3A_1068, %dma_wait3A_1070, %dma_wait3A_1071] : memref<10x100x64xf32, #tpu.memory_space<vmem>> -> memref<1x100x64xf32, #tpu.memory_space<vmem>>
      %dma_wait3A_1073 = tpu.memref_squeeze %dma_wait3A_1072 : memref<1x100x64xf32, #tpu.memory_space<vmem>> -> memref<100x64xf32, #tpu.memory_space<vmem>>
      %dma_wait3A_1074 = arith.constant 0 : i32
      %dma_wait3A_1075 = tpu.memref_slice %arg8[%add3A_1067, %dma_wait3A_1074] : memref<100x100xi32, #tpu.memory_space<vmem>> -> memref<1x100xi32, #tpu.memory_space<vmem>>
      %dma_wait3A_1076 = tpu.memref_squeeze %dma_wait3A_1075 : memref<1x100xi32, #tpu.memory_space<vmem>> -> memref<100xi32, #tpu.memory_space<vmem>>
      %dma_wait3A_1077 = arith.constant 0 : i32
      %dma_wait3A_1078 = arith.constant 0 : i32
      %dma_wait3A_1079 = tpu.memref_slice %arg2[%dma_wait3A_1077, %dma_wait3A_1078] : memref<10000x64xf32, #tpu.memory_space<hbm>> -> memref<10000x64xf32, #tpu.memory_space<hbm>>
      %dma_wait3A_1080 = tpu.memref_slice %arg11[%dma_wait3A_1069] : memref<10x!tpu.dma_semaphore, #tpu.memory_space<semaphore_mem>> -> memref<1x!tpu.dma_semaphore, #tpu.memory_space<semaphore_mem>>
      %dma_wait3A_1081 = tpu.memref_squeeze %dma_wait3A_1080 : memref<1x!tpu.dma_semaphore, #tpu.memory_space<semaphore_mem>> -> memref<!tpu.dma_semaphore, #tpu.memory_space<semaphore_mem>>
      tpu.wait_indirect_dma semaphore(%dma_wait3A_1081 : memref<!tpu.dma_semaphore, #tpu.memory_space<semaphore_mem>>) src(%dma_wait3A_1079 : memref<10000x64xf32, #tpu.memory_space<hbm>>) dst(%dma_wait3A_1073 : memref<100x64xf32, #tpu.memory_space<vmem>>)
      %mul3A_1082 = arith.constant 5 : i32
      %mul3A_1083 = arith.muli %add3A_991, %mul3A_1082 : i32
      %add3A_1084 = arith.constant 0 : i32
      %add3A_1085 = arith.addi %mul3A_1083, %add3A_1084 : i32
      %dma_start3A_1086 = arith.constant 5 : i32
      %dma_start3A_1087 = arith.constant 5 : i32
      %dma_start3A_1088 = arith.constant 0 : i32
      %dma_start3A_1089 = arith.constant 0 : i32
      %dma_start3A_1090 = tpu.memref_slice %arg10[%dma_start3A_1086, %dma_start3A_1088, %dma_start3A_1089] : memref<10x100x64xf32, #tpu.memory_space<vmem>> -> memref<1x100x64xf32, #tpu.memory_space<vmem>>
      %dma_start3A_1091 = tpu.memref_squeeze %dma_start3A_1090 : memref<1x100x64xf32, #tpu.memory_space<vmem>> -> memref<100x64xf32, #tpu.memory_space<vmem>>
      %dma_start3A_1092 = arith.constant 0 : i32
      %dma_start3A_1093 = tpu.memref_slice %arg9[%add3A_1085, %dma_start3A_1092] : memref<100x100xi32, #tpu.memory_space<vmem>> -> memref<1x100xi32, #tpu.memory_space<vmem>>
      %dma_start3A_1094 = tpu.memref_squeeze %dma_start3A_1093 : memref<1x100xi32, #tpu.memory_space<vmem>> -> memref<100xi32, #tpu.memory_space<vmem>>
      %dma_start3A_1095 = arith.constant 0 : i32
      %dma_start3A_1096 = arith.constant 0 : i32
      %dma_start3A_1097 = tpu.memref_slice %arg7[%dma_start3A_1095, %dma_start3A_1096] : memref<10240x64xf32, #tpu.memory_space<vmem_shared>> -> memref<10240x64xf32, #tpu.memory_space<vmem_shared>>
      %dma_start3A_1098 = tpu.memref_slice %arg12[%dma_start3A_1087] : memref<10x!tpu.dma_semaphore, #tpu.memory_space<semaphore_mem>> -> memref<1x!tpu.dma_semaphore, #tpu.memory_space<semaphore_mem>>
      %dma_start3A_1099 = tpu.memref_squeeze %dma_start3A_1098 : memref<1x!tpu.dma_semaphore, #tpu.memory_space<semaphore_mem>> -> memref<!tpu.dma_semaphore, #tpu.memory_space<semaphore_mem>>
      tpu.enqueue_indirect_dma source(%dma_start3A_1091 : memref<100x64xf32, #tpu.memory_space<vmem>>) target(%dma_start3A_1097 : memref<10240x64xf32, #tpu.memory_space<vmem_shared>>) offsets(%dma_start3A_1094 : memref<100xi32, #tpu.memory_space<vmem>>) semaphore(%dma_start3A_1099 : memref<!tpu.dma_semaphore, #tpu.memory_space<semaphore_mem>>) {add = true}
      %mul3A_1100 = arith.constant 5 : i32
      %mul3A_1101 = arith.muli %add3A_991, %mul3A_1100 : i32
      %add3A_1102 = arith.constant 1 : i32
      %add3A_1103 = arith.addi %mul3A_1101, %add3A_1102 : i32
      %dma_start3A_1104 = arith.constant 6 : i32
      %dma_start3A_1105 = arith.constant 6 : i32
      %dma_start3A_1106 = arith.constant 0 : i32
      %dma_start3A_1107 = arith.constant 0 : i32
      %dma_start3A_1108 = tpu.memref_slice %arg10[%dma_start3A_1104, %dma_start3A_1106, %dma_start3A_1107] : memref<10x100x64xf32, #tpu.memory_space<vmem>> -> memref<1x100x64xf32, #tpu.memory_space<vmem>>
      %dma_start3A_1109 = tpu.memref_squeeze %dma_start3A_1108 : memref<1x100x64xf32, #tpu.memory_space<vmem>> -> memref<100x64xf32, #tpu.memory_space<vmem>>
      %dma_start3A_1110 = arith.constant 0 : i32
      %dma_start3A_1111 = tpu.memref_slice %arg9[%add3A_1103, %dma_start3A_1110] : memref<100x100xi32, #tpu.memory_space<vmem>> -> memref<1x100xi32, #tpu.memory_space<vmem>>
      %dma_start3A_1112 = tpu.memref_squeeze %dma_start3A_1111 : memref<1x100xi32, #tpu.memory_space<vmem>> -> memref<100xi32, #tpu.memory_space<vmem>>
      %dma_start3A_1113 = arith.constant 0 : i32
      %dma_start3A_1114 = arith.constant 0 : i32
      %dma_start3A_1115 = tpu.memref_slice %arg7[%dma_start3A_1113, %dma_start3A_1114] : memref<10240x64xf32, #tpu.memory_space<vmem_shared>> -> memref<10240x64xf32, #tpu.memory_space<vmem_shared>>
      %dma_start3A_1116 = tpu.memref_slice %arg12[%dma_start3A_1105] : memref<10x!tpu.dma_semaphore, #tpu.memory_space<semaphore_mem>> -> memref<1x!tpu.dma_semaphore, #tpu.memory_space<semaphore_mem>>
      %dma_start3A_1117 = tpu.memref_squeeze %dma_start3A_1116 : memref<1x!tpu.dma_semaphore, #tpu.memory_space<semaphore_mem>> -> memref<!tpu.dma_semaphore, #tpu.memory_space<semaphore_mem>>
      tpu.enqueue_indirect_dma source(%dma_start3A_1109 : memref<100x64xf32, #tpu.memory_space<vmem>>) target(%dma_start3A_1115 : memref<10240x64xf32, #tpu.memory_space<vmem_shared>>) offsets(%dma_start3A_1112 : memref<100xi32, #tpu.memory_space<vmem>>) semaphore(%dma_start3A_1117 : memref<!tpu.dma_semaphore, #tpu.memory_space<semaphore_mem>>) {add = true}
      %mul3A_1118 = arith.constant 5 : i32
      %mul3A_1119 = arith.muli %add3A_991, %mul3A_1118 : i32
      %add3A_1120 = arith.constant 2 : i32
      %add3A_1121 = arith.addi %mul3A_1119, %add3A_1120 : i32
      %dma_start3A_1122 = arith.constant 7 : i32
      %dma_start3A_1123 = arith.constant 7 : i32
      %dma_start3A_1124 = arith.constant 0 : i32
      %dma_start3A_1125 = arith.constant 0 : i32
      %dma_start3A_1126 = tpu.memref_slice %arg10[%dma_start3A_1122, %dma_start3A_1124, %dma_start3A_1125] : memref<10x100x64xf32, #tpu.memory_space<vmem>> -> memref<1x100x64xf32, #tpu.memory_space<vmem>>
      %dma_start3A_1127 = tpu.memref_squeeze %dma_start3A_1126 : memref<1x100x64xf32, #tpu.memory_space<vmem>> -> memref<100x64xf32, #tpu.memory_space<vmem>>
      %dma_start3A_1128 = arith.constant 0 : i32
      %dma_start3A_1129 = tpu.memref_slice %arg9[%add3A_1121, %dma_start3A_1128] : memref<100x100xi32, #tpu.memory_space<vmem>> -> memref<1x100xi32, #tpu.memory_space<vmem>>
      %dma_start3A_1130 = tpu.memref_squeeze %dma_start3A_1129 : memref<1x100xi32, #tpu.memory_space<vmem>> -> memref<100xi32, #tpu.memory_space<vmem>>
      %dma_start3A_1131 = arith.constant 0 : i32
      %dma_start3A_1132 = arith.constant 0 : i32
      %dma_start3A_1133 = tpu.memref_slice %arg7[%dma_start3A_1131, %dma_start3A_1132] : memref<10240x64xf32, #tpu.memory_space<vmem_shared>> -> memref<10240x64xf32, #tpu.memory_space<vmem_shared>>
      %dma_start3A_1134 = tpu.memref_slice %arg12[%dma_start3A_1123] : memref<10x!tpu.dma_semaphore, #tpu.memory_space<semaphore_mem>> -> memref<1x!tpu.dma_semaphore, #tpu.memory_space<semaphore_mem>>
      %dma_start3A_1135 = tpu.memref_squeeze %dma_start3A_1134 : memref<1x!tpu.dma_semaphore, #tpu.memory_space<semaphore_mem>> -> memref<!tpu.dma_semaphore, #tpu.memory_space<semaphore_mem>>
      tpu.enqueue_indirect_dma source(%dma_start3A_1127 : memref<100x64xf32, #tpu.memory_space<vmem>>) target(%dma_start3A_1133 : memref<10240x64xf32, #tpu.memory_space<vmem_shared>>) offsets(%dma_start3A_1130 : memref<100xi32, #tpu.memory_space<vmem>>) semaphore(%dma_start3A_1135 : memref<!tpu.dma_semaphore, #tpu.memory_space<semaphore_mem>>) {add = true}
      %mul3A_1136 = arith.constant 5 : i32
      %mul3A_1137 = arith.muli %add3A_991, %mul3A_1136 : i32
      %add3A_1138 = arith.constant 3 : i32
      %add3A_1139 = arith.addi %mul3A_1137, %add3A_1138 : i32
      %dma_start3A_1140 = arith.constant 8 : i32
      %dma_start3A_1141 = arith.constant 8 : i32
      %dma_start3A_1142 = arith.constant 0 : i32
      %dma_start3A_1143 = arith.constant 0 : i32
      %dma_start3A_1144 = tpu.memref_slice %arg10[%dma_start3A_1140, %dma_start3A_1142, %dma_start3A_1143] : memref<10x100x64xf32, #tpu.memory_space<vmem>> -> memref<1x100x64xf32, #tpu.memory_space<vmem>>
      %dma_start3A_1145 = tpu.memref_squeeze %dma_start3A_1144 : memref<1x100x64xf32, #tpu.memory_space<vmem>> -> memref<100x64xf32, #tpu.memory_space<vmem>>
      %dma_start3A_1146 = arith.constant 0 : i32
      %dma_start3A_1147 = tpu.memref_slice %arg9[%add3A_1139, %dma_start3A_1146] : memref<100x100xi32, #tpu.memory_space<vmem>> -> memref<1x100xi32, #tpu.memory_space<vmem>>
      %dma_start3A_1148 = tpu.memref_squeeze %dma_start3A_1147 : memref<1x100xi32, #tpu.memory_space<vmem>> -> memref<100xi32, #tpu.memory_space<vmem>>
      %dma_start3A_1149 = arith.constant 0 : i32
      %dma_start3A_1150 = arith.constant 0 : i32
      %dma_start3A_1151 = tpu.memref_slice %arg7[%dma_start3A_1149, %dma_start3A_1150] : memref<10240x64xf32, #tpu.memory_space<vmem_shared>> -> memref<10240x64xf32, #tpu.memory_space<vmem_shared>>
      %dma_start3A_1152 = tpu.memref_slice %arg12[%dma_start3A_1141] : memref<10x!tpu.dma_semaphore, #tpu.memory_space<semaphore_mem>> -> memref<1x!tpu.dma_semaphore, #tpu.memory_space<semaphore_mem>>
      %dma_start3A_1153 = tpu.memref_squeeze %dma_start3A_1152 : memref<1x!tpu.dma_semaphore, #tpu.memory_space<semaphore_mem>> -> memref<!tpu.dma_semaphore, #tpu.memory_space<semaphore_mem>>
      tpu.enqueue_indirect_dma source(%dma_start3A_1145 : memref<100x64xf32, #tpu.memory_space<vmem>>) target(%dma_start3A_1151 : memref<10240x64xf32, #tpu.memory_space<vmem_shared>>) offsets(%dma_start3A_1148 : memref<100xi32, #tpu.memory_space<vmem>>) semaphore(%dma_start3A_1153 : memref<!tpu.dma_semaphore, #tpu.memory_space<semaphore_mem>>) {add = true}
      %mul3A_1154 = arith.constant 5 : i32
      %mul3A_1155 = arith.muli %add3A_991, %mul3A_1154 : i32
      %add3A_1156 = arith.constant 4 : i32
      %add3A_1157 = arith.addi %mul3A_1155, %add3A_1156 : i32
      %dma_start3A_1158 = arith.constant 9 : i32
      %dma_start3A_1159 = arith.constant 9 : i32
      %dma_start3A_1160 = arith.constant 0 : i32
      %dma_start3A_1161 = arith.constant 0 : i32
      %dma_start3A_1162 = tpu.memref_slice %arg10[%dma_start3A_1158, %dma_start3A_1160, %dma_start3A_1161] : memref<10x100x64xf32, #tpu.memory_space<vmem>> -> memref<1x100x64xf32, #tpu.memory_space<vmem>>
      %dma_start3A_1163 = tpu.memref_squeeze %dma_start3A_1162 : memref<1x100x64xf32, #tpu.memory_space<vmem>> -> memref<100x64xf32, #tpu.memory_space<vmem>>
      %dma_start3A_1164 = arith.constant 0 : i32
      %dma_start3A_1165 = tpu.memref_slice %arg9[%add3A_1157, %dma_start3A_1164] : memref<100x100xi32, #tpu.memory_space<vmem>> -> memref<1x100xi32, #tpu.memory_space<vmem>>
      %dma_start3A_1166 = tpu.memref_squeeze %dma_start3A_1165 : memref<1x100xi32, #tpu.memory_space<vmem>> -> memref<100xi32, #tpu.memory_space<vmem>>
      %dma_start3A_1167 = arith.constant 0 : i32
      %dma_start3A_1168 = arith.constant 0 : i32
      %dma_start3A_1169 = tpu.memref_slice %arg7[%dma_start3A_1167, %dma_start3A_1168] : memref<10240x64xf32, #tpu.memory_space<vmem_shared>> -> memref<10240x64xf32, #tpu.memory_space<vmem_shared>>
      %dma_start3A_1170 = tpu.memref_slice %arg12[%dma_start3A_1159] : memref<10x!tpu.dma_semaphore, #tpu.memory_space<semaphore_mem>> -> memref<1x!tpu.dma_semaphore, #tpu.memory_space<semaphore_mem>>
      %dma_start3A_1171 = tpu.memref_squeeze %dma_start3A_1170 : memref<1x!tpu.dma_semaphore, #tpu.memory_space<semaphore_mem>> -> memref<!tpu.dma_semaphore, #tpu.memory_space<semaphore_mem>>
      tpu.enqueue_indirect_dma source(%dma_start3A_1163 : memref<100x64xf32, #tpu.memory_space<vmem>>) target(%dma_start3A_1169 : memref<10240x64xf32, #tpu.memory_space<vmem_shared>>) offsets(%dma_start3A_1166 : memref<100xi32, #tpu.memory_space<vmem>>) semaphore(%dma_start3A_1171 : memref<!tpu.dma_semaphore, #tpu.memory_space<semaphore_mem>>) {add = true}
      %add3A_1172 = arith.constant 1 : i32
      %add3A_1173 = arith.addi %add3A_991, %add3A_1172 : i32
      %mul3A_1174 = arith.constant 5 : i32
      %mul3A_1175 = arith.muli %add3A_1173, %mul3A_1174 : i32
      %add3A_1176 = arith.constant 0 : i32
      %add3A_1177 = arith.addi %mul3A_1175, %add3A_1176 : i32
      %dma_start3A_1178 = arith.constant 0 : i32
      %dma_start3A_1179 = arith.constant 0 : i32
      %dma_start3A_1180 = arith.constant 0 : i32
      %dma_start3A_1181 = arith.constant 0 : i32
      %dma_start3A_1182 = tpu.memref_slice %arg10[%dma_start3A_1178, %dma_start3A_1180, %dma_start3A_1181] : memref<10x100x64xf32, #tpu.memory_space<vmem>> -> memref<1x100x64xf32, #tpu.memory_space<vmem>>
      %dma_start3A_1183 = tpu.memref_squeeze %dma_start3A_1182 : memref<1x100x64xf32, #tpu.memory_space<vmem>> -> memref<100x64xf32, #tpu.memory_space<vmem>>
      %dma_start3A_1184 = arith.constant 0 : i32
      %dma_start3A_1185 = tpu.memref_slice %arg8[%add3A_1177, %dma_start3A_1184] : memref<100x100xi32, #tpu.memory_space<vmem>> -> memref<1x100xi32, #tpu.memory_space<vmem>>
      %dma_start3A_1186 = tpu.memref_squeeze %dma_start3A_1185 : memref<1x100xi32, #tpu.memory_space<vmem>> -> memref<100xi32, #tpu.memory_space<vmem>>
      %dma_start3A_1187 = arith.constant 0 : i32
      %dma_start3A_1188 = arith.constant 0 : i32
      %dma_start3A_1189 = tpu.memref_slice %arg2[%dma_start3A_1187, %dma_start3A_1188] : memref<10000x64xf32, #tpu.memory_space<hbm>> -> memref<10000x64xf32, #tpu.memory_space<hbm>>
      %dma_start3A_1190 = tpu.memref_slice %arg11[%dma_start3A_1179] : memref<10x!tpu.dma_semaphore, #tpu.memory_space<semaphore_mem>> -> memref<1x!tpu.dma_semaphore, #tpu.memory_space<semaphore_mem>>
      %dma_start3A_1191 = tpu.memref_squeeze %dma_start3A_1190 : memref<1x!tpu.dma_semaphore, #tpu.memory_space<semaphore_mem>> -> memref<!tpu.dma_semaphore, #tpu.memory_space<semaphore_mem>>
      tpu.enqueue_indirect_dma source(%dma_start3A_1189 : memref<10000x64xf32, #tpu.memory_space<hbm>>) target(%dma_start3A_1183 : memref<100x64xf32, #tpu.memory_space<vmem>>) offsets(%dma_start3A_1186 : memref<100xi32, #tpu.memory_space<vmem>>) semaphore(%dma_start3A_1191 : memref<!tpu.dma_semaphore, #tpu.memory_space<semaphore_mem>>)
      %add3A_1192 = arith.constant 1 : i32
      %add3A_1193 = arith.addi %add3A_991, %add3A_1192 : i32
      %mul3A_1194 = arith.constant 5 : i32
      %mul3A_1195 = arith.muli %add3A_1193, %mul3A_1194 : i32
      %add3A_1196 = arith.constant 1 : i32
      %add3A_1197 = arith.addi %mul3A_1195, %add3A_1196 : i32
      %dma_start3A_1198 = arith.constant 1 : i32
      %dma_start3A_1199 = arith.constant 1 : i32
      %dma_start3A_1200 = arith.constant 0 : i32
      %dma_start3A_1201 = arith.constant 0 : i32
      %dma_start3A_1202 = tpu.memref_slice %arg10[%dma_start3A_1198, %dma_start3A_1200, %dma_start3A_1201] : memref<10x100x64xf32, #tpu.memory_space<vmem>> -> memref<1x100x64xf32, #tpu.memory_space<vmem>>
      %dma_start3A_1203 = tpu.memref_squeeze %dma_start3A_1202 : memref<1x100x64xf32, #tpu.memory_space<vmem>> -> memref<100x64xf32, #tpu.memory_space<vmem>>
      %dma_start3A_1204 = arith.constant 0 : i32
      %dma_start3A_1205 = tpu.memref_slice %arg8[%add3A_1197, %dma_start3A_1204] : memref<100x100xi32, #tpu.memory_space<vmem>> -> memref<1x100xi32, #tpu.memory_space<vmem>>
      %dma_start3A_1206 = tpu.memref_squeeze %dma_start3A_1205 : memref<1x100xi32, #tpu.memory_space<vmem>> -> memref<100xi32, #tpu.memory_space<vmem>>
      %dma_start3A_1207 = arith.constant 0 : i32
      %dma_start3A_1208 = arith.constant 0 : i32
      %dma_start3A_1209 = tpu.memref_slice %arg2[%dma_start3A_1207, %dma_start3A_1208] : memref<10000x64xf32, #tpu.memory_space<hbm>> -> memref<10000x64xf32, #tpu.memory_space<hbm>>
      %dma_start3A_1210 = tpu.memref_slice %arg11[%dma_start3A_1199] : memref<10x!tpu.dma_semaphore, #tpu.memory_space<semaphore_mem>> -> memref<1x!tpu.dma_semaphore, #tpu.memory_space<semaphore_mem>>
      %dma_start3A_1211 = tpu.memref_squeeze %dma_start3A_1210 : memref<1x!tpu.dma_semaphore, #tpu.memory_space<semaphore_mem>> -> memref<!tpu.dma_semaphore, #tpu.memory_space<semaphore_mem>>
      tpu.enqueue_indirect_dma source(%dma_start3A_1209 : memref<10000x64xf32, #tpu.memory_space<hbm>>) target(%dma_start3A_1203 : memref<100x64xf32, #tpu.memory_space<vmem>>) offsets(%dma_start3A_1206 : memref<100xi32, #tpu.memory_space<vmem>>) semaphore(%dma_start3A_1211 : memref<!tpu.dma_semaphore, #tpu.memory_space<semaphore_mem>>)
      %add3A_1212 = arith.constant 1 : i32
      %add3A_1213 = arith.addi %add3A_991, %add3A_1212 : i32
      %mul3A_1214 = arith.constant 5 : i32
      %mul3A_1215 = arith.muli %add3A_1213, %mul3A_1214 : i32
      %add3A_1216 = arith.constant 2 : i32
      %add3A_1217 = arith.addi %mul3A_1215, %add3A_1216 : i32
      %dma_start3A_1218 = arith.constant 2 : i32
      %dma_start3A_1219 = arith.constant 2 : i32
      %dma_start3A_1220 = arith.constant 0 : i32
      %dma_start3A_1221 = arith.constant 0 : i32
      %dma_start3A_1222 = tpu.memref_slice %arg10[%dma_start3A_1218, %dma_start3A_1220, %dma_start3A_1221] : memref<10x100x64xf32, #tpu.memory_space<vmem>> -> memref<1x100x64xf32, #tpu.memory_space<vmem>>
      %dma_start3A_1223 = tpu.memref_squeeze %dma_start3A_1222 : memref<1x100x64xf32, #tpu.memory_space<vmem>> -> memref<100x64xf32, #tpu.memory_space<vmem>>
      %dma_start3A_1224 = arith.constant 0 : i32
      %dma_start3A_1225 = tpu.memref_slice %arg8[%add3A_1217, %dma_start3A_1224] : memref<100x100xi32, #tpu.memory_space<vmem>> -> memref<1x100xi32, #tpu.memory_space<vmem>>
      %dma_start3A_1226 = tpu.memref_squeeze %dma_start3A_1225 : memref<1x100xi32, #tpu.memory_space<vmem>> -> memref<100xi32, #tpu.memory_space<vmem>>
      %dma_start3A_1227 = arith.constant 0 : i32
      %dma_start3A_1228 = arith.constant 0 : i32
      %dma_start3A_1229 = tpu.memref_slice %arg2[%dma_start3A_1227, %dma_start3A_1228] : memref<10000x64xf32, #tpu.memory_space<hbm>> -> memref<10000x64xf32, #tpu.memory_space<hbm>>
      %dma_start3A_1230 = tpu.memref_slice %arg11[%dma_start3A_1219] : memref<10x!tpu.dma_semaphore, #tpu.memory_space<semaphore_mem>> -> memref<1x!tpu.dma_semaphore, #tpu.memory_space<semaphore_mem>>
      %dma_start3A_1231 = tpu.memref_squeeze %dma_start3A_1230 : memref<1x!tpu.dma_semaphore, #tpu.memory_space<semaphore_mem>> -> memref<!tpu.dma_semaphore, #tpu.memory_space<semaphore_mem>>
      tpu.enqueue_indirect_dma source(%dma_start3A_1229 : memref<10000x64xf32, #tpu.memory_space<hbm>>) target(%dma_start3A_1223 : memref<100x64xf32, #tpu.memory_space<vmem>>) offsets(%dma_start3A_1226 : memref<100xi32, #tpu.memory_space<vmem>>) semaphore(%dma_start3A_1231 : memref<!tpu.dma_semaphore, #tpu.memory_space<semaphore_mem>>)
      %add3A_1232 = arith.constant 1 : i32
      %add3A_1233 = arith.addi %add3A_991, %add3A_1232 : i32
      %mul3A_1234 = arith.constant 5 : i32
      %mul3A_1235 = arith.muli %add3A_1233, %mul3A_1234 : i32
      %add3A_1236 = arith.constant 3 : i32
      %add3A_1237 = arith.addi %mul3A_1235, %add3A_1236 : i32
      %dma_start3A_1238 = arith.constant 3 : i32
      %dma_start3A_1239 = arith.constant 3 : i32
      %dma_start3A_1240 = arith.constant 0 : i32
      %dma_start3A_1241 = arith.constant 0 : i32
      %dma_start3A_1242 = tpu.memref_slice %arg10[%dma_start3A_1238, %dma_start3A_1240, %dma_start3A_1241] : memref<10x100x64xf32, #tpu.memory_space<vmem>> -> memref<1x100x64xf32, #tpu.memory_space<vmem>>
      %dma_start3A_1243 = tpu.memref_squeeze %dma_start3A_1242 : memref<1x100x64xf32, #tpu.memory_space<vmem>> -> memref<100x64xf32, #tpu.memory_space<vmem>>
      %dma_start3A_1244 = arith.constant 0 : i32
      %dma_start3A_1245 = tpu.memref_slice %arg8[%add3A_1237, %dma_start3A_1244] : memref<100x100xi32, #tpu.memory_space<vmem>> -> memref<1x100xi32, #tpu.memory_space<vmem>>
      %dma_start3A_1246 = tpu.memref_squeeze %dma_start3A_1245 : memref<1x100xi32, #tpu.memory_space<vmem>> -> memref<100xi32, #tpu.memory_space<vmem>>
      %dma_start3A_1247 = arith.constant 0 : i32
      %dma_start3A_1248 = arith.constant 0 : i32
      %dma_start3A_1249 = tpu.memref_slice %arg2[%dma_start3A_1247, %dma_start3A_1248] : memref<10000x64xf32, #tpu.memory_space<hbm>> -> memref<10000x64xf32, #tpu.memory_space<hbm>>
      %dma_start3A_1250 = tpu.memref_slice %arg11[%dma_start3A_1239] : memref<10x!tpu.dma_semaphore, #tpu.memory_space<semaphore_mem>> -> memref<1x!tpu.dma_semaphore, #tpu.memory_space<semaphore_mem>>
      %dma_start3A_1251 = tpu.memref_squeeze %dma_start3A_1250 : memref<1x!tpu.dma_semaphore, #tpu.memory_space<semaphore_mem>> -> memref<!tpu.dma_semaphore, #tpu.memory_space<semaphore_mem>>
      tpu.enqueue_indirect_dma source(%dma_start3A_1249 : memref<10000x64xf32, #tpu.memory_space<hbm>>) target(%dma_start3A_1243 : memref<100x64xf32, #tpu.memory_space<vmem>>) offsets(%dma_start3A_1246 : memref<100xi32, #tpu.memory_space<vmem>>) semaphore(%dma_start3A_1251 : memref<!tpu.dma_semaphore, #tpu.memory_space<semaphore_mem>>)
      %add3A_1252 = arith.constant 1 : i32
      %add3A_1253 = arith.addi %add3A_991, %add3A_1252 : i32
      %mul3A_1254 = arith.constant 5 : i32
      %mul3A_1255 = arith.muli %add3A_1253, %mul3A_1254 : i32
      %add3A_1256 = arith.constant 4 : i32
      %add3A_1257 = arith.addi %mul3A_1255, %add3A_1256 : i32
      %dma_start3A_1258 = arith.constant 4 : i32
      %dma_start3A_1259 = arith.constant 4 : i32
      %dma_start3A_1260 = arith.constant 0 : i32
      %dma_start3A_1261 = arith.constant 0 : i32
      %dma_start3A_1262 = tpu.memref_slice %arg10[%dma_start3A_1258, %dma_start3A_1260, %dma_start3A_1261] : memref<10x100x64xf32, #tpu.memory_space<vmem>> -> memref<1x100x64xf32, #tpu.memory_space<vmem>>
      %dma_start3A_1263 = tpu.memref_squeeze %dma_start3A_1262 : memref<1x100x64xf32, #tpu.memory_space<vmem>> -> memref<100x64xf32, #tpu.memory_space<vmem>>
      %dma_start3A_1264 = arith.constant 0 : i32
      %dma_start3A_1265 = tpu.memref_slice %arg8[%add3A_1257, %dma_start3A_1264] : memref<100x100xi32, #tpu.memory_space<vmem>> -> memref<1x100xi32, #tpu.memory_space<vmem>>
      %dma_start3A_1266 = tpu.memref_squeeze %dma_start3A_1265 : memref<1x100xi32, #tpu.memory_space<vmem>> -> memref<100xi32, #tpu.memory_space<vmem>>
      %dma_start3A_1267 = arith.constant 0 : i32
      %dma_start3A_1268 = arith.constant 0 : i32
      %dma_start3A_1269 = tpu.memref_slice %arg2[%dma_start3A_1267, %dma_start3A_1268] : memref<10000x64xf32, #tpu.memory_space<hbm>> -> memref<10000x64xf32, #tpu.memory_space<hbm>>
      %dma_start3A_1270 = tpu.memref_slice %arg11[%dma_start3A_1259] : memref<10x!tpu.dma_semaphore, #tpu.memory_space<semaphore_mem>> -> memref<1x!tpu.dma_semaphore, #tpu.memory_space<semaphore_mem>>
      %dma_start3A_1271 = tpu.memref_squeeze %dma_start3A_1270 : memref<1x!tpu.dma_semaphore, #tpu.memory_space<semaphore_mem>> -> memref<!tpu.dma_semaphore, #tpu.memory_space<semaphore_mem>>
      tpu.enqueue_indirect_dma source(%dma_start3A_1269 : memref<10000x64xf32, #tpu.memory_space<hbm>>) target(%dma_start3A_1263 : memref<100x64xf32, #tpu.memory_space<vmem>>) offsets(%dma_start3A_1266 : memref<100xi32, #tpu.memory_space<vmem>>) semaphore(%dma_start3A_1271 : memref<!tpu.dma_semaphore, #tpu.memory_space<semaphore_mem>>)
      %mul3A_1272 = arith.constant 5 : i32
      %mul3A_1273 = arith.muli %add3A_991, %mul3A_1272 : i32
      %add3A_1274 = arith.constant 0 : i32
      %add3A_1275 = arith.addi %mul3A_1273, %add3A_1274 : i32
      %dma_wait3A_1276 = arith.constant 5 : i32
      %dma_wait3A_1277 = arith.constant 5 : i32
      %dma_wait3A_1278 = arith.constant 0 : i32
      %dma_wait3A_1279 = arith.constant 0 : i32
      %dma_wait3A_1280 = tpu.memref_slice %arg10[%dma_wait3A_1276, %dma_wait3A_1278, %dma_wait3A_1279] : memref<10x100x64xf32, #tpu.memory_space<vmem>> -> memref<1x100x64xf32, #tpu.memory_space<vmem>>
      %dma_wait3A_1281 = tpu.memref_squeeze %dma_wait3A_1280 : memref<1x100x64xf32, #tpu.memory_space<vmem>> -> memref<100x64xf32, #tpu.memory_space<vmem>>
      %dma_wait3A_1282 = arith.constant 0 : i32
      %dma_wait3A_1283 = tpu.memref_slice %arg9[%add3A_1275, %dma_wait3A_1282] : memref<100x100xi32, #tpu.memory_space<vmem>> -> memref<1x100xi32, #tpu.memory_space<vmem>>
      %dma_wait3A_1284 = tpu.memref_squeeze %dma_wait3A_1283 : memref<1x100xi32, #tpu.memory_space<vmem>> -> memref<100xi32, #tpu.memory_space<vmem>>
      %dma_wait3A_1285 = arith.constant 0 : i32
      %dma_wait3A_1286 = arith.constant 0 : i32
      %dma_wait3A_1287 = tpu.memref_slice %arg7[%dma_wait3A_1285, %dma_wait3A_1286] : memref<10240x64xf32, #tpu.memory_space<vmem_shared>> -> memref<10240x64xf32, #tpu.memory_space<vmem_shared>>
      %dma_wait3A_1288 = tpu.memref_slice %arg12[%dma_wait3A_1277] : memref<10x!tpu.dma_semaphore, #tpu.memory_space<semaphore_mem>> -> memref<1x!tpu.dma_semaphore, #tpu.memory_space<semaphore_mem>>
      %dma_wait3A_1289 = tpu.memref_squeeze %dma_wait3A_1288 : memref<1x!tpu.dma_semaphore, #tpu.memory_space<semaphore_mem>> -> memref<!tpu.dma_semaphore, #tpu.memory_space<semaphore_mem>>
      tpu.wait_indirect_dma semaphore(%dma_wait3A_1289 : memref<!tpu.dma_semaphore, #tpu.memory_space<semaphore_mem>>) src(%dma_wait3A_1281 : memref<100x64xf32, #tpu.memory_space<vmem>>) dst(%dma_wait3A_1287 : memref<10240x64xf32, #tpu.memory_space<vmem_shared>>)
      %mul3A_1290 = arith.constant 5 : i32
      %mul3A_1291 = arith.muli %add3A_991, %mul3A_1290 : i32
      %add3A_1292 = arith.constant 1 : i32
      %add3A_1293 = arith.addi %mul3A_1291, %add3A_1292 : i32
      %dma_wait3A_1294 = arith.constant 6 : i32
      %dma_wait3A_1295 = arith.constant 6 : i32
      %dma_wait3A_1296 = arith.constant 0 : i32
      %dma_wait3A_1297 = arith.constant 0 : i32
      %dma_wait3A_1298 = tpu.memref_slice %arg10[%dma_wait3A_1294, %dma_wait3A_1296, %dma_wait3A_1297] : memref<10x100x64xf32, #tpu.memory_space<vmem>> -> memref<1x100x64xf32, #tpu.memory_space<vmem>>
      %dma_wait3A_1299 = tpu.memref_squeeze %dma_wait3A_1298 : memref<1x100x64xf32, #tpu.memory_space<vmem>> -> memref<100x64xf32, #tpu.memory_space<vmem>>
      %dma_wait3A_1300 = arith.constant 0 : i32
      %dma_wait3A_1301 = tpu.memref_slice %arg9[%add3A_1293, %dma_wait3A_1300] : memref<100x100xi32, #tpu.memory_space<vmem>> -> memref<1x100xi32, #tpu.memory_space<vmem>>
      %dma_wait3A_1302 = tpu.memref_squeeze %dma_wait3A_1301 : memref<1x100xi32, #tpu.memory_space<vmem>> -> memref<100xi32, #tpu.memory_space<vmem>>
      %dma_wait3A_1303 = arith.constant 0 : i32
      %dma_wait3A_1304 = arith.constant 0 : i32
      %dma_wait3A_1305 = tpu.memref_slice %arg7[%dma_wait3A_1303, %dma_wait3A_1304] : memref<10240x64xf32, #tpu.memory_space<vmem_shared>> -> memref<10240x64xf32, #tpu.memory_space<vmem_shared>>
      %dma_wait3A_1306 = tpu.memref_slice %arg12[%dma_wait3A_1295] : memref<10x!tpu.dma_semaphore, #tpu.memory_space<semaphore_mem>> -> memref<1x!tpu.dma_semaphore, #tpu.memory_space<semaphore_mem>>
      %dma_wait3A_1307 = tpu.memref_squeeze %dma_wait3A_1306 : memref<1x!tpu.dma_semaphore, #tpu.memory_space<semaphore_mem>> -> memref<!tpu.dma_semaphore, #tpu.memory_space<semaphore_mem>>
      tpu.wait_indirect_dma semaphore(%dma_wait3A_1307 : memref<!tpu.dma_semaphore, #tpu.memory_space<semaphore_mem>>) src(%dma_wait3A_1299 : memref<100x64xf32, #tpu.memory_space<vmem>>) dst(%dma_wait3A_1305 : memref<10240x64xf32, #tpu.memory_space<vmem_shared>>)
      %mul3A_1308 = arith.constant 5 : i32
      %mul3A_1309 = arith.muli %add3A_991, %mul3A_1308 : i32
      %add3A_1310 = arith.constant 2 : i32
      %add3A_1311 = arith.addi %mul3A_1309, %add3A_1310 : i32
      %dma_wait3A_1312 = arith.constant 7 : i32
      %dma_wait3A_1313 = arith.constant 7 : i32
      %dma_wait3A_1314 = arith.constant 0 : i32
      %dma_wait3A_1315 = arith.constant 0 : i32
      %dma_wait3A_1316 = tpu.memref_slice %arg10[%dma_wait3A_1312, %dma_wait3A_1314, %dma_wait3A_1315] : memref<10x100x64xf32, #tpu.memory_space<vmem>> -> memref<1x100x64xf32, #tpu.memory_space<vmem>>
      %dma_wait3A_1317 = tpu.memref_squeeze %dma_wait3A_1316 : memref<1x100x64xf32, #tpu.memory_space<vmem>> -> memref<100x64xf32, #tpu.memory_space<vmem>>
      %dma_wait3A_1318 = arith.constant 0 : i32
      %dma_wait3A_1319 = tpu.memref_slice %arg9[%add3A_1311, %dma_wait3A_1318] : memref<100x100xi32, #tpu.memory_space<vmem>> -> memref<1x100xi32, #tpu.memory_space<vmem>>
      %dma_wait3A_1320 = tpu.memref_squeeze %dma_wait3A_1319 : memref<1x100xi32, #tpu.memory_space<vmem>> -> memref<100xi32, #tpu.memory_space<vmem>>
      %dma_wait3A_1321 = arith.constant 0 : i32
      %dma_wait3A_1322 = arith.constant 0 : i32
      %dma_wait3A_1323 = tpu.memref_slice %arg7[%dma_wait3A_1321, %dma_wait3A_1322] : memref<10240x64xf32, #tpu.memory_space<vmem_shared>> -> memref<10240x64xf32, #tpu.memory_space<vmem_shared>>
      %dma_wait3A_1324 = tpu.memref_slice %arg12[%dma_wait3A_1313] : memref<10x!tpu.dma_semaphore, #tpu.memory_space<semaphore_mem>> -> memref<1x!tpu.dma_semaphore, #tpu.memory_space<semaphore_mem>>
      %dma_wait3A_1325 = tpu.memref_squeeze %dma_wait3A_1324 : memref<1x!tpu.dma_semaphore, #tpu.memory_space<semaphore_mem>> -> memref<!tpu.dma_semaphore, #tpu.memory_space<semaphore_mem>>
      tpu.wait_indirect_dma semaphore(%dma_wait3A_1325 : memref<!tpu.dma_semaphore, #tpu.memory_space<semaphore_mem>>) src(%dma_wait3A_1317 : memref<100x64xf32, #tpu.memory_space<vmem>>) dst(%dma_wait3A_1323 : memref<10240x64xf32, #tpu.memory_space<vmem_shared>>)
      %mul3A_1326 = arith.constant 5 : i32
      %mul3A_1327 = arith.muli %add3A_991, %mul3A_1326 : i32
      %add3A_1328 = arith.constant 3 : i32
      %add3A_1329 = arith.addi %mul3A_1327, %add3A_1328 : i32
      %dma_wait3A_1330 = arith.constant 8 : i32
      %dma_wait3A_1331 = arith.constant 8 : i32
      %dma_wait3A_1332 = arith.constant 0 : i32
      %dma_wait3A_1333 = arith.constant 0 : i32
      %dma_wait3A_1334 = tpu.memref_slice %arg10[%dma_wait3A_1330, %dma_wait3A_1332, %dma_wait3A_1333] : memref<10x100x64xf32, #tpu.memory_space<vmem>> -> memref<1x100x64xf32, #tpu.memory_space<vmem>>
      %dma_wait3A_1335 = tpu.memref_squeeze %dma_wait3A_1334 : memref<1x100x64xf32, #tpu.memory_space<vmem>> -> memref<100x64xf32, #tpu.memory_space<vmem>>
      %dma_wait3A_1336 = arith.constant 0 : i32
      %dma_wait3A_1337 = tpu.memref_slice %arg9[%add3A_1329, %dma_wait3A_1336] : memref<100x100xi32, #tpu.memory_space<vmem>> -> memref<1x100xi32, #tpu.memory_space<vmem>>
      %dma_wait3A_1338 = tpu.memref_squeeze %dma_wait3A_1337 : memref<1x100xi32, #tpu.memory_space<vmem>> -> memref<100xi32, #tpu.memory_space<vmem>>
      %dma_wait3A_1339 = arith.constant 0 : i32
      %dma_wait3A_1340 = arith.constant 0 : i32
      %dma_wait3A_1341 = tpu.memref_slice %arg7[%dma_wait3A_1339, %dma_wait3A_1340] : memref<10240x64xf32, #tpu.memory_space<vmem_shared>> -> memref<10240x64xf32, #tpu.memory_space<vmem_shared>>
      %dma_wait3A_1342 = tpu.memref_slice %arg12[%dma_wait3A_1331] : memref<10x!tpu.dma_semaphore, #tpu.memory_space<semaphore_mem>> -> memref<1x!tpu.dma_semaphore, #tpu.memory_space<semaphore_mem>>
      %dma_wait3A_1343 = tpu.memref_squeeze %dma_wait3A_1342 : memref<1x!tpu.dma_semaphore, #tpu.memory_space<semaphore_mem>> -> memref<!tpu.dma_semaphore, #tpu.memory_space<semaphore_mem>>
      tpu.wait_indirect_dma semaphore(%dma_wait3A_1343 : memref<!tpu.dma_semaphore, #tpu.memory_space<semaphore_mem>>) src(%dma_wait3A_1335 : memref<100x64xf32, #tpu.memory_space<vmem>>) dst(%dma_wait3A_1341 : memref<10240x64xf32, #tpu.memory_space<vmem_shared>>)
      %mul3A_1344 = arith.constant 5 : i32
      %mul3A_1345 = arith.muli %add3A_991, %mul3A_1344 : i32
      %add3A_1346 = arith.constant 4 : i32
      %add3A_1347 = arith.addi %mul3A_1345, %add3A_1346 : i32
      %dma_wait3A_1348 = arith.constant 9 : i32
      %dma_wait3A_1349 = arith.constant 9 : i32
      %dma_wait3A_1350 = arith.constant 0 : i32
      %dma_wait3A_1351 = arith.constant 0 : i32
      %dma_wait3A_1352 = tpu.memref_slice %arg10[%dma_wait3A_1348, %dma_wait3A_1350, %dma_wait3A_1351] : memref<10x100x64xf32, #tpu.memory_space<vmem>> -> memref<1x100x64xf32, #tpu.memory_space<vmem>>
      %dma_wait3A_1353 = tpu.memref_squeeze %dma_wait3A_1352 : memref<1x100x64xf32, #tpu.memory_space<vmem>> -> memref<100x64xf32, #tpu.memory_space<vmem>>
      %dma_wait3A_1354 = arith.constant 0 : i32
      %dma_wait3A_1355 = tpu.memref_slice %arg9[%add3A_1347, %dma_wait3A_1354] : memref<100x100xi32, #tpu.memory_space<vmem>> -> memref<1x100xi32, #tpu.memory_space<vmem>>
      %dma_wait3A_1356 = tpu.memref_squeeze %dma_wait3A_1355 : memref<1x100xi32, #tpu.memory_space<vmem>> -> memref<100xi32, #tpu.memory_space<vmem>>
      %dma_wait3A_1357 = arith.constant 0 : i32
      %dma_wait3A_1358 = arith.constant 0 : i32
      %dma_wait3A_1359 = tpu.memref_slice %arg7[%dma_wait3A_1357, %dma_wait3A_1358] : memref<10240x64xf32, #tpu.memory_space<vmem_shared>> -> memref<10240x64xf32, #tpu.memory_space<vmem_shared>>
      %dma_wait3A_1360 = tpu.memref_slice %arg12[%dma_wait3A_1349] : memref<10x!tpu.dma_semaphore, #tpu.memory_space<semaphore_mem>> -> memref<1x!tpu.dma_semaphore, #tpu.memory_space<semaphore_mem>>
      %dma_wait3A_1361 = tpu.memref_squeeze %dma_wait3A_1360 : memref<1x!tpu.dma_semaphore, #tpu.memory_space<semaphore_mem>> -> memref<!tpu.dma_semaphore, #tpu.memory_space<semaphore_mem>>
      tpu.wait_indirect_dma semaphore(%dma_wait3A_1361 : memref<!tpu.dma_semaphore, #tpu.memory_space<semaphore_mem>>) src(%dma_wait3A_1353 : memref<100x64xf32, #tpu.memory_space<vmem>>) dst(%dma_wait3A_1359 : memref<10240x64xf32, #tpu.memory_space<vmem_shared>>)
    }
    %scan3A_82 = arith.constant 9 : i32
    %dma_wait3A = arith.constant 90 : i32
    %dma_wait3A_83 = arith.constant 0 : i32
    %dma_wait3A_84 = arith.constant 0 : i32
    %dma_wait3A_85 = arith.constant 0 : i32
    %dma_wait3A_86 = arith.constant 0 : i32
    %dma_wait3A_87 = tpu.memref_slice %arg10[%dma_wait3A_83, %dma_wait3A_85, %dma_wait3A_86] : memref<10x100x64xf32, #tpu.memory_space<vmem>> -> memref<1x100x64xf32, #tpu.memory_space<vmem>>
    %dma_wait3A_88 = tpu.memref_squeeze %dma_wait3A_87 : memref<1x100x64xf32, #tpu.memory_space<vmem>> -> memref<100x64xf32, #tpu.memory_space<vmem>>
    %dma_wait3A_89 = arith.constant 0 : i32
    %dma_wait3A_90 = tpu.memref_slice %arg8[%dma_wait3A, %dma_wait3A_89] : memref<100x100xi32, #tpu.memory_space<vmem>> -> memref<1x100xi32, #tpu.memory_space<vmem>>
    %dma_wait3A_91 = tpu.memref_squeeze %dma_wait3A_90 : memref<1x100xi32, #tpu.memory_space<vmem>> -> memref<100xi32, #tpu.memory_space<vmem>>
    %dma_wait3A_92 = arith.constant 0 : i32
    %dma_wait3A_93 = arith.constant 0 : i32
    %dma_wait3A_94 = tpu.memref_slice %arg2[%dma_wait3A_92, %dma_wait3A_93] : memref<10000x64xf32, #tpu.memory_space<hbm>> -> memref<10000x64xf32, #tpu.memory_space<hbm>>
    %dma_wait3A_95 = tpu.memref_slice %arg11[%dma_wait3A_84] : memref<10x!tpu.dma_semaphore, #tpu.memory_space<semaphore_mem>> -> memref<1x!tpu.dma_semaphore, #tpu.memory_space<semaphore_mem>>
    %dma_wait3A_96 = tpu.memref_squeeze %dma_wait3A_95 : memref<1x!tpu.dma_semaphore, #tpu.memory_space<semaphore_mem>> -> memref<!tpu.dma_semaphore, #tpu.memory_space<semaphore_mem>>
    tpu.wait_indirect_dma semaphore(%dma_wait3A_96 : memref<!tpu.dma_semaphore, #tpu.memory_space<semaphore_mem>>) src(%dma_wait3A_94 : memref<10000x64xf32, #tpu.memory_space<hbm>>) dst(%dma_wait3A_88 : memref<100x64xf32, #tpu.memory_space<vmem>>)
    %dma_wait3A_97 = arith.constant 91 : i32
    %dma_wait3A_98 = arith.constant 1 : i32
    %dma_wait3A_99 = arith.constant 1 : i32
    %dma_wait3A_100 = arith.constant 0 : i32
    %dma_wait3A_101 = arith.constant 0 : i32
    %dma_wait3A_102 = tpu.memref_slice %arg10[%dma_wait3A_98, %dma_wait3A_100, %dma_wait3A_101] : memref<10x100x64xf32, #tpu.memory_space<vmem>> -> memref<1x100x64xf32, #tpu.memory_space<vmem>>
    %dma_wait3A_103 = tpu.memref_squeeze %dma_wait3A_102 : memref<1x100x64xf32, #tpu.memory_space<vmem>> -> memref<100x64xf32, #tpu.memory_space<vmem>>
    %dma_wait3A_104 = arith.constant 0 : i32
    %dma_wait3A_105 = tpu.memref_slice %arg8[%dma_wait3A_97, %dma_wait3A_104] : memref<100x100xi32, #tpu.memory_space<vmem>> -> memref<1x100xi32, #tpu.memory_space<vmem>>
    %dma_wait3A_106 = tpu.memref_squeeze %dma_wait3A_105 : memref<1x100xi32, #tpu.memory_space<vmem>> -> memref<100xi32, #tpu.memory_space<vmem>>
    %dma_wait3A_107 = arith.constant 0 : i32
    %dma_wait3A_108 = arith.constant 0 : i32
    %dma_wait3A_109 = tpu.memref_slice %arg2[%dma_wait3A_107, %dma_wait3A_108] : memref<10000x64xf32, #tpu.memory_space<hbm>> -> memref<10000x64xf32, #tpu.memory_space<hbm>>
    %dma_wait3A_110 = tpu.memref_slice %arg11[%dma_wait3A_99] : memref<10x!tpu.dma_semaphore, #tpu.memory_space<semaphore_mem>> -> memref<1x!tpu.dma_semaphore, #tpu.memory_space<semaphore_mem>>
    %dma_wait3A_111 = tpu.memref_squeeze %dma_wait3A_110 : memref<1x!tpu.dma_semaphore, #tpu.memory_space<semaphore_mem>> -> memref<!tpu.dma_semaphore, #tpu.memory_space<semaphore_mem>>
    tpu.wait_indirect_dma semaphore(%dma_wait3A_111 : memref<!tpu.dma_semaphore, #tpu.memory_space<semaphore_mem>>) src(%dma_wait3A_109 : memref<10000x64xf32, #tpu.memory_space<hbm>>) dst(%dma_wait3A_103 : memref<100x64xf32, #tpu.memory_space<vmem>>)
    %dma_wait3A_112 = arith.constant 92 : i32
    %dma_wait3A_113 = arith.constant 2 : i32
    %dma_wait3A_114 = arith.constant 2 : i32
    %dma_wait3A_115 = arith.constant 0 : i32
    %dma_wait3A_116 = arith.constant 0 : i32
    %dma_wait3A_117 = tpu.memref_slice %arg10[%dma_wait3A_113, %dma_wait3A_115, %dma_wait3A_116] : memref<10x100x64xf32, #tpu.memory_space<vmem>> -> memref<1x100x64xf32, #tpu.memory_space<vmem>>
    %dma_wait3A_118 = tpu.memref_squeeze %dma_wait3A_117 : memref<1x100x64xf32, #tpu.memory_space<vmem>> -> memref<100x64xf32, #tpu.memory_space<vmem>>
    %dma_wait3A_119 = arith.constant 0 : i32
    %dma_wait3A_120 = tpu.memref_slice %arg8[%dma_wait3A_112, %dma_wait3A_119] : memref<100x100xi32, #tpu.memory_space<vmem>> -> memref<1x100xi32, #tpu.memory_space<vmem>>
    %dma_wait3A_121 = tpu.memref_squeeze %dma_wait3A_120 : memref<1x100xi32, #tpu.memory_space<vmem>> -> memref<100xi32, #tpu.memory_space<vmem>>
    %dma_wait3A_122 = arith.constant 0 : i32
    %dma_wait3A_123 = arith.constant 0 : i32
    %dma_wait3A_124 = tpu.memref_slice %arg2[%dma_wait3A_122, %dma_wait3A_123] : memref<10000x64xf32, #tpu.memory_space<hbm>> -> memref<10000x64xf32, #tpu.memory_space<hbm>>
    %dma_wait3A_125 = tpu.memref_slice %arg11[%dma_wait3A_114] : memref<10x!tpu.dma_semaphore, #tpu.memory_space<semaphore_mem>> -> memref<1x!tpu.dma_semaphore, #tpu.memory_space<semaphore_mem>>
    %dma_wait3A_126 = tpu.memref_squeeze %dma_wait3A_125 : memref<1x!tpu.dma_semaphore, #tpu.memory_space<semaphore_mem>> -> memref<!tpu.dma_semaphore, #tpu.memory_space<semaphore_mem>>
    tpu.wait_indirect_dma semaphore(%dma_wait3A_126 : memref<!tpu.dma_semaphore, #tpu.memory_space<semaphore_mem>>) src(%dma_wait3A_124 : memref<10000x64xf32, #tpu.memory_space<hbm>>) dst(%dma_wait3A_118 : memref<100x64xf32, #tpu.memory_space<vmem>>)
    %dma_wait3A_127 = arith.constant 93 : i32
    %dma_wait3A_128 = arith.constant 3 : i32
    %dma_wait3A_129 = arith.constant 3 : i32
    %dma_wait3A_130 = arith.constant 0 : i32
    %dma_wait3A_131 = arith.constant 0 : i32
    %dma_wait3A_132 = tpu.memref_slice %arg10[%dma_wait3A_128, %dma_wait3A_130, %dma_wait3A_131] : memref<10x100x64xf32, #tpu.memory_space<vmem>> -> memref<1x100x64xf32, #tpu.memory_space<vmem>>
    %dma_wait3A_133 = tpu.memref_squeeze %dma_wait3A_132 : memref<1x100x64xf32, #tpu.memory_space<vmem>> -> memref<100x64xf32, #tpu.memory_space<vmem>>
    %dma_wait3A_134 = arith.constant 0 : i32
    %dma_wait3A_135 = tpu.memref_slice %arg8[%dma_wait3A_127, %dma_wait3A_134] : memref<100x100xi32, #tpu.memory_space<vmem>> -> memref<1x100xi32, #tpu.memory_space<vmem>>
    %dma_wait3A_136 = tpu.memref_squeeze %dma_wait3A_135 : memref<1x100xi32, #tpu.memory_space<vmem>> -> memref<100xi32, #tpu.memory_space<vmem>>
    %dma_wait3A_137 = arith.constant 0 : i32
    %dma_wait3A_138 = arith.constant 0 : i32
    %dma_wait3A_139 = tpu.memref_slice %arg2[%dma_wait3A_137, %dma_wait3A_138] : memref<10000x64xf32, #tpu.memory_space<hbm>> -> memref<10000x64xf32, #tpu.memory_space<hbm>>
    %dma_wait3A_140 = tpu.memref_slice %arg11[%dma_wait3A_129] : memref<10x!tpu.dma_semaphore, #tpu.memory_space<semaphore_mem>> -> memref<1x!tpu.dma_semaphore, #tpu.memory_space<semaphore_mem>>
    %dma_wait3A_141 = tpu.memref_squeeze %dma_wait3A_140 : memref<1x!tpu.dma_semaphore, #tpu.memory_space<semaphore_mem>> -> memref<!tpu.dma_semaphore, #tpu.memory_space<semaphore_mem>>
    tpu.wait_indirect_dma semaphore(%dma_wait3A_141 : memref<!tpu.dma_semaphore, #tpu.memory_space<semaphore_mem>>) src(%dma_wait3A_139 : memref<10000x64xf32, #tpu.memory_space<hbm>>) dst(%dma_wait3A_133 : memref<100x64xf32, #tpu.memory_space<vmem>>)
    %dma_wait3A_142 = arith.constant 94 : i32
    %dma_wait3A_143 = arith.constant 4 : i32
    %dma_wait3A_144 = arith.constant 4 : i32
    %dma_wait3A_145 = arith.constant 0 : i32
    %dma_wait3A_146 = arith.constant 0 : i32
    %dma_wait3A_147 = tpu.memref_slice %arg10[%dma_wait3A_143, %dma_wait3A_145, %dma_wait3A_146] : memref<10x100x64xf32, #tpu.memory_space<vmem>> -> memref<1x100x64xf32, #tpu.memory_space<vmem>>
    %dma_wait3A_148 = tpu.memref_squeeze %dma_wait3A_147 : memref<1x100x64xf32, #tpu.memory_space<vmem>> -> memref<100x64xf32, #tpu.memory_space<vmem>>
    %dma_wait3A_149 = arith.constant 0 : i32
    %dma_wait3A_150 = tpu.memref_slice %arg8[%dma_wait3A_142, %dma_wait3A_149] : memref<100x100xi32, #tpu.memory_space<vmem>> -> memref<1x100xi32, #tpu.memory_space<vmem>>
    %dma_wait3A_151 = tpu.memref_squeeze %dma_wait3A_150 : memref<1x100xi32, #tpu.memory_space<vmem>> -> memref<100xi32, #tpu.memory_space<vmem>>
    %dma_wait3A_152 = arith.constant 0 : i32
    %dma_wait3A_153 = arith.constant 0 : i32
    %dma_wait3A_154 = tpu.memref_slice %arg2[%dma_wait3A_152, %dma_wait3A_153] : memref<10000x64xf32, #tpu.memory_space<hbm>> -> memref<10000x64xf32, #tpu.memory_space<hbm>>
    %dma_wait3A_155 = tpu.memref_slice %arg11[%dma_wait3A_144] : memref<10x!tpu.dma_semaphore, #tpu.memory_space<semaphore_mem>> -> memref<1x!tpu.dma_semaphore, #tpu.memory_space<semaphore_mem>>
    %dma_wait3A_156 = tpu.memref_squeeze %dma_wait3A_155 : memref<1x!tpu.dma_semaphore, #tpu.memory_space<semaphore_mem>> -> memref<!tpu.dma_semaphore, #tpu.memory_space<semaphore_mem>>
    tpu.wait_indirect_dma semaphore(%dma_wait3A_156 : memref<!tpu.dma_semaphore, #tpu.memory_space<semaphore_mem>>) src(%dma_wait3A_154 : memref<10000x64xf32, #tpu.memory_space<hbm>>) dst(%dma_wait3A_148 : memref<100x64xf32, #tpu.memory_space<vmem>>)
    %dma_start3A_157 = arith.constant 0 : i32
    %dma_start3A_158 = arith.constant 90 : i32
    %dma_start3A_159 = arith.constant 0 : i32
    %dma_start3A_160 = arith.constant 0 : i32
    %dma_start3A_161 = arith.constant 0 : i32
    %dma_start3A_162 = tpu.memref_slice %arg10[%dma_start3A_157, %dma_start3A_160, %dma_start3A_161] : memref<10x100x64xf32, #tpu.memory_space<vmem>> -> memref<1x100x64xf32, #tpu.memory_space<vmem>>
    %dma_start3A_163 = tpu.memref_squeeze %dma_start3A_162 : memref<1x100x64xf32, #tpu.memory_space<vmem>> -> memref<100x64xf32, #tpu.memory_space<vmem>>
    %dma_start3A_164 = arith.constant 0 : i32
    %dma_start3A_165 = tpu.memref_slice %arg9[%dma_start3A_158, %dma_start3A_164] : memref<100x100xi32, #tpu.memory_space<vmem>> -> memref<1x100xi32, #tpu.memory_space<vmem>>
    %dma_start3A_166 = tpu.memref_squeeze %dma_start3A_165 : memref<1x100xi32, #tpu.memory_space<vmem>> -> memref<100xi32, #tpu.memory_space<vmem>>
    %dma_start3A_167 = arith.constant 0 : i32
    %dma_start3A_168 = arith.constant 0 : i32
    %dma_start3A_169 = tpu.memref_slice %arg7[%dma_start3A_167, %dma_start3A_168] : memref<10240x64xf32, #tpu.memory_space<vmem_shared>> -> memref<10240x64xf32, #tpu.memory_space<vmem_shared>>
    %dma_start3A_170 = tpu.memref_slice %arg12[%dma_start3A_159] : memref<10x!tpu.dma_semaphore, #tpu.memory_space<semaphore_mem>> -> memref<1x!tpu.dma_semaphore, #tpu.memory_space<semaphore_mem>>
    %dma_start3A_171 = tpu.memref_squeeze %dma_start3A_170 : memref<1x!tpu.dma_semaphore, #tpu.memory_space<semaphore_mem>> -> memref<!tpu.dma_semaphore, #tpu.memory_space<semaphore_mem>>
    tpu.enqueue_indirect_dma source(%dma_start3A_163 : memref<100x64xf32, #tpu.memory_space<vmem>>) target(%dma_start3A_169 : memref<10240x64xf32, #tpu.memory_space<vmem_shared>>) offsets(%dma_start3A_166 : memref<100xi32, #tpu.memory_space<vmem>>) semaphore(%dma_start3A_171 : memref<!tpu.dma_semaphore, #tpu.memory_space<semaphore_mem>>) {add = true}
    %dma_start3A_172 = arith.constant 1 : i32
    %dma_start3A_173 = arith.constant 91 : i32
    %dma_start3A_174 = arith.constant 1 : i32
    %dma_start3A_175 = arith.constant 0 : i32
    %dma_start3A_176 = arith.constant 0 : i32
    %dma_start3A_177 = tpu.memref_slice %arg10[%dma_start3A_172, %dma_start3A_175, %dma_start3A_176] : memref<10x100x64xf32, #tpu.memory_space<vmem>> -> memref<1x100x64xf32, #tpu.memory_space<vmem>>
    %dma_start3A_178 = tpu.memref_squeeze %dma_start3A_177 : memref<1x100x64xf32, #tpu.memory_space<vmem>> -> memref<100x64xf32, #tpu.memory_space<vmem>>
    %dma_start3A_179 = arith.constant 0 : i32
    %dma_start3A_180 = tpu.memref_slice %arg9[%dma_start3A_173, %dma_start3A_179] : memref<100x100xi32, #tpu.memory_space<vmem>> -> memref<1x100xi32, #tpu.memory_space<vmem>>
    %dma_start3A_181 = tpu.memref_squeeze %dma_start3A_180 : memref<1x100xi32, #tpu.memory_space<vmem>> -> memref<100xi32, #tpu.memory_space<vmem>>
    %dma_start3A_182 = arith.constant 0 : i32
    %dma_start3A_183 = arith.constant 0 : i32
    %dma_start3A_184 = tpu.memref_slice %arg7[%dma_start3A_182, %dma_start3A_183] : memref<10240x64xf32, #tpu.memory_space<vmem_shared>> -> memref<10240x64xf32, #tpu.memory_space<vmem_shared>>
    %dma_start3A_185 = tpu.memref_slice %arg12[%dma_start3A_174] : memref<10x!tpu.dma_semaphore, #tpu.memory_space<semaphore_mem>> -> memref<1x!tpu.dma_semaphore, #tpu.memory_space<semaphore_mem>>
    %dma_start3A_186 = tpu.memref_squeeze %dma_start3A_185 : memref<1x!tpu.dma_semaphore, #tpu.memory_space<semaphore_mem>> -> memref<!tpu.dma_semaphore, #tpu.memory_space<semaphore_mem>>
    tpu.enqueue_indirect_dma source(%dma_start3A_178 : memref<100x64xf32, #tpu.memory_space<vmem>>) target(%dma_start3A_184 : memref<10240x64xf32, #tpu.memory_space<vmem_shared>>) offsets(%dma_start3A_181 : memref<100xi32, #tpu.memory_space<vmem>>) semaphore(%dma_start3A_186 : memref<!tpu.dma_semaphore, #tpu.memory_space<semaphore_mem>>) {add = true}
    %dma_start3A_187 = arith.constant 2 : i32
    %dma_start3A_188 = arith.constant 92 : i32
    %dma_start3A_189 = arith.constant 2 : i32
    %dma_start3A_190 = arith.constant 0 : i32
    %dma_start3A_191 = arith.constant 0 : i32
    %dma_start3A_192 = tpu.memref_slice %arg10[%dma_start3A_187, %dma_start3A_190, %dma_start3A_191] : memref<10x100x64xf32, #tpu.memory_space<vmem>> -> memref<1x100x64xf32, #tpu.memory_space<vmem>>
    %dma_start3A_193 = tpu.memref_squeeze %dma_start3A_192 : memref<1x100x64xf32, #tpu.memory_space<vmem>> -> memref<100x64xf32, #tpu.memory_space<vmem>>
    %dma_start3A_194 = arith.constant 0 : i32
    %dma_start3A_195 = tpu.memref_slice %arg9[%dma_start3A_188, %dma_start3A_194] : memref<100x100xi32, #tpu.memory_space<vmem>> -> memref<1x100xi32, #tpu.memory_space<vmem>>
    %dma_start3A_196 = tpu.memref_squeeze %dma_start3A_195 : memref<1x100xi32, #tpu.memory_space<vmem>> -> memref<100xi32, #tpu.memory_space<vmem>>
    %dma_start3A_197 = arith.constant 0 : i32
    %dma_start3A_198 = arith.constant 0 : i32
    %dma_start3A_199 = tpu.memref_slice %arg7[%dma_start3A_197, %dma_start3A_198] : memref<10240x64xf32, #tpu.memory_space<vmem_shared>> -> memref<10240x64xf32, #tpu.memory_space<vmem_shared>>
    %dma_start3A_200 = tpu.memref_slice %arg12[%dma_start3A_189] : memref<10x!tpu.dma_semaphore, #tpu.memory_space<semaphore_mem>> -> memref<1x!tpu.dma_semaphore, #tpu.memory_space<semaphore_mem>>
    %dma_start3A_201 = tpu.memref_squeeze %dma_start3A_200 : memref<1x!tpu.dma_semaphore, #tpu.memory_space<semaphore_mem>> -> memref<!tpu.dma_semaphore, #tpu.memory_space<semaphore_mem>>
    tpu.enqueue_indirect_dma source(%dma_start3A_193 : memref<100x64xf32, #tpu.memory_space<vmem>>) target(%dma_start3A_199 : memref<10240x64xf32, #tpu.memory_space<vmem_shared>>) offsets(%dma_start3A_196 : memref<100xi32, #tpu.memory_space<vmem>>) semaphore(%dma_start3A_201 : memref<!tpu.dma_semaphore, #tpu.memory_space<semaphore_mem>>) {add = true}
    %dma_start3A_202 = arith.constant 3 : i32
    %dma_start3A_203 = arith.constant 93 : i32
    %dma_start3A_204 = arith.constant 3 : i32
    %dma_start3A_205 = arith.constant 0 : i32
    %dma_start3A_206 = arith.constant 0 : i32
    %dma_start3A_207 = tpu.memref_slice %arg10[%dma_start3A_202, %dma_start3A_205, %dma_start3A_206] : memref<10x100x64xf32, #tpu.memory_space<vmem>> -> memref<1x100x64xf32, #tpu.memory_space<vmem>>
    %dma_start3A_208 = tpu.memref_squeeze %dma_start3A_207 : memref<1x100x64xf32, #tpu.memory_space<vmem>> -> memref<100x64xf32, #tpu.memory_space<vmem>>
    %dma_start3A_209 = arith.constant 0 : i32
    %dma_start3A_210 = tpu.memref_slice %arg9[%dma_start3A_203, %dma_start3A_209] : memref<100x100xi32, #tpu.memory_space<vmem>> -> memref<1x100xi32, #tpu.memory_space<vmem>>
    %dma_start3A_211 = tpu.memref_squeeze %dma_start3A_210 : memref<1x100xi32, #tpu.memory_space<vmem>> -> memref<100xi32, #tpu.memory_space<vmem>>
    %dma_start3A_212 = arith.constant 0 : i32
    %dma_start3A_213 = arith.constant 0 : i32
    %dma_start3A_214 = tpu.memref_slice %arg7[%dma_start3A_212, %dma_start3A_213] : memref<10240x64xf32, #tpu.memory_space<vmem_shared>> -> memref<10240x64xf32, #tpu.memory_space<vmem_shared>>
    %dma_start3A_215 = tpu.memref_slice %arg12[%dma_start3A_204] : memref<10x!tpu.dma_semaphore, #tpu.memory_space<semaphore_mem>> -> memref<1x!tpu.dma_semaphore, #tpu.memory_space<semaphore_mem>>
    %dma_start3A_216 = tpu.memref_squeeze %dma_start3A_215 : memref<1x!tpu.dma_semaphore, #tpu.memory_space<semaphore_mem>> -> memref<!tpu.dma_semaphore, #tpu.memory_space<semaphore_mem>>
    tpu.enqueue_indirect_dma source(%dma_start3A_208 : memref<100x64xf32, #tpu.memory_space<vmem>>) target(%dma_start3A_214 : memref<10240x64xf32, #tpu.memory_space<vmem_shared>>) offsets(%dma_start3A_211 : memref<100xi32, #tpu.memory_space<vmem>>) semaphore(%dma_start3A_216 : memref<!tpu.dma_semaphore, #tpu.memory_space<semaphore_mem>>) {add = true}
    %dma_start3A_217 = arith.constant 4 : i32
    %dma_start3A_218 = arith.constant 94 : i32
    %dma_start3A_219 = arith.constant 4 : i32
    %dma_start3A_220 = arith.constant 0 : i32
    %dma_start3A_221 = arith.constant 0 : i32
    %dma_start3A_222 = tpu.memref_slice %arg10[%dma_start3A_217, %dma_start3A_220, %dma_start3A_221] : memref<10x100x64xf32, #tpu.memory_space<vmem>> -> memref<1x100x64xf32, #tpu.memory_space<vmem>>
    %dma_start3A_223 = tpu.memref_squeeze %dma_start3A_222 : memref<1x100x64xf32, #tpu.memory_space<vmem>> -> memref<100x64xf32, #tpu.memory_space<vmem>>
    %dma_start3A_224 = arith.constant 0 : i32
    %dma_start3A_225 = tpu.memref_slice %arg9[%dma_start3A_218, %dma_start3A_224] : memref<100x100xi32, #tpu.memory_space<vmem>> -> memref<1x100xi32, #tpu.memory_space<vmem>>
    %dma_start3A_226 = tpu.memref_squeeze %dma_start3A_225 : memref<1x100xi32, #tpu.memory_space<vmem>> -> memref<100xi32, #tpu.memory_space<vmem>>
    %dma_start3A_227 = arith.constant 0 : i32
    %dma_start3A_228 = arith.constant 0 : i32
    %dma_start3A_229 = tpu.memref_slice %arg7[%dma_start3A_227, %dma_start3A_228] : memref<10240x64xf32, #tpu.memory_space<vmem_shared>> -> memref<10240x64xf32, #tpu.memory_space<vmem_shared>>
    %dma_start3A_230 = tpu.memref_slice %arg12[%dma_start3A_219] : memref<10x!tpu.dma_semaphore, #tpu.memory_space<semaphore_mem>> -> memref<1x!tpu.dma_semaphore, #tpu.memory_space<semaphore_mem>>
    %dma_start3A_231 = tpu.memref_squeeze %dma_start3A_230 : memref<1x!tpu.dma_semaphore, #tpu.memory_space<semaphore_mem>> -> memref<!tpu.dma_semaphore, #tpu.memory_space<semaphore_mem>>
    tpu.enqueue_indirect_dma source(%dma_start3A_223 : memref<100x64xf32, #tpu.memory_space<vmem>>) target(%dma_start3A_229 : memref<10240x64xf32, #tpu.memory_space<vmem_shared>>) offsets(%dma_start3A_226 : memref<100xi32, #tpu.memory_space<vmem>>) semaphore(%dma_start3A_231 : memref<!tpu.dma_semaphore, #tpu.memory_space<semaphore_mem>>) {add = true}
    %dma_start3A_232 = arith.constant 95 : i32
    %dma_start3A_233 = arith.constant 5 : i32
    %dma_start3A_234 = arith.constant 5 : i32
    %dma_start3A_235 = arith.constant 0 : i32
    %dma_start3A_236 = arith.constant 0 : i32
    %dma_start3A_237 = tpu.memref_slice %arg10[%dma_start3A_233, %dma_start3A_235, %dma_start3A_236] : memref<10x100x64xf32, #tpu.memory_space<vmem>> -> memref<1x100x64xf32, #tpu.memory_space<vmem>>
    %dma_start3A_238 = tpu.memref_squeeze %dma_start3A_237 : memref<1x100x64xf32, #tpu.memory_space<vmem>> -> memref<100x64xf32, #tpu.memory_space<vmem>>
    %dma_start3A_239 = arith.constant 0 : i32
    %dma_start3A_240 = tpu.memref_slice %arg8[%dma_start3A_232, %dma_start3A_239] : memref<100x100xi32, #tpu.memory_space<vmem>> -> memref<1x100xi32, #tpu.memory_space<vmem>>
    %dma_start3A_241 = tpu.memref_squeeze %dma_start3A_240 : memref<1x100xi32, #tpu.memory_space<vmem>> -> memref<100xi32, #tpu.memory_space<vmem>>
    %dma_start3A_242 = arith.constant 0 : i32
    %dma_start3A_243 = arith.constant 0 : i32
    %dma_start3A_244 = tpu.memref_slice %arg2[%dma_start3A_242, %dma_start3A_243] : memref<10000x64xf32, #tpu.memory_space<hbm>> -> memref<10000x64xf32, #tpu.memory_space<hbm>>
    %dma_start3A_245 = tpu.memref_slice %arg11[%dma_start3A_234] : memref<10x!tpu.dma_semaphore, #tpu.memory_space<semaphore_mem>> -> memref<1x!tpu.dma_semaphore, #tpu.memory_space<semaphore_mem>>
    %dma_start3A_246 = tpu.memref_squeeze %dma_start3A_245 : memref<1x!tpu.dma_semaphore, #tpu.memory_space<semaphore_mem>> -> memref<!tpu.dma_semaphore, #tpu.memory_space<semaphore_mem>>
    tpu.enqueue_indirect_dma source(%dma_start3A_244 : memref<10000x64xf32, #tpu.memory_space<hbm>>) target(%dma_start3A_238 : memref<100x64xf32, #tpu.memory_space<vmem>>) offsets(%dma_start3A_241 : memref<100xi32, #tpu.memory_space<vmem>>) semaphore(%dma_start3A_246 : memref<!tpu.dma_semaphore, #tpu.memory_space<semaphore_mem>>)
    %dma_start3A_247 = arith.constant 96 : i32
    %dma_start3A_248 = arith.constant 6 : i32
    %dma_start3A_249 = arith.constant 6 : i32
    %dma_start3A_250 = arith.constant 0 : i32
    %dma_start3A_251 = arith.constant 0 : i32
    %dma_start3A_252 = tpu.memref_slice %arg10[%dma_start3A_248, %dma_start3A_250, %dma_start3A_251] : memref<10x100x64xf32, #tpu.memory_space<vmem>> -> memref<1x100x64xf32, #tpu.memory_space<vmem>>
    %dma_start3A_253 = tpu.memref_squeeze %dma_start3A_252 : memref<1x100x64xf32, #tpu.memory_space<vmem>> -> memref<100x64xf32, #tpu.memory_space<vmem>>
    %dma_start3A_254 = arith.constant 0 : i32
    %dma_start3A_255 = tpu.memref_slice %arg8[%dma_start3A_247, %dma_start3A_254] : memref<100x100xi32, #tpu.memory_space<vmem>> -> memref<1x100xi32, #tpu.memory_space<vmem>>
    %dma_start3A_256 = tpu.memref_squeeze %dma_start3A_255 : memref<1x100xi32, #tpu.memory_space<vmem>> -> memref<100xi32, #tpu.memory_space<vmem>>
    %dma_start3A_257 = arith.constant 0 : i32
    %dma_start3A_258 = arith.constant 0 : i32
    %dma_start3A_259 = tpu.memref_slice %arg2[%dma_start3A_257, %dma_start3A_258] : memref<10000x64xf32, #tpu.memory_space<hbm>> -> memref<10000x64xf32, #tpu.memory_space<hbm>>
    %dma_start3A_260 = tpu.memref_slice %arg11[%dma_start3A_249] : memref<10x!tpu.dma_semaphore, #tpu.memory_space<semaphore_mem>> -> memref<1x!tpu.dma_semaphore, #tpu.memory_space<semaphore_mem>>
    %dma_start3A_261 = tpu.memref_squeeze %dma_start3A_260 : memref<1x!tpu.dma_semaphore, #tpu.memory_space<semaphore_mem>> -> memref<!tpu.dma_semaphore, #tpu.memory_space<semaphore_mem>>
    tpu.enqueue_indirect_dma source(%dma_start3A_259 : memref<10000x64xf32, #tpu.memory_space<hbm>>) target(%dma_start3A_253 : memref<100x64xf32, #tpu.memory_space<vmem>>) offsets(%dma_start3A_256 : memref<100xi32, #tpu.memory_space<vmem>>) semaphore(%dma_start3A_261 : memref<!tpu.dma_semaphore, #tpu.memory_space<semaphore_mem>>)
    %dma_start3A_262 = arith.constant 97 : i32
    %dma_start3A_263 = arith.constant 7 : i32
    %dma_start3A_264 = arith.constant 7 : i32
    %dma_start3A_265 = arith.constant 0 : i32
    %dma_start3A_266 = arith.constant 0 : i32
    %dma_start3A_267 = tpu.memref_slice %arg10[%dma_start3A_263, %dma_start3A_265, %dma_start3A_266] : memref<10x100x64xf32, #tpu.memory_space<vmem>> -> memref<1x100x64xf32, #tpu.memory_space<vmem>>
    %dma_start3A_268 = tpu.memref_squeeze %dma_start3A_267 : memref<1x100x64xf32, #tpu.memory_space<vmem>> -> memref<100x64xf32, #tpu.memory_space<vmem>>
    %dma_start3A_269 = arith.constant 0 : i32
    %dma_start3A_270 = tpu.memref_slice %arg8[%dma_start3A_262, %dma_start3A_269] : memref<100x100xi32, #tpu.memory_space<vmem>> -> memref<1x100xi32, #tpu.memory_space<vmem>>
    %dma_start3A_271 = tpu.memref_squeeze %dma_start3A_270 : memref<1x100xi32, #tpu.memory_space<vmem>> -> memref<100xi32, #tpu.memory_space<vmem>>
    %dma_start3A_272 = arith.constant 0 : i32
    %dma_start3A_273 = arith.constant 0 : i32
    %dma_start3A_274 = tpu.memref_slice %arg2[%dma_start3A_272, %dma_start3A_273] : memref<10000x64xf32, #tpu.memory_space<hbm>> -> memref<10000x64xf32, #tpu.memory_space<hbm>>
    %dma_start3A_275 = tpu.memref_slice %arg11[%dma_start3A_264] : memref<10x!tpu.dma_semaphore, #tpu.memory_space<semaphore_mem>> -> memref<1x!tpu.dma_semaphore, #tpu.memory_space<semaphore_mem>>
    %dma_start3A_276 = tpu.memref_squeeze %dma_start3A_275 : memref<1x!tpu.dma_semaphore, #tpu.memory_space<semaphore_mem>> -> memref<!tpu.dma_semaphore, #tpu.memory_space<semaphore_mem>>
    tpu.enqueue_indirect_dma source(%dma_start3A_274 : memref<10000x64xf32, #tpu.memory_space<hbm>>) target(%dma_start3A_268 : memref<100x64xf32, #tpu.memory_space<vmem>>) offsets(%dma_start3A_271 : memref<100xi32, #tpu.memory_space<vmem>>) semaphore(%dma_start3A_276 : memref<!tpu.dma_semaphore, #tpu.memory_space<semaphore_mem>>)
    %dma_start3A_277 = arith.constant 98 : i32
    %dma_start3A_278 = arith.constant 8 : i32
    %dma_start3A_279 = arith.constant 8 : i32
    %dma_start3A_280 = arith.constant 0 : i32
    %dma_start3A_281 = arith.constant 0 : i32
    %dma_start3A_282 = tpu.memref_slice %arg10[%dma_start3A_278, %dma_start3A_280, %dma_start3A_281] : memref<10x100x64xf32, #tpu.memory_space<vmem>> -> memref<1x100x64xf32, #tpu.memory_space<vmem>>
    %dma_start3A_283 = tpu.memref_squeeze %dma_start3A_282 : memref<1x100x64xf32, #tpu.memory_space<vmem>> -> memref<100x64xf32, #tpu.memory_space<vmem>>
    %dma_start3A_284 = arith.constant 0 : i32
    %dma_start3A_285 = tpu.memref_slice %arg8[%dma_start3A_277, %dma_start3A_284] : memref<100x100xi32, #tpu.memory_space<vmem>> -> memref<1x100xi32, #tpu.memory_space<vmem>>
    %dma_start3A_286 = tpu.memref_squeeze %dma_start3A_285 : memref<1x100xi32, #tpu.memory_space<vmem>> -> memref<100xi32, #tpu.memory_space<vmem>>
    %dma_start3A_287 = arith.constant 0 : i32
    %dma_start3A_288 = arith.constant 0 : i32
    %dma_start3A_289 = tpu.memref_slice %arg2[%dma_start3A_287, %dma_start3A_288] : memref<10000x64xf32, #tpu.memory_space<hbm>> -> memref<10000x64xf32, #tpu.memory_space<hbm>>
    %dma_start3A_290 = tpu.memref_slice %arg11[%dma_start3A_279] : memref<10x!tpu.dma_semaphore, #tpu.memory_space<semaphore_mem>> -> memref<1x!tpu.dma_semaphore, #tpu.memory_space<semaphore_mem>>
    %dma_start3A_291 = tpu.memref_squeeze %dma_start3A_290 : memref<1x!tpu.dma_semaphore, #tpu.memory_space<semaphore_mem>> -> memref<!tpu.dma_semaphore, #tpu.memory_space<semaphore_mem>>
    tpu.enqueue_indirect_dma source(%dma_start3A_289 : memref<10000x64xf32, #tpu.memory_space<hbm>>) target(%dma_start3A_283 : memref<100x64xf32, #tpu.memory_space<vmem>>) offsets(%dma_start3A_286 : memref<100xi32, #tpu.memory_space<vmem>>) semaphore(%dma_start3A_291 : memref<!tpu.dma_semaphore, #tpu.memory_space<semaphore_mem>>)
    %dma_start3A_292 = arith.constant 99 : i32
    %dma_start3A_293 = arith.constant 9 : i32
    %dma_start3A_294 = arith.constant 9 : i32
    %dma_start3A_295 = arith.constant 0 : i32
    %dma_start3A_296 = arith.constant 0 : i32
    %dma_start3A_297 = tpu.memref_slice %arg10[%dma_start3A_293, %dma_start3A_295, %dma_start3A_296] : memref<10x100x64xf32, #tpu.memory_space<vmem>> -> memref<1x100x64xf32, #tpu.memory_space<vmem>>
    %dma_start3A_298 = tpu.memref_squeeze %dma_start3A_297 : memref<1x100x64xf32, #tpu.memory_space<vmem>> -> memref<100x64xf32, #tpu.memory_space<vmem>>
    %dma_start3A_299 = arith.constant 0 : i32
    %dma_start3A_300 = tpu.memref_slice %arg8[%dma_start3A_292, %dma_start3A_299] : memref<100x100xi32, #tpu.memory_space<vmem>> -> memref<1x100xi32, #tpu.memory_space<vmem>>
    %dma_start3A_301 = tpu.memref_squeeze %dma_start3A_300 : memref<1x100xi32, #tpu.memory_space<vmem>> -> memref<100xi32, #tpu.memory_space<vmem>>
    %dma_start3A_302 = arith.constant 0 : i32
    %dma_start3A_303 = arith.constant 0 : i32
    %dma_start3A_304 = tpu.memref_slice %arg2[%dma_start3A_302, %dma_start3A_303] : memref<10000x64xf32, #tpu.memory_space<hbm>> -> memref<10000x64xf32, #tpu.memory_space<hbm>>
    %dma_start3A_305 = tpu.memref_slice %arg11[%dma_start3A_294] : memref<10x!tpu.dma_semaphore, #tpu.memory_space<semaphore_mem>> -> memref<1x!tpu.dma_semaphore, #tpu.memory_space<semaphore_mem>>
    %dma_start3A_306 = tpu.memref_squeeze %dma_start3A_305 : memref<1x!tpu.dma_semaphore, #tpu.memory_space<semaphore_mem>> -> memref<!tpu.dma_semaphore, #tpu.memory_space<semaphore_mem>>
    tpu.enqueue_indirect_dma source(%dma_start3A_304 : memref<10000x64xf32, #tpu.memory_space<hbm>>) target(%dma_start3A_298 : memref<100x64xf32, #tpu.memory_space<vmem>>) offsets(%dma_start3A_301 : memref<100xi32, #tpu.memory_space<vmem>>) semaphore(%dma_start3A_306 : memref<!tpu.dma_semaphore, #tpu.memory_space<semaphore_mem>>)
    %dma_wait3A_307 = arith.constant 0 : i32
    %dma_wait3A_308 = arith.constant 90 : i32
    %dma_wait3A_309 = arith.constant 0 : i32
    %dma_wait3A_310 = arith.constant 0 : i32
    %dma_wait3A_311 = arith.constant 0 : i32
    %dma_wait3A_312 = tpu.memref_slice %arg10[%dma_wait3A_307, %dma_wait3A_310, %dma_wait3A_311] : memref<10x100x64xf32, #tpu.memory_space<vmem>> -> memref<1x100x64xf32, #tpu.memory_space<vmem>>
    %dma_wait3A_313 = tpu.memref_squeeze %dma_wait3A_312 : memref<1x100x64xf32, #tpu.memory_space<vmem>> -> memref<100x64xf32, #tpu.memory_space<vmem>>
    %dma_wait3A_314 = arith.constant 0 : i32
    %dma_wait3A_315 = tpu.memref_slice %arg9[%dma_wait3A_308, %dma_wait3A_314] : memref<100x100xi32, #tpu.memory_space<vmem>> -> memref<1x100xi32, #tpu.memory_space<vmem>>
    %dma_wait3A_316 = tpu.memref_squeeze %dma_wait3A_315 : memref<1x100xi32, #tpu.memory_space<vmem>> -> memref<100xi32, #tpu.memory_space<vmem>>
    %dma_wait3A_317 = arith.constant 0 : i32
    %dma_wait3A_318 = arith.constant 0 : i32
    %dma_wait3A_319 = tpu.memref_slice %arg7[%dma_wait3A_317, %dma_wait3A_318] : memref<10240x64xf32, #tpu.memory_space<vmem_shared>> -> memref<10240x64xf32, #tpu.memory_space<vmem_shared>>
    %dma_wait3A_320 = tpu.memref_slice %arg12[%dma_wait3A_309] : memref<10x!tpu.dma_semaphore, #tpu.memory_space<semaphore_mem>> -> memref<1x!tpu.dma_semaphore, #tpu.memory_space<semaphore_mem>>
    %dma_wait3A_321 = tpu.memref_squeeze %dma_wait3A_320 : memref<1x!tpu.dma_semaphore, #tpu.memory_space<semaphore_mem>> -> memref<!tpu.dma_semaphore, #tpu.memory_space<semaphore_mem>>
    tpu.wait_indirect_dma semaphore(%dma_wait3A_321 : memref<!tpu.dma_semaphore, #tpu.memory_space<semaphore_mem>>) src(%dma_wait3A_313 : memref<100x64xf32, #tpu.memory_space<vmem>>) dst(%dma_wait3A_319 : memref<10240x64xf32, #tpu.memory_space<vmem_shared>>)
    %dma_wait3A_322 = arith.constant 1 : i32
    %dma_wait3A_323 = arith.constant 91 : i32
    %dma_wait3A_324 = arith.constant 1 : i32
    %dma_wait3A_325 = arith.constant 0 : i32
    %dma_wait3A_326 = arith.constant 0 : i32
    %dma_wait3A_327 = tpu.memref_slice %arg10[%dma_wait3A_322, %dma_wait3A_325, %dma_wait3A_326] : memref<10x100x64xf32, #tpu.memory_space<vmem>> -> memref<1x100x64xf32, #tpu.memory_space<vmem>>
    %dma_wait3A_328 = tpu.memref_squeeze %dma_wait3A_327 : memref<1x100x64xf32, #tpu.memory_space<vmem>> -> memref<100x64xf32, #tpu.memory_space<vmem>>
    %dma_wait3A_329 = arith.constant 0 : i32
    %dma_wait3A_330 = tpu.memref_slice %arg9[%dma_wait3A_323, %dma_wait3A_329] : memref<100x100xi32, #tpu.memory_space<vmem>> -> memref<1x100xi32, #tpu.memory_space<vmem>>
    %dma_wait3A_331 = tpu.memref_squeeze %dma_wait3A_330 : memref<1x100xi32, #tpu.memory_space<vmem>> -> memref<100xi32, #tpu.memory_space<vmem>>
    %dma_wait3A_332 = arith.constant 0 : i32
    %dma_wait3A_333 = arith.constant 0 : i32
    %dma_wait3A_334 = tpu.memref_slice %arg7[%dma_wait3A_332, %dma_wait3A_333] : memref<10240x64xf32, #tpu.memory_space<vmem_shared>> -> memref<10240x64xf32, #tpu.memory_space<vmem_shared>>
    %dma_wait3A_335 = tpu.memref_slice %arg12[%dma_wait3A_324] : memref<10x!tpu.dma_semaphore, #tpu.memory_space<semaphore_mem>> -> memref<1x!tpu.dma_semaphore, #tpu.memory_space<semaphore_mem>>
    %dma_wait3A_336 = tpu.memref_squeeze %dma_wait3A_335 : memref<1x!tpu.dma_semaphore, #tpu.memory_space<semaphore_mem>> -> memref<!tpu.dma_semaphore, #tpu.memory_space<semaphore_mem>>
    tpu.wait_indirect_dma semaphore(%dma_wait3A_336 : memref<!tpu.dma_semaphore, #tpu.memory_space<semaphore_mem>>) src(%dma_wait3A_328 : memref<100x64xf32, #tpu.memory_space<vmem>>) dst(%dma_wait3A_334 : memref<10240x64xf32, #tpu.memory_space<vmem_shared>>)
    %dma_wait3A_337 = arith.constant 2 : i32
    %dma_wait3A_338 = arith.constant 92 : i32
    %dma_wait3A_339 = arith.constant 2 : i32
    %dma_wait3A_340 = arith.constant 0 : i32
    %dma_wait3A_341 = arith.constant 0 : i32
    %dma_wait3A_342 = tpu.memref_slice %arg10[%dma_wait3A_337, %dma_wait3A_340, %dma_wait3A_341] : memref<10x100x64xf32, #tpu.memory_space<vmem>> -> memref<1x100x64xf32, #tpu.memory_space<vmem>>
    %dma_wait3A_343 = tpu.memref_squeeze %dma_wait3A_342 : memref<1x100x64xf32, #tpu.memory_space<vmem>> -> memref<100x64xf32, #tpu.memory_space<vmem>>
    %dma_wait3A_344 = arith.constant 0 : i32
    %dma_wait3A_345 = tpu.memref_slice %arg9[%dma_wait3A_338, %dma_wait3A_344] : memref<100x100xi32, #tpu.memory_space<vmem>> -> memref<1x100xi32, #tpu.memory_space<vmem>>
    %dma_wait3A_346 = tpu.memref_squeeze %dma_wait3A_345 : memref<1x100xi32, #tpu.memory_space<vmem>> -> memref<100xi32, #tpu.memory_space<vmem>>
    %dma_wait3A_347 = arith.constant 0 : i32
    %dma_wait3A_348 = arith.constant 0 : i32
    %dma_wait3A_349 = tpu.memref_slice %arg7[%dma_wait3A_347, %dma_wait3A_348] : memref<10240x64xf32, #tpu.memory_space<vmem_shared>> -> memref<10240x64xf32, #tpu.memory_space<vmem_shared>>
    %dma_wait3A_350 = tpu.memref_slice %arg12[%dma_wait3A_339] : memref<10x!tpu.dma_semaphore, #tpu.memory_space<semaphore_mem>> -> memref<1x!tpu.dma_semaphore, #tpu.memory_space<semaphore_mem>>
    %dma_wait3A_351 = tpu.memref_squeeze %dma_wait3A_350 : memref<1x!tpu.dma_semaphore, #tpu.memory_space<semaphore_mem>> -> memref<!tpu.dma_semaphore, #tpu.memory_space<semaphore_mem>>
    tpu.wait_indirect_dma semaphore(%dma_wait3A_351 : memref<!tpu.dma_semaphore, #tpu.memory_space<semaphore_mem>>) src(%dma_wait3A_343 : memref<100x64xf32, #tpu.memory_space<vmem>>) dst(%dma_wait3A_349 : memref<10240x64xf32, #tpu.memory_space<vmem_shared>>)
    %dma_wait3A_352 = arith.constant 3 : i32
    %dma_wait3A_353 = arith.constant 93 : i32
    %dma_wait3A_354 = arith.constant 3 : i32
    %dma_wait3A_355 = arith.constant 0 : i32
    %dma_wait3A_356 = arith.constant 0 : i32
    %dma_wait3A_357 = tpu.memref_slice %arg10[%dma_wait3A_352, %dma_wait3A_355, %dma_wait3A_356] : memref<10x100x64xf32, #tpu.memory_space<vmem>> -> memref<1x100x64xf32, #tpu.memory_space<vmem>>
    %dma_wait3A_358 = tpu.memref_squeeze %dma_wait3A_357 : memref<1x100x64xf32, #tpu.memory_space<vmem>> -> memref<100x64xf32, #tpu.memory_space<vmem>>
    %dma_wait3A_359 = arith.constant 0 : i32
    %dma_wait3A_360 = tpu.memref_slice %arg9[%dma_wait3A_353, %dma_wait3A_359] : memref<100x100xi32, #tpu.memory_space<vmem>> -> memref<1x100xi32, #tpu.memory_space<vmem>>
    %dma_wait3A_361 = tpu.memref_squeeze %dma_wait3A_360 : memref<1x100xi32, #tpu.memory_space<vmem>> -> memref<100xi32, #tpu.memory_space<vmem>>
    %dma_wait3A_362 = arith.constant 0 : i32
    %dma_wait3A_363 = arith.constant 0 : i32
    %dma_wait3A_364 = tpu.memref_slice %arg7[%dma_wait3A_362, %dma_wait3A_363] : memref<10240x64xf32, #tpu.memory_space<vmem_shared>> -> memref<10240x64xf32, #tpu.memory_space<vmem_shared>>
    %dma_wait3A_365 = tpu.memref_slice %arg12[%dma_wait3A_354] : memref<10x!tpu.dma_semaphore, #tpu.memory_space<semaphore_mem>> -> memref<1x!tpu.dma_semaphore, #tpu.memory_space<semaphore_mem>>
    %dma_wait3A_366 = tpu.memref_squeeze %dma_wait3A_365 : memref<1x!tpu.dma_semaphore, #tpu.memory_space<semaphore_mem>> -> memref<!tpu.dma_semaphore, #tpu.memory_space<semaphore_mem>>
    tpu.wait_indirect_dma semaphore(%dma_wait3A_366 : memref<!tpu.dma_semaphore, #tpu.memory_space<semaphore_mem>>) src(%dma_wait3A_358 : memref<100x64xf32, #tpu.memory_space<vmem>>) dst(%dma_wait3A_364 : memref<10240x64xf32, #tpu.memory_space<vmem_shared>>)
    %dma_wait3A_367 = arith.constant 4 : i32
    %dma_wait3A_368 = arith.constant 94 : i32
    %dma_wait3A_369 = arith.constant 4 : i32
    %dma_wait3A_370 = arith.constant 0 : i32
    %dma_wait3A_371 = arith.constant 0 : i32
    %dma_wait3A_372 = tpu.memref_slice %arg10[%dma_wait3A_367, %dma_wait3A_370, %dma_wait3A_371] : memref<10x100x64xf32, #tpu.memory_space<vmem>> -> memref<1x100x64xf32, #tpu.memory_space<vmem>>
    %dma_wait3A_373 = tpu.memref_squeeze %dma_wait3A_372 : memref<1x100x64xf32, #tpu.memory_space<vmem>> -> memref<100x64xf32, #tpu.memory_space<vmem>>
    %dma_wait3A_374 = arith.constant 0 : i32
    %dma_wait3A_375 = tpu.memref_slice %arg9[%dma_wait3A_368, %dma_wait3A_374] : memref<100x100xi32, #tpu.memory_space<vmem>> -> memref<1x100xi32, #tpu.memory_space<vmem>>
    %dma_wait3A_376 = tpu.memref_squeeze %dma_wait3A_375 : memref<1x100xi32, #tpu.memory_space<vmem>> -> memref<100xi32, #tpu.memory_space<vmem>>
    %dma_wait3A_377 = arith.constant 0 : i32
    %dma_wait3A_378 = arith.constant 0 : i32
    %dma_wait3A_379 = tpu.memref_slice %arg7[%dma_wait3A_377, %dma_wait3A_378] : memref<10240x64xf32, #tpu.memory_space<vmem_shared>> -> memref<10240x64xf32, #tpu.memory_space<vmem_shared>>
    %dma_wait3A_380 = tpu.memref_slice %arg12[%dma_wait3A_369] : memref<10x!tpu.dma_semaphore, #tpu.memory_space<semaphore_mem>> -> memref<1x!tpu.dma_semaphore, #tpu.memory_space<semaphore_mem>>
    %dma_wait3A_381 = tpu.memref_squeeze %dma_wait3A_380 : memref<1x!tpu.dma_semaphore, #tpu.memory_space<semaphore_mem>> -> memref<!tpu.dma_semaphore, #tpu.memory_space<semaphore_mem>>
    tpu.wait_indirect_dma semaphore(%dma_wait3A_381 : memref<!tpu.dma_semaphore, #tpu.memory_space<semaphore_mem>>) src(%dma_wait3A_373 : memref<100x64xf32, #tpu.memory_space<vmem>>) dst(%dma_wait3A_379 : memref<10240x64xf32, #tpu.memory_space<vmem_shared>>)
    %dma_wait3A_382 = arith.constant 95 : i32
    %dma_wait3A_383 = arith.constant 5 : i32
    %dma_wait3A_384 = arith.constant 5 : i32
    %dma_wait3A_385 = arith.constant 0 : i32
    %dma_wait3A_386 = arith.constant 0 : i32
    %dma_wait3A_387 = tpu.memref_slice %arg10[%dma_wait3A_383, %dma_wait3A_385, %dma_wait3A_386] : memref<10x100x64xf32, #tpu.memory_space<vmem>> -> memref<1x100x64xf32, #tpu.memory_space<vmem>>
    %dma_wait3A_388 = tpu.memref_squeeze %dma_wait3A_387 : memref<1x100x64xf32, #tpu.memory_space<vmem>> -> memref<100x64xf32, #tpu.memory_space<vmem>>
    %dma_wait3A_389 = arith.constant 0 : i32
    %dma_wait3A_390 = tpu.memref_slice %arg8[%dma_wait3A_382, %dma_wait3A_389] : memref<100x100xi32, #tpu.memory_space<vmem>> -> memref<1x100xi32, #tpu.memory_space<vmem>>
    %dma_wait3A_391 = tpu.memref_squeeze %dma_wait3A_390 : memref<1x100xi32, #tpu.memory_space<vmem>> -> memref<100xi32, #tpu.memory_space<vmem>>
    %dma_wait3A_392 = arith.constant 0 : i32
    %dma_wait3A_393 = arith.constant 0 : i32
    %dma_wait3A_394 = tpu.memref_slice %arg2[%dma_wait3A_392, %dma_wait3A_393] : memref<10000x64xf32, #tpu.memory_space<hbm>> -> memref<10000x64xf32, #tpu.memory_space<hbm>>
    %dma_wait3A_395 = tpu.memref_slice %arg11[%dma_wait3A_384] : memref<10x!tpu.dma_semaphore, #tpu.memory_space<semaphore_mem>> -> memref<1x!tpu.dma_semaphore, #tpu.memory_space<semaphore_mem>>
    %dma_wait3A_396 = tpu.memref_squeeze %dma_wait3A_395 : memref<1x!tpu.dma_semaphore, #tpu.memory_space<semaphore_mem>> -> memref<!tpu.dma_semaphore, #tpu.memory_space<semaphore_mem>>
    tpu.wait_indirect_dma semaphore(%dma_wait3A_396 : memref<!tpu.dma_semaphore, #tpu.memory_space<semaphore_mem>>) src(%dma_wait3A_394 : memref<10000x64xf32, #tpu.memory_space<hbm>>) dst(%dma_wait3A_388 : memref<100x64xf32, #tpu.memory_space<vmem>>)
    %dma_wait3A_397 = arith.constant 96 : i32
    %dma_wait3A_398 = arith.constant 6 : i32
    %dma_wait3A_399 = arith.constant 6 : i32
    %dma_wait3A_400 = arith.constant 0 : i32
    %dma_wait3A_401 = arith.constant 0 : i32
    %dma_wait3A_402 = tpu.memref_slice %arg10[%dma_wait3A_398, %dma_wait3A_400, %dma_wait3A_401] : memref<10x100x64xf32, #tpu.memory_space<vmem>> -> memref<1x100x64xf32, #tpu.memory_space<vmem>>
    %dma_wait3A_403 = tpu.memref_squeeze %dma_wait3A_402 : memref<1x100x64xf32, #tpu.memory_space<vmem>> -> memref<100x64xf32, #tpu.memory_space<vmem>>
    %dma_wait3A_404 = arith.constant 0 : i32
    %dma_wait3A_405 = tpu.memref_slice %arg8[%dma_wait3A_397, %dma_wait3A_404] : memref<100x100xi32, #tpu.memory_space<vmem>> -> memref<1x100xi32, #tpu.memory_space<vmem>>
    %dma_wait3A_406 = tpu.memref_squeeze %dma_wait3A_405 : memref<1x100xi32, #tpu.memory_space<vmem>> -> memref<100xi32, #tpu.memory_space<vmem>>
    %dma_wait3A_407 = arith.constant 0 : i32
    %dma_wait3A_408 = arith.constant 0 : i32
    %dma_wait3A_409 = tpu.memref_slice %arg2[%dma_wait3A_407, %dma_wait3A_408] : memref<10000x64xf32, #tpu.memory_space<hbm>> -> memref<10000x64xf32, #tpu.memory_space<hbm>>
    %dma_wait3A_410 = tpu.memref_slice %arg11[%dma_wait3A_399] : memref<10x!tpu.dma_semaphore, #tpu.memory_space<semaphore_mem>> -> memref<1x!tpu.dma_semaphore, #tpu.memory_space<semaphore_mem>>
    %dma_wait3A_411 = tpu.memref_squeeze %dma_wait3A_410 : memref<1x!tpu.dma_semaphore, #tpu.memory_space<semaphore_mem>> -> memref<!tpu.dma_semaphore, #tpu.memory_space<semaphore_mem>>
    tpu.wait_indirect_dma semaphore(%dma_wait3A_411 : memref<!tpu.dma_semaphore, #tpu.memory_space<semaphore_mem>>) src(%dma_wait3A_409 : memref<10000x64xf32, #tpu.memory_space<hbm>>) dst(%dma_wait3A_403 : memref<100x64xf32, #tpu.memory_space<vmem>>)
    %dma_wait3A_412 = arith.constant 97 : i32
    %dma_wait3A_413 = arith.constant 7 : i32
    %dma_wait3A_414 = arith.constant 7 : i32
    %dma_wait3A_415 = arith.constant 0 : i32
    %dma_wait3A_416 = arith.constant 0 : i32
    %dma_wait3A_417 = tpu.memref_slice %arg10[%dma_wait3A_413, %dma_wait3A_415, %dma_wait3A_416] : memref<10x100x64xf32, #tpu.memory_space<vmem>> -> memref<1x100x64xf32, #tpu.memory_space<vmem>>
    %dma_wait3A_418 = tpu.memref_squeeze %dma_wait3A_417 : memref<1x100x64xf32, #tpu.memory_space<vmem>> -> memref<100x64xf32, #tpu.memory_space<vmem>>
    %dma_wait3A_419 = arith.constant 0 : i32
    %dma_wait3A_420 = tpu.memref_slice %arg8[%dma_wait3A_412, %dma_wait3A_419] : memref<100x100xi32, #tpu.memory_space<vmem>> -> memref<1x100xi32, #tpu.memory_space<vmem>>
    %dma_wait3A_421 = tpu.memref_squeeze %dma_wait3A_420 : memref<1x100xi32, #tpu.memory_space<vmem>> -> memref<100xi32, #tpu.memory_space<vmem>>
    %dma_wait3A_422 = arith.constant 0 : i32
    %dma_wait3A_423 = arith.constant 0 : i32
    %dma_wait3A_424 = tpu.memref_slice %arg2[%dma_wait3A_422, %dma_wait3A_423] : memref<10000x64xf32, #tpu.memory_space<hbm>> -> memref<10000x64xf32, #tpu.memory_space<hbm>>
    %dma_wait3A_425 = tpu.memref_slice %arg11[%dma_wait3A_414] : memref<10x!tpu.dma_semaphore, #tpu.memory_space<semaphore_mem>> -> memref<1x!tpu.dma_semaphore, #tpu.memory_space<semaphore_mem>>
    %dma_wait3A_426 = tpu.memref_squeeze %dma_wait3A_425 : memref<1x!tpu.dma_semaphore, #tpu.memory_space<semaphore_mem>> -> memref<!tpu.dma_semaphore, #tpu.memory_space<semaphore_mem>>
    tpu.wait_indirect_dma semaphore(%dma_wait3A_426 : memref<!tpu.dma_semaphore, #tpu.memory_space<semaphore_mem>>) src(%dma_wait3A_424 : memref<10000x64xf32, #tpu.memory_space<hbm>>) dst(%dma_wait3A_418 : memref<100x64xf32, #tpu.memory_space<vmem>>)
    %dma_wait3A_427 = arith.constant 98 : i32
    %dma_wait3A_428 = arith.constant 8 : i32
    %dma_wait3A_429 = arith.constant 8 : i32
    %dma_wait3A_430 = arith.constant 0 : i32
    %dma_wait3A_431 = arith.constant 0 : i32
    %dma_wait3A_432 = tpu.memref_slice %arg10[%dma_wait3A_428, %dma_wait3A_430, %dma_wait3A_431] : memref<10x100x64xf32, #tpu.memory_space<vmem>> -> memref<1x100x64xf32, #tpu.memory_space<vmem>>
    %dma_wait3A_433 = tpu.memref_squeeze %dma_wait3A_432 : memref<1x100x64xf32, #tpu.memory_space<vmem>> -> memref<100x64xf32, #tpu.memory_space<vmem>>
    %dma_wait3A_434 = arith.constant 0 : i32
    %dma_wait3A_435 = tpu.memref_slice %arg8[%dma_wait3A_427, %dma_wait3A_434] : memref<100x100xi32, #tpu.memory_space<vmem>> -> memref<1x100xi32, #tpu.memory_space<vmem>>
    %dma_wait3A_436 = tpu.memref_squeeze %dma_wait3A_435 : memref<1x100xi32, #tpu.memory_space<vmem>> -> memref<100xi32, #tpu.memory_space<vmem>>
    %dma_wait3A_437 = arith.constant 0 : i32
    %dma_wait3A_438 = arith.constant 0 : i32
    %dma_wait3A_439 = tpu.memref_slice %arg2[%dma_wait3A_437, %dma_wait3A_438] : memref<10000x64xf32, #tpu.memory_space<hbm>> -> memref<10000x64xf32, #tpu.memory_space<hbm>>
    %dma_wait3A_440 = tpu.memref_slice %arg11[%dma_wait3A_429] : memref<10x!tpu.dma_semaphore, #tpu.memory_space<semaphore_mem>> -> memref<1x!tpu.dma_semaphore, #tpu.memory_space<semaphore_mem>>
    %dma_wait3A_441 = tpu.memref_squeeze %dma_wait3A_440 : memref<1x!tpu.dma_semaphore, #tpu.memory_space<semaphore_mem>> -> memref<!tpu.dma_semaphore, #tpu.memory_space<semaphore_mem>>
    tpu.wait_indirect_dma semaphore(%dma_wait3A_441 : memref<!tpu.dma_semaphore, #tpu.memory_space<semaphore_mem>>) src(%dma_wait3A_439 : memref<10000x64xf32, #tpu.memory_space<hbm>>) dst(%dma_wait3A_433 : memref<100x64xf32, #tpu.memory_space<vmem>>)
    %dma_wait3A_442 = arith.constant 99 : i32
    %dma_wait3A_443 = arith.constant 9 : i32
    %dma_wait3A_444 = arith.constant 9 : i32
    %dma_wait3A_445 = arith.constant 0 : i32
    %dma_wait3A_446 = arith.constant 0 : i32
    %dma_wait3A_447 = tpu.memref_slice %arg10[%dma_wait3A_443, %dma_wait3A_445, %dma_wait3A_446] : memref<10x100x64xf32, #tpu.memory_space<vmem>> -> memref<1x100x64xf32, #tpu.memory_space<vmem>>
    %dma_wait3A_448 = tpu.memref_squeeze %dma_wait3A_447 : memref<1x100x64xf32, #tpu.memory_space<vmem>> -> memref<100x64xf32, #tpu.memory_space<vmem>>
    %dma_wait3A_449 = arith.constant 0 : i32
    %dma_wait3A_450 = tpu.memref_slice %arg8[%dma_wait3A_442, %dma_wait3A_449] : memref<100x100xi32, #tpu.memory_space<vmem>> -> memref<1x100xi32, #tpu.memory_space<vmem>>
    %dma_wait3A_451 = tpu.memref_squeeze %dma_wait3A_450 : memref<1x100xi32, #tpu.memory_space<vmem>> -> memref<100xi32, #tpu.memory_space<vmem>>
    %dma_wait3A_452 = arith.constant 0 : i32
    %dma_wait3A_453 = arith.constant 0 : i32
    %dma_wait3A_454 = tpu.memref_slice %arg2[%dma_wait3A_452, %dma_wait3A_453] : memref<10000x64xf32, #tpu.memory_space<hbm>> -> memref<10000x64xf32, #tpu.memory_space<hbm>>
    %dma_wait3A_455 = tpu.memref_slice %arg11[%dma_wait3A_444] : memref<10x!tpu.dma_semaphore, #tpu.memory_space<semaphore_mem>> -> memref<1x!tpu.dma_semaphore, #tpu.memory_space<semaphore_mem>>
    %dma_wait3A_456 = tpu.memref_squeeze %dma_wait3A_455 : memref<1x!tpu.dma_semaphore, #tpu.memory_space<semaphore_mem>> -> memref<!tpu.dma_semaphore, #tpu.memory_space<semaphore_mem>>
    tpu.wait_indirect_dma semaphore(%dma_wait3A_456 : memref<!tpu.dma_semaphore, #tpu.memory_space<semaphore_mem>>) src(%dma_wait3A_454 : memref<10000x64xf32, #tpu.memory_space<hbm>>) dst(%dma_wait3A_448 : memref<100x64xf32, #tpu.memory_space<vmem>>)
    %dma_start3A_457 = arith.constant 5 : i32
    %dma_start3A_458 = arith.constant 95 : i32
    %dma_start3A_459 = arith.constant 5 : i32
    %dma_start3A_460 = arith.constant 0 : i32
    %dma_start3A_461 = arith.constant 0 : i32
    %dma_start3A_462 = tpu.memref_slice %arg10[%dma_start3A_457, %dma_start3A_460, %dma_start3A_461] : memref<10x100x64xf32, #tpu.memory_space<vmem>> -> memref<1x100x64xf32, #tpu.memory_space<vmem>>
    %dma_start3A_463 = tpu.memref_squeeze %dma_start3A_462 : memref<1x100x64xf32, #tpu.memory_space<vmem>> -> memref<100x64xf32, #tpu.memory_space<vmem>>
    %dma_start3A_464 = arith.constant 0 : i32
    %dma_start3A_465 = tpu.memref_slice %arg9[%dma_start3A_458, %dma_start3A_464] : memref<100x100xi32, #tpu.memory_space<vmem>> -> memref<1x100xi32, #tpu.memory_space<vmem>>
    %dma_start3A_466 = tpu.memref_squeeze %dma_start3A_465 : memref<1x100xi32, #tpu.memory_space<vmem>> -> memref<100xi32, #tpu.memory_space<vmem>>
    %dma_start3A_467 = arith.constant 0 : i32
    %dma_start3A_468 = arith.constant 0 : i32
    %dma_start3A_469 = tpu.memref_slice %arg7[%dma_start3A_467, %dma_start3A_468] : memref<10240x64xf32, #tpu.memory_space<vmem_shared>> -> memref<10240x64xf32, #tpu.memory_space<vmem_shared>>
    %dma_start3A_470 = tpu.memref_slice %arg12[%dma_start3A_459] : memref<10x!tpu.dma_semaphore, #tpu.memory_space<semaphore_mem>> -> memref<1x!tpu.dma_semaphore, #tpu.memory_space<semaphore_mem>>
    %dma_start3A_471 = tpu.memref_squeeze %dma_start3A_470 : memref<1x!tpu.dma_semaphore, #tpu.memory_space<semaphore_mem>> -> memref<!tpu.dma_semaphore, #tpu.memory_space<semaphore_mem>>
    tpu.enqueue_indirect_dma source(%dma_start3A_463 : memref<100x64xf32, #tpu.memory_space<vmem>>) target(%dma_start3A_469 : memref<10240x64xf32, #tpu.memory_space<vmem_shared>>) offsets(%dma_start3A_466 : memref<100xi32, #tpu.memory_space<vmem>>) semaphore(%dma_start3A_471 : memref<!tpu.dma_semaphore, #tpu.memory_space<semaphore_mem>>) {add = true}
    %dma_start3A_472 = arith.constant 6 : i32
    %dma_start3A_473 = arith.constant 96 : i32
    %dma_start3A_474 = arith.constant 6 : i32
    %dma_start3A_475 = arith.constant 0 : i32
    %dma_start3A_476 = arith.constant 0 : i32
    %dma_start3A_477 = tpu.memref_slice %arg10[%dma_start3A_472, %dma_start3A_475, %dma_start3A_476] : memref<10x100x64xf32, #tpu.memory_space<vmem>> -> memref<1x100x64xf32, #tpu.memory_space<vmem>>
    %dma_start3A_478 = tpu.memref_squeeze %dma_start3A_477 : memref<1x100x64xf32, #tpu.memory_space<vmem>> -> memref<100x64xf32, #tpu.memory_space<vmem>>
    %dma_start3A_479 = arith.constant 0 : i32
    %dma_start3A_480 = tpu.memref_slice %arg9[%dma_start3A_473, %dma_start3A_479] : memref<100x100xi32, #tpu.memory_space<vmem>> -> memref<1x100xi32, #tpu.memory_space<vmem>>
    %dma_start3A_481 = tpu.memref_squeeze %dma_start3A_480 : memref<1x100xi32, #tpu.memory_space<vmem>> -> memref<100xi32, #tpu.memory_space<vmem>>
    %dma_start3A_482 = arith.constant 0 : i32
    %dma_start3A_483 = arith.constant 0 : i32
    %dma_start3A_484 = tpu.memref_slice %arg7[%dma_start3A_482, %dma_start3A_483] : memref<10240x64xf32, #tpu.memory_space<vmem_shared>> -> memref<10240x64xf32, #tpu.memory_space<vmem_shared>>
    %dma_start3A_485 = tpu.memref_slice %arg12[%dma_start3A_474] : memref<10x!tpu.dma_semaphore, #tpu.memory_space<semaphore_mem>> -> memref<1x!tpu.dma_semaphore, #tpu.memory_space<semaphore_mem>>
    %dma_start3A_486 = tpu.memref_squeeze %dma_start3A_485 : memref<1x!tpu.dma_semaphore, #tpu.memory_space<semaphore_mem>> -> memref<!tpu.dma_semaphore, #tpu.memory_space<semaphore_mem>>
    tpu.enqueue_indirect_dma source(%dma_start3A_478 : memref<100x64xf32, #tpu.memory_space<vmem>>) target(%dma_start3A_484 : memref<10240x64xf32, #tpu.memory_space<vmem_shared>>) offsets(%dma_start3A_481 : memref<100xi32, #tpu.memory_space<vmem>>) semaphore(%dma_start3A_486 : memref<!tpu.dma_semaphore, #tpu.memory_space<semaphore_mem>>) {add = true}
    %dma_start3A_487 = arith.constant 7 : i32
    %dma_start3A_488 = arith.constant 97 : i32
    %dma_start3A_489 = arith.constant 7 : i32
    %dma_start3A_490 = arith.constant 0 : i32
    %dma_start3A_491 = arith.constant 0 : i32
    %dma_start3A_492 = tpu.memref_slice %arg10[%dma_start3A_487, %dma_start3A_490, %dma_start3A_491] : memref<10x100x64xf32, #tpu.memory_space<vmem>> -> memref<1x100x64xf32, #tpu.memory_space<vmem>>
    %dma_start3A_493 = tpu.memref_squeeze %dma_start3A_492 : memref<1x100x64xf32, #tpu.memory_space<vmem>> -> memref<100x64xf32, #tpu.memory_space<vmem>>
    %dma_start3A_494 = arith.constant 0 : i32
    %dma_start3A_495 = tpu.memref_slice %arg9[%dma_start3A_488, %dma_start3A_494] : memref<100x100xi32, #tpu.memory_space<vmem>> -> memref<1x100xi32, #tpu.memory_space<vmem>>
    %dma_start3A_496 = tpu.memref_squeeze %dma_start3A_495 : memref<1x100xi32, #tpu.memory_space<vmem>> -> memref<100xi32, #tpu.memory_space<vmem>>
    %dma_start3A_497 = arith.constant 0 : i32
    %dma_start3A_498 = arith.constant 0 : i32
    %dma_start3A_499 = tpu.memref_slice %arg7[%dma_start3A_497, %dma_start3A_498] : memref<10240x64xf32, #tpu.memory_space<vmem_shared>> -> memref<10240x64xf32, #tpu.memory_space<vmem_shared>>
    %dma_start3A_500 = tpu.memref_slice %arg12[%dma_start3A_489] : memref<10x!tpu.dma_semaphore, #tpu.memory_space<semaphore_mem>> -> memref<1x!tpu.dma_semaphore, #tpu.memory_space<semaphore_mem>>
    %dma_start3A_501 = tpu.memref_squeeze %dma_start3A_500 : memref<1x!tpu.dma_semaphore, #tpu.memory_space<semaphore_mem>> -> memref<!tpu.dma_semaphore, #tpu.memory_space<semaphore_mem>>
    tpu.enqueue_indirect_dma source(%dma_start3A_493 : memref<100x64xf32, #tpu.memory_space<vmem>>) target(%dma_start3A_499 : memref<10240x64xf32, #tpu.memory_space<vmem_shared>>) offsets(%dma_start3A_496 : memref<100xi32, #tpu.memory_space<vmem>>) semaphore(%dma_start3A_501 : memref<!tpu.dma_semaphore, #tpu.memory_space<semaphore_mem>>) {add = true}
    %dma_start3A_502 = arith.constant 8 : i32
    %dma_start3A_503 = arith.constant 98 : i32
    %dma_start3A_504 = arith.constant 8 : i32
    %dma_start3A_505 = arith.constant 0 : i32
    %dma_start3A_506 = arith.constant 0 : i32
    %dma_start3A_507 = tpu.memref_slice %arg10[%dma_start3A_502, %dma_start3A_505, %dma_start3A_506] : memref<10x100x64xf32, #tpu.memory_space<vmem>> -> memref<1x100x64xf32, #tpu.memory_space<vmem>>
    %dma_start3A_508 = tpu.memref_squeeze %dma_start3A_507 : memref<1x100x64xf32, #tpu.memory_space<vmem>> -> memref<100x64xf32, #tpu.memory_space<vmem>>
    %dma_start3A_509 = arith.constant 0 : i32
    %dma_start3A_510 = tpu.memref_slice %arg9[%dma_start3A_503, %dma_start3A_509] : memref<100x100xi32, #tpu.memory_space<vmem>> -> memref<1x100xi32, #tpu.memory_space<vmem>>
    %dma_start3A_511 = tpu.memref_squeeze %dma_start3A_510 : memref<1x100xi32, #tpu.memory_space<vmem>> -> memref<100xi32, #tpu.memory_space<vmem>>
    %dma_start3A_512 = arith.constant 0 : i32
    %dma_start3A_513 = arith.constant 0 : i32
    %dma_start3A_514 = tpu.memref_slice %arg7[%dma_start3A_512, %dma_start3A_513] : memref<10240x64xf32, #tpu.memory_space<vmem_shared>> -> memref<10240x64xf32, #tpu.memory_space<vmem_shared>>
    %dma_start3A_515 = tpu.memref_slice %arg12[%dma_start3A_504] : memref<10x!tpu.dma_semaphore, #tpu.memory_space<semaphore_mem>> -> memref<1x!tpu.dma_semaphore, #tpu.memory_space<semaphore_mem>>
    %dma_start3A_516 = tpu.memref_squeeze %dma_start3A_515 : memref<1x!tpu.dma_semaphore, #tpu.memory_space<semaphore_mem>> -> memref<!tpu.dma_semaphore, #tpu.memory_space<semaphore_mem>>
    tpu.enqueue_indirect_dma source(%dma_start3A_508 : memref<100x64xf32, #tpu.memory_space<vmem>>) target(%dma_start3A_514 : memref<10240x64xf32, #tpu.memory_space<vmem_shared>>) offsets(%dma_start3A_511 : memref<100xi32, #tpu.memory_space<vmem>>) semaphore(%dma_start3A_516 : memref<!tpu.dma_semaphore, #tpu.memory_space<semaphore_mem>>) {add = true}
    %dma_start3A_517 = arith.constant 9 : i32
    %dma_start3A_518 = arith.constant 99 : i32
    %dma_start3A_519 = arith.constant 9 : i32
    %dma_start3A_520 = arith.constant 0 : i32
    %dma_start3A_521 = arith.constant 0 : i32
    %dma_start3A_522 = tpu.memref_slice %arg10[%dma_start3A_517, %dma_start3A_520, %dma_start3A_521] : memref<10x100x64xf32, #tpu.memory_space<vmem>> -> memref<1x100x64xf32, #tpu.memory_space<vmem>>
    %dma_start3A_523 = tpu.memref_squeeze %dma_start3A_522 : memref<1x100x64xf32, #tpu.memory_space<vmem>> -> memref<100x64xf32, #tpu.memory_space<vmem>>
    %dma_start3A_524 = arith.constant 0 : i32
    %dma_start3A_525 = tpu.memref_slice %arg9[%dma_start3A_518, %dma_start3A_524] : memref<100x100xi32, #tpu.memory_space<vmem>> -> memref<1x100xi32, #tpu.memory_space<vmem>>
    %dma_start3A_526 = tpu.memref_squeeze %dma_start3A_525 : memref<1x100xi32, #tpu.memory_space<vmem>> -> memref<100xi32, #tpu.memory_space<vmem>>
    %dma_start3A_527 = arith.constant 0 : i32
    %dma_start3A_528 = arith.constant 0 : i32
    %dma_start3A_529 = tpu.memref_slice %arg7[%dma_start3A_527, %dma_start3A_528] : memref<10240x64xf32, #tpu.memory_space<vmem_shared>> -> memref<10240x64xf32, #tpu.memory_space<vmem_shared>>
    %dma_start3A_530 = tpu.memref_slice %arg12[%dma_start3A_519] : memref<10x!tpu.dma_semaphore, #tpu.memory_space<semaphore_mem>> -> memref<1x!tpu.dma_semaphore, #tpu.memory_space<semaphore_mem>>
    %dma_start3A_531 = tpu.memref_squeeze %dma_start3A_530 : memref<1x!tpu.dma_semaphore, #tpu.memory_space<semaphore_mem>> -> memref<!tpu.dma_semaphore, #tpu.memory_space<semaphore_mem>>
    tpu.enqueue_indirect_dma source(%dma_start3A_523 : memref<100x64xf32, #tpu.memory_space<vmem>>) target(%dma_start3A_529 : memref<10240x64xf32, #tpu.memory_space<vmem_shared>>) offsets(%dma_start3A_526 : memref<100xi32, #tpu.memory_space<vmem>>) semaphore(%dma_start3A_531 : memref<!tpu.dma_semaphore, #tpu.memory_space<semaphore_mem>>) {add = true}
    %dma_wait3A_532 = arith.constant 5 : i32
    %dma_wait3A_533 = arith.constant 95 : i32
    %dma_wait3A_534 = arith.constant 5 : i32
    %dma_wait3A_535 = arith.constant 0 : i32
    %dma_wait3A_536 = arith.constant 0 : i32
    %dma_wait3A_537 = tpu.memref_slice %arg10[%dma_wait3A_532, %dma_wait3A_535, %dma_wait3A_536] : memref<10x100x64xf32, #tpu.memory_space<vmem>> -> memref<1x100x64xf32, #tpu.memory_space<vmem>>
    %dma_wait3A_538 = tpu.memref_squeeze %dma_wait3A_537 : memref<1x100x64xf32, #tpu.memory_space<vmem>> -> memref<100x64xf32, #tpu.memory_space<vmem>>
    %dma_wait3A_539 = arith.constant 0 : i32
    %dma_wait3A_540 = tpu.memref_slice %arg9[%dma_wait3A_533, %dma_wait3A_539] : memref<100x100xi32, #tpu.memory_space<vmem>> -> memref<1x100xi32, #tpu.memory_space<vmem>>
    %dma_wait3A_541 = tpu.memref_squeeze %dma_wait3A_540 : memref<1x100xi32, #tpu.memory_space<vmem>> -> memref<100xi32, #tpu.memory_space<vmem>>
    %dma_wait3A_542 = arith.constant 0 : i32
    %dma_wait3A_543 = arith.constant 0 : i32
    %dma_wait3A_544 = tpu.memref_slice %arg7[%dma_wait3A_542, %dma_wait3A_543] : memref<10240x64xf32, #tpu.memory_space<vmem_shared>> -> memref<10240x64xf32, #tpu.memory_space<vmem_shared>>
    %dma_wait3A_545 = tpu.memref_slice %arg12[%dma_wait3A_534] : memref<10x!tpu.dma_semaphore, #tpu.memory_space<semaphore_mem>> -> memref<1x!tpu.dma_semaphore, #tpu.memory_space<semaphore_mem>>
    %dma_wait3A_546 = tpu.memref_squeeze %dma_wait3A_545 : memref<1x!tpu.dma_semaphore, #tpu.memory_space<semaphore_mem>> -> memref<!tpu.dma_semaphore, #tpu.memory_space<semaphore_mem>>
    tpu.wait_indirect_dma semaphore(%dma_wait3A_546 : memref<!tpu.dma_semaphore, #tpu.memory_space<semaphore_mem>>) src(%dma_wait3A_538 : memref<100x64xf32, #tpu.memory_space<vmem>>) dst(%dma_wait3A_544 : memref<10240x64xf32, #tpu.memory_space<vmem_shared>>)
    %dma_wait3A_547 = arith.constant 6 : i32
    %dma_wait3A_548 = arith.constant 96 : i32
    %dma_wait3A_549 = arith.constant 6 : i32
    %dma_wait3A_550 = arith.constant 0 : i32
    %dma_wait3A_551 = arith.constant 0 : i32
    %dma_wait3A_552 = tpu.memref_slice %arg10[%dma_wait3A_547, %dma_wait3A_550, %dma_wait3A_551] : memref<10x100x64xf32, #tpu.memory_space<vmem>> -> memref<1x100x64xf32, #tpu.memory_space<vmem>>
    %dma_wait3A_553 = tpu.memref_squeeze %dma_wait3A_552 : memref<1x100x64xf32, #tpu.memory_space<vmem>> -> memref<100x64xf32, #tpu.memory_space<vmem>>
    %dma_wait3A_554 = arith.constant 0 : i32
    %dma_wait3A_555 = tpu.memref_slice %arg9[%dma_wait3A_548, %dma_wait3A_554] : memref<100x100xi32, #tpu.memory_space<vmem>> -> memref<1x100xi32, #tpu.memory_space<vmem>>
    %dma_wait3A_556 = tpu.memref_squeeze %dma_wait3A_555 : memref<1x100xi32, #tpu.memory_space<vmem>> -> memref<100xi32, #tpu.memory_space<vmem>>
    %dma_wait3A_557 = arith.constant 0 : i32
    %dma_wait3A_558 = arith.constant 0 : i32
    %dma_wait3A_559 = tpu.memref_slice %arg7[%dma_wait3A_557, %dma_wait3A_558] : memref<10240x64xf32, #tpu.memory_space<vmem_shared>> -> memref<10240x64xf32, #tpu.memory_space<vmem_shared>>
    %dma_wait3A_560 = tpu.memref_slice %arg12[%dma_wait3A_549] : memref<10x!tpu.dma_semaphore, #tpu.memory_space<semaphore_mem>> -> memref<1x!tpu.dma_semaphore, #tpu.memory_space<semaphore_mem>>
    %dma_wait3A_561 = tpu.memref_squeeze %dma_wait3A_560 : memref<1x!tpu.dma_semaphore, #tpu.memory_space<semaphore_mem>> -> memref<!tpu.dma_semaphore, #tpu.memory_space<semaphore_mem>>
    tpu.wait_indirect_dma semaphore(%dma_wait3A_561 : memref<!tpu.dma_semaphore, #tpu.memory_space<semaphore_mem>>) src(%dma_wait3A_553 : memref<100x64xf32, #tpu.memory_space<vmem>>) dst(%dma_wait3A_559 : memref<10240x64xf32, #tpu.memory_space<vmem_shared>>)
    %dma_wait3A_562 = arith.constant 7 : i32
    %dma_wait3A_563 = arith.constant 97 : i32
    %dma_wait3A_564 = arith.constant 7 : i32
    %dma_wait3A_565 = arith.constant 0 : i32
    %dma_wait3A_566 = arith.constant 0 : i32
    %dma_wait3A_567 = tpu.memref_slice %arg10[%dma_wait3A_562, %dma_wait3A_565, %dma_wait3A_566] : memref<10x100x64xf32, #tpu.memory_space<vmem>> -> memref<1x100x64xf32, #tpu.memory_space<vmem>>
    %dma_wait3A_568 = tpu.memref_squeeze %dma_wait3A_567 : memref<1x100x64xf32, #tpu.memory_space<vmem>> -> memref<100x64xf32, #tpu.memory_space<vmem>>
    %dma_wait3A_569 = arith.constant 0 : i32
    %dma_wait3A_570 = tpu.memref_slice %arg9[%dma_wait3A_563, %dma_wait3A_569] : memref<100x100xi32, #tpu.memory_space<vmem>> -> memref<1x100xi32, #tpu.memory_space<vmem>>
    %dma_wait3A_571 = tpu.memref_squeeze %dma_wait3A_570 : memref<1x100xi32, #tpu.memory_space<vmem>> -> memref<100xi32, #tpu.memory_space<vmem>>
    %dma_wait3A_572 = arith.constant 0 : i32
    %dma_wait3A_573 = arith.constant 0 : i32
    %dma_wait3A_574 = tpu.memref_slice %arg7[%dma_wait3A_572, %dma_wait3A_573] : memref<10240x64xf32, #tpu.memory_space<vmem_shared>> -> memref<10240x64xf32, #tpu.memory_space<vmem_shared>>
    %dma_wait3A_575 = tpu.memref_slice %arg12[%dma_wait3A_564] : memref<10x!tpu.dma_semaphore, #tpu.memory_space<semaphore_mem>> -> memref<1x!tpu.dma_semaphore, #tpu.memory_space<semaphore_mem>>
    %dma_wait3A_576 = tpu.memref_squeeze %dma_wait3A_575 : memref<1x!tpu.dma_semaphore, #tpu.memory_space<semaphore_mem>> -> memref<!tpu.dma_semaphore, #tpu.memory_space<semaphore_mem>>
    tpu.wait_indirect_dma semaphore(%dma_wait3A_576 : memref<!tpu.dma_semaphore, #tpu.memory_space<semaphore_mem>>) src(%dma_wait3A_568 : memref<100x64xf32, #tpu.memory_space<vmem>>) dst(%dma_wait3A_574 : memref<10240x64xf32, #tpu.memory_space<vmem_shared>>)
    %dma_wait3A_577 = arith.constant 8 : i32
    %dma_wait3A_578 = arith.constant 98 : i32
    %dma_wait3A_579 = arith.constant 8 : i32
    %dma_wait3A_580 = arith.constant 0 : i32
    %dma_wait3A_581 = arith.constant 0 : i32
    %dma_wait3A_582 = tpu.memref_slice %arg10[%dma_wait3A_577, %dma_wait3A_580, %dma_wait3A_581] : memref<10x100x64xf32, #tpu.memory_space<vmem>> -> memref<1x100x64xf32, #tpu.memory_space<vmem>>
    %dma_wait3A_583 = tpu.memref_squeeze %dma_wait3A_582 : memref<1x100x64xf32, #tpu.memory_space<vmem>> -> memref<100x64xf32, #tpu.memory_space<vmem>>
    %dma_wait3A_584 = arith.constant 0 : i32
    %dma_wait3A_585 = tpu.memref_slice %arg9[%dma_wait3A_578, %dma_wait3A_584] : memref<100x100xi32, #tpu.memory_space<vmem>> -> memref<1x100xi32, #tpu.memory_space<vmem>>
    %dma_wait3A_586 = tpu.memref_squeeze %dma_wait3A_585 : memref<1x100xi32, #tpu.memory_space<vmem>> -> memref<100xi32, #tpu.memory_space<vmem>>
    %dma_wait3A_587 = arith.constant 0 : i32
    %dma_wait3A_588 = arith.constant 0 : i32
    %dma_wait3A_589 = tpu.memref_slice %arg7[%dma_wait3A_587, %dma_wait3A_588] : memref<10240x64xf32, #tpu.memory_space<vmem_shared>> -> memref<10240x64xf32, #tpu.memory_space<vmem_shared>>
    %dma_wait3A_590 = tpu.memref_slice %arg12[%dma_wait3A_579] : memref<10x!tpu.dma_semaphore, #tpu.memory_space<semaphore_mem>> -> memref<1x!tpu.dma_semaphore, #tpu.memory_space<semaphore_mem>>
    %dma_wait3A_591 = tpu.memref_squeeze %dma_wait3A_590 : memref<1x!tpu.dma_semaphore, #tpu.memory_space<semaphore_mem>> -> memref<!tpu.dma_semaphore, #tpu.memory_space<semaphore_mem>>
    tpu.wait_indirect_dma semaphore(%dma_wait3A_591 : memref<!tpu.dma_semaphore, #tpu.memory_space<semaphore_mem>>) src(%dma_wait3A_583 : memref<100x64xf32, #tpu.memory_space<vmem>>) dst(%dma_wait3A_589 : memref<10240x64xf32, #tpu.memory_space<vmem_shared>>)
    %dma_wait3A_592 = arith.constant 9 : i32
    %dma_wait3A_593 = arith.constant 99 : i32
    %dma_wait3A_594 = arith.constant 9 : i32
    %dma_wait3A_595 = arith.constant 0 : i32
    %dma_wait3A_596 = arith.constant 0 : i32
    %dma_wait3A_597 = tpu.memref_slice %arg10[%dma_wait3A_592, %dma_wait3A_595, %dma_wait3A_596] : memref<10x100x64xf32, #tpu.memory_space<vmem>> -> memref<1x100x64xf32, #tpu.memory_space<vmem>>
    %dma_wait3A_598 = tpu.memref_squeeze %dma_wait3A_597 : memref<1x100x64xf32, #tpu.memory_space<vmem>> -> memref<100x64xf32, #tpu.memory_space<vmem>>
    %dma_wait3A_599 = arith.constant 0 : i32
    %dma_wait3A_600 = tpu.memref_slice %arg9[%dma_wait3A_593, %dma_wait3A_599] : memref<100x100xi32, #tpu.memory_space<vmem>> -> memref<1x100xi32, #tpu.memory_space<vmem>>
    %dma_wait3A_601 = tpu.memref_squeeze %dma_wait3A_600 : memref<1x100xi32, #tpu.memory_space<vmem>> -> memref<100xi32, #tpu.memory_space<vmem>>
    %dma_wait3A_602 = arith.constant 0 : i32
    %dma_wait3A_603 = arith.constant 0 : i32
    %dma_wait3A_604 = tpu.memref_slice %arg7[%dma_wait3A_602, %dma_wait3A_603] : memref<10240x64xf32, #tpu.memory_space<vmem_shared>> -> memref<10240x64xf32, #tpu.memory_space<vmem_shared>>
    %dma_wait3A_605 = tpu.memref_slice %arg12[%dma_wait3A_594] : memref<10x!tpu.dma_semaphore, #tpu.memory_space<semaphore_mem>> -> memref<1x!tpu.dma_semaphore, #tpu.memory_space<semaphore_mem>>
    %dma_wait3A_606 = tpu.memref_squeeze %dma_wait3A_605 : memref<1x!tpu.dma_semaphore, #tpu.memory_space<semaphore_mem>> -> memref<!tpu.dma_semaphore, #tpu.memory_space<semaphore_mem>>
    tpu.wait_indirect_dma semaphore(%dma_wait3A_606 : memref<!tpu.dma_semaphore, #tpu.memory_space<semaphore_mem>>) src(%dma_wait3A_598 : memref<100x64xf32, #tpu.memory_space<vmem>>) dst(%dma_wait3A_604 : memref<10240x64xf32, #tpu.memory_space<vmem_shared>>)
    %barrier3A_607 = arith.constant 0 : index
    tpu.barrier barrier_id(%barrier3A_607)
    %mul3A_608 = arith.constant 640 : i32
    %mul3A_609 = arith.muli %arg1, %mul3A_608 : i32
    %mul3A_610 = arith.constant 10240 : i32
    %mul3A_611 = arith.muli %arg0, %mul3A_610 : i32
    %mul3A_612 = arith.constant 640 : i32
    %mul3A_613 = arith.muli %arg1, %mul3A_612 : i32
    %add3A_614 = arith.addi %mul3A_611, %mul3A_613 : i32
    "tpu.region"() ({
      %run_scoped3A = tpu.sem_alloc : memref<!tpu.dma_semaphore, #tpu.memory_space<semaphore_mem>>
      %dma_start3A_615 = arith.constant 0 : i32
      %dma_start3A_616 = tpu.memref_slice %arg6[%add3A_614, %dma_start3A_615] : memref<20480x64xf32, #tpu.memory_space<hbm>> -> memref<640x64xf32, #tpu.memory_space<hbm>>
      %dma_start3A_617 = arith.constant 0 : i32
      %dma_start3A_618 = tpu.memref_slice %arg7[%mul3A_609, %dma_start3A_617] : memref<10240x64xf32, #tpu.memory_space<vmem_shared>> -> memref<640x64xf32, #tpu.memory_space<vmem_shared>>
      tpu.enqueue_dma source(%dma_start3A_618 : memref<640x64xf32, #tpu.memory_space<vmem_shared>>) target(%dma_start3A_616 : memref<640x64xf32, #tpu.memory_space<hbm>>) target_semaphore(%run_scoped3A : memref<!tpu.dma_semaphore, #tpu.memory_space<semaphore_mem>>)
      %dma_wait3A_619 = arith.constant 0 : i32
      %dma_wait3A_620 = tpu.memref_slice %arg6[%add3A_614, %dma_wait3A_619] : memref<20480x64xf32, #tpu.memory_space<hbm>> -> memref<640x64xf32, #tpu.memory_space<hbm>>
      %dma_wait3A_621 = arith.constant 0 : i32
      %dma_wait3A_622 = tpu.memref_slice %arg7[%mul3A_609, %dma_wait3A_621] : memref<10240x64xf32, #tpu.memory_space<vmem_shared>> -> memref<640x64xf32, #tpu.memory_space<vmem_shared>>
      tpu.wait_dma2 semaphore(%run_scoped3A : memref<!tpu.dma_semaphore, #tpu.memory_space<semaphore_mem>>) src(%dma_wait3A_622 : memref<640x64xf32, #tpu.memory_space<vmem_shared>>) dst(%dma_wait3A_620 : memref<640x64xf32, #tpu.memory_space<hbm>>)
      tpu.yield
    }) : () -> ()
    return
  }
}

#map = affine_map<(d0, d1) -> (0, 0)>
#map1 = affine_map<(d0, d1) -> (0, 0, 0)>
module attributes {stable_mosaic.version = 14 : i64} {
  func.func @k(%arg0: i32, %arg1: i32, %arg2: memref<10000x64xf32, #tpu.memory_space<hbm>>, %arg3: memref<32x100x100xi32, #tpu.memory_space<hbm>>, %arg4: memref<32x100x100xi32, #tpu.memory_space<hbm>>, %arg5: memref<10240x64xf32, #tpu.memory_space<hbm>>, %arg6: memref<20480x64xf32, #tpu.memory_space<hbm>>, %arg7: memref<10240x64xf32, #tpu.memory_space<vmem_shared>>, %arg8: memref<100x100xi32, #tpu.memory_space<vmem>>, %arg9: memref<100x100xi32, #tpu.memory_space<vmem>>, %arg10: memref<10x100x64xf32, #tpu.memory_space<vmem>>, %arg11: memref<10x!tpu.dma_semaphore, #tpu.memory_space<semaphore_mem>>, %arg12: memref<10x!tpu.dma_semaphore, #tpu.memory_space<semaphore_mem>>) attributes {dimension_semantics = [#tpu.dimension_semantics<core_parallel>, #tpu.dimension_semantics<subcore_parallel>], iteration_bounds = array<i64: 2, 16>, scalar_prefetch = 0 : i64, scratch_operands = 6 : i64, tpu.core_type = #tpu.core_type<sc_vector_subcore>, window_params = [{transform_indices = #map}, {transform_indices = #map1}, {transform_indices = #map1}, {transform_indices = #map}, {transform_indices = #map}]} {
    %mul3A = arith.constant 640 : i32
    %mul3A_0 = arith.muli %arg1, %mul3A : i32
    %mul3A_1 = arith.constant 640 : i32
    %mul3A_2 = arith.muli %arg1, %mul3A_1 : i32
    "tpu.region"() ({
      %run_scoped3A = tpu.sem_alloc : memref<!tpu.dma_semaphore, #tpu.memory_space<semaphore_mem>>
      %dma_start3A_615 = arith.constant 0 : i32
      %dma_start3A_616 = tpu.memref_slice %arg7[%mul3A_2, %dma_start3A_615] : memref<10240x64xf32, #tpu.memory_space<vmem_shared>> -> memref<640x64xf32, #tpu.memory_space<vmem_shared>>
      %dma_start3A_617 = arith.constant 0 : i32
      %dma_start3A_618 = tpu.memref_slice %arg5[%mul3A_0, %dma_start3A_617] : memref<10240x64xf32, #tpu.memory_space<hbm>> -> memref<640x64xf32, #tpu.memory_space<hbm>>
      tpu.enqueue_dma source(%dma_start3A_618 : memref<640x64xf32, #tpu.memory_space<hbm>>) target(%dma_start3A_616 : memref<640x64xf32, #tpu.memory_space<vmem_shared>>) target_semaphore(%run_scoped3A : memref<!tpu.dma_semaphore, #tpu.memory_space<semaphore_mem>>)
      %dma_wait3A_619 = arith.constant 0 : i32
      %dma_wait3A_620 = tpu.memref_slice %arg7[%mul3A_2, %dma_wait3A_619] : memref<10240x64xf32, #tpu.memory_space<vmem_shared>> -> memref<640x64xf32, #tpu.memory_space<vmem_shared>>
      %dma_wait3A_621 = arith.constant 0 : i32
      %dma_wait3A_622 = tpu.memref_slice %arg5[%mul3A_0, %dma_wait3A_621] : memref<10240x64xf32, #tpu.memory_space<hbm>> -> memref<640x64xf32, #tpu.memory_space<hbm>>
      tpu.wait_dma2 semaphore(%run_scoped3A : memref<!tpu.dma_semaphore, #tpu.memory_space<semaphore_mem>>) src(%dma_wait3A_622 : memref<640x64xf32, #tpu.memory_space<hbm>>) dst(%dma_wait3A_620 : memref<640x64xf32, #tpu.memory_space<vmem_shared>>)
      tpu.yield
    }) : () -> ()
    %mul3A_3 = arith.constant 16 : i32
    %mul3A_4 = arith.muli %arg0, %mul3A_3 : i32
    %add3A = arith.addi %mul3A_4, %arg1 : i32
    "tpu.region"() ({
      %run_scoped3A = tpu.sem_alloc : memref<!tpu.dma_semaphore, #tpu.memory_space<semaphore_mem>>
      %dma_start3A_615 = arith.constant 0 : i32
      %dma_start3A_616 = arith.constant 0 : i32
      %dma_start3A_617 = tpu.memref_slice %arg3[%add3A, %dma_start3A_615, %dma_start3A_616] : memref<32x100x100xi32, #tpu.memory_space<hbm>> -> memref<1x100x100xi32, #tpu.memory_space<hbm>>
      %dma_start3A_618 = tpu.memref_squeeze %dma_start3A_617 : memref<1x100x100xi32, #tpu.memory_space<hbm>> -> memref<100x100xi32, #tpu.memory_space<hbm>>
      %dma_start3A_619 = arith.constant 0 : i32
      %dma_start3A_620 = arith.constant 0 : i32
      %dma_start3A_621 = tpu.memref_slice %arg3[%add3A, %dma_start3A_619, %dma_start3A_620] : memref<32x100x100xi32, #tpu.memory_space<hbm>> -> memref<1x100x100xi32, #tpu.memory_space<hbm>>
      %dma_start3A_622 = tpu.memref_squeeze %dma_start3A_621 : memref<1x100x100xi32, #tpu.memory_space<hbm>> -> memref<100x100xi32, #tpu.memory_space<hbm>>
      tpu.enqueue_dma source(%dma_start3A_622 : memref<100x100xi32, #tpu.memory_space<hbm>>) target(%arg8 : memref<100x100xi32, #tpu.memory_space<vmem>>) target_semaphore(%run_scoped3A : memref<!tpu.dma_semaphore, #tpu.memory_space<semaphore_mem>>)
      %dma_wait3A_623 = arith.constant 0 : i32
      %dma_wait3A_624 = arith.constant 0 : i32
      %dma_wait3A_625 = tpu.memref_slice %arg3[%add3A, %dma_wait3A_623, %dma_wait3A_624] : memref<32x100x100xi32, #tpu.memory_space<hbm>> -> memref<1x100x100xi32, #tpu.memory_space<hbm>>
      %dma_wait3A_626 = tpu.memref_squeeze %dma_wait3A_625 : memref<1x100x100xi32, #tpu.memory_space<hbm>> -> memref<100x100xi32, #tpu.memory_space<hbm>>
      %dma_wait3A_627 = arith.constant 0 : i32
      %dma_wait3A_628 = arith.constant 0 : i32
      %dma_wait3A_629 = tpu.memref_slice %arg3[%add3A, %dma_wait3A_627, %dma_wait3A_628] : memref<32x100x100xi32, #tpu.memory_space<hbm>> -> memref<1x100x100xi32, #tpu.memory_space<hbm>>
      %dma_wait3A_630 = tpu.memref_squeeze %dma_wait3A_629 : memref<1x100x100xi32, #tpu.memory_space<hbm>> -> memref<100x100xi32, #tpu.memory_space<hbm>>
      tpu.wait_dma2 semaphore(%run_scoped3A : memref<!tpu.dma_semaphore, #tpu.memory_space<semaphore_mem>>) src(%dma_wait3A_630 : memref<100x100xi32, #tpu.memory_space<hbm>>) dst(%arg8 : memref<100x100xi32, #tpu.memory_space<vmem>>)
      tpu.yield
    }) : () -> ()
    "tpu.region"() ({
      %run_scoped3A = tpu.sem_alloc : memref<!tpu.dma_semaphore, #tpu.memory_space<semaphore_mem>>
      %dma_start3A_615 = arith.constant 0 : i32
      %dma_start3A_616 = arith.constant 0 : i32
      %dma_start3A_617 = tpu.memref_slice %arg4[%add3A, %dma_start3A_615, %dma_start3A_616] : memref<32x100x100xi32, #tpu.memory_space<hbm>> -> memref<1x100x100xi32, #tpu.memory_space<hbm>>
      %dma_start3A_618 = tpu.memref_squeeze %dma_start3A_617 : memref<1x100x100xi32, #tpu.memory_space<hbm>> -> memref<100x100xi32, #tpu.memory_space<hbm>>
      %dma_start3A_619 = arith.constant 0 : i32
      %dma_start3A_620 = arith.constant 0 : i32
      %dma_start3A_621 = tpu.memref_slice %arg4[%add3A, %dma_start3A_619, %dma_start3A_620] : memref<32x100x100xi32, #tpu.memory_space<hbm>> -> memref<1x100x100xi32, #tpu.memory_space<hbm>>
      %dma_start3A_622 = tpu.memref_squeeze %dma_start3A_621 : memref<1x100x100xi32, #tpu.memory_space<hbm>> -> memref<100x100xi32, #tpu.memory_space<hbm>>
      tpu.enqueue_dma source(%dma_start3A_622 : memref<100x100xi32, #tpu.memory_space<hbm>>) target(%arg9 : memref<100x100xi32, #tpu.memory_space<vmem>>) target_semaphore(%run_scoped3A : memref<!tpu.dma_semaphore, #tpu.memory_space<semaphore_mem>>)
      %dma_wait3A_623 = arith.constant 0 : i32
      %dma_wait3A_624 = arith.constant 0 : i32
      %dma_wait3A_625 = tpu.memref_slice %arg4[%add3A, %dma_wait3A_623, %dma_wait3A_624] : memref<32x100x100xi32, #tpu.memory_space<hbm>> -> memref<1x100x100xi32, #tpu.memory_space<hbm>>
      %dma_wait3A_626 = tpu.memref_squeeze %dma_wait3A_625 : memref<1x100x100xi32, #tpu.memory_space<hbm>> -> memref<100x100xi32, #tpu.memory_space<hbm>>
      %dma_wait3A_627 = arith.constant 0 : i32
      %dma_wait3A_628 = arith.constant 0 : i32
      %dma_wait3A_629 = tpu.memref_slice %arg4[%add3A, %dma_wait3A_627, %dma_wait3A_628] : memref<32x100x100xi32, #tpu.memory_space<hbm>> -> memref<1x100x100xi32, #tpu.memory_space<hbm>>
      %dma_wait3A_630 = tpu.memref_squeeze %dma_wait3A_629 : memref<1x100x100xi32, #tpu.memory_space<hbm>> -> memref<100x100xi32, #tpu.memory_space<hbm>>
      tpu.wait_dma2 semaphore(%run_scoped3A : memref<!tpu.dma_semaphore, #tpu.memory_space<semaphore_mem>>) src(%dma_wait3A_630 : memref<100x100xi32, #tpu.memory_space<hbm>>) dst(%arg9 : memref<100x100xi32, #tpu.memory_space<vmem>>)
      tpu.yield
    }) : () -> ()
    %barrier3A = arith.constant 0 : index
    tpu.barrier barrier_id(%barrier3A)
    %dma_start3A = arith.constant 0 : i32
    %dma_start3A_5 = arith.constant 0 : i32
    %dma_start3A_6 = arith.constant 0 : i32
    %dma_start3A_7 = arith.constant 0 : i32
    %dma_start3A_8 = arith.constant 0 : i32
    %dma_start3A_9 = tpu.memref_slice %arg10[%dma_start3A_5, %dma_start3A_7, %dma_start3A_8] : memref<10x100x64xf32, #tpu.memory_space<vmem>> -> memref<1x100x64xf32, #tpu.memory_space<vmem>>
    %dma_start3A_10 = tpu.memref_squeeze %dma_start3A_9 : memref<1x100x64xf32, #tpu.memory_space<vmem>> -> memref<100x64xf32, #tpu.memory_space<vmem>>
    %dma_start3A_11 = arith.constant 0 : i32
    %dma_start3A_12 = tpu.memref_slice %arg8[%dma_start3A, %dma_start3A_11] : memref<100x100xi32, #tpu.memory_space<vmem>> -> memref<1x100xi32, #tpu.memory_space<vmem>>
    %dma_start3A_13 = tpu.memref_squeeze %dma_start3A_12 : memref<1x100xi32, #tpu.memory_space<vmem>> -> memref<100xi32, #tpu.memory_space<vmem>>
    %dma_start3A_14 = arith.constant 0 : i32
    %dma_start3A_15 = arith.constant 0 : i32
    %dma_start3A_16 = tpu.memref_slice %arg2[%dma_start3A_14, %dma_start3A_15] : memref<10000x64xf32, #tpu.memory_space<hbm>> -> memref<10000x64xf32, #tpu.memory_space<hbm>>
    %dma_start3A_17 = tpu.memref_slice %arg11[%dma_start3A_6] : memref<10x!tpu.dma_semaphore, #tpu.memory_space<semaphore_mem>> -> memref<1x!tpu.dma_semaphore, #tpu.memory_space<semaphore_mem>>
    %dma_start3A_18 = tpu.memref_squeeze %dma_start3A_17 : memref<1x!tpu.dma_semaphore, #tpu.memory_space<semaphore_mem>> -> memref<!tpu.dma_semaphore, #tpu.memory_space<semaphore_mem>>
    tpu.enqueue_indirect_dma source(%dma_start3A_16 : memref<10000x64xf32, #tpu.memory_space<hbm>>) target(%dma_start3A_10 : memref<100x64xf32, #tpu.memory_space<vmem>>) offsets(%dma_start3A_13 : memref<100xi32, #tpu.memory_space<vmem>>) semaphore(%dma_start3A_18 : memref<!tpu.dma_semaphore, #tpu.memory_space<semaphore_mem>>)
    %dma_start3A_19 = arith.constant 1 : i32
    %dma_start3A_20 = arith.constant 1 : i32
    %dma_start3A_21 = arith.constant 1 : i32
    %dma_start3A_22 = arith.constant 0 : i32
    %dma_start3A_23 = arith.constant 0 : i32
    %dma_start3A_24 = tpu.memref_slice %arg10[%dma_start3A_20, %dma_start3A_22, %dma_start3A_23] : memref<10x100x64xf32, #tpu.memory_space<vmem>> -> memref<1x100x64xf32, #tpu.memory_space<vmem>>
    %dma_start3A_25 = tpu.memref_squeeze %dma_start3A_24 : memref<1x100x64xf32, #tpu.memory_space<vmem>> -> memref<100x64xf32, #tpu.memory_space<vmem>>
    %dma_start3A_26 = arith.constant 0 : i32
    %dma_start3A_27 = tpu.memref_slice %arg8[%dma_start3A_19, %dma_start3A_26] : memref<100x100xi32, #tpu.memory_space<vmem>> -> memref<1x100xi32, #tpu.memory_space<vmem>>
    %dma_start3A_28 = tpu.memref_squeeze %dma_start3A_27 : memref<1x100xi32, #tpu.memory_space<vmem>> -> memref<100xi32, #tpu.memory_space<vmem>>
    %dma_start3A_29 = arith.constant 0 : i32
    %dma_start3A_30 = arith.constant 0 : i32
    %dma_start3A_31 = tpu.memref_slice %arg2[%dma_start3A_29, %dma_start3A_30] : memref<10000x64xf32, #tpu.memory_space<hbm>> -> memref<10000x64xf32, #tpu.memory_space<hbm>>
    %dma_start3A_32 = tpu.memref_slice %arg11[%dma_start3A_21] : memref<10x!tpu.dma_semaphore, #tpu.memory_space<semaphore_mem>> -> memref<1x!tpu.dma_semaphore, #tpu.memory_space<semaphore_mem>>
    %dma_start3A_33 = tpu.memref_squeeze %dma_start3A_32 : memref<1x!tpu.dma_semaphore, #tpu.memory_space<semaphore_mem>> -> memref<!tpu.dma_semaphore, #tpu.memory_space<semaphore_mem>>
    tpu.enqueue_indirect_dma source(%dma_start3A_31 : memref<10000x64xf32, #tpu.memory_space<hbm>>) target(%dma_start3A_25 : memref<100x64xf32, #tpu.memory_space<vmem>>) offsets(%dma_start3A_28 : memref<100xi32, #tpu.memory_space<vmem>>) semaphore(%dma_start3A_33 : memref<!tpu.dma_semaphore, #tpu.memory_space<semaphore_mem>>)
    %dma_start3A_34 = arith.constant 2 : i32
    %dma_start3A_35 = arith.constant 2 : i32
    %dma_start3A_36 = arith.constant 2 : i32
    %dma_start3A_37 = arith.constant 0 : i32
    %dma_start3A_38 = arith.constant 0 : i32
    %dma_start3A_39 = tpu.memref_slice %arg10[%dma_start3A_35, %dma_start3A_37, %dma_start3A_38] : memref<10x100x64xf32, #tpu.memory_space<vmem>> -> memref<1x100x64xf32, #tpu.memory_space<vmem>>
    %dma_start3A_40 = tpu.memref_squeeze %dma_start3A_39 : memref<1x100x64xf32, #tpu.memory_space<vmem>> -> memref<100x64xf32, #tpu.memory_space<vmem>>
    %dma_start3A_41 = arith.constant 0 : i32
    %dma_start3A_42 = tpu.memref_slice %arg8[%dma_start3A_34, %dma_start3A_41] : memref<100x100xi32, #tpu.memory_space<vmem>> -> memref<1x100xi32, #tpu.memory_space<vmem>>
    %dma_start3A_43 = tpu.memref_squeeze %dma_start3A_42 : memref<1x100xi32, #tpu.memory_space<vmem>> -> memref<100xi32, #tpu.memory_space<vmem>>
    %dma_start3A_44 = arith.constant 0 : i32
    %dma_start3A_45 = arith.constant 0 : i32
    %dma_start3A_46 = tpu.memref_slice %arg2[%dma_start3A_44, %dma_start3A_45] : memref<10000x64xf32, #tpu.memory_space<hbm>> -> memref<10000x64xf32, #tpu.memory_space<hbm>>
    %dma_start3A_47 = tpu.memref_slice %arg11[%dma_start3A_36] : memref<10x!tpu.dma_semaphore, #tpu.memory_space<semaphore_mem>> -> memref<1x!tpu.dma_semaphore, #tpu.memory_space<semaphore_mem>>
    %dma_start3A_48 = tpu.memref_squeeze %dma_start3A_47 : memref<1x!tpu.dma_semaphore, #tpu.memory_space<semaphore_mem>> -> memref<!tpu.dma_semaphore, #tpu.memory_space<semaphore_mem>>
    tpu.enqueue_indirect_dma source(%dma_start3A_46 : memref<10000x64xf32, #tpu.memory_space<hbm>>) target(%dma_start3A_40 : memref<100x64xf32, #tpu.memory_space<vmem>>) offsets(%dma_start3A_43 : memref<100xi32, #tpu.memory_space<vmem>>) semaphore(%dma_start3A_48 : memref<!tpu.dma_semaphore, #tpu.memory_space<semaphore_mem>>)
    %dma_start3A_49 = arith.constant 3 : i32
    %dma_start3A_50 = arith.constant 3 : i32
    %dma_start3A_51 = arith.constant 3 : i32
    %dma_start3A_52 = arith.constant 0 : i32
    %dma_start3A_53 = arith.constant 0 : i32
    %dma_start3A_54 = tpu.memref_slice %arg10[%dma_start3A_50, %dma_start3A_52, %dma_start3A_53] : memref<10x100x64xf32, #tpu.memory_space<vmem>> -> memref<1x100x64xf32, #tpu.memory_space<vmem>>
    %dma_start3A_55 = tpu.memref_squeeze %dma_start3A_54 : memref<1x100x64xf32, #tpu.memory_space<vmem>> -> memref<100x64xf32, #tpu.memory_space<vmem>>
    %dma_start3A_56 = arith.constant 0 : i32
    %dma_start3A_57 = tpu.memref_slice %arg8[%dma_start3A_49, %dma_start3A_56] : memref<100x100xi32, #tpu.memory_space<vmem>> -> memref<1x100xi32, #tpu.memory_space<vmem>>
    %dma_start3A_58 = tpu.memref_squeeze %dma_start3A_57 : memref<1x100xi32, #tpu.memory_space<vmem>> -> memref<100xi32, #tpu.memory_space<vmem>>
    %dma_start3A_59 = arith.constant 0 : i32
    %dma_start3A_60 = arith.constant 0 : i32
    %dma_start3A_61 = tpu.memref_slice %arg2[%dma_start3A_59, %dma_start3A_60] : memref<10000x64xf32, #tpu.memory_space<hbm>> -> memref<10000x64xf32, #tpu.memory_space<hbm>>
    %dma_start3A_62 = tpu.memref_slice %arg11[%dma_start3A_51] : memref<10x!tpu.dma_semaphore, #tpu.memory_space<semaphore_mem>> -> memref<1x!tpu.dma_semaphore, #tpu.memory_space<semaphore_mem>>
    %dma_start3A_63 = tpu.memref_squeeze %dma_start3A_62 : memref<1x!tpu.dma_semaphore, #tpu.memory_space<semaphore_mem>> -> memref<!tpu.dma_semaphore, #tpu.memory_space<semaphore_mem>>
    tpu.enqueue_indirect_dma source(%dma_start3A_61 : memref<10000x64xf32, #tpu.memory_space<hbm>>) target(%dma_start3A_55 : memref<100x64xf32, #tpu.memory_space<vmem>>) offsets(%dma_start3A_58 : memref<100xi32, #tpu.memory_space<vmem>>) semaphore(%dma_start3A_63 : memref<!tpu.dma_semaphore, #tpu.memory_space<semaphore_mem>>)
    %dma_start3A_64 = arith.constant 4 : i32
    %dma_start3A_65 = arith.constant 4 : i32
    %dma_start3A_66 = arith.constant 4 : i32
    %dma_start3A_67 = arith.constant 0 : i32
    %dma_start3A_68 = arith.constant 0 : i32
    %dma_start3A_69 = tpu.memref_slice %arg10[%dma_start3A_65, %dma_start3A_67, %dma_start3A_68] : memref<10x100x64xf32, #tpu.memory_space<vmem>> -> memref<1x100x64xf32, #tpu.memory_space<vmem>>
    %dma_start3A_70 = tpu.memref_squeeze %dma_start3A_69 : memref<1x100x64xf32, #tpu.memory_space<vmem>> -> memref<100x64xf32, #tpu.memory_space<vmem>>
    %dma_start3A_71 = arith.constant 0 : i32
    %dma_start3A_72 = tpu.memref_slice %arg8[%dma_start3A_64, %dma_start3A_71] : memref<100x100xi32, #tpu.memory_space<vmem>> -> memref<1x100xi32, #tpu.memory_space<vmem>>
    %dma_start3A_73 = tpu.memref_squeeze %dma_start3A_72 : memref<1x100xi32, #tpu.memory_space<vmem>> -> memref<100xi32, #tpu.memory_space<vmem>>
    %dma_start3A_74 = arith.constant 0 : i32
    %dma_start3A_75 = arith.constant 0 : i32
    %dma_start3A_76 = tpu.memref_slice %arg2[%dma_start3A_74, %dma_start3A_75] : memref<10000x64xf32, #tpu.memory_space<hbm>> -> memref<10000x64xf32, #tpu.memory_space<hbm>>
    %dma_start3A_77 = tpu.memref_slice %arg11[%dma_start3A_66] : memref<10x!tpu.dma_semaphore, #tpu.memory_space<semaphore_mem>> -> memref<1x!tpu.dma_semaphore, #tpu.memory_space<semaphore_mem>>
    %dma_start3A_78 = tpu.memref_squeeze %dma_start3A_77 : memref<1x!tpu.dma_semaphore, #tpu.memory_space<semaphore_mem>> -> memref<!tpu.dma_semaphore, #tpu.memory_space<semaphore_mem>>
    tpu.enqueue_indirect_dma source(%dma_start3A_76 : memref<10000x64xf32, #tpu.memory_space<hbm>>) target(%dma_start3A_70 : memref<100x64xf32, #tpu.memory_space<vmem>>) offsets(%dma_start3A_73 : memref<100xi32, #tpu.memory_space<vmem>>) semaphore(%dma_start3A_78 : memref<!tpu.dma_semaphore, #tpu.memory_space<semaphore_mem>>)
    %scan3A = arith.constant 0 : i32
    %scan3A_79 = arith.constant 9 : i32
    %scan3A_80 = arith.addi %scan3A, %scan3A_79 : i32
    %scan3A_81 = arith.constant 1 : i32
    scf.for %scan3A_615 = %scan3A to %scan3A_80 step %scan3A_81  : i32 {
      %mul3A_616 = arith.constant 2 : i32
      %mul3A_617 = arith.muli %scan3A_615, %mul3A_616 : i32
      %add3A_618 = arith.constant 0 : i32
      %add3A_619 = arith.addi %add3A_618, %mul3A_617 : i32
      %mul3A_620 = arith.constant 5 : i32
      %mul3A_621 = arith.muli %add3A_619, %mul3A_620 : i32
      %add3A_622 = arith.constant 0 : i32
      %add3A_623 = arith.addi %mul3A_621, %add3A_622 : i32
      %dma_wait3A_624 = arith.constant 0 : i32
      %dma_wait3A_625 = arith.constant 0 : i32
      %dma_wait3A_626 = arith.constant 0 : i32
      %dma_wait3A_627 = arith.constant 0 : i32
      %dma_wait3A_628 = tpu.memref_slice %arg10[%dma_wait3A_624, %dma_wait3A_626, %dma_wait3A_627] : memref<10x100x64xf32, #tpu.memory_space<vmem>> -> memref<1x100x64xf32, #tpu.memory_space<vmem>>
      %dma_wait3A_629 = tpu.memref_squeeze %dma_wait3A_628 : memref<1x100x64xf32, #tpu.memory_space<vmem>> -> memref<100x64xf32, #tpu.memory_space<vmem>>
      %dma_wait3A_630 = arith.constant 0 : i32
      %dma_wait3A_631 = tpu.memref_slice %arg8[%add3A_623, %dma_wait3A_630] : memref<100x100xi32, #tpu.memory_space<vmem>> -> memref<1x100xi32, #tpu.memory_space<vmem>>
      %dma_wait3A_632 = tpu.memref_squeeze %dma_wait3A_631 : memref<1x100xi32, #tpu.memory_space<vmem>> -> memref<100xi32, #tpu.memory_space<vmem>>
      %dma_wait3A_633 = arith.constant 0 : i32
      %dma_wait3A_634 = arith.constant 0 : i32
      %dma_wait3A_635 = tpu.memref_slice %arg2[%dma_wait3A_633, %dma_wait3A_634] : memref<10000x64xf32, #tpu.memory_space<hbm>> -> memref<10000x64xf32, #tpu.memory_space<hbm>>
      %dma_wait3A_636 = tpu.memref_slice %arg11[%dma_wait3A_625] : memref<10x!tpu.dma_semaphore, #tpu.memory_space<semaphore_mem>> -> memref<1x!tpu.dma_semaphore, #tpu.memory_space<semaphore_mem>>
      %dma_wait3A_637 = tpu.memref_squeeze %dma_wait3A_636 : memref<1x!tpu.dma_semaphore, #tpu.memory_space<semaphore_mem>> -> memref<!tpu.dma_semaphore, #tpu.memory_space<semaphore_mem>>
      tpu.wait_indirect_dma semaphore(%dma_wait3A_637 : memref<!tpu.dma_semaphore, #tpu.memory_space<semaphore_mem>>) src(%dma_wait3A_635 : memref<10000x64xf32, #tpu.memory_space<hbm>>) dst(%dma_wait3A_629 : memref<100x64xf32, #tpu.memory_space<vmem>>)
      %mul3A_638 = arith.constant 5 : i32
      %mul3A_639 = arith.muli %add3A_619, %mul3A_638 : i32
      %add3A_640 = arith.constant 1 : i32
      %add3A_641 = arith.addi %mul3A_639, %add3A_640 : i32
      %dma_wait3A_642 = arith.constant 1 : i32
      %dma_wait3A_643 = arith.constant 1 : i32
      %dma_wait3A_644 = arith.constant 0 : i32
      %dma_wait3A_645 = arith.constant 0 : i32
      %dma_wait3A_646 = tpu.memref_slice %arg10[%dma_wait3A_642, %dma_wait3A_644, %dma_wait3A_645] : memref<10x100x64xf32, #tpu.memory_space<vmem>> -> memref<1x100x64xf32, #tpu.memory_space<vmem>>
      %dma_wait3A_647 = tpu.memref_squeeze %dma_wait3A_646 : memref<1x100x64xf32, #tpu.memory_space<vmem>> -> memref<100x64xf32, #tpu.memory_space<vmem>>
      %dma_wait3A_648 = arith.constant 0 : i32
      %dma_wait3A_649 = tpu.memref_slice %arg8[%add3A_641, %dma_wait3A_648] : memref<100x100xi32, #tpu.memory_space<vmem>> -> memref<1x100xi32, #tpu.memory_space<vmem>>
      %dma_wait3A_650 = tpu.memref_squeeze %dma_wait3A_649 : memref<1x100xi32, #tpu.memory_space<vmem>> -> memref<100xi32, #tpu.memory_space<vmem>>
      %dma_wait3A_651 = arith.constant 0 : i32
      %dma_wait3A_652 = arith.constant 0 : i32
      %dma_wait3A_653 = tpu.memref_slice %arg2[%dma_wait3A_651, %dma_wait3A_652] : memref<10000x64xf32, #tpu.memory_space<hbm>> -> memref<10000x64xf32, #tpu.memory_space<hbm>>
      %dma_wait3A_654 = tpu.memref_slice %arg11[%dma_wait3A_643] : memref<10x!tpu.dma_semaphore, #tpu.memory_space<semaphore_mem>> -> memref<1x!tpu.dma_semaphore, #tpu.memory_space<semaphore_mem>>
      %dma_wait3A_655 = tpu.memref_squeeze %dma_wait3A_654 : memref<1x!tpu.dma_semaphore, #tpu.memory_space<semaphore_mem>> -> memref<!tpu.dma_semaphore, #tpu.memory_space<semaphore_mem>>
      tpu.wait_indirect_dma semaphore(%dma_wait3A_655 : memref<!tpu.dma_semaphore, #tpu.memory_space<semaphore_mem>>) src(%dma_wait3A_653 : memref<10000x64xf32, #tpu.memory_space<hbm>>) dst(%dma_wait3A_647 : memref<100x64xf32, #tpu.memory_space<vmem>>)
      %mul3A_656 = arith.constant 5 : i32
      %mul3A_657 = arith.muli %add3A_619, %mul3A_656 : i32
      %add3A_658 = arith.constant 2 : i32
      %add3A_659 = arith.addi %mul3A_657, %add3A_658 : i32
      %dma_wait3A_660 = arith.constant 2 : i32
      %dma_wait3A_661 = arith.constant 2 : i32
      %dma_wait3A_662 = arith.constant 0 : i32
      %dma_wait3A_663 = arith.constant 0 : i32
      %dma_wait3A_664 = tpu.memref_slice %arg10[%dma_wait3A_660, %dma_wait3A_662, %dma_wait3A_663] : memref<10x100x64xf32, #tpu.memory_space<vmem>> -> memref<1x100x64xf32, #tpu.memory_space<vmem>>
      %dma_wait3A_665 = tpu.memref_squeeze %dma_wait3A_664 : memref<1x100x64xf32, #tpu.memory_space<vmem>> -> memref<100x64xf32, #tpu.memory_space<vmem>>
      %dma_wait3A_666 = arith.constant 0 : i32
      %dma_wait3A_667 = tpu.memref_slice %arg8[%add3A_659, %dma_wait3A_666] : memref<100x100xi32, #tpu.memory_space<vmem>> -> memref<1x100xi32, #tpu.memory_space<vmem>>
      %dma_wait3A_668 = tpu.memref_squeeze %dma_wait3A_667 : memref<1x100xi32, #tpu.memory_space<vmem>> -> memref<100xi32, #tpu.memory_space<vmem>>
      %dma_wait3A_669 = arith.constant 0 : i32
      %dma_wait3A_670 = arith.constant 0 : i32
      %dma_wait3A_671 = tpu.memref_slice %arg2[%dma_wait3A_669, %dma_wait3A_670] : memref<10000x64xf32, #tpu.memory_space<hbm>> -> memref<10000x64xf32, #tpu.memory_space<hbm>>
      %dma_wait3A_672 = tpu.memref_slice %arg11[%dma_wait3A_661] : memref<10x!tpu.dma_semaphore, #tpu.memory_space<semaphore_mem>> -> memref<1x!tpu.dma_semaphore, #tpu.memory_space<semaphore_mem>>
      %dma_wait3A_673 = tpu.memref_squeeze %dma_wait3A_672 : memref<1x!tpu.dma_semaphore, #tpu.memory_space<semaphore_mem>> -> memref<!tpu.dma_semaphore, #tpu.memory_space<semaphore_mem>>
      tpu.wait_indirect_dma semaphore(%dma_wait3A_673 : memref<!tpu.dma_semaphore, #tpu.memory_space<semaphore_mem>>) src(%dma_wait3A_671 : memref<10000x64xf32, #tpu.memory_space<hbm>>) dst(%dma_wait3A_665 : memref<100x64xf32, #tpu.memory_space<vmem>>)
      %mul3A_674 = arith.constant 5 : i32
      %mul3A_675 = arith.muli %add3A_619, %mul3A_674 : i32
      %add3A_676 = arith.constant 3 : i32
      %add3A_677 = arith.addi %mul3A_675, %add3A_676 : i32
      %dma_wait3A_678 = arith.constant 3 : i32
      %dma_wait3A_679 = arith.constant 3 : i32
      %dma_wait3A_680 = arith.constant 0 : i32
      %dma_wait3A_681 = arith.constant 0 : i32
      %dma_wait3A_682 = tpu.memref_slice %arg10[%dma_wait3A_678, %dma_wait3A_680, %dma_wait3A_681] : memref<10x100x64xf32, #tpu.memory_space<vmem>> -> memref<1x100x64xf32, #tpu.memory_space<vmem>>
      %dma_wait3A_683 = tpu.memref_squeeze %dma_wait3A_682 : memref<1x100x64xf32, #tpu.memory_space<vmem>> -> memref<100x64xf32, #tpu.memory_space<vmem>>
      %dma_wait3A_684 = arith.constant 0 : i32
      %dma_wait3A_685 = tpu.memref_slice %arg8[%add3A_677, %dma_wait3A_684] : memref<100x100xi32, #tpu.memory_space<vmem>> -> memref<1x100xi32, #tpu.memory_space<vmem>>
      %dma_wait3A_686 = tpu.memref_squeeze %dma_wait3A_685 : memref<1x100xi32, #tpu.memory_space<vmem>> -> memref<100xi32, #tpu.memory_space<vmem>>
      %dma_wait3A_687 = arith.constant 0 : i32
      %dma_wait3A_688 = arith.constant 0 : i32
      %dma_wait3A_689 = tpu.memref_slice %arg2[%dma_wait3A_687, %dma_wait3A_688] : memref<10000x64xf32, #tpu.memory_space<hbm>> -> memref<10000x64xf32, #tpu.memory_space<hbm>>
      %dma_wait3A_690 = tpu.memref_slice %arg11[%dma_wait3A_679] : memref<10x!tpu.dma_semaphore, #tpu.memory_space<semaphore_mem>> -> memref<1x!tpu.dma_semaphore, #tpu.memory_space<semaphore_mem>>
      %dma_wait3A_691 = tpu.memref_squeeze %dma_wait3A_690 : memref<1x!tpu.dma_semaphore, #tpu.memory_space<semaphore_mem>> -> memref<!tpu.dma_semaphore, #tpu.memory_space<semaphore_mem>>
      tpu.wait_indirect_dma semaphore(%dma_wait3A_691 : memref<!tpu.dma_semaphore, #tpu.memory_space<semaphore_mem>>) src(%dma_wait3A_689 : memref<10000x64xf32, #tpu.memory_space<hbm>>) dst(%dma_wait3A_683 : memref<100x64xf32, #tpu.memory_space<vmem>>)
      %mul3A_692 = arith.constant 5 : i32
      %mul3A_693 = arith.muli %add3A_619, %mul3A_692 : i32
      %add3A_694 = arith.constant 4 : i32
      %add3A_695 = arith.addi %mul3A_693, %add3A_694 : i32
      %dma_wait3A_696 = arith.constant 4 : i32
      %dma_wait3A_697 = arith.constant 4 : i32
      %dma_wait3A_698 = arith.constant 0 : i32
      %dma_wait3A_699 = arith.constant 0 : i32
      %dma_wait3A_700 = tpu.memref_slice %arg10[%dma_wait3A_696, %dma_wait3A_698, %dma_wait3A_699] : memref<10x100x64xf32, #tpu.memory_space<vmem>> -> memref<1x100x64xf32, #tpu.memory_space<vmem>>
      %dma_wait3A_701 = tpu.memref_squeeze %dma_wait3A_700 : memref<1x100x64xf32, #tpu.memory_space<vmem>> -> memref<100x64xf32, #tpu.memory_space<vmem>>
      %dma_wait3A_702 = arith.constant 0 : i32
      %dma_wait3A_703 = tpu.memref_slice %arg8[%add3A_695, %dma_wait3A_702] : memref<100x100xi32, #tpu.memory_space<vmem>> -> memref<1x100xi32, #tpu.memory_space<vmem>>
      %dma_wait3A_704 = tpu.memref_squeeze %dma_wait3A_703 : memref<1x100xi32, #tpu.memory_space<vmem>> -> memref<100xi32, #tpu.memory_space<vmem>>
      %dma_wait3A_705 = arith.constant 0 : i32
      %dma_wait3A_706 = arith.constant 0 : i32
      %dma_wait3A_707 = tpu.memref_slice %arg2[%dma_wait3A_705, %dma_wait3A_706] : memref<10000x64xf32, #tpu.memory_space<hbm>> -> memref<10000x64xf32, #tpu.memory_space<hbm>>
      %dma_wait3A_708 = tpu.memref_slice %arg11[%dma_wait3A_697] : memref<10x!tpu.dma_semaphore, #tpu.memory_space<semaphore_mem>> -> memref<1x!tpu.dma_semaphore, #tpu.memory_space<semaphore_mem>>
      %dma_wait3A_709 = tpu.memref_squeeze %dma_wait3A_708 : memref<1x!tpu.dma_semaphore, #tpu.memory_space<semaphore_mem>> -> memref<!tpu.dma_semaphore, #tpu.memory_space<semaphore_mem>>
      tpu.wait_indirect_dma semaphore(%dma_wait3A_709 : memref<!tpu.dma_semaphore, #tpu.memory_space<semaphore_mem>>) src(%dma_wait3A_707 : memref<10000x64xf32, #tpu.memory_space<hbm>>) dst(%dma_wait3A_701 : memref<100x64xf32, #tpu.memory_space<vmem>>)
      %mul3A_710 = arith.constant 5 : i32
      %mul3A_711 = arith.muli %add3A_619, %mul3A_710 : i32
      %add3A_712 = arith.constant 0 : i32
      %add3A_713 = arith.addi %mul3A_711, %add3A_712 : i32
      %dma_start3A_714 = arith.constant 0 : i32
      %dma_start3A_715 = arith.constant 0 : i32
      %dma_start3A_716 = arith.constant 0 : i32
      %dma_start3A_717 = arith.constant 0 : i32
      %dma_start3A_718 = tpu.memref_slice %arg10[%dma_start3A_714, %dma_start3A_716, %dma_start3A_717] : memref<10x100x64xf32, #tpu.memory_space<vmem>> -> memref<1x100x64xf32, #tpu.memory_space<vmem>>
      %dma_start3A_719 = tpu.memref_squeeze %dma_start3A_718 : memref<1x100x64xf32, #tpu.memory_space<vmem>> -> memref<100x64xf32, #tpu.memory_space<vmem>>
      %dma_start3A_720 = arith.constant 0 : i32
      %dma_start3A_721 = tpu.memref_slice %arg9[%add3A_713, %dma_start3A_720] : memref<100x100xi32, #tpu.memory_space<vmem>> -> memref<1x100xi32, #tpu.memory_space<vmem>>
      %dma_start3A_722 = tpu.memref_squeeze %dma_start3A_721 : memref<1x100xi32, #tpu.memory_space<vmem>> -> memref<100xi32, #tpu.memory_space<vmem>>
      %dma_start3A_723 = arith.constant 0 : i32
      %dma_start3A_724 = arith.constant 0 : i32
      %dma_start3A_725 = tpu.memref_slice %arg7[%dma_start3A_723, %dma_start3A_724] : memref<10240x64xf32, #tpu.memory_space<vmem_shared>> -> memref<10240x64xf32, #tpu.memory_space<vmem_shared>>
      %dma_start3A_726 = tpu.memref_slice %arg12[%dma_start3A_715] : memref<10x!tpu.dma_semaphore, #tpu.memory_space<semaphore_mem>> -> memref<1x!tpu.dma_semaphore, #tpu.memory_space<semaphore_mem>>
      %dma_start3A_727 = tpu.memref_squeeze %dma_start3A_726 : memref<1x!tpu.dma_semaphore, #tpu.memory_space<semaphore_mem>> -> memref<!tpu.dma_semaphore, #tpu.memory_space<semaphore_mem>>
      tpu.enqueue_indirect_dma source(%dma_start3A_719 : memref<100x64xf32, #tpu.memory_space<vmem>>) target(%dma_start3A_725 : memref<10240x64xf32, #tpu.memory_space<vmem_shared>>) offsets(%dma_start3A_722 : memref<100xi32, #tpu.memory_space<vmem>>) semaphore(%dma_start3A_727 : memref<!tpu.dma_semaphore, #tpu.memory_space<semaphore_mem>>) {add = true}
      %mul3A_728 = arith.constant 5 : i32
      %mul3A_729 = arith.muli %add3A_619, %mul3A_728 : i32
      %add3A_730 = arith.constant 1 : i32
      %add3A_731 = arith.addi %mul3A_729, %add3A_730 : i32
      %dma_start3A_732 = arith.constant 1 : i32
      %dma_start3A_733 = arith.constant 1 : i32
      %dma_start3A_734 = arith.constant 0 : i32
      %dma_start3A_735 = arith.constant 0 : i32
      %dma_start3A_736 = tpu.memref_slice %arg10[%dma_start3A_732, %dma_start3A_734, %dma_start3A_735] : memref<10x100x64xf32, #tpu.memory_space<vmem>> -> memref<1x100x64xf32, #tpu.memory_space<vmem>>
      %dma_start3A_737 = tpu.memref_squeeze %dma_start3A_736 : memref<1x100x64xf32, #tpu.memory_space<vmem>> -> memref<100x64xf32, #tpu.memory_space<vmem>>
      %dma_start3A_738 = arith.constant 0 : i32
      %dma_start3A_739 = tpu.memref_slice %arg9[%add3A_731, %dma_start3A_738] : memref<100x100xi32, #tpu.memory_space<vmem>> -> memref<1x100xi32, #tpu.memory_space<vmem>>
      %dma_start3A_740 = tpu.memref_squeeze %dma_start3A_739 : memref<1x100xi32, #tpu.memory_space<vmem>> -> memref<100xi32, #tpu.memory_space<vmem>>
      %dma_start3A_741 = arith.constant 0 : i32
      %dma_start3A_742 = arith.constant 0 : i32
      %dma_start3A_743 = tpu.memref_slice %arg7[%dma_start3A_741, %dma_start3A_742] : memref<10240x64xf32, #tpu.memory_space<vmem_shared>> -> memref<10240x64xf32, #tpu.memory_space<vmem_shared>>
      %dma_start3A_744 = tpu.memref_slice %arg12[%dma_start3A_733] : memref<10x!tpu.dma_semaphore, #tpu.memory_space<semaphore_mem>> -> memref<1x!tpu.dma_semaphore, #tpu.memory_space<semaphore_mem>>
      %dma_start3A_745 = tpu.memref_squeeze %dma_start3A_744 : memref<1x!tpu.dma_semaphore, #tpu.memory_space<semaphore_mem>> -> memref<!tpu.dma_semaphore, #tpu.memory_space<semaphore_mem>>
      tpu.enqueue_indirect_dma source(%dma_start3A_737 : memref<100x64xf32, #tpu.memory_space<vmem>>) target(%dma_start3A_743 : memref<10240x64xf32, #tpu.memory_space<vmem_shared>>) offsets(%dma_start3A_740 : memref<100xi32, #tpu.memory_space<vmem>>) semaphore(%dma_start3A_745 : memref<!tpu.dma_semaphore, #tpu.memory_space<semaphore_mem>>) {add = true}
      %mul3A_746 = arith.constant 5 : i32
      %mul3A_747 = arith.muli %add3A_619, %mul3A_746 : i32
      %add3A_748 = arith.constant 2 : i32
      %add3A_749 = arith.addi %mul3A_747, %add3A_748 : i32
      %dma_start3A_750 = arith.constant 2 : i32
      %dma_start3A_751 = arith.constant 2 : i32
      %dma_start3A_752 = arith.constant 0 : i32
      %dma_start3A_753 = arith.constant 0 : i32
      %dma_start3A_754 = tpu.memref_slice %arg10[%dma_start3A_750, %dma_start3A_752, %dma_start3A_753] : memref<10x100x64xf32, #tpu.memory_space<vmem>> -> memref<1x100x64xf32, #tpu.memory_space<vmem>>
      %dma_start3A_755 = tpu.memref_squeeze %dma_start3A_754 : memref<1x100x64xf32, #tpu.memory_space<vmem>> -> memref<100x64xf32, #tpu.memory_space<vmem>>
      %dma_start3A_756 = arith.constant 0 : i32
      %dma_start3A_757 = tpu.memref_slice %arg9[%add3A_749, %dma_start3A_756] : memref<100x100xi32, #tpu.memory_space<vmem>> -> memref<1x100xi32, #tpu.memory_space<vmem>>
      %dma_start3A_758 = tpu.memref_squeeze %dma_start3A_757 : memref<1x100xi32, #tpu.memory_space<vmem>> -> memref<100xi32, #tpu.memory_space<vmem>>
      %dma_start3A_759 = arith.constant 0 : i32
      %dma_start3A_760 = arith.constant 0 : i32
      %dma_start3A_761 = tpu.memref_slice %arg7[%dma_start3A_759, %dma_start3A_760] : memref<10240x64xf32, #tpu.memory_space<vmem_shared>> -> memref<10240x64xf32, #tpu.memory_space<vmem_shared>>
      %dma_start3A_762 = tpu.memref_slice %arg12[%dma_start3A_751] : memref<10x!tpu.dma_semaphore, #tpu.memory_space<semaphore_mem>> -> memref<1x!tpu.dma_semaphore, #tpu.memory_space<semaphore_mem>>
      %dma_start3A_763 = tpu.memref_squeeze %dma_start3A_762 : memref<1x!tpu.dma_semaphore, #tpu.memory_space<semaphore_mem>> -> memref<!tpu.dma_semaphore, #tpu.memory_space<semaphore_mem>>
      tpu.enqueue_indirect_dma source(%dma_start3A_755 : memref<100x64xf32, #tpu.memory_space<vmem>>) target(%dma_start3A_761 : memref<10240x64xf32, #tpu.memory_space<vmem_shared>>) offsets(%dma_start3A_758 : memref<100xi32, #tpu.memory_space<vmem>>) semaphore(%dma_start3A_763 : memref<!tpu.dma_semaphore, #tpu.memory_space<semaphore_mem>>) {add = true}
      %mul3A_764 = arith.constant 5 : i32
      %mul3A_765 = arith.muli %add3A_619, %mul3A_764 : i32
      %add3A_766 = arith.constant 3 : i32
      %add3A_767 = arith.addi %mul3A_765, %add3A_766 : i32
      %dma_start3A_768 = arith.constant 3 : i32
      %dma_start3A_769 = arith.constant 3 : i32
      %dma_start3A_770 = arith.constant 0 : i32
      %dma_start3A_771 = arith.constant 0 : i32
      %dma_start3A_772 = tpu.memref_slice %arg10[%dma_start3A_768, %dma_start3A_770, %dma_start3A_771] : memref<10x100x64xf32, #tpu.memory_space<vmem>> -> memref<1x100x64xf32, #tpu.memory_space<vmem>>
      %dma_start3A_773 = tpu.memref_squeeze %dma_start3A_772 : memref<1x100x64xf32, #tpu.memory_space<vmem>> -> memref<100x64xf32, #tpu.memory_space<vmem>>
      %dma_start3A_774 = arith.constant 0 : i32
      %dma_start3A_775 = tpu.memref_slice %arg9[%add3A_767, %dma_start3A_774] : memref<100x100xi32, #tpu.memory_space<vmem>> -> memref<1x100xi32, #tpu.memory_space<vmem>>
      %dma_start3A_776 = tpu.memref_squeeze %dma_start3A_775 : memref<1x100xi32, #tpu.memory_space<vmem>> -> memref<100xi32, #tpu.memory_space<vmem>>
      %dma_start3A_777 = arith.constant 0 : i32
      %dma_start3A_778 = arith.constant 0 : i32
      %dma_start3A_779 = tpu.memref_slice %arg7[%dma_start3A_777, %dma_start3A_778] : memref<10240x64xf32, #tpu.memory_space<vmem_shared>> -> memref<10240x64xf32, #tpu.memory_space<vmem_shared>>
      %dma_start3A_780 = tpu.memref_slice %arg12[%dma_start3A_769] : memref<10x!tpu.dma_semaphore, #tpu.memory_space<semaphore_mem>> -> memref<1x!tpu.dma_semaphore, #tpu.memory_space<semaphore_mem>>
      %dma_start3A_781 = tpu.memref_squeeze %dma_start3A_780 : memref<1x!tpu.dma_semaphore, #tpu.memory_space<semaphore_mem>> -> memref<!tpu.dma_semaphore, #tpu.memory_space<semaphore_mem>>
      tpu.enqueue_indirect_dma source(%dma_start3A_773 : memref<100x64xf32, #tpu.memory_space<vmem>>) target(%dma_start3A_779 : memref<10240x64xf32, #tpu.memory_space<vmem_shared>>) offsets(%dma_start3A_776 : memref<100xi32, #tpu.memory_space<vmem>>) semaphore(%dma_start3A_781 : memref<!tpu.dma_semaphore, #tpu.memory_space<semaphore_mem>>) {add = true}
      %mul3A_782 = arith.constant 5 : i32
      %mul3A_783 = arith.muli %add3A_619, %mul3A_782 : i32
      %add3A_784 = arith.constant 4 : i32
      %add3A_785 = arith.addi %mul3A_783, %add3A_784 : i32
      %dma_start3A_786 = arith.constant 4 : i32
      %dma_start3A_787 = arith.constant 4 : i32
      %dma_start3A_788 = arith.constant 0 : i32
      %dma_start3A_789 = arith.constant 0 : i32
      %dma_start3A_790 = tpu.memref_slice %arg10[%dma_start3A_786, %dma_start3A_788, %dma_start3A_789] : memref<10x100x64xf32, #tpu.memory_space<vmem>> -> memref<1x100x64xf32, #tpu.memory_space<vmem>>
      %dma_start3A_791 = tpu.memref_squeeze %dma_start3A_790 : memref<1x100x64xf32, #tpu.memory_space<vmem>> -> memref<100x64xf32, #tpu.memory_space<vmem>>
      %dma_start3A_792 = arith.constant 0 : i32
      %dma_start3A_793 = tpu.memref_slice %arg9[%add3A_785, %dma_start3A_792] : memref<100x100xi32, #tpu.memory_space<vmem>> -> memref<1x100xi32, #tpu.memory_space<vmem>>
      %dma_start3A_794 = tpu.memref_squeeze %dma_start3A_793 : memref<1x100xi32, #tpu.memory_space<vmem>> -> memref<100xi32, #tpu.memory_space<vmem>>
      %dma_start3A_795 = arith.constant 0 : i32
      %dma_start3A_796 = arith.constant 0 : i32
      %dma_start3A_797 = tpu.memref_slice %arg7[%dma_start3A_795, %dma_start3A_796] : memref<10240x64xf32, #tpu.memory_space<vmem_shared>> -> memref<10240x64xf32, #tpu.memory_space<vmem_shared>>
      %dma_start3A_798 = tpu.memref_slice %arg12[%dma_start3A_787] : memref<10x!tpu.dma_semaphore, #tpu.memory_space<semaphore_mem>> -> memref<1x!tpu.dma_semaphore, #tpu.memory_space<semaphore_mem>>
      %dma_start3A_799 = tpu.memref_squeeze %dma_start3A_798 : memref<1x!tpu.dma_semaphore, #tpu.memory_space<semaphore_mem>> -> memref<!tpu.dma_semaphore, #tpu.memory_space<semaphore_mem>>
      tpu.enqueue_indirect_dma source(%dma_start3A_791 : memref<100x64xf32, #tpu.memory_space<vmem>>) target(%dma_start3A_797 : memref<10240x64xf32, #tpu.memory_space<vmem_shared>>) offsets(%dma_start3A_794 : memref<100xi32, #tpu.memory_space<vmem>>) semaphore(%dma_start3A_799 : memref<!tpu.dma_semaphore, #tpu.memory_space<semaphore_mem>>) {add = true}
      %add3A_800 = arith.constant 1 : i32
      %add3A_801 = arith.addi %add3A_619, %add3A_800 : i32
      %mul3A_802 = arith.constant 5 : i32
      %mul3A_803 = arith.muli %add3A_801, %mul3A_802 : i32
      %add3A_804 = arith.constant 0 : i32
      %add3A_805 = arith.addi %mul3A_803, %add3A_804 : i32
      %dma_start3A_806 = arith.constant 5 : i32
      %dma_start3A_807 = arith.constant 5 : i32
      %dma_start3A_808 = arith.constant 0 : i32
      %dma_start3A_809 = arith.constant 0 : i32
      %dma_start3A_810 = tpu.memref_slice %arg10[%dma_start3A_806, %dma_start3A_808, %dma_start3A_809] : memref<10x100x64xf32, #tpu.memory_space<vmem>> -> memref<1x100x64xf32, #tpu.memory_space<vmem>>
      %dma_start3A_811 = tpu.memref_squeeze %dma_start3A_810 : memref<1x100x64xf32, #tpu.memory_space<vmem>> -> memref<100x64xf32, #tpu.memory_space<vmem>>
      %dma_start3A_812 = arith.constant 0 : i32
      %dma_start3A_813 = tpu.memref_slice %arg8[%add3A_805, %dma_start3A_812] : memref<100x100xi32, #tpu.memory_space<vmem>> -> memref<1x100xi32, #tpu.memory_space<vmem>>
      %dma_start3A_814 = tpu.memref_squeeze %dma_start3A_813 : memref<1x100xi32, #tpu.memory_space<vmem>> -> memref<100xi32, #tpu.memory_space<vmem>>
      %dma_start3A_815 = arith.constant 0 : i32
      %dma_start3A_816 = arith.constant 0 : i32
      %dma_start3A_817 = tpu.memref_slice %arg2[%dma_start3A_815, %dma_start3A_816] : memref<10000x64xf32, #tpu.memory_space<hbm>> -> memref<10000x64xf32, #tpu.memory_space<hbm>>
      %dma_start3A_818 = tpu.memref_slice %arg11[%dma_start3A_807] : memref<10x!tpu.dma_semaphore, #tpu.memory_space<semaphore_mem>> -> memref<1x!tpu.dma_semaphore, #tpu.memory_space<semaphore_mem>>
      %dma_start3A_819 = tpu.memref_squeeze %dma_start3A_818 : memref<1x!tpu.dma_semaphore, #tpu.memory_space<semaphore_mem>> -> memref<!tpu.dma_semaphore, #tpu.memory_space<semaphore_mem>>
      tpu.enqueue_indirect_dma source(%dma_start3A_817 : memref<10000x64xf32, #tpu.memory_space<hbm>>) target(%dma_start3A_811 : memref<100x64xf32, #tpu.memory_space<vmem>>) offsets(%dma_start3A_814 : memref<100xi32, #tpu.memory_space<vmem>>) semaphore(%dma_start3A_819 : memref<!tpu.dma_semaphore, #tpu.memory_space<semaphore_mem>>)
      %add3A_820 = arith.constant 1 : i32
      %add3A_821 = arith.addi %add3A_619, %add3A_820 : i32
      %mul3A_822 = arith.constant 5 : i32
      %mul3A_823 = arith.muli %add3A_821, %mul3A_822 : i32
      %add3A_824 = arith.constant 1 : i32
      %add3A_825 = arith.addi %mul3A_823, %add3A_824 : i32
      %dma_start3A_826 = arith.constant 6 : i32
      %dma_start3A_827 = arith.constant 6 : i32
      %dma_start3A_828 = arith.constant 0 : i32
      %dma_start3A_829 = arith.constant 0 : i32
      %dma_start3A_830 = tpu.memref_slice %arg10[%dma_start3A_826, %dma_start3A_828, %dma_start3A_829] : memref<10x100x64xf32, #tpu.memory_space<vmem>> -> memref<1x100x64xf32, #tpu.memory_space<vmem>>
      %dma_start3A_831 = tpu.memref_squeeze %dma_start3A_830 : memref<1x100x64xf32, #tpu.memory_space<vmem>> -> memref<100x64xf32, #tpu.memory_space<vmem>>
      %dma_start3A_832 = arith.constant 0 : i32
      %dma_start3A_833 = tpu.memref_slice %arg8[%add3A_825, %dma_start3A_832] : memref<100x100xi32, #tpu.memory_space<vmem>> -> memref<1x100xi32, #tpu.memory_space<vmem>>
      %dma_start3A_834 = tpu.memref_squeeze %dma_start3A_833 : memref<1x100xi32, #tpu.memory_space<vmem>> -> memref<100xi32, #tpu.memory_space<vmem>>
      %dma_start3A_835 = arith.constant 0 : i32
      %dma_start3A_836 = arith.constant 0 : i32
      %dma_start3A_837 = tpu.memref_slice %arg2[%dma_start3A_835, %dma_start3A_836] : memref<10000x64xf32, #tpu.memory_space<hbm>> -> memref<10000x64xf32, #tpu.memory_space<hbm>>
      %dma_start3A_838 = tpu.memref_slice %arg11[%dma_start3A_827] : memref<10x!tpu.dma_semaphore, #tpu.memory_space<semaphore_mem>> -> memref<1x!tpu.dma_semaphore, #tpu.memory_space<semaphore_mem>>
      %dma_start3A_839 = tpu.memref_squeeze %dma_start3A_838 : memref<1x!tpu.dma_semaphore, #tpu.memory_space<semaphore_mem>> -> memref<!tpu.dma_semaphore, #tpu.memory_space<semaphore_mem>>
      tpu.enqueue_indirect_dma source(%dma_start3A_837 : memref<10000x64xf32, #tpu.memory_space<hbm>>) target(%dma_start3A_831 : memref<100x64xf32, #tpu.memory_space<vmem>>) offsets(%dma_start3A_834 : memref<100xi32, #tpu.memory_space<vmem>>) semaphore(%dma_start3A_839 : memref<!tpu.dma_semaphore, #tpu.memory_space<semaphore_mem>>)
      %add3A_840 = arith.constant 1 : i32
      %add3A_841 = arith.addi %add3A_619, %add3A_840 : i32
      %mul3A_842 = arith.constant 5 : i32
      %mul3A_843 = arith.muli %add3A_841, %mul3A_842 : i32
      %add3A_844 = arith.constant 2 : i32
      %add3A_845 = arith.addi %mul3A_843, %add3A_844 : i32
      %dma_start3A_846 = arith.constant 7 : i32
      %dma_start3A_847 = arith.constant 7 : i32
      %dma_start3A_848 = arith.constant 0 : i32
      %dma_start3A_849 = arith.constant 0 : i32
      %dma_start3A_850 = tpu.memref_slice %arg10[%dma_start3A_846, %dma_start3A_848, %dma_start3A_849] : memref<10x100x64xf32, #tpu.memory_space<vmem>> -> memref<1x100x64xf32, #tpu.memory_space<vmem>>
      %dma_start3A_851 = tpu.memref_squeeze %dma_start3A_850 : memref<1x100x64xf32, #tpu.memory_space<vmem>> -> memref<100x64xf32, #tpu.memory_space<vmem>>
      %dma_start3A_852 = arith.constant 0 : i32
      %dma_start3A_853 = tpu.memref_slice %arg8[%add3A_845, %dma_start3A_852] : memref<100x100xi32, #tpu.memory_space<vmem>> -> memref<1x100xi32, #tpu.memory_space<vmem>>
      %dma_start3A_854 = tpu.memref_squeeze %dma_start3A_853 : memref<1x100xi32, #tpu.memory_space<vmem>> -> memref<100xi32, #tpu.memory_space<vmem>>
      %dma_start3A_855 = arith.constant 0 : i32
      %dma_start3A_856 = arith.constant 0 : i32
      %dma_start3A_857 = tpu.memref_slice %arg2[%dma_start3A_855, %dma_start3A_856] : memref<10000x64xf32, #tpu.memory_space<hbm>> -> memref<10000x64xf32, #tpu.memory_space<hbm>>
      %dma_start3A_858 = tpu.memref_slice %arg11[%dma_start3A_847] : memref<10x!tpu.dma_semaphore, #tpu.memory_space<semaphore_mem>> -> memref<1x!tpu.dma_semaphore, #tpu.memory_space<semaphore_mem>>
      %dma_start3A_859 = tpu.memref_squeeze %dma_start3A_858 : memref<1x!tpu.dma_semaphore, #tpu.memory_space<semaphore_mem>> -> memref<!tpu.dma_semaphore, #tpu.memory_space<semaphore_mem>>
      tpu.enqueue_indirect_dma source(%dma_start3A_857 : memref<10000x64xf32, #tpu.memory_space<hbm>>) target(%dma_start3A_851 : memref<100x64xf32, #tpu.memory_space<vmem>>) offsets(%dma_start3A_854 : memref<100xi32, #tpu.memory_space<vmem>>) semaphore(%dma_start3A_859 : memref<!tpu.dma_semaphore, #tpu.memory_space<semaphore_mem>>)
      %add3A_860 = arith.constant 1 : i32
      %add3A_861 = arith.addi %add3A_619, %add3A_860 : i32
      %mul3A_862 = arith.constant 5 : i32
      %mul3A_863 = arith.muli %add3A_861, %mul3A_862 : i32
      %add3A_864 = arith.constant 3 : i32
      %add3A_865 = arith.addi %mul3A_863, %add3A_864 : i32
      %dma_start3A_866 = arith.constant 8 : i32
      %dma_start3A_867 = arith.constant 8 : i32
      %dma_start3A_868 = arith.constant 0 : i32
      %dma_start3A_869 = arith.constant 0 : i32
      %dma_start3A_870 = tpu.memref_slice %arg10[%dma_start3A_866, %dma_start3A_868, %dma_start3A_869] : memref<10x100x64xf32, #tpu.memory_space<vmem>> -> memref<1x100x64xf32, #tpu.memory_space<vmem>>
      %dma_start3A_871 = tpu.memref_squeeze %dma_start3A_870 : memref<1x100x64xf32, #tpu.memory_space<vmem>> -> memref<100x64xf32, #tpu.memory_space<vmem>>
      %dma_start3A_872 = arith.constant 0 : i32
      %dma_start3A_873 = tpu.memref_slice %arg8[%add3A_865, %dma_start3A_872] : memref<100x100xi32, #tpu.memory_space<vmem>> -> memref<1x100xi32, #tpu.memory_space<vmem>>
      %dma_start3A_874 = tpu.memref_squeeze %dma_start3A_873 : memref<1x100xi32, #tpu.memory_space<vmem>> -> memref<100xi32, #tpu.memory_space<vmem>>
      %dma_start3A_875 = arith.constant 0 : i32
      %dma_start3A_876 = arith.constant 0 : i32
      %dma_start3A_877 = tpu.memref_slice %arg2[%dma_start3A_875, %dma_start3A_876] : memref<10000x64xf32, #tpu.memory_space<hbm>> -> memref<10000x64xf32, #tpu.memory_space<hbm>>
      %dma_start3A_878 = tpu.memref_slice %arg11[%dma_start3A_867] : memref<10x!tpu.dma_semaphore, #tpu.memory_space<semaphore_mem>> -> memref<1x!tpu.dma_semaphore, #tpu.memory_space<semaphore_mem>>
      %dma_start3A_879 = tpu.memref_squeeze %dma_start3A_878 : memref<1x!tpu.dma_semaphore, #tpu.memory_space<semaphore_mem>> -> memref<!tpu.dma_semaphore, #tpu.memory_space<semaphore_mem>>
      tpu.enqueue_indirect_dma source(%dma_start3A_877 : memref<10000x64xf32, #tpu.memory_space<hbm>>) target(%dma_start3A_871 : memref<100x64xf32, #tpu.memory_space<vmem>>) offsets(%dma_start3A_874 : memref<100xi32, #tpu.memory_space<vmem>>) semaphore(%dma_start3A_879 : memref<!tpu.dma_semaphore, #tpu.memory_space<semaphore_mem>>)
      %add3A_880 = arith.constant 1 : i32
      %add3A_881 = arith.addi %add3A_619, %add3A_880 : i32
      %mul3A_882 = arith.constant 5 : i32
      %mul3A_883 = arith.muli %add3A_881, %mul3A_882 : i32
      %add3A_884 = arith.constant 4 : i32
      %add3A_885 = arith.addi %mul3A_883, %add3A_884 : i32
      %dma_start3A_886 = arith.constant 9 : i32
      %dma_start3A_887 = arith.constant 9 : i32
      %dma_start3A_888 = arith.constant 0 : i32
      %dma_start3A_889 = arith.constant 0 : i32
      %dma_start3A_890 = tpu.memref_slice %arg10[%dma_start3A_886, %dma_start3A_888, %dma_start3A_889] : memref<10x100x64xf32, #tpu.memory_space<vmem>> -> memref<1x100x64xf32, #tpu.memory_space<vmem>>
      %dma_start3A_891 = tpu.memref_squeeze %dma_start3A_890 : memref<1x100x64xf32, #tpu.memory_space<vmem>> -> memref<100x64xf32, #tpu.memory_space<vmem>>
      %dma_start3A_892 = arith.constant 0 : i32
      %dma_start3A_893 = tpu.memref_slice %arg8[%add3A_885, %dma_start3A_892] : memref<100x100xi32, #tpu.memory_space<vmem>> -> memref<1x100xi32, #tpu.memory_space<vmem>>
      %dma_start3A_894 = tpu.memref_squeeze %dma_start3A_893 : memref<1x100xi32, #tpu.memory_space<vmem>> -> memref<100xi32, #tpu.memory_space<vmem>>
      %dma_start3A_895 = arith.constant 0 : i32
      %dma_start3A_896 = arith.constant 0 : i32
      %dma_start3A_897 = tpu.memref_slice %arg2[%dma_start3A_895, %dma_start3A_896] : memref<10000x64xf32, #tpu.memory_space<hbm>> -> memref<10000x64xf32, #tpu.memory_space<hbm>>
      %dma_start3A_898 = tpu.memref_slice %arg11[%dma_start3A_887] : memref<10x!tpu.dma_semaphore, #tpu.memory_space<semaphore_mem>> -> memref<1x!tpu.dma_semaphore, #tpu.memory_space<semaphore_mem>>
      %dma_start3A_899 = tpu.memref_squeeze %dma_start3A_898 : memref<1x!tpu.dma_semaphore, #tpu.memory_space<semaphore_mem>> -> memref<!tpu.dma_semaphore, #tpu.memory_space<semaphore_mem>>
      tpu.enqueue_indirect_dma source(%dma_start3A_897 : memref<10000x64xf32, #tpu.memory_space<hbm>>) target(%dma_start3A_891 : memref<100x64xf32, #tpu.memory_space<vmem>>) offsets(%dma_start3A_894 : memref<100xi32, #tpu.memory_space<vmem>>) semaphore(%dma_start3A_899 : memref<!tpu.dma_semaphore, #tpu.memory_space<semaphore_mem>>)
      %mul3A_900 = arith.constant 5 : i32
      %mul3A_901 = arith.muli %add3A_619, %mul3A_900 : i32
      %add3A_902 = arith.constant 0 : i32
      %add3A_903 = arith.addi %mul3A_901, %add3A_902 : i32
      %dma_wait3A_904 = arith.constant 0 : i32
      %dma_wait3A_905 = arith.constant 0 : i32
      %dma_wait3A_906 = arith.constant 0 : i32
      %dma_wait3A_907 = arith.constant 0 : i32
      %dma_wait3A_908 = tpu.memref_slice %arg10[%dma_wait3A_904, %dma_wait3A_906, %dma_wait3A_907] : memref<10x100x64xf32, #tpu.memory_space<vmem>> -> memref<1x100x64xf32, #tpu.memory_space<vmem>>
      %dma_wait3A_909 = tpu.memref_squeeze %dma_wait3A_908 : memref<1x100x64xf32, #tpu.memory_space<vmem>> -> memref<100x64xf32, #tpu.memory_space<vmem>>
      %dma_wait3A_910 = arith.constant 0 : i32
      %dma_wait3A_911 = tpu.memref_slice %arg9[%add3A_903, %dma_wait3A_910] : memref<100x100xi32, #tpu.memory_space<vmem>> -> memref<1x100xi32, #tpu.memory_space<vmem>>
      %dma_wait3A_912 = tpu.memref_squeeze %dma_wait3A_911 : memref<1x100xi32, #tpu.memory_space<vmem>> -> memref<100xi32, #tpu.memory_space<vmem>>
      %dma_wait3A_913 = arith.constant 0 : i32
      %dma_wait3A_914 = arith.constant 0 : i32
      %dma_wait3A_915 = tpu.memref_slice %arg7[%dma_wait3A_913, %dma_wait3A_914] : memref<10240x64xf32, #tpu.memory_space<vmem_shared>> -> memref<10240x64xf32, #tpu.memory_space<vmem_shared>>
      %dma_wait3A_916 = tpu.memref_slice %arg12[%dma_wait3A_905] : memref<10x!tpu.dma_semaphore, #tpu.memory_space<semaphore_mem>> -> memref<1x!tpu.dma_semaphore, #tpu.memory_space<semaphore_mem>>
      %dma_wait3A_917 = tpu.memref_squeeze %dma_wait3A_916 : memref<1x!tpu.dma_semaphore, #tpu.memory_space<semaphore_mem>> -> memref<!tpu.dma_semaphore, #tpu.memory_space<semaphore_mem>>
      tpu.wait_indirect_dma semaphore(%dma_wait3A_917 : memref<!tpu.dma_semaphore, #tpu.memory_space<semaphore_mem>>) src(%dma_wait3A_909 : memref<100x64xf32, #tpu.memory_space<vmem>>) dst(%dma_wait3A_915 : memref<10240x64xf32, #tpu.memory_space<vmem_shared>>)
      %mul3A_918 = arith.constant 5 : i32
      %mul3A_919 = arith.muli %add3A_619, %mul3A_918 : i32
      %add3A_920 = arith.constant 1 : i32
      %add3A_921 = arith.addi %mul3A_919, %add3A_920 : i32
      %dma_wait3A_922 = arith.constant 1 : i32
      %dma_wait3A_923 = arith.constant 1 : i32
      %dma_wait3A_924 = arith.constant 0 : i32
      %dma_wait3A_925 = arith.constant 0 : i32
      %dma_wait3A_926 = tpu.memref_slice %arg10[%dma_wait3A_922, %dma_wait3A_924, %dma_wait3A_925] : memref<10x100x64xf32, #tpu.memory_space<vmem>> -> memref<1x100x64xf32, #tpu.memory_space<vmem>>
      %dma_wait3A_927 = tpu.memref_squeeze %dma_wait3A_926 : memref<1x100x64xf32, #tpu.memory_space<vmem>> -> memref<100x64xf32, #tpu.memory_space<vmem>>
      %dma_wait3A_928 = arith.constant 0 : i32
      %dma_wait3A_929 = tpu.memref_slice %arg9[%add3A_921, %dma_wait3A_928] : memref<100x100xi32, #tpu.memory_space<vmem>> -> memref<1x100xi32, #tpu.memory_space<vmem>>
      %dma_wait3A_930 = tpu.memref_squeeze %dma_wait3A_929 : memref<1x100xi32, #tpu.memory_space<vmem>> -> memref<100xi32, #tpu.memory_space<vmem>>
      %dma_wait3A_931 = arith.constant 0 : i32
      %dma_wait3A_932 = arith.constant 0 : i32
      %dma_wait3A_933 = tpu.memref_slice %arg7[%dma_wait3A_931, %dma_wait3A_932] : memref<10240x64xf32, #tpu.memory_space<vmem_shared>> -> memref<10240x64xf32, #tpu.memory_space<vmem_shared>>
      %dma_wait3A_934 = tpu.memref_slice %arg12[%dma_wait3A_923] : memref<10x!tpu.dma_semaphore, #tpu.memory_space<semaphore_mem>> -> memref<1x!tpu.dma_semaphore, #tpu.memory_space<semaphore_mem>>
      %dma_wait3A_935 = tpu.memref_squeeze %dma_wait3A_934 : memref<1x!tpu.dma_semaphore, #tpu.memory_space<semaphore_mem>> -> memref<!tpu.dma_semaphore, #tpu.memory_space<semaphore_mem>>
      tpu.wait_indirect_dma semaphore(%dma_wait3A_935 : memref<!tpu.dma_semaphore, #tpu.memory_space<semaphore_mem>>) src(%dma_wait3A_927 : memref<100x64xf32, #tpu.memory_space<vmem>>) dst(%dma_wait3A_933 : memref<10240x64xf32, #tpu.memory_space<vmem_shared>>)
      %mul3A_936 = arith.constant 5 : i32
      %mul3A_937 = arith.muli %add3A_619, %mul3A_936 : i32
      %add3A_938 = arith.constant 2 : i32
      %add3A_939 = arith.addi %mul3A_937, %add3A_938 : i32
      %dma_wait3A_940 = arith.constant 2 : i32
      %dma_wait3A_941 = arith.constant 2 : i32
      %dma_wait3A_942 = arith.constant 0 : i32
      %dma_wait3A_943 = arith.constant 0 : i32
      %dma_wait3A_944 = tpu.memref_slice %arg10[%dma_wait3A_940, %dma_wait3A_942, %dma_wait3A_943] : memref<10x100x64xf32, #tpu.memory_space<vmem>> -> memref<1x100x64xf32, #tpu.memory_space<vmem>>
      %dma_wait3A_945 = tpu.memref_squeeze %dma_wait3A_944 : memref<1x100x64xf32, #tpu.memory_space<vmem>> -> memref<100x64xf32, #tpu.memory_space<vmem>>
      %dma_wait3A_946 = arith.constant 0 : i32
      %dma_wait3A_947 = tpu.memref_slice %arg9[%add3A_939, %dma_wait3A_946] : memref<100x100xi32, #tpu.memory_space<vmem>> -> memref<1x100xi32, #tpu.memory_space<vmem>>
      %dma_wait3A_948 = tpu.memref_squeeze %dma_wait3A_947 : memref<1x100xi32, #tpu.memory_space<vmem>> -> memref<100xi32, #tpu.memory_space<vmem>>
      %dma_wait3A_949 = arith.constant 0 : i32
      %dma_wait3A_950 = arith.constant 0 : i32
      %dma_wait3A_951 = tpu.memref_slice %arg7[%dma_wait3A_949, %dma_wait3A_950] : memref<10240x64xf32, #tpu.memory_space<vmem_shared>> -> memref<10240x64xf32, #tpu.memory_space<vmem_shared>>
      %dma_wait3A_952 = tpu.memref_slice %arg12[%dma_wait3A_941] : memref<10x!tpu.dma_semaphore, #tpu.memory_space<semaphore_mem>> -> memref<1x!tpu.dma_semaphore, #tpu.memory_space<semaphore_mem>>
      %dma_wait3A_953 = tpu.memref_squeeze %dma_wait3A_952 : memref<1x!tpu.dma_semaphore, #tpu.memory_space<semaphore_mem>> -> memref<!tpu.dma_semaphore, #tpu.memory_space<semaphore_mem>>
      tpu.wait_indirect_dma semaphore(%dma_wait3A_953 : memref<!tpu.dma_semaphore, #tpu.memory_space<semaphore_mem>>) src(%dma_wait3A_945 : memref<100x64xf32, #tpu.memory_space<vmem>>) dst(%dma_wait3A_951 : memref<10240x64xf32, #tpu.memory_space<vmem_shared>>)
      %mul3A_954 = arith.constant 5 : i32
      %mul3A_955 = arith.muli %add3A_619, %mul3A_954 : i32
      %add3A_956 = arith.constant 3 : i32
      %add3A_957 = arith.addi %mul3A_955, %add3A_956 : i32
      %dma_wait3A_958 = arith.constant 3 : i32
      %dma_wait3A_959 = arith.constant 3 : i32
      %dma_wait3A_960 = arith.constant 0 : i32
      %dma_wait3A_961 = arith.constant 0 : i32
      %dma_wait3A_962 = tpu.memref_slice %arg10[%dma_wait3A_958, %dma_wait3A_960, %dma_wait3A_961] : memref<10x100x64xf32, #tpu.memory_space<vmem>> -> memref<1x100x64xf32, #tpu.memory_space<vmem>>
      %dma_wait3A_963 = tpu.memref_squeeze %dma_wait3A_962 : memref<1x100x64xf32, #tpu.memory_space<vmem>> -> memref<100x64xf32, #tpu.memory_space<vmem>>
      %dma_wait3A_964 = arith.constant 0 : i32
      %dma_wait3A_965 = tpu.memref_slice %arg9[%add3A_957, %dma_wait3A_964] : memref<100x100xi32, #tpu.memory_space<vmem>> -> memref<1x100xi32, #tpu.memory_space<vmem>>
      %dma_wait3A_966 = tpu.memref_squeeze %dma_wait3A_965 : memref<1x100xi32, #tpu.memory_space<vmem>> -> memref<100xi32, #tpu.memory_space<vmem>>
      %dma_wait3A_967 = arith.constant 0 : i32
      %dma_wait3A_968 = arith.constant 0 : i32
      %dma_wait3A_969 = tpu.memref_slice %arg7[%dma_wait3A_967, %dma_wait3A_968] : memref<10240x64xf32, #tpu.memory_space<vmem_shared>> -> memref<10240x64xf32, #tpu.memory_space<vmem_shared>>
      %dma_wait3A_970 = tpu.memref_slice %arg12[%dma_wait3A_959] : memref<10x!tpu.dma_semaphore, #tpu.memory_space<semaphore_mem>> -> memref<1x!tpu.dma_semaphore, #tpu.memory_space<semaphore_mem>>
      %dma_wait3A_971 = tpu.memref_squeeze %dma_wait3A_970 : memref<1x!tpu.dma_semaphore, #tpu.memory_space<semaphore_mem>> -> memref<!tpu.dma_semaphore, #tpu.memory_space<semaphore_mem>>
      tpu.wait_indirect_dma semaphore(%dma_wait3A_971 : memref<!tpu.dma_semaphore, #tpu.memory_space<semaphore_mem>>) src(%dma_wait3A_963 : memref<100x64xf32, #tpu.memory_space<vmem>>) dst(%dma_wait3A_969 : memref<10240x64xf32, #tpu.memory_space<vmem_shared>>)
      %mul3A_972 = arith.constant 5 : i32
      %mul3A_973 = arith.muli %add3A_619, %mul3A_972 : i32
      %add3A_974 = arith.constant 4 : i32
      %add3A_975 = arith.addi %mul3A_973, %add3A_974 : i32
      %dma_wait3A_976 = arith.constant 4 : i32
      %dma_wait3A_977 = arith.constant 4 : i32
      %dma_wait3A_978 = arith.constant 0 : i32
      %dma_wait3A_979 = arith.constant 0 : i32
      %dma_wait3A_980 = tpu.memref_slice %arg10[%dma_wait3A_976, %dma_wait3A_978, %dma_wait3A_979] : memref<10x100x64xf32, #tpu.memory_space<vmem>> -> memref<1x100x64xf32, #tpu.memory_space<vmem>>
      %dma_wait3A_981 = tpu.memref_squeeze %dma_wait3A_980 : memref<1x100x64xf32, #tpu.memory_space<vmem>> -> memref<100x64xf32, #tpu.memory_space<vmem>>
      %dma_wait3A_982 = arith.constant 0 : i32
      %dma_wait3A_983 = tpu.memref_slice %arg9[%add3A_975, %dma_wait3A_982] : memref<100x100xi32, #tpu.memory_space<vmem>> -> memref<1x100xi32, #tpu.memory_space<vmem>>
      %dma_wait3A_984 = tpu.memref_squeeze %dma_wait3A_983 : memref<1x100xi32, #tpu.memory_space<vmem>> -> memref<100xi32, #tpu.memory_space<vmem>>
      %dma_wait3A_985 = arith.constant 0 : i32
      %dma_wait3A_986 = arith.constant 0 : i32
      %dma_wait3A_987 = tpu.memref_slice %arg7[%dma_wait3A_985, %dma_wait3A_986] : memref<10240x64xf32, #tpu.memory_space<vmem_shared>> -> memref<10240x64xf32, #tpu.memory_space<vmem_shared>>
      %dma_wait3A_988 = tpu.memref_slice %arg12[%dma_wait3A_977] : memref<10x!tpu.dma_semaphore, #tpu.memory_space<semaphore_mem>> -> memref<1x!tpu.dma_semaphore, #tpu.memory_space<semaphore_mem>>
      %dma_wait3A_989 = tpu.memref_squeeze %dma_wait3A_988 : memref<1x!tpu.dma_semaphore, #tpu.memory_space<semaphore_mem>> -> memref<!tpu.dma_semaphore, #tpu.memory_space<semaphore_mem>>
      tpu.wait_indirect_dma semaphore(%dma_wait3A_989 : memref<!tpu.dma_semaphore, #tpu.memory_space<semaphore_mem>>) src(%dma_wait3A_981 : memref<100x64xf32, #tpu.memory_space<vmem>>) dst(%dma_wait3A_987 : memref<10240x64xf32, #tpu.memory_space<vmem_shared>>)
      %add3A_990 = arith.constant 1 : i32
      %add3A_991 = arith.addi %add3A_619, %add3A_990 : i32
      %mul3A_992 = arith.constant 5 : i32
      %mul3A_993 = arith.muli %add3A_991, %mul3A_992 : i32
      %add3A_994 = arith.constant 0 : i32
      %add3A_995 = arith.addi %mul3A_993, %add3A_994 : i32
      %dma_wait3A_996 = arith.constant 5 : i32
      %dma_wait3A_997 = arith.constant 5 : i32
      %dma_wait3A_998 = arith.constant 0 : i32
      %dma_wait3A_999 = arith.constant 0 : i32
      %dma_wait3A_1000 = tpu.memref_slice %arg10[%dma_wait3A_996, %dma_wait3A_998, %dma_wait3A_999] : memref<10x100x64xf32, #tpu.memory_space<vmem>> -> memref<1x100x64xf32, #tpu.memory_space<vmem>>
      %dma_wait3A_1001 = tpu.memref_squeeze %dma_wait3A_1000 : memref<1x100x64xf32, #tpu.memory_space<vmem>> -> memref<100x64xf32, #tpu.memory_space<vmem>>
      %dma_wait3A_1002 = arith.constant 0 : i32
      %dma_wait3A_1003 = tpu.memref_slice %arg8[%add3A_995, %dma_wait3A_1002] : memref<100x100xi32, #tpu.memory_space<vmem>> -> memref<1x100xi32, #tpu.memory_space<vmem>>
      %dma_wait3A_1004 = tpu.memref_squeeze %dma_wait3A_1003 : memref<1x100xi32, #tpu.memory_space<vmem>> -> memref<100xi32, #tpu.memory_space<vmem>>
      %dma_wait3A_1005 = arith.constant 0 : i32
      %dma_wait3A_1006 = arith.constant 0 : i32
      %dma_wait3A_1007 = tpu.memref_slice %arg2[%dma_wait3A_1005, %dma_wait3A_1006] : memref<10000x64xf32, #tpu.memory_space<hbm>> -> memref<10000x64xf32, #tpu.memory_space<hbm>>
      %dma_wait3A_1008 = tpu.memref_slice %arg11[%dma_wait3A_997] : memref<10x!tpu.dma_semaphore, #tpu.memory_space<semaphore_mem>> -> memref<1x!tpu.dma_semaphore, #tpu.memory_space<semaphore_mem>>
      %dma_wait3A_1009 = tpu.memref_squeeze %dma_wait3A_1008 : memref<1x!tpu.dma_semaphore, #tpu.memory_space<semaphore_mem>> -> memref<!tpu.dma_semaphore, #tpu.memory_space<semaphore_mem>>
      tpu.wait_indirect_dma semaphore(%dma_wait3A_1009 : memref<!tpu.dma_semaphore, #tpu.memory_space<semaphore_mem>>) src(%dma_wait3A_1007 : memref<10000x64xf32, #tpu.memory_space<hbm>>) dst(%dma_wait3A_1001 : memref<100x64xf32, #tpu.memory_space<vmem>>)
      %mul3A_1010 = arith.constant 5 : i32
      %mul3A_1011 = arith.muli %add3A_991, %mul3A_1010 : i32
      %add3A_1012 = arith.constant 1 : i32
      %add3A_1013 = arith.addi %mul3A_1011, %add3A_1012 : i32
      %dma_wait3A_1014 = arith.constant 6 : i32
      %dma_wait3A_1015 = arith.constant 6 : i32
      %dma_wait3A_1016 = arith.constant 0 : i32
      %dma_wait3A_1017 = arith.constant 0 : i32
      %dma_wait3A_1018 = tpu.memref_slice %arg10[%dma_wait3A_1014, %dma_wait3A_1016, %dma_wait3A_1017] : memref<10x100x64xf32, #tpu.memory_space<vmem>> -> memref<1x100x64xf32, #tpu.memory_space<vmem>>
      %dma_wait3A_1019 = tpu.memref_squeeze %dma_wait3A_1018 : memref<1x100x64xf32, #tpu.memory_space<vmem>> -> memref<100x64xf32, #tpu.memory_space<vmem>>
      %dma_wait3A_1020 = arith.constant 0 : i32
      %dma_wait3A_1021 = tpu.memref_slice %arg8[%add3A_1013, %dma_wait3A_1020] : memref<100x100xi32, #tpu.memory_space<vmem>> -> memref<1x100xi32, #tpu.memory_space<vmem>>
      %dma_wait3A_1022 = tpu.memref_squeeze %dma_wait3A_1021 : memref<1x100xi32, #tpu.memory_space<vmem>> -> memref<100xi32, #tpu.memory_space<vmem>>
      %dma_wait3A_1023 = arith.constant 0 : i32
      %dma_wait3A_1024 = arith.constant 0 : i32
      %dma_wait3A_1025 = tpu.memref_slice %arg2[%dma_wait3A_1023, %dma_wait3A_1024] : memref<10000x64xf32, #tpu.memory_space<hbm>> -> memref<10000x64xf32, #tpu.memory_space<hbm>>
      %dma_wait3A_1026 = tpu.memref_slice %arg11[%dma_wait3A_1015] : memref<10x!tpu.dma_semaphore, #tpu.memory_space<semaphore_mem>> -> memref<1x!tpu.dma_semaphore, #tpu.memory_space<semaphore_mem>>
      %dma_wait3A_1027 = tpu.memref_squeeze %dma_wait3A_1026 : memref<1x!tpu.dma_semaphore, #tpu.memory_space<semaphore_mem>> -> memref<!tpu.dma_semaphore, #tpu.memory_space<semaphore_mem>>
      tpu.wait_indirect_dma semaphore(%dma_wait3A_1027 : memref<!tpu.dma_semaphore, #tpu.memory_space<semaphore_mem>>) src(%dma_wait3A_1025 : memref<10000x64xf32, #tpu.memory_space<hbm>>) dst(%dma_wait3A_1019 : memref<100x64xf32, #tpu.memory_space<vmem>>)
      %mul3A_1028 = arith.constant 5 : i32
      %mul3A_1029 = arith.muli %add3A_991, %mul3A_1028 : i32
      %add3A_1030 = arith.constant 2 : i32
      %add3A_1031 = arith.addi %mul3A_1029, %add3A_1030 : i32
      %dma_wait3A_1032 = arith.constant 7 : i32
      %dma_wait3A_1033 = arith.constant 7 : i32
      %dma_wait3A_1034 = arith.constant 0 : i32
      %dma_wait3A_1035 = arith.constant 0 : i32
      %dma_wait3A_1036 = tpu.memref_slice %arg10[%dma_wait3A_1032, %dma_wait3A_1034, %dma_wait3A_1035] : memref<10x100x64xf32, #tpu.memory_space<vmem>> -> memref<1x100x64xf32, #tpu.memory_space<vmem>>
      %dma_wait3A_1037 = tpu.memref_squeeze %dma_wait3A_1036 : memref<1x100x64xf32, #tpu.memory_space<vmem>> -> memref<100x64xf32, #tpu.memory_space<vmem>>
      %dma_wait3A_1038 = arith.constant 0 : i32
      %dma_wait3A_1039 = tpu.memref_slice %arg8[%add3A_1031, %dma_wait3A_1038] : memref<100x100xi32, #tpu.memory_space<vmem>> -> memref<1x100xi32, #tpu.memory_space<vmem>>
      %dma_wait3A_1040 = tpu.memref_squeeze %dma_wait3A_1039 : memref<1x100xi32, #tpu.memory_space<vmem>> -> memref<100xi32, #tpu.memory_space<vmem>>
      %dma_wait3A_1041 = arith.constant 0 : i32
      %dma_wait3A_1042 = arith.constant 0 : i32
      %dma_wait3A_1043 = tpu.memref_slice %arg2[%dma_wait3A_1041, %dma_wait3A_1042] : memref<10000x64xf32, #tpu.memory_space<hbm>> -> memref<10000x64xf32, #tpu.memory_space<hbm>>
      %dma_wait3A_1044 = tpu.memref_slice %arg11[%dma_wait3A_1033] : memref<10x!tpu.dma_semaphore, #tpu.memory_space<semaphore_mem>> -> memref<1x!tpu.dma_semaphore, #tpu.memory_space<semaphore_mem>>
      %dma_wait3A_1045 = tpu.memref_squeeze %dma_wait3A_1044 : memref<1x!tpu.dma_semaphore, #tpu.memory_space<semaphore_mem>> -> memref<!tpu.dma_semaphore, #tpu.memory_space<semaphore_mem>>
      tpu.wait_indirect_dma semaphore(%dma_wait3A_1045 : memref<!tpu.dma_semaphore, #tpu.memory_space<semaphore_mem>>) src(%dma_wait3A_1043 : memref<10000x64xf32, #tpu.memory_space<hbm>>) dst(%dma_wait3A_1037 : memref<100x64xf32, #tpu.memory_space<vmem>>)
      %mul3A_1046 = arith.constant 5 : i32
      %mul3A_1047 = arith.muli %add3A_991, %mul3A_1046 : i32
      %add3A_1048 = arith.constant 3 : i32
      %add3A_1049 = arith.addi %mul3A_1047, %add3A_1048 : i32
      %dma_wait3A_1050 = arith.constant 8 : i32
      %dma_wait3A_1051 = arith.constant 8 : i32
      %dma_wait3A_1052 = arith.constant 0 : i32
      %dma_wait3A_1053 = arith.constant 0 : i32
      %dma_wait3A_1054 = tpu.memref_slice %arg10[%dma_wait3A_1050, %dma_wait3A_1052, %dma_wait3A_1053] : memref<10x100x64xf32, #tpu.memory_space<vmem>> -> memref<1x100x64xf32, #tpu.memory_space<vmem>>
      %dma_wait3A_1055 = tpu.memref_squeeze %dma_wait3A_1054 : memref<1x100x64xf32, #tpu.memory_space<vmem>> -> memref<100x64xf32, #tpu.memory_space<vmem>>
      %dma_wait3A_1056 = arith.constant 0 : i32
      %dma_wait3A_1057 = tpu.memref_slice %arg8[%add3A_1049, %dma_wait3A_1056] : memref<100x100xi32, #tpu.memory_space<vmem>> -> memref<1x100xi32, #tpu.memory_space<vmem>>
      %dma_wait3A_1058 = tpu.memref_squeeze %dma_wait3A_1057 : memref<1x100xi32, #tpu.memory_space<vmem>> -> memref<100xi32, #tpu.memory_space<vmem>>
      %dma_wait3A_1059 = arith.constant 0 : i32
      %dma_wait3A_1060 = arith.constant 0 : i32
      %dma_wait3A_1061 = tpu.memref_slice %arg2[%dma_wait3A_1059, %dma_wait3A_1060] : memref<10000x64xf32, #tpu.memory_space<hbm>> -> memref<10000x64xf32, #tpu.memory_space<hbm>>
      %dma_wait3A_1062 = tpu.memref_slice %arg11[%dma_wait3A_1051] : memref<10x!tpu.dma_semaphore, #tpu.memory_space<semaphore_mem>> -> memref<1x!tpu.dma_semaphore, #tpu.memory_space<semaphore_mem>>
      %dma_wait3A_1063 = tpu.memref_squeeze %dma_wait3A_1062 : memref<1x!tpu.dma_semaphore, #tpu.memory_space<semaphore_mem>> -> memref<!tpu.dma_semaphore, #tpu.memory_space<semaphore_mem>>
      tpu.wait_indirect_dma semaphore(%dma_wait3A_1063 : memref<!tpu.dma_semaphore, #tpu.memory_space<semaphore_mem>>) src(%dma_wait3A_1061 : memref<10000x64xf32, #tpu.memory_space<hbm>>) dst(%dma_wait3A_1055 : memref<100x64xf32, #tpu.memory_space<vmem>>)
      %mul3A_1064 = arith.constant 5 : i32
      %mul3A_1065 = arith.muli %add3A_991, %mul3A_1064 : i32
      %add3A_1066 = arith.constant 4 : i32
      %add3A_1067 = arith.addi %mul3A_1065, %add3A_1066 : i32
      %dma_wait3A_1068 = arith.constant 9 : i32
      %dma_wait3A_1069 = arith.constant 9 : i32
      %dma_wait3A_1070 = arith.constant 0 : i32
      %dma_wait3A_1071 = arith.constant 0 : i32
      %dma_wait3A_1072 = tpu.memref_slice %arg10[%dma_wait3A_1068, %dma_wait3A_1070, %dma_wait3A_1071] : memref<10x100x64xf32, #tpu.memory_space<vmem>> -> memref<1x100x64xf32, #tpu.memory_space<vmem>>
      %dma_wait3A_1073 = tpu.memref_squeeze %dma_wait3A_1072 : memref<1x100x64xf32, #tpu.memory_space<vmem>> -> memref<100x64xf32, #tpu.memory_space<vmem>>
      %dma_wait3A_1074 = arith.constant 0 : i32
      %dma_wait3A_1075 = tpu.memref_slice %arg8[%add3A_1067, %dma_wait3A_1074] : memref<100x100xi32, #tpu.memory_space<vmem>> -> memref<1x100xi32, #tpu.memory_space<vmem>>
      %dma_wait3A_1076 = tpu.memref_squeeze %dma_wait3A_1075 : memref<1x100xi32, #tpu.memory_space<vmem>> -> memref<100xi32, #tpu.memory_space<vmem>>
      %dma_wait3A_1077 = arith.constant 0 : i32
      %dma_wait3A_1078 = arith.constant 0 : i32
      %dma_wait3A_1079 = tpu.memref_slice %arg2[%dma_wait3A_1077, %dma_wait3A_1078] : memref<10000x64xf32, #tpu.memory_space<hbm>> -> memref<10000x64xf32, #tpu.memory_space<hbm>>
      %dma_wait3A_1080 = tpu.memref_slice %arg11[%dma_wait3A_1069] : memref<10x!tpu.dma_semaphore, #tpu.memory_space<semaphore_mem>> -> memref<1x!tpu.dma_semaphore, #tpu.memory_space<semaphore_mem>>
      %dma_wait3A_1081 = tpu.memref_squeeze %dma_wait3A_1080 : memref<1x!tpu.dma_semaphore, #tpu.memory_space<semaphore_mem>> -> memref<!tpu.dma_semaphore, #tpu.memory_space<semaphore_mem>>
      tpu.wait_indirect_dma semaphore(%dma_wait3A_1081 : memref<!tpu.dma_semaphore, #tpu.memory_space<semaphore_mem>>) src(%dma_wait3A_1079 : memref<10000x64xf32, #tpu.memory_space<hbm>>) dst(%dma_wait3A_1073 : memref<100x64xf32, #tpu.memory_space<vmem>>)
      %mul3A_1082 = arith.constant 5 : i32
      %mul3A_1083 = arith.muli %add3A_991, %mul3A_1082 : i32
      %add3A_1084 = arith.constant 0 : i32
      %add3A_1085 = arith.addi %mul3A_1083, %add3A_1084 : i32
      %dma_start3A_1086 = arith.constant 5 : i32
      %dma_start3A_1087 = arith.constant 5 : i32
      %dma_start3A_1088 = arith.constant 0 : i32
      %dma_start3A_1089 = arith.constant 0 : i32
      %dma_start3A_1090 = tpu.memref_slice %arg10[%dma_start3A_1086, %dma_start3A_1088, %dma_start3A_1089] : memref<10x100x64xf32, #tpu.memory_space<vmem>> -> memref<1x100x64xf32, #tpu.memory_space<vmem>>
      %dma_start3A_1091 = tpu.memref_squeeze %dma_start3A_1090 : memref<1x100x64xf32, #tpu.memory_space<vmem>> -> memref<100x64xf32, #tpu.memory_space<vmem>>
      %dma_start3A_1092 = arith.constant 0 : i32
      %dma_start3A_1093 = tpu.memref_slice %arg9[%add3A_1085, %dma_start3A_1092] : memref<100x100xi32, #tpu.memory_space<vmem>> -> memref<1x100xi32, #tpu.memory_space<vmem>>
      %dma_start3A_1094 = tpu.memref_squeeze %dma_start3A_1093 : memref<1x100xi32, #tpu.memory_space<vmem>> -> memref<100xi32, #tpu.memory_space<vmem>>
      %dma_start3A_1095 = arith.constant 0 : i32
      %dma_start3A_1096 = arith.constant 0 : i32
      %dma_start3A_1097 = tpu.memref_slice %arg7[%dma_start3A_1095, %dma_start3A_1096] : memref<10240x64xf32, #tpu.memory_space<vmem_shared>> -> memref<10240x64xf32, #tpu.memory_space<vmem_shared>>
      %dma_start3A_1098 = tpu.memref_slice %arg12[%dma_start3A_1087] : memref<10x!tpu.dma_semaphore, #tpu.memory_space<semaphore_mem>> -> memref<1x!tpu.dma_semaphore, #tpu.memory_space<semaphore_mem>>
      %dma_start3A_1099 = tpu.memref_squeeze %dma_start3A_1098 : memref<1x!tpu.dma_semaphore, #tpu.memory_space<semaphore_mem>> -> memref<!tpu.dma_semaphore, #tpu.memory_space<semaphore_mem>>
      tpu.enqueue_indirect_dma source(%dma_start3A_1091 : memref<100x64xf32, #tpu.memory_space<vmem>>) target(%dma_start3A_1097 : memref<10240x64xf32, #tpu.memory_space<vmem_shared>>) offsets(%dma_start3A_1094 : memref<100xi32, #tpu.memory_space<vmem>>) semaphore(%dma_start3A_1099 : memref<!tpu.dma_semaphore, #tpu.memory_space<semaphore_mem>>) {add = true}
      %mul3A_1100 = arith.constant 5 : i32
      %mul3A_1101 = arith.muli %add3A_991, %mul3A_1100 : i32
      %add3A_1102 = arith.constant 1 : i32
      %add3A_1103 = arith.addi %mul3A_1101, %add3A_1102 : i32
      %dma_start3A_1104 = arith.constant 6 : i32
      %dma_start3A_1105 = arith.constant 6 : i32
      %dma_start3A_1106 = arith.constant 0 : i32
      %dma_start3A_1107 = arith.constant 0 : i32
      %dma_start3A_1108 = tpu.memref_slice %arg10[%dma_start3A_1104, %dma_start3A_1106, %dma_start3A_1107] : memref<10x100x64xf32, #tpu.memory_space<vmem>> -> memref<1x100x64xf32, #tpu.memory_space<vmem>>
      %dma_start3A_1109 = tpu.memref_squeeze %dma_start3A_1108 : memref<1x100x64xf32, #tpu.memory_space<vmem>> -> memref<100x64xf32, #tpu.memory_space<vmem>>
      %dma_start3A_1110 = arith.constant 0 : i32
      %dma_start3A_1111 = tpu.memref_slice %arg9[%add3A_1103, %dma_start3A_1110] : memref<100x100xi32, #tpu.memory_space<vmem>> -> memref<1x100xi32, #tpu.memory_space<vmem>>
      %dma_start3A_1112 = tpu.memref_squeeze %dma_start3A_1111 : memref<1x100xi32, #tpu.memory_space<vmem>> -> memref<100xi32, #tpu.memory_space<vmem>>
      %dma_start3A_1113 = arith.constant 0 : i32
      %dma_start3A_1114 = arith.constant 0 : i32
      %dma_start3A_1115 = tpu.memref_slice %arg7[%dma_start3A_1113, %dma_start3A_1114] : memref<10240x64xf32, #tpu.memory_space<vmem_shared>> -> memref<10240x64xf32, #tpu.memory_space<vmem_shared>>
      %dma_start3A_1116 = tpu.memref_slice %arg12[%dma_start3A_1105] : memref<10x!tpu.dma_semaphore, #tpu.memory_space<semaphore_mem>> -> memref<1x!tpu.dma_semaphore, #tpu.memory_space<semaphore_mem>>
      %dma_start3A_1117 = tpu.memref_squeeze %dma_start3A_1116 : memref<1x!tpu.dma_semaphore, #tpu.memory_space<semaphore_mem>> -> memref<!tpu.dma_semaphore, #tpu.memory_space<semaphore_mem>>
      tpu.enqueue_indirect_dma source(%dma_start3A_1109 : memref<100x64xf32, #tpu.memory_space<vmem>>) target(%dma_start3A_1115 : memref<10240x64xf32, #tpu.memory_space<vmem_shared>>) offsets(%dma_start3A_1112 : memref<100xi32, #tpu.memory_space<vmem>>) semaphore(%dma_start3A_1117 : memref<!tpu.dma_semaphore, #tpu.memory_space<semaphore_mem>>) {add = true}
      %mul3A_1118 = arith.constant 5 : i32
      %mul3A_1119 = arith.muli %add3A_991, %mul3A_1118 : i32
      %add3A_1120 = arith.constant 2 : i32
      %add3A_1121 = arith.addi %mul3A_1119, %add3A_1120 : i32
      %dma_start3A_1122 = arith.constant 7 : i32
      %dma_start3A_1123 = arith.constant 7 : i32
      %dma_start3A_1124 = arith.constant 0 : i32
      %dma_start3A_1125 = arith.constant 0 : i32
      %dma_start3A_1126 = tpu.memref_slice %arg10[%dma_start3A_1122, %dma_start3A_1124, %dma_start3A_1125] : memref<10x100x64xf32, #tpu.memory_space<vmem>> -> memref<1x100x64xf32, #tpu.memory_space<vmem>>
      %dma_start3A_1127 = tpu.memref_squeeze %dma_start3A_1126 : memref<1x100x64xf32, #tpu.memory_space<vmem>> -> memref<100x64xf32, #tpu.memory_space<vmem>>
      %dma_start3A_1128 = arith.constant 0 : i32
      %dma_start3A_1129 = tpu.memref_slice %arg9[%add3A_1121, %dma_start3A_1128] : memref<100x100xi32, #tpu.memory_space<vmem>> -> memref<1x100xi32, #tpu.memory_space<vmem>>
      %dma_start3A_1130 = tpu.memref_squeeze %dma_start3A_1129 : memref<1x100xi32, #tpu.memory_space<vmem>> -> memref<100xi32, #tpu.memory_space<vmem>>
      %dma_start3A_1131 = arith.constant 0 : i32
      %dma_start3A_1132 = arith.constant 0 : i32
      %dma_start3A_1133 = tpu.memref_slice %arg7[%dma_start3A_1131, %dma_start3A_1132] : memref<10240x64xf32, #tpu.memory_space<vmem_shared>> -> memref<10240x64xf32, #tpu.memory_space<vmem_shared>>
      %dma_start3A_1134 = tpu.memref_slice %arg12[%dma_start3A_1123] : memref<10x!tpu.dma_semaphore, #tpu.memory_space<semaphore_mem>> -> memref<1x!tpu.dma_semaphore, #tpu.memory_space<semaphore_mem>>
      %dma_start3A_1135 = tpu.memref_squeeze %dma_start3A_1134 : memref<1x!tpu.dma_semaphore, #tpu.memory_space<semaphore_mem>> -> memref<!tpu.dma_semaphore, #tpu.memory_space<semaphore_mem>>
      tpu.enqueue_indirect_dma source(%dma_start3A_1127 : memref<100x64xf32, #tpu.memory_space<vmem>>) target(%dma_start3A_1133 : memref<10240x64xf32, #tpu.memory_space<vmem_shared>>) offsets(%dma_start3A_1130 : memref<100xi32, #tpu.memory_space<vmem>>) semaphore(%dma_start3A_1135 : memref<!tpu.dma_semaphore, #tpu.memory_space<semaphore_mem>>) {add = true}
      %mul3A_1136 = arith.constant 5 : i32
      %mul3A_1137 = arith.muli %add3A_991, %mul3A_1136 : i32
      %add3A_1138 = arith.constant 3 : i32
      %add3A_1139 = arith.addi %mul3A_1137, %add3A_1138 : i32
      %dma_start3A_1140 = arith.constant 8 : i32
      %dma_start3A_1141 = arith.constant 8 : i32
      %dma_start3A_1142 = arith.constant 0 : i32
      %dma_start3A_1143 = arith.constant 0 : i32
      %dma_start3A_1144 = tpu.memref_slice %arg10[%dma_start3A_1140, %dma_start3A_1142, %dma_start3A_1143] : memref<10x100x64xf32, #tpu.memory_space<vmem>> -> memref<1x100x64xf32, #tpu.memory_space<vmem>>
      %dma_start3A_1145 = tpu.memref_squeeze %dma_start3A_1144 : memref<1x100x64xf32, #tpu.memory_space<vmem>> -> memref<100x64xf32, #tpu.memory_space<vmem>>
      %dma_start3A_1146 = arith.constant 0 : i32
      %dma_start3A_1147 = tpu.memref_slice %arg9[%add3A_1139, %dma_start3A_1146] : memref<100x100xi32, #tpu.memory_space<vmem>> -> memref<1x100xi32, #tpu.memory_space<vmem>>
      %dma_start3A_1148 = tpu.memref_squeeze %dma_start3A_1147 : memref<1x100xi32, #tpu.memory_space<vmem>> -> memref<100xi32, #tpu.memory_space<vmem>>
      %dma_start3A_1149 = arith.constant 0 : i32
      %dma_start3A_1150 = arith.constant 0 : i32
      %dma_start3A_1151 = tpu.memref_slice %arg7[%dma_start3A_1149, %dma_start3A_1150] : memref<10240x64xf32, #tpu.memory_space<vmem_shared>> -> memref<10240x64xf32, #tpu.memory_space<vmem_shared>>
      %dma_start3A_1152 = tpu.memref_slice %arg12[%dma_start3A_1141] : memref<10x!tpu.dma_semaphore, #tpu.memory_space<semaphore_mem>> -> memref<1x!tpu.dma_semaphore, #tpu.memory_space<semaphore_mem>>
      %dma_start3A_1153 = tpu.memref_squeeze %dma_start3A_1152 : memref<1x!tpu.dma_semaphore, #tpu.memory_space<semaphore_mem>> -> memref<!tpu.dma_semaphore, #tpu.memory_space<semaphore_mem>>
      tpu.enqueue_indirect_dma source(%dma_start3A_1145 : memref<100x64xf32, #tpu.memory_space<vmem>>) target(%dma_start3A_1151 : memref<10240x64xf32, #tpu.memory_space<vmem_shared>>) offsets(%dma_start3A_1148 : memref<100xi32, #tpu.memory_space<vmem>>) semaphore(%dma_start3A_1153 : memref<!tpu.dma_semaphore, #tpu.memory_space<semaphore_mem>>) {add = true}
      %mul3A_1154 = arith.constant 5 : i32
      %mul3A_1155 = arith.muli %add3A_991, %mul3A_1154 : i32
      %add3A_1156 = arith.constant 4 : i32
      %add3A_1157 = arith.addi %mul3A_1155, %add3A_1156 : i32
      %dma_start3A_1158 = arith.constant 9 : i32
      %dma_start3A_1159 = arith.constant 9 : i32
      %dma_start3A_1160 = arith.constant 0 : i32
      %dma_start3A_1161 = arith.constant 0 : i32
      %dma_start3A_1162 = tpu.memref_slice %arg10[%dma_start3A_1158, %dma_start3A_1160, %dma_start3A_1161] : memref<10x100x64xf32, #tpu.memory_space<vmem>> -> memref<1x100x64xf32, #tpu.memory_space<vmem>>
      %dma_start3A_1163 = tpu.memref_squeeze %dma_start3A_1162 : memref<1x100x64xf32, #tpu.memory_space<vmem>> -> memref<100x64xf32, #tpu.memory_space<vmem>>
      %dma_start3A_1164 = arith.constant 0 : i32
      %dma_start3A_1165 = tpu.memref_slice %arg9[%add3A_1157, %dma_start3A_1164] : memref<100x100xi32, #tpu.memory_space<vmem>> -> memref<1x100xi32, #tpu.memory_space<vmem>>
      %dma_start3A_1166 = tpu.memref_squeeze %dma_start3A_1165 : memref<1x100xi32, #tpu.memory_space<vmem>> -> memref<100xi32, #tpu.memory_space<vmem>>
      %dma_start3A_1167 = arith.constant 0 : i32
      %dma_start3A_1168 = arith.constant 0 : i32
      %dma_start3A_1169 = tpu.memref_slice %arg7[%dma_start3A_1167, %dma_start3A_1168] : memref<10240x64xf32, #tpu.memory_space<vmem_shared>> -> memref<10240x64xf32, #tpu.memory_space<vmem_shared>>
      %dma_start3A_1170 = tpu.memref_slice %arg12[%dma_start3A_1159] : memref<10x!tpu.dma_semaphore, #tpu.memory_space<semaphore_mem>> -> memref<1x!tpu.dma_semaphore, #tpu.memory_space<semaphore_mem>>
      %dma_start3A_1171 = tpu.memref_squeeze %dma_start3A_1170 : memref<1x!tpu.dma_semaphore, #tpu.memory_space<semaphore_mem>> -> memref<!tpu.dma_semaphore, #tpu.memory_space<semaphore_mem>>
      tpu.enqueue_indirect_dma source(%dma_start3A_1163 : memref<100x64xf32, #tpu.memory_space<vmem>>) target(%dma_start3A_1169 : memref<10240x64xf32, #tpu.memory_space<vmem_shared>>) offsets(%dma_start3A_1166 : memref<100xi32, #tpu.memory_space<vmem>>) semaphore(%dma_start3A_1171 : memref<!tpu.dma_semaphore, #tpu.memory_space<semaphore_mem>>) {add = true}
      %add3A_1172 = arith.constant 1 : i32
      %add3A_1173 = arith.addi %add3A_991, %add3A_1172 : i32
      %mul3A_1174 = arith.constant 5 : i32
      %mul3A_1175 = arith.muli %add3A_1173, %mul3A_1174 : i32
      %add3A_1176 = arith.constant 0 : i32
      %add3A_1177 = arith.addi %mul3A_1175, %add3A_1176 : i32
      %dma_start3A_1178 = arith.constant 0 : i32
      %dma_start3A_1179 = arith.constant 0 : i32
      %dma_start3A_1180 = arith.constant 0 : i32
      %dma_start3A_1181 = arith.constant 0 : i32
      %dma_start3A_1182 = tpu.memref_slice %arg10[%dma_start3A_1178, %dma_start3A_1180, %dma_start3A_1181] : memref<10x100x64xf32, #tpu.memory_space<vmem>> -> memref<1x100x64xf32, #tpu.memory_space<vmem>>
      %dma_start3A_1183 = tpu.memref_squeeze %dma_start3A_1182 : memref<1x100x64xf32, #tpu.memory_space<vmem>> -> memref<100x64xf32, #tpu.memory_space<vmem>>
      %dma_start3A_1184 = arith.constant 0 : i32
      %dma_start3A_1185 = tpu.memref_slice %arg8[%add3A_1177, %dma_start3A_1184] : memref<100x100xi32, #tpu.memory_space<vmem>> -> memref<1x100xi32, #tpu.memory_space<vmem>>
      %dma_start3A_1186 = tpu.memref_squeeze %dma_start3A_1185 : memref<1x100xi32, #tpu.memory_space<vmem>> -> memref<100xi32, #tpu.memory_space<vmem>>
      %dma_start3A_1187 = arith.constant 0 : i32
      %dma_start3A_1188 = arith.constant 0 : i32
      %dma_start3A_1189 = tpu.memref_slice %arg2[%dma_start3A_1187, %dma_start3A_1188] : memref<10000x64xf32, #tpu.memory_space<hbm>> -> memref<10000x64xf32, #tpu.memory_space<hbm>>
      %dma_start3A_1190 = tpu.memref_slice %arg11[%dma_start3A_1179] : memref<10x!tpu.dma_semaphore, #tpu.memory_space<semaphore_mem>> -> memref<1x!tpu.dma_semaphore, #tpu.memory_space<semaphore_mem>>
      %dma_start3A_1191 = tpu.memref_squeeze %dma_start3A_1190 : memref<1x!tpu.dma_semaphore, #tpu.memory_space<semaphore_mem>> -> memref<!tpu.dma_semaphore, #tpu.memory_space<semaphore_mem>>
      tpu.enqueue_indirect_dma source(%dma_start3A_1189 : memref<10000x64xf32, #tpu.memory_space<hbm>>) target(%dma_start3A_1183 : memref<100x64xf32, #tpu.memory_space<vmem>>) offsets(%dma_start3A_1186 : memref<100xi32, #tpu.memory_space<vmem>>) semaphore(%dma_start3A_1191 : memref<!tpu.dma_semaphore, #tpu.memory_space<semaphore_mem>>)
      %add3A_1192 = arith.constant 1 : i32
      %add3A_1193 = arith.addi %add3A_991, %add3A_1192 : i32
      %mul3A_1194 = arith.constant 5 : i32
      %mul3A_1195 = arith.muli %add3A_1193, %mul3A_1194 : i32
      %add3A_1196 = arith.constant 1 : i32
      %add3A_1197 = arith.addi %mul3A_1195, %add3A_1196 : i32
      %dma_start3A_1198 = arith.constant 1 : i32
      %dma_start3A_1199 = arith.constant 1 : i32
      %dma_start3A_1200 = arith.constant 0 : i32
      %dma_start3A_1201 = arith.constant 0 : i32
      %dma_start3A_1202 = tpu.memref_slice %arg10[%dma_start3A_1198, %dma_start3A_1200, %dma_start3A_1201] : memref<10x100x64xf32, #tpu.memory_space<vmem>> -> memref<1x100x64xf32, #tpu.memory_space<vmem>>
      %dma_start3A_1203 = tpu.memref_squeeze %dma_start3A_1202 : memref<1x100x64xf32, #tpu.memory_space<vmem>> -> memref<100x64xf32, #tpu.memory_space<vmem>>
      %dma_start3A_1204 = arith.constant 0 : i32
      %dma_start3A_1205 = tpu.memref_slice %arg8[%add3A_1197, %dma_start3A_1204] : memref<100x100xi32, #tpu.memory_space<vmem>> -> memref<1x100xi32, #tpu.memory_space<vmem>>
      %dma_start3A_1206 = tpu.memref_squeeze %dma_start3A_1205 : memref<1x100xi32, #tpu.memory_space<vmem>> -> memref<100xi32, #tpu.memory_space<vmem>>
      %dma_start3A_1207 = arith.constant 0 : i32
      %dma_start3A_1208 = arith.constant 0 : i32
      %dma_start3A_1209 = tpu.memref_slice %arg2[%dma_start3A_1207, %dma_start3A_1208] : memref<10000x64xf32, #tpu.memory_space<hbm>> -> memref<10000x64xf32, #tpu.memory_space<hbm>>
      %dma_start3A_1210 = tpu.memref_slice %arg11[%dma_start3A_1199] : memref<10x!tpu.dma_semaphore, #tpu.memory_space<semaphore_mem>> -> memref<1x!tpu.dma_semaphore, #tpu.memory_space<semaphore_mem>>
      %dma_start3A_1211 = tpu.memref_squeeze %dma_start3A_1210 : memref<1x!tpu.dma_semaphore, #tpu.memory_space<semaphore_mem>> -> memref<!tpu.dma_semaphore, #tpu.memory_space<semaphore_mem>>
      tpu.enqueue_indirect_dma source(%dma_start3A_1209 : memref<10000x64xf32, #tpu.memory_space<hbm>>) target(%dma_start3A_1203 : memref<100x64xf32, #tpu.memory_space<vmem>>) offsets(%dma_start3A_1206 : memref<100xi32, #tpu.memory_space<vmem>>) semaphore(%dma_start3A_1211 : memref<!tpu.dma_semaphore, #tpu.memory_space<semaphore_mem>>)
      %add3A_1212 = arith.constant 1 : i32
      %add3A_1213 = arith.addi %add3A_991, %add3A_1212 : i32
      %mul3A_1214 = arith.constant 5 : i32
      %mul3A_1215 = arith.muli %add3A_1213, %mul3A_1214 : i32
      %add3A_1216 = arith.constant 2 : i32
      %add3A_1217 = arith.addi %mul3A_1215, %add3A_1216 : i32
      %dma_start3A_1218 = arith.constant 2 : i32
      %dma_start3A_1219 = arith.constant 2 : i32
      %dma_start3A_1220 = arith.constant 0 : i32
      %dma_start3A_1221 = arith.constant 0 : i32
      %dma_start3A_1222 = tpu.memref_slice %arg10[%dma_start3A_1218, %dma_start3A_1220, %dma_start3A_1221] : memref<10x100x64xf32, #tpu.memory_space<vmem>> -> memref<1x100x64xf32, #tpu.memory_space<vmem>>
      %dma_start3A_1223 = tpu.memref_squeeze %dma_start3A_1222 : memref<1x100x64xf32, #tpu.memory_space<vmem>> -> memref<100x64xf32, #tpu.memory_space<vmem>>
      %dma_start3A_1224 = arith.constant 0 : i32
      %dma_start3A_1225 = tpu.memref_slice %arg8[%add3A_1217, %dma_start3A_1224] : memref<100x100xi32, #tpu.memory_space<vmem>> -> memref<1x100xi32, #tpu.memory_space<vmem>>
      %dma_start3A_1226 = tpu.memref_squeeze %dma_start3A_1225 : memref<1x100xi32, #tpu.memory_space<vmem>> -> memref<100xi32, #tpu.memory_space<vmem>>
      %dma_start3A_1227 = arith.constant 0 : i32
      %dma_start3A_1228 = arith.constant 0 : i32
      %dma_start3A_1229 = tpu.memref_slice %arg2[%dma_start3A_1227, %dma_start3A_1228] : memref<10000x64xf32, #tpu.memory_space<hbm>> -> memref<10000x64xf32, #tpu.memory_space<hbm>>
      %dma_start3A_1230 = tpu.memref_slice %arg11[%dma_start3A_1219] : memref<10x!tpu.dma_semaphore, #tpu.memory_space<semaphore_mem>> -> memref<1x!tpu.dma_semaphore, #tpu.memory_space<semaphore_mem>>
      %dma_start3A_1231 = tpu.memref_squeeze %dma_start3A_1230 : memref<1x!tpu.dma_semaphore, #tpu.memory_space<semaphore_mem>> -> memref<!tpu.dma_semaphore, #tpu.memory_space<semaphore_mem>>
      tpu.enqueue_indirect_dma source(%dma_start3A_1229 : memref<10000x64xf32, #tpu.memory_space<hbm>>) target(%dma_start3A_1223 : memref<100x64xf32, #tpu.memory_space<vmem>>) offsets(%dma_start3A_1226 : memref<100xi32, #tpu.memory_space<vmem>>) semaphore(%dma_start3A_1231 : memref<!tpu.dma_semaphore, #tpu.memory_space<semaphore_mem>>)
      %add3A_1232 = arith.constant 1 : i32
      %add3A_1233 = arith.addi %add3A_991, %add3A_1232 : i32
      %mul3A_1234 = arith.constant 5 : i32
      %mul3A_1235 = arith.muli %add3A_1233, %mul3A_1234 : i32
      %add3A_1236 = arith.constant 3 : i32
      %add3A_1237 = arith.addi %mul3A_1235, %add3A_1236 : i32
      %dma_start3A_1238 = arith.constant 3 : i32
      %dma_start3A_1239 = arith.constant 3 : i32
      %dma_start3A_1240 = arith.constant 0 : i32
      %dma_start3A_1241 = arith.constant 0 : i32
      %dma_start3A_1242 = tpu.memref_slice %arg10[%dma_start3A_1238, %dma_start3A_1240, %dma_start3A_1241] : memref<10x100x64xf32, #tpu.memory_space<vmem>> -> memref<1x100x64xf32, #tpu.memory_space<vmem>>
      %dma_start3A_1243 = tpu.memref_squeeze %dma_start3A_1242 : memref<1x100x64xf32, #tpu.memory_space<vmem>> -> memref<100x64xf32, #tpu.memory_space<vmem>>
      %dma_start3A_1244 = arith.constant 0 : i32
      %dma_start3A_1245 = tpu.memref_slice %arg8[%add3A_1237, %dma_start3A_1244] : memref<100x100xi32, #tpu.memory_space<vmem>> -> memref<1x100xi32, #tpu.memory_space<vmem>>
      %dma_start3A_1246 = tpu.memref_squeeze %dma_start3A_1245 : memref<1x100xi32, #tpu.memory_space<vmem>> -> memref<100xi32, #tpu.memory_space<vmem>>
      %dma_start3A_1247 = arith.constant 0 : i32
      %dma_start3A_1248 = arith.constant 0 : i32
      %dma_start3A_1249 = tpu.memref_slice %arg2[%dma_start3A_1247, %dma_start3A_1248] : memref<10000x64xf32, #tpu.memory_space<hbm>> -> memref<10000x64xf32, #tpu.memory_space<hbm>>
      %dma_start3A_1250 = tpu.memref_slice %arg11[%dma_start3A_1239] : memref<10x!tpu.dma_semaphore, #tpu.memory_space<semaphore_mem>> -> memref<1x!tpu.dma_semaphore, #tpu.memory_space<semaphore_mem>>
      %dma_start3A_1251 = tpu.memref_squeeze %dma_start3A_1250 : memref<1x!tpu.dma_semaphore, #tpu.memory_space<semaphore_mem>> -> memref<!tpu.dma_semaphore, #tpu.memory_space<semaphore_mem>>
      tpu.enqueue_indirect_dma source(%dma_start3A_1249 : memref<10000x64xf32, #tpu.memory_space<hbm>>) target(%dma_start3A_1243 : memref<100x64xf32, #tpu.memory_space<vmem>>) offsets(%dma_start3A_1246 : memref<100xi32, #tpu.memory_space<vmem>>) semaphore(%dma_start3A_1251 : memref<!tpu.dma_semaphore, #tpu.memory_space<semaphore_mem>>)
      %add3A_1252 = arith.constant 1 : i32
      %add3A_1253 = arith.addi %add3A_991, %add3A_1252 : i32
      %mul3A_1254 = arith.constant 5 : i32
      %mul3A_1255 = arith.muli %add3A_1253, %mul3A_1254 : i32
      %add3A_1256 = arith.constant 4 : i32
      %add3A_1257 = arith.addi %mul3A_1255, %add3A_1256 : i32
      %dma_start3A_1258 = arith.constant 4 : i32
      %dma_start3A_1259 = arith.constant 4 : i32
      %dma_start3A_1260 = arith.constant 0 : i32
      %dma_start3A_1261 = arith.constant 0 : i32
      %dma_start3A_1262 = tpu.memref_slice %arg10[%dma_start3A_1258, %dma_start3A_1260, %dma_start3A_1261] : memref<10x100x64xf32, #tpu.memory_space<vmem>> -> memref<1x100x64xf32, #tpu.memory_space<vmem>>
      %dma_start3A_1263 = tpu.memref_squeeze %dma_start3A_1262 : memref<1x100x64xf32, #tpu.memory_space<vmem>> -> memref<100x64xf32, #tpu.memory_space<vmem>>
      %dma_start3A_1264 = arith.constant 0 : i32
      %dma_start3A_1265 = tpu.memref_slice %arg8[%add3A_1257, %dma_start3A_1264] : memref<100x100xi32, #tpu.memory_space<vmem>> -> memref<1x100xi32, #tpu.memory_space<vmem>>
      %dma_start3A_1266 = tpu.memref_squeeze %dma_start3A_1265 : memref<1x100xi32, #tpu.memory_space<vmem>> -> memref<100xi32, #tpu.memory_space<vmem>>
      %dma_start3A_1267 = arith.constant 0 : i32
      %dma_start3A_1268 = arith.constant 0 : i32
      %dma_start3A_1269 = tpu.memref_slice %arg2[%dma_start3A_1267, %dma_start3A_1268] : memref<10000x64xf32, #tpu.memory_space<hbm>> -> memref<10000x64xf32, #tpu.memory_space<hbm>>
      %dma_start3A_1270 = tpu.memref_slice %arg11[%dma_start3A_1259] : memref<10x!tpu.dma_semaphore, #tpu.memory_space<semaphore_mem>> -> memref<1x!tpu.dma_semaphore, #tpu.memory_space<semaphore_mem>>
      %dma_start3A_1271 = tpu.memref_squeeze %dma_start3A_1270 : memref<1x!tpu.dma_semaphore, #tpu.memory_space<semaphore_mem>> -> memref<!tpu.dma_semaphore, #tpu.memory_space<semaphore_mem>>
      tpu.enqueue_indirect_dma source(%dma_start3A_1269 : memref<10000x64xf32, #tpu.memory_space<hbm>>) target(%dma_start3A_1263 : memref<100x64xf32, #tpu.memory_space<vmem>>) offsets(%dma_start3A_1266 : memref<100xi32, #tpu.memory_space<vmem>>) semaphore(%dma_start3A_1271 : memref<!tpu.dma_semaphore, #tpu.memory_space<semaphore_mem>>)
      %mul3A_1272 = arith.constant 5 : i32
      %mul3A_1273 = arith.muli %add3A_991, %mul3A_1272 : i32
      %add3A_1274 = arith.constant 0 : i32
      %add3A_1275 = arith.addi %mul3A_1273, %add3A_1274 : i32
      %dma_wait3A_1276 = arith.constant 5 : i32
      %dma_wait3A_1277 = arith.constant 5 : i32
      %dma_wait3A_1278 = arith.constant 0 : i32
      %dma_wait3A_1279 = arith.constant 0 : i32
      %dma_wait3A_1280 = tpu.memref_slice %arg10[%dma_wait3A_1276, %dma_wait3A_1278, %dma_wait3A_1279] : memref<10x100x64xf32, #tpu.memory_space<vmem>> -> memref<1x100x64xf32, #tpu.memory_space<vmem>>
      %dma_wait3A_1281 = tpu.memref_squeeze %dma_wait3A_1280 : memref<1x100x64xf32, #tpu.memory_space<vmem>> -> memref<100x64xf32, #tpu.memory_space<vmem>>
      %dma_wait3A_1282 = arith.constant 0 : i32
      %dma_wait3A_1283 = tpu.memref_slice %arg9[%add3A_1275, %dma_wait3A_1282] : memref<100x100xi32, #tpu.memory_space<vmem>> -> memref<1x100xi32, #tpu.memory_space<vmem>>
      %dma_wait3A_1284 = tpu.memref_squeeze %dma_wait3A_1283 : memref<1x100xi32, #tpu.memory_space<vmem>> -> memref<100xi32, #tpu.memory_space<vmem>>
      %dma_wait3A_1285 = arith.constant 0 : i32
      %dma_wait3A_1286 = arith.constant 0 : i32
      %dma_wait3A_1287 = tpu.memref_slice %arg7[%dma_wait3A_1285, %dma_wait3A_1286] : memref<10240x64xf32, #tpu.memory_space<vmem_shared>> -> memref<10240x64xf32, #tpu.memory_space<vmem_shared>>
      %dma_wait3A_1288 = tpu.memref_slice %arg12[%dma_wait3A_1277] : memref<10x!tpu.dma_semaphore, #tpu.memory_space<semaphore_mem>> -> memref<1x!tpu.dma_semaphore, #tpu.memory_space<semaphore_mem>>
      %dma_wait3A_1289 = tpu.memref_squeeze %dma_wait3A_1288 : memref<1x!tpu.dma_semaphore, #tpu.memory_space<semaphore_mem>> -> memref<!tpu.dma_semaphore, #tpu.memory_space<semaphore_mem>>
      tpu.wait_indirect_dma semaphore(%dma_wait3A_1289 : memref<!tpu.dma_semaphore, #tpu.memory_space<semaphore_mem>>) src(%dma_wait3A_1281 : memref<100x64xf32, #tpu.memory_space<vmem>>) dst(%dma_wait3A_1287 : memref<10240x64xf32, #tpu.memory_space<vmem_shared>>)
      %mul3A_1290 = arith.constant 5 : i32
      %mul3A_1291 = arith.muli %add3A_991, %mul3A_1290 : i32
      %add3A_1292 = arith.constant 1 : i32
      %add3A_1293 = arith.addi %mul3A_1291, %add3A_1292 : i32
      %dma_wait3A_1294 = arith.constant 6 : i32
      %dma_wait3A_1295 = arith.constant 6 : i32
      %dma_wait3A_1296 = arith.constant 0 : i32
      %dma_wait3A_1297 = arith.constant 0 : i32
      %dma_wait3A_1298 = tpu.memref_slice %arg10[%dma_wait3A_1294, %dma_wait3A_1296, %dma_wait3A_1297] : memref<10x100x64xf32, #tpu.memory_space<vmem>> -> memref<1x100x64xf32, #tpu.memory_space<vmem>>
      %dma_wait3A_1299 = tpu.memref_squeeze %dma_wait3A_1298 : memref<1x100x64xf32, #tpu.memory_space<vmem>> -> memref<100x64xf32, #tpu.memory_space<vmem>>
      %dma_wait3A_1300 = arith.constant 0 : i32
      %dma_wait3A_1301 = tpu.memref_slice %arg9[%add3A_1293, %dma_wait3A_1300] : memref<100x100xi32, #tpu.memory_space<vmem>> -> memref<1x100xi32, #tpu.memory_space<vmem>>
      %dma_wait3A_1302 = tpu.memref_squeeze %dma_wait3A_1301 : memref<1x100xi32, #tpu.memory_space<vmem>> -> memref<100xi32, #tpu.memory_space<vmem>>
      %dma_wait3A_1303 = arith.constant 0 : i32
      %dma_wait3A_1304 = arith.constant 0 : i32
      %dma_wait3A_1305 = tpu.memref_slice %arg7[%dma_wait3A_1303, %dma_wait3A_1304] : memref<10240x64xf32, #tpu.memory_space<vmem_shared>> -> memref<10240x64xf32, #tpu.memory_space<vmem_shared>>
      %dma_wait3A_1306 = tpu.memref_slice %arg12[%dma_wait3A_1295] : memref<10x!tpu.dma_semaphore, #tpu.memory_space<semaphore_mem>> -> memref<1x!tpu.dma_semaphore, #tpu.memory_space<semaphore_mem>>
      %dma_wait3A_1307 = tpu.memref_squeeze %dma_wait3A_1306 : memref<1x!tpu.dma_semaphore, #tpu.memory_space<semaphore_mem>> -> memref<!tpu.dma_semaphore, #tpu.memory_space<semaphore_mem>>
      tpu.wait_indirect_dma semaphore(%dma_wait3A_1307 : memref<!tpu.dma_semaphore, #tpu.memory_space<semaphore_mem>>) src(%dma_wait3A_1299 : memref<100x64xf32, #tpu.memory_space<vmem>>) dst(%dma_wait3A_1305 : memref<10240x64xf32, #tpu.memory_space<vmem_shared>>)
      %mul3A_1308 = arith.constant 5 : i32
      %mul3A_1309 = arith.muli %add3A_991, %mul3A_1308 : i32
      %add3A_1310 = arith.constant 2 : i32
      %add3A_1311 = arith.addi %mul3A_1309, %add3A_1310 : i32
      %dma_wait3A_1312 = arith.constant 7 : i32
      %dma_wait3A_1313 = arith.constant 7 : i32
      %dma_wait3A_1314 = arith.constant 0 : i32
      %dma_wait3A_1315 = arith.constant 0 : i32
      %dma_wait3A_1316 = tpu.memref_slice %arg10[%dma_wait3A_1312, %dma_wait3A_1314, %dma_wait3A_1315] : memref<10x100x64xf32, #tpu.memory_space<vmem>> -> memref<1x100x64xf32, #tpu.memory_space<vmem>>
      %dma_wait3A_1317 = tpu.memref_squeeze %dma_wait3A_1316 : memref<1x100x64xf32, #tpu.memory_space<vmem>> -> memref<100x64xf32, #tpu.memory_space<vmem>>
      %dma_wait3A_1318 = arith.constant 0 : i32
      %dma_wait3A_1319 = tpu.memref_slice %arg9[%add3A_1311, %dma_wait3A_1318] : memref<100x100xi32, #tpu.memory_space<vmem>> -> memref<1x100xi32, #tpu.memory_space<vmem>>
      %dma_wait3A_1320 = tpu.memref_squeeze %dma_wait3A_1319 : memref<1x100xi32, #tpu.memory_space<vmem>> -> memref<100xi32, #tpu.memory_space<vmem>>
      %dma_wait3A_1321 = arith.constant 0 : i32
      %dma_wait3A_1322 = arith.constant 0 : i32
      %dma_wait3A_1323 = tpu.memref_slice %arg7[%dma_wait3A_1321, %dma_wait3A_1322] : memref<10240x64xf32, #tpu.memory_space<vmem_shared>> -> memref<10240x64xf32, #tpu.memory_space<vmem_shared>>
      %dma_wait3A_1324 = tpu.memref_slice %arg12[%dma_wait3A_1313] : memref<10x!tpu.dma_semaphore, #tpu.memory_space<semaphore_mem>> -> memref<1x!tpu.dma_semaphore, #tpu.memory_space<semaphore_mem>>
      %dma_wait3A_1325 = tpu.memref_squeeze %dma_wait3A_1324 : memref<1x!tpu.dma_semaphore, #tpu.memory_space<semaphore_mem>> -> memref<!tpu.dma_semaphore, #tpu.memory_space<semaphore_mem>>
      tpu.wait_indirect_dma semaphore(%dma_wait3A_1325 : memref<!tpu.dma_semaphore, #tpu.memory_space<semaphore_mem>>) src(%dma_wait3A_1317 : memref<100x64xf32, #tpu.memory_space<vmem>>) dst(%dma_wait3A_1323 : memref<10240x64xf32, #tpu.memory_space<vmem_shared>>)
      %mul3A_1326 = arith.constant 5 : i32
      %mul3A_1327 = arith.muli %add3A_991, %mul3A_1326 : i32
      %add3A_1328 = arith.constant 3 : i32
      %add3A_1329 = arith.addi %mul3A_1327, %add3A_1328 : i32
      %dma_wait3A_1330 = arith.constant 8 : i32
      %dma_wait3A_1331 = arith.constant 8 : i32
      %dma_wait3A_1332 = arith.constant 0 : i32
      %dma_wait3A_1333 = arith.constant 0 : i32
      %dma_wait3A_1334 = tpu.memref_slice %arg10[%dma_wait3A_1330, %dma_wait3A_1332, %dma_wait3A_1333] : memref<10x100x64xf32, #tpu.memory_space<vmem>> -> memref<1x100x64xf32, #tpu.memory_space<vmem>>
      %dma_wait3A_1335 = tpu.memref_squeeze %dma_wait3A_1334 : memref<1x100x64xf32, #tpu.memory_space<vmem>> -> memref<100x64xf32, #tpu.memory_space<vmem>>
      %dma_wait3A_1336 = arith.constant 0 : i32
      %dma_wait3A_1337 = tpu.memref_slice %arg9[%add3A_1329, %dma_wait3A_1336] : memref<100x100xi32, #tpu.memory_space<vmem>> -> memref<1x100xi32, #tpu.memory_space<vmem>>
      %dma_wait3A_1338 = tpu.memref_squeeze %dma_wait3A_1337 : memref<1x100xi32, #tpu.memory_space<vmem>> -> memref<100xi32, #tpu.memory_space<vmem>>
      %dma_wait3A_1339 = arith.constant 0 : i32
      %dma_wait3A_1340 = arith.constant 0 : i32
      %dma_wait3A_1341 = tpu.memref_slice %arg7[%dma_wait3A_1339, %dma_wait3A_1340] : memref<10240x64xf32, #tpu.memory_space<vmem_shared>> -> memref<10240x64xf32, #tpu.memory_space<vmem_shared>>
      %dma_wait3A_1342 = tpu.memref_slice %arg12[%dma_wait3A_1331] : memref<10x!tpu.dma_semaphore, #tpu.memory_space<semaphore_mem>> -> memref<1x!tpu.dma_semaphore, #tpu.memory_space<semaphore_mem>>
      %dma_wait3A_1343 = tpu.memref_squeeze %dma_wait3A_1342 : memref<1x!tpu.dma_semaphore, #tpu.memory_space<semaphore_mem>> -> memref<!tpu.dma_semaphore, #tpu.memory_space<semaphore_mem>>
      tpu.wait_indirect_dma semaphore(%dma_wait3A_1343 : memref<!tpu.dma_semaphore, #tpu.memory_space<semaphore_mem>>) src(%dma_wait3A_1335 : memref<100x64xf32, #tpu.memory_space<vmem>>) dst(%dma_wait3A_1341 : memref<10240x64xf32, #tpu.memory_space<vmem_shared>>)
      %mul3A_1344 = arith.constant 5 : i32
      %mul3A_1345 = arith.muli %add3A_991, %mul3A_1344 : i32
      %add3A_1346 = arith.constant 4 : i32
      %add3A_1347 = arith.addi %mul3A_1345, %add3A_1346 : i32
      %dma_wait3A_1348 = arith.constant 9 : i32
      %dma_wait3A_1349 = arith.constant 9 : i32
      %dma_wait3A_1350 = arith.constant 0 : i32
      %dma_wait3A_1351 = arith.constant 0 : i32
      %dma_wait3A_1352 = tpu.memref_slice %arg10[%dma_wait3A_1348, %dma_wait3A_1350, %dma_wait3A_1351] : memref<10x100x64xf32, #tpu.memory_space<vmem>> -> memref<1x100x64xf32, #tpu.memory_space<vmem>>
      %dma_wait3A_1353 = tpu.memref_squeeze %dma_wait3A_1352 : memref<1x100x64xf32, #tpu.memory_space<vmem>> -> memref<100x64xf32, #tpu.memory_space<vmem>>
      %dma_wait3A_1354 = arith.constant 0 : i32
      %dma_wait3A_1355 = tpu.memref_slice %arg9[%add3A_1347, %dma_wait3A_1354] : memref<100x100xi32, #tpu.memory_space<vmem>> -> memref<1x100xi32, #tpu.memory_space<vmem>>
      %dma_wait3A_1356 = tpu.memref_squeeze %dma_wait3A_1355 : memref<1x100xi32, #tpu.memory_space<vmem>> -> memref<100xi32, #tpu.memory_space<vmem>>
      %dma_wait3A_1357 = arith.constant 0 : i32
      %dma_wait3A_1358 = arith.constant 0 : i32
      %dma_wait3A_1359 = tpu.memref_slice %arg7[%dma_wait3A_1357, %dma_wait3A_1358] : memref<10240x64xf32, #tpu.memory_space<vmem_shared>> -> memref<10240x64xf32, #tpu.memory_space<vmem_shared>>
      %dma_wait3A_1360 = tpu.memref_slice %arg12[%dma_wait3A_1349] : memref<10x!tpu.dma_semaphore, #tpu.memory_space<semaphore_mem>> -> memref<1x!tpu.dma_semaphore, #tpu.memory_space<semaphore_mem>>
      %dma_wait3A_1361 = tpu.memref_squeeze %dma_wait3A_1360 : memref<1x!tpu.dma_semaphore, #tpu.memory_space<semaphore_mem>> -> memref<!tpu.dma_semaphore, #tpu.memory_space<semaphore_mem>>
      tpu.wait_indirect_dma semaphore(%dma_wait3A_1361 : memref<!tpu.dma_semaphore, #tpu.memory_space<semaphore_mem>>) src(%dma_wait3A_1353 : memref<100x64xf32, #tpu.memory_space<vmem>>) dst(%dma_wait3A_1359 : memref<10240x64xf32, #tpu.memory_space<vmem_shared>>)
    }
    %scan3A_82 = arith.constant 9 : i32
    %dma_wait3A = arith.constant 90 : i32
    %dma_wait3A_83 = arith.constant 0 : i32
    %dma_wait3A_84 = arith.constant 0 : i32
    %dma_wait3A_85 = arith.constant 0 : i32
    %dma_wait3A_86 = arith.constant 0 : i32
    %dma_wait3A_87 = tpu.memref_slice %arg10[%dma_wait3A_83, %dma_wait3A_85, %dma_wait3A_86] : memref<10x100x64xf32, #tpu.memory_space<vmem>> -> memref<1x100x64xf32, #tpu.memory_space<vmem>>
    %dma_wait3A_88 = tpu.memref_squeeze %dma_wait3A_87 : memref<1x100x64xf32, #tpu.memory_space<vmem>> -> memref<100x64xf32, #tpu.memory_space<vmem>>
    %dma_wait3A_89 = arith.constant 0 : i32
    %dma_wait3A_90 = tpu.memref_slice %arg8[%dma_wait3A, %dma_wait3A_89] : memref<100x100xi32, #tpu.memory_space<vmem>> -> memref<1x100xi32, #tpu.memory_space<vmem>>
    %dma_wait3A_91 = tpu.memref_squeeze %dma_wait3A_90 : memref<1x100xi32, #tpu.memory_space<vmem>> -> memref<100xi32, #tpu.memory_space<vmem>>
    %dma_wait3A_92 = arith.constant 0 : i32
    %dma_wait3A_93 = arith.constant 0 : i32
    %dma_wait3A_94 = tpu.memref_slice %arg2[%dma_wait3A_92, %dma_wait3A_93] : memref<10000x64xf32, #tpu.memory_space<hbm>> -> memref<10000x64xf32, #tpu.memory_space<hbm>>
    %dma_wait3A_95 = tpu.memref_slice %arg11[%dma_wait3A_84] : memref<10x!tpu.dma_semaphore, #tpu.memory_space<semaphore_mem>> -> memref<1x!tpu.dma_semaphore, #tpu.memory_space<semaphore_mem>>
    %dma_wait3A_96 = tpu.memref_squeeze %dma_wait3A_95 : memref<1x!tpu.dma_semaphore, #tpu.memory_space<semaphore_mem>> -> memref<!tpu.dma_semaphore, #tpu.memory_space<semaphore_mem>>
    tpu.wait_indirect_dma semaphore(%dma_wait3A_96 : memref<!tpu.dma_semaphore, #tpu.memory_space<semaphore_mem>>) src(%dma_wait3A_94 : memref<10000x64xf32, #tpu.memory_space<hbm>>) dst(%dma_wait3A_88 : memref<100x64xf32, #tpu.memory_space<vmem>>)
    %dma_wait3A_97 = arith.constant 91 : i32
    %dma_wait3A_98 = arith.constant 1 : i32
    %dma_wait3A_99 = arith.constant 1 : i32
    %dma_wait3A_100 = arith.constant 0 : i32
    %dma_wait3A_101 = arith.constant 0 : i32
    %dma_wait3A_102 = tpu.memref_slice %arg10[%dma_wait3A_98, %dma_wait3A_100, %dma_wait3A_101] : memref<10x100x64xf32, #tpu.memory_space<vmem>> -> memref<1x100x64xf32, #tpu.memory_space<vmem>>
    %dma_wait3A_103 = tpu.memref_squeeze %dma_wait3A_102 : memref<1x100x64xf32, #tpu.memory_space<vmem>> -> memref<100x64xf32, #tpu.memory_space<vmem>>
    %dma_wait3A_104 = arith.constant 0 : i32
    %dma_wait3A_105 = tpu.memref_slice %arg8[%dma_wait3A_97, %dma_wait3A_104] : memref<100x100xi32, #tpu.memory_space<vmem>> -> memref<1x100xi32, #tpu.memory_space<vmem>>
    %dma_wait3A_106 = tpu.memref_squeeze %dma_wait3A_105 : memref<1x100xi32, #tpu.memory_space<vmem>> -> memref<100xi32, #tpu.memory_space<vmem>>
    %dma_wait3A_107 = arith.constant 0 : i32
    %dma_wait3A_108 = arith.constant 0 : i32
    %dma_wait3A_109 = tpu.memref_slice %arg2[%dma_wait3A_107, %dma_wait3A_108] : memref<10000x64xf32, #tpu.memory_space<hbm>> -> memref<10000x64xf32, #tpu.memory_space<hbm>>
    %dma_wait3A_110 = tpu.memref_slice %arg11[%dma_wait3A_99] : memref<10x!tpu.dma_semaphore, #tpu.memory_space<semaphore_mem>> -> memref<1x!tpu.dma_semaphore, #tpu.memory_space<semaphore_mem>>
    %dma_wait3A_111 = tpu.memref_squeeze %dma_wait3A_110 : memref<1x!tpu.dma_semaphore, #tpu.memory_space<semaphore_mem>> -> memref<!tpu.dma_semaphore, #tpu.memory_space<semaphore_mem>>
    tpu.wait_indirect_dma semaphore(%dma_wait3A_111 : memref<!tpu.dma_semaphore, #tpu.memory_space<semaphore_mem>>) src(%dma_wait3A_109 : memref<10000x64xf32, #tpu.memory_space<hbm>>) dst(%dma_wait3A_103 : memref<100x64xf32, #tpu.memory_space<vmem>>)
    %dma_wait3A_112 = arith.constant 92 : i32
    %dma_wait3A_113 = arith.constant 2 : i32
    %dma_wait3A_114 = arith.constant 2 : i32
    %dma_wait3A_115 = arith.constant 0 : i32
    %dma_wait3A_116 = arith.constant 0 : i32
    %dma_wait3A_117 = tpu.memref_slice %arg10[%dma_wait3A_113, %dma_wait3A_115, %dma_wait3A_116] : memref<10x100x64xf32, #tpu.memory_space<vmem>> -> memref<1x100x64xf32, #tpu.memory_space<vmem>>
    %dma_wait3A_118 = tpu.memref_squeeze %dma_wait3A_117 : memref<1x100x64xf32, #tpu.memory_space<vmem>> -> memref<100x64xf32, #tpu.memory_space<vmem>>
    %dma_wait3A_119 = arith.constant 0 : i32
    %dma_wait3A_120 = tpu.memref_slice %arg8[%dma_wait3A_112, %dma_wait3A_119] : memref<100x100xi32, #tpu.memory_space<vmem>> -> memref<1x100xi32, #tpu.memory_space<vmem>>
    %dma_wait3A_121 = tpu.memref_squeeze %dma_wait3A_120 : memref<1x100xi32, #tpu.memory_space<vmem>> -> memref<100xi32, #tpu.memory_space<vmem>>
    %dma_wait3A_122 = arith.constant 0 : i32
    %dma_wait3A_123 = arith.constant 0 : i32
    %dma_wait3A_124 = tpu.memref_slice %arg2[%dma_wait3A_122, %dma_wait3A_123] : memref<10000x64xf32, #tpu.memory_space<hbm>> -> memref<10000x64xf32, #tpu.memory_space<hbm>>
    %dma_wait3A_125 = tpu.memref_slice %arg11[%dma_wait3A_114] : memref<10x!tpu.dma_semaphore, #tpu.memory_space<semaphore_mem>> -> memref<1x!tpu.dma_semaphore, #tpu.memory_space<semaphore_mem>>
    %dma_wait3A_126 = tpu.memref_squeeze %dma_wait3A_125 : memref<1x!tpu.dma_semaphore, #tpu.memory_space<semaphore_mem>> -> memref<!tpu.dma_semaphore, #tpu.memory_space<semaphore_mem>>
    tpu.wait_indirect_dma semaphore(%dma_wait3A_126 : memref<!tpu.dma_semaphore, #tpu.memory_space<semaphore_mem>>) src(%dma_wait3A_124 : memref<10000x64xf32, #tpu.memory_space<hbm>>) dst(%dma_wait3A_118 : memref<100x64xf32, #tpu.memory_space<vmem>>)
    %dma_wait3A_127 = arith.constant 93 : i32
    %dma_wait3A_128 = arith.constant 3 : i32
    %dma_wait3A_129 = arith.constant 3 : i32
    %dma_wait3A_130 = arith.constant 0 : i32
    %dma_wait3A_131 = arith.constant 0 : i32
    %dma_wait3A_132 = tpu.memref_slice %arg10[%dma_wait3A_128, %dma_wait3A_130, %dma_wait3A_131] : memref<10x100x64xf32, #tpu.memory_space<vmem>> -> memref<1x100x64xf32, #tpu.memory_space<vmem>>
    %dma_wait3A_133 = tpu.memref_squeeze %dma_wait3A_132 : memref<1x100x64xf32, #tpu.memory_space<vmem>> -> memref<100x64xf32, #tpu.memory_space<vmem>>
    %dma_wait3A_134 = arith.constant 0 : i32
    %dma_wait3A_135 = tpu.memref_slice %arg8[%dma_wait3A_127, %dma_wait3A_134] : memref<100x100xi32, #tpu.memory_space<vmem>> -> memref<1x100xi32, #tpu.memory_space<vmem>>
    %dma_wait3A_136 = tpu.memref_squeeze %dma_wait3A_135 : memref<1x100xi32, #tpu.memory_space<vmem>> -> memref<100xi32, #tpu.memory_space<vmem>>
    %dma_wait3A_137 = arith.constant 0 : i32
    %dma_wait3A_138 = arith.constant 0 : i32
    %dma_wait3A_139 = tpu.memref_slice %arg2[%dma_wait3A_137, %dma_wait3A_138] : memref<10000x64xf32, #tpu.memory_space<hbm>> -> memref<10000x64xf32, #tpu.memory_space<hbm>>
    %dma_wait3A_140 = tpu.memref_slice %arg11[%dma_wait3A_129] : memref<10x!tpu.dma_semaphore, #tpu.memory_space<semaphore_mem>> -> memref<1x!tpu.dma_semaphore, #tpu.memory_space<semaphore_mem>>
    %dma_wait3A_141 = tpu.memref_squeeze %dma_wait3A_140 : memref<1x!tpu.dma_semaphore, #tpu.memory_space<semaphore_mem>> -> memref<!tpu.dma_semaphore, #tpu.memory_space<semaphore_mem>>
    tpu.wait_indirect_dma semaphore(%dma_wait3A_141 : memref<!tpu.dma_semaphore, #tpu.memory_space<semaphore_mem>>) src(%dma_wait3A_139 : memref<10000x64xf32, #tpu.memory_space<hbm>>) dst(%dma_wait3A_133 : memref<100x64xf32, #tpu.memory_space<vmem>>)
    %dma_wait3A_142 = arith.constant 94 : i32
    %dma_wait3A_143 = arith.constant 4 : i32
    %dma_wait3A_144 = arith.constant 4 : i32
    %dma_wait3A_145 = arith.constant 0 : i32
    %dma_wait3A_146 = arith.constant 0 : i32
    %dma_wait3A_147 = tpu.memref_slice %arg10[%dma_wait3A_143, %dma_wait3A_145, %dma_wait3A_146] : memref<10x100x64xf32, #tpu.memory_space<vmem>> -> memref<1x100x64xf32, #tpu.memory_space<vmem>>
    %dma_wait3A_148 = tpu.memref_squeeze %dma_wait3A_147 : memref<1x100x64xf32, #tpu.memory_space<vmem>> -> memref<100x64xf32, #tpu.memory_space<vmem>>
    %dma_wait3A_149 = arith.constant 0 : i32
    %dma_wait3A_150 = tpu.memref_slice %arg8[%dma_wait3A_142, %dma_wait3A_149] : memref<100x100xi32, #tpu.memory_space<vmem>> -> memref<1x100xi32, #tpu.memory_space<vmem>>
    %dma_wait3A_151 = tpu.memref_squeeze %dma_wait3A_150 : memref<1x100xi32, #tpu.memory_space<vmem>> -> memref<100xi32, #tpu.memory_space<vmem>>
    %dma_wait3A_152 = arith.constant 0 : i32
    %dma_wait3A_153 = arith.constant 0 : i32
    %dma_wait3A_154 = tpu.memref_slice %arg2[%dma_wait3A_152, %dma_wait3A_153] : memref<10000x64xf32, #tpu.memory_space<hbm>> -> memref<10000x64xf32, #tpu.memory_space<hbm>>
    %dma_wait3A_155 = tpu.memref_slice %arg11[%dma_wait3A_144] : memref<10x!tpu.dma_semaphore, #tpu.memory_space<semaphore_mem>> -> memref<1x!tpu.dma_semaphore, #tpu.memory_space<semaphore_mem>>
    %dma_wait3A_156 = tpu.memref_squeeze %dma_wait3A_155 : memref<1x!tpu.dma_semaphore, #tpu.memory_space<semaphore_mem>> -> memref<!tpu.dma_semaphore, #tpu.memory_space<semaphore_mem>>
    tpu.wait_indirect_dma semaphore(%dma_wait3A_156 : memref<!tpu.dma_semaphore, #tpu.memory_space<semaphore_mem>>) src(%dma_wait3A_154 : memref<10000x64xf32, #tpu.memory_space<hbm>>) dst(%dma_wait3A_148 : memref<100x64xf32, #tpu.memory_space<vmem>>)
    %dma_start3A_157 = arith.constant 0 : i32
    %dma_start3A_158 = arith.constant 90 : i32
    %dma_start3A_159 = arith.constant 0 : i32
    %dma_start3A_160 = arith.constant 0 : i32
    %dma_start3A_161 = arith.constant 0 : i32
    %dma_start3A_162 = tpu.memref_slice %arg10[%dma_start3A_157, %dma_start3A_160, %dma_start3A_161] : memref<10x100x64xf32, #tpu.memory_space<vmem>> -> memref<1x100x64xf32, #tpu.memory_space<vmem>>
    %dma_start3A_163 = tpu.memref_squeeze %dma_start3A_162 : memref<1x100x64xf32, #tpu.memory_space<vmem>> -> memref<100x64xf32, #tpu.memory_space<vmem>>
    %dma_start3A_164 = arith.constant 0 : i32
    %dma_start3A_165 = tpu.memref_slice %arg9[%dma_start3A_158, %dma_start3A_164] : memref<100x100xi32, #tpu.memory_space<vmem>> -> memref<1x100xi32, #tpu.memory_space<vmem>>
    %dma_start3A_166 = tpu.memref_squeeze %dma_start3A_165 : memref<1x100xi32, #tpu.memory_space<vmem>> -> memref<100xi32, #tpu.memory_space<vmem>>
    %dma_start3A_167 = arith.constant 0 : i32
    %dma_start3A_168 = arith.constant 0 : i32
    %dma_start3A_169 = tpu.memref_slice %arg7[%dma_start3A_167, %dma_start3A_168] : memref<10240x64xf32, #tpu.memory_space<vmem_shared>> -> memref<10240x64xf32, #tpu.memory_space<vmem_shared>>
    %dma_start3A_170 = tpu.memref_slice %arg12[%dma_start3A_159] : memref<10x!tpu.dma_semaphore, #tpu.memory_space<semaphore_mem>> -> memref<1x!tpu.dma_semaphore, #tpu.memory_space<semaphore_mem>>
    %dma_start3A_171 = tpu.memref_squeeze %dma_start3A_170 : memref<1x!tpu.dma_semaphore, #tpu.memory_space<semaphore_mem>> -> memref<!tpu.dma_semaphore, #tpu.memory_space<semaphore_mem>>
    tpu.enqueue_indirect_dma source(%dma_start3A_163 : memref<100x64xf32, #tpu.memory_space<vmem>>) target(%dma_start3A_169 : memref<10240x64xf32, #tpu.memory_space<vmem_shared>>) offsets(%dma_start3A_166 : memref<100xi32, #tpu.memory_space<vmem>>) semaphore(%dma_start3A_171 : memref<!tpu.dma_semaphore, #tpu.memory_space<semaphore_mem>>) {add = true}
    %dma_start3A_172 = arith.constant 1 : i32
    %dma_start3A_173 = arith.constant 91 : i32
    %dma_start3A_174 = arith.constant 1 : i32
    %dma_start3A_175 = arith.constant 0 : i32
    %dma_start3A_176 = arith.constant 0 : i32
    %dma_start3A_177 = tpu.memref_slice %arg10[%dma_start3A_172, %dma_start3A_175, %dma_start3A_176] : memref<10x100x64xf32, #tpu.memory_space<vmem>> -> memref<1x100x64xf32, #tpu.memory_space<vmem>>
    %dma_start3A_178 = tpu.memref_squeeze %dma_start3A_177 : memref<1x100x64xf32, #tpu.memory_space<vmem>> -> memref<100x64xf32, #tpu.memory_space<vmem>>
    %dma_start3A_179 = arith.constant 0 : i32
    %dma_start3A_180 = tpu.memref_slice %arg9[%dma_start3A_173, %dma_start3A_179] : memref<100x100xi32, #tpu.memory_space<vmem>> -> memref<1x100xi32, #tpu.memory_space<vmem>>
    %dma_start3A_181 = tpu.memref_squeeze %dma_start3A_180 : memref<1x100xi32, #tpu.memory_space<vmem>> -> memref<100xi32, #tpu.memory_space<vmem>>
    %dma_start3A_182 = arith.constant 0 : i32
    %dma_start3A_183 = arith.constant 0 : i32
    %dma_start3A_184 = tpu.memref_slice %arg7[%dma_start3A_182, %dma_start3A_183] : memref<10240x64xf32, #tpu.memory_space<vmem_shared>> -> memref<10240x64xf32, #tpu.memory_space<vmem_shared>>
    %dma_start3A_185 = tpu.memref_slice %arg12[%dma_start3A_174] : memref<10x!tpu.dma_semaphore, #tpu.memory_space<semaphore_mem>> -> memref<1x!tpu.dma_semaphore, #tpu.memory_space<semaphore_mem>>
    %dma_start3A_186 = tpu.memref_squeeze %dma_start3A_185 : memref<1x!tpu.dma_semaphore, #tpu.memory_space<semaphore_mem>> -> memref<!tpu.dma_semaphore, #tpu.memory_space<semaphore_mem>>
    tpu.enqueue_indirect_dma source(%dma_start3A_178 : memref<100x64xf32, #tpu.memory_space<vmem>>) target(%dma_start3A_184 : memref<10240x64xf32, #tpu.memory_space<vmem_shared>>) offsets(%dma_start3A_181 : memref<100xi32, #tpu.memory_space<vmem>>) semaphore(%dma_start3A_186 : memref<!tpu.dma_semaphore, #tpu.memory_space<semaphore_mem>>) {add = true}
    %dma_start3A_187 = arith.constant 2 : i32
    %dma_start3A_188 = arith.constant 92 : i32
    %dma_start3A_189 = arith.constant 2 : i32
    %dma_start3A_190 = arith.constant 0 : i32
    %dma_start3A_191 = arith.constant 0 : i32
    %dma_start3A_192 = tpu.memref_slice %arg10[%dma_start3A_187, %dma_start3A_190, %dma_start3A_191] : memref<10x100x64xf32, #tpu.memory_space<vmem>> -> memref<1x100x64xf32, #tpu.memory_space<vmem>>
    %dma_start3A_193 = tpu.memref_squeeze %dma_start3A_192 : memref<1x100x64xf32, #tpu.memory_space<vmem>> -> memref<100x64xf32, #tpu.memory_space<vmem>>
    %dma_start3A_194 = arith.constant 0 : i32
    %dma_start3A_195 = tpu.memref_slice %arg9[%dma_start3A_188, %dma_start3A_194] : memref<100x100xi32, #tpu.memory_space<vmem>> -> memref<1x100xi32, #tpu.memory_space<vmem>>
    %dma_start3A_196 = tpu.memref_squeeze %dma_start3A_195 : memref<1x100xi32, #tpu.memory_space<vmem>> -> memref<100xi32, #tpu.memory_space<vmem>>
    %dma_start3A_197 = arith.constant 0 : i32
    %dma_start3A_198 = arith.constant 0 : i32
    %dma_start3A_199 = tpu.memref_slice %arg7[%dma_start3A_197, %dma_start3A_198] : memref<10240x64xf32, #tpu.memory_space<vmem_shared>> -> memref<10240x64xf32, #tpu.memory_space<vmem_shared>>
    %dma_start3A_200 = tpu.memref_slice %arg12[%dma_start3A_189] : memref<10x!tpu.dma_semaphore, #tpu.memory_space<semaphore_mem>> -> memref<1x!tpu.dma_semaphore, #tpu.memory_space<semaphore_mem>>
    %dma_start3A_201 = tpu.memref_squeeze %dma_start3A_200 : memref<1x!tpu.dma_semaphore, #tpu.memory_space<semaphore_mem>> -> memref<!tpu.dma_semaphore, #tpu.memory_space<semaphore_mem>>
    tpu.enqueue_indirect_dma source(%dma_start3A_193 : memref<100x64xf32, #tpu.memory_space<vmem>>) target(%dma_start3A_199 : memref<10240x64xf32, #tpu.memory_space<vmem_shared>>) offsets(%dma_start3A_196 : memref<100xi32, #tpu.memory_space<vmem>>) semaphore(%dma_start3A_201 : memref<!tpu.dma_semaphore, #tpu.memory_space<semaphore_mem>>) {add = true}
    %dma_start3A_202 = arith.constant 3 : i32
    %dma_start3A_203 = arith.constant 93 : i32
    %dma_start3A_204 = arith.constant 3 : i32
    %dma_start3A_205 = arith.constant 0 : i32
    %dma_start3A_206 = arith.constant 0 : i32
    %dma_start3A_207 = tpu.memref_slice %arg10[%dma_start3A_202, %dma_start3A_205, %dma_start3A_206] : memref<10x100x64xf32, #tpu.memory_space<vmem>> -> memref<1x100x64xf32, #tpu.memory_space<vmem>>
    %dma_start3A_208 = tpu.memref_squeeze %dma_start3A_207 : memref<1x100x64xf32, #tpu.memory_space<vmem>> -> memref<100x64xf32, #tpu.memory_space<vmem>>
    %dma_start3A_209 = arith.constant 0 : i32
    %dma_start3A_210 = tpu.memref_slice %arg9[%dma_start3A_203, %dma_start3A_209] : memref<100x100xi32, #tpu.memory_space<vmem>> -> memref<1x100xi32, #tpu.memory_space<vmem>>
    %dma_start3A_211 = tpu.memref_squeeze %dma_start3A_210 : memref<1x100xi32, #tpu.memory_space<vmem>> -> memref<100xi32, #tpu.memory_space<vmem>>
    %dma_start3A_212 = arith.constant 0 : i32
    %dma_start3A_213 = arith.constant 0 : i32
    %dma_start3A_214 = tpu.memref_slice %arg7[%dma_start3A_212, %dma_start3A_213] : memref<10240x64xf32, #tpu.memory_space<vmem_shared>> -> memref<10240x64xf32, #tpu.memory_space<vmem_shared>>
    %dma_start3A_215 = tpu.memref_slice %arg12[%dma_start3A_204] : memref<10x!tpu.dma_semaphore, #tpu.memory_space<semaphore_mem>> -> memref<1x!tpu.dma_semaphore, #tpu.memory_space<semaphore_mem>>
    %dma_start3A_216 = tpu.memref_squeeze %dma_start3A_215 : memref<1x!tpu.dma_semaphore, #tpu.memory_space<semaphore_mem>> -> memref<!tpu.dma_semaphore, #tpu.memory_space<semaphore_mem>>
    tpu.enqueue_indirect_dma source(%dma_start3A_208 : memref<100x64xf32, #tpu.memory_space<vmem>>) target(%dma_start3A_214 : memref<10240x64xf32, #tpu.memory_space<vmem_shared>>) offsets(%dma_start3A_211 : memref<100xi32, #tpu.memory_space<vmem>>) semaphore(%dma_start3A_216 : memref<!tpu.dma_semaphore, #tpu.memory_space<semaphore_mem>>) {add = true}
    %dma_start3A_217 = arith.constant 4 : i32
    %dma_start3A_218 = arith.constant 94 : i32
    %dma_start3A_219 = arith.constant 4 : i32
    %dma_start3A_220 = arith.constant 0 : i32
    %dma_start3A_221 = arith.constant 0 : i32
    %dma_start3A_222 = tpu.memref_slice %arg10[%dma_start3A_217, %dma_start3A_220, %dma_start3A_221] : memref<10x100x64xf32, #tpu.memory_space<vmem>> -> memref<1x100x64xf32, #tpu.memory_space<vmem>>
    %dma_start3A_223 = tpu.memref_squeeze %dma_start3A_222 : memref<1x100x64xf32, #tpu.memory_space<vmem>> -> memref<100x64xf32, #tpu.memory_space<vmem>>
    %dma_start3A_224 = arith.constant 0 : i32
    %dma_start3A_225 = tpu.memref_slice %arg9[%dma_start3A_218, %dma_start3A_224] : memref<100x100xi32, #tpu.memory_space<vmem>> -> memref<1x100xi32, #tpu.memory_space<vmem>>
    %dma_start3A_226 = tpu.memref_squeeze %dma_start3A_225 : memref<1x100xi32, #tpu.memory_space<vmem>> -> memref<100xi32, #tpu.memory_space<vmem>>
    %dma_start3A_227 = arith.constant 0 : i32
    %dma_start3A_228 = arith.constant 0 : i32
    %dma_start3A_229 = tpu.memref_slice %arg7[%dma_start3A_227, %dma_start3A_228] : memref<10240x64xf32, #tpu.memory_space<vmem_shared>> -> memref<10240x64xf32, #tpu.memory_space<vmem_shared>>
    %dma_start3A_230 = tpu.memref_slice %arg12[%dma_start3A_219] : memref<10x!tpu.dma_semaphore, #tpu.memory_space<semaphore_mem>> -> memref<1x!tpu.dma_semaphore, #tpu.memory_space<semaphore_mem>>
    %dma_start3A_231 = tpu.memref_squeeze %dma_start3A_230 : memref<1x!tpu.dma_semaphore, #tpu.memory_space<semaphore_mem>> -> memref<!tpu.dma_semaphore, #tpu.memory_space<semaphore_mem>>
    tpu.enqueue_indirect_dma source(%dma_start3A_223 : memref<100x64xf32, #tpu.memory_space<vmem>>) target(%dma_start3A_229 : memref<10240x64xf32, #tpu.memory_space<vmem_shared>>) offsets(%dma_start3A_226 : memref<100xi32, #tpu.memory_space<vmem>>) semaphore(%dma_start3A_231 : memref<!tpu.dma_semaphore, #tpu.memory_space<semaphore_mem>>) {add = true}
    %dma_start3A_232 = arith.constant 95 : i32
    %dma_start3A_233 = arith.constant 5 : i32
    %dma_start3A_234 = arith.constant 5 : i32
    %dma_start3A_235 = arith.constant 0 : i32
    %dma_start3A_236 = arith.constant 0 : i32
    %dma_start3A_237 = tpu.memref_slice %arg10[%dma_start3A_233, %dma_start3A_235, %dma_start3A_236] : memref<10x100x64xf32, #tpu.memory_space<vmem>> -> memref<1x100x64xf32, #tpu.memory_space<vmem>>
    %dma_start3A_238 = tpu.memref_squeeze %dma_start3A_237 : memref<1x100x64xf32, #tpu.memory_space<vmem>> -> memref<100x64xf32, #tpu.memory_space<vmem>>
    %dma_start3A_239 = arith.constant 0 : i32
    %dma_start3A_240 = tpu.memref_slice %arg8[%dma_start3A_232, %dma_start3A_239] : memref<100x100xi32, #tpu.memory_space<vmem>> -> memref<1x100xi32, #tpu.memory_space<vmem>>
    %dma_start3A_241 = tpu.memref_squeeze %dma_start3A_240 : memref<1x100xi32, #tpu.memory_space<vmem>> -> memref<100xi32, #tpu.memory_space<vmem>>
    %dma_start3A_242 = arith.constant 0 : i32
    %dma_start3A_243 = arith.constant 0 : i32
    %dma_start3A_244 = tpu.memref_slice %arg2[%dma_start3A_242, %dma_start3A_243] : memref<10000x64xf32, #tpu.memory_space<hbm>> -> memref<10000x64xf32, #tpu.memory_space<hbm>>
    %dma_start3A_245 = tpu.memref_slice %arg11[%dma_start3A_234] : memref<10x!tpu.dma_semaphore, #tpu.memory_space<semaphore_mem>> -> memref<1x!tpu.dma_semaphore, #tpu.memory_space<semaphore_mem>>
    %dma_start3A_246 = tpu.memref_squeeze %dma_start3A_245 : memref<1x!tpu.dma_semaphore, #tpu.memory_space<semaphore_mem>> -> memref<!tpu.dma_semaphore, #tpu.memory_space<semaphore_mem>>
    tpu.enqueue_indirect_dma source(%dma_start3A_244 : memref<10000x64xf32, #tpu.memory_space<hbm>>) target(%dma_start3A_238 : memref<100x64xf32, #tpu.memory_space<vmem>>) offsets(%dma_start3A_241 : memref<100xi32, #tpu.memory_space<vmem>>) semaphore(%dma_start3A_246 : memref<!tpu.dma_semaphore, #tpu.memory_space<semaphore_mem>>)
    %dma_start3A_247 = arith.constant 96 : i32
    %dma_start3A_248 = arith.constant 6 : i32
    %dma_start3A_249 = arith.constant 6 : i32
    %dma_start3A_250 = arith.constant 0 : i32
    %dma_start3A_251 = arith.constant 0 : i32
    %dma_start3A_252 = tpu.memref_slice %arg10[%dma_start3A_248, %dma_start3A_250, %dma_start3A_251] : memref<10x100x64xf32, #tpu.memory_space<vmem>> -> memref<1x100x64xf32, #tpu.memory_space<vmem>>
    %dma_start3A_253 = tpu.memref_squeeze %dma_start3A_252 : memref<1x100x64xf32, #tpu.memory_space<vmem>> -> memref<100x64xf32, #tpu.memory_space<vmem>>
    %dma_start3A_254 = arith.constant 0 : i32
    %dma_start3A_255 = tpu.memref_slice %arg8[%dma_start3A_247, %dma_start3A_254] : memref<100x100xi32, #tpu.memory_space<vmem>> -> memref<1x100xi32, #tpu.memory_space<vmem>>
    %dma_start3A_256 = tpu.memref_squeeze %dma_start3A_255 : memref<1x100xi32, #tpu.memory_space<vmem>> -> memref<100xi32, #tpu.memory_space<vmem>>
    %dma_start3A_257 = arith.constant 0 : i32
    %dma_start3A_258 = arith.constant 0 : i32
    %dma_start3A_259 = tpu.memref_slice %arg2[%dma_start3A_257, %dma_start3A_258] : memref<10000x64xf32, #tpu.memory_space<hbm>> -> memref<10000x64xf32, #tpu.memory_space<hbm>>
    %dma_start3A_260 = tpu.memref_slice %arg11[%dma_start3A_249] : memref<10x!tpu.dma_semaphore, #tpu.memory_space<semaphore_mem>> -> memref<1x!tpu.dma_semaphore, #tpu.memory_space<semaphore_mem>>
    %dma_start3A_261 = tpu.memref_squeeze %dma_start3A_260 : memref<1x!tpu.dma_semaphore, #tpu.memory_space<semaphore_mem>> -> memref<!tpu.dma_semaphore, #tpu.memory_space<semaphore_mem>>
    tpu.enqueue_indirect_dma source(%dma_start3A_259 : memref<10000x64xf32, #tpu.memory_space<hbm>>) target(%dma_start3A_253 : memref<100x64xf32, #tpu.memory_space<vmem>>) offsets(%dma_start3A_256 : memref<100xi32, #tpu.memory_space<vmem>>) semaphore(%dma_start3A_261 : memref<!tpu.dma_semaphore, #tpu.memory_space<semaphore_mem>>)
    %dma_start3A_262 = arith.constant 97 : i32
    %dma_start3A_263 = arith.constant 7 : i32
    %dma_start3A_264 = arith.constant 7 : i32
    %dma_start3A_265 = arith.constant 0 : i32
    %dma_start3A_266 = arith.constant 0 : i32
    %dma_start3A_267 = tpu.memref_slice %arg10[%dma_start3A_263, %dma_start3A_265, %dma_start3A_266] : memref<10x100x64xf32, #tpu.memory_space<vmem>> -> memref<1x100x64xf32, #tpu.memory_space<vmem>>
    %dma_start3A_268 = tpu.memref_squeeze %dma_start3A_267 : memref<1x100x64xf32, #tpu.memory_space<vmem>> -> memref<100x64xf32, #tpu.memory_space<vmem>>
    %dma_start3A_269 = arith.constant 0 : i32
    %dma_start3A_270 = tpu.memref_slice %arg8[%dma_start3A_262, %dma_start3A_269] : memref<100x100xi32, #tpu.memory_space<vmem>> -> memref<1x100xi32, #tpu.memory_space<vmem>>
    %dma_start3A_271 = tpu.memref_squeeze %dma_start3A_270 : memref<1x100xi32, #tpu.memory_space<vmem>> -> memref<100xi32, #tpu.memory_space<vmem>>
    %dma_start3A_272 = arith.constant 0 : i32
    %dma_start3A_273 = arith.constant 0 : i32
    %dma_start3A_274 = tpu.memref_slice %arg2[%dma_start3A_272, %dma_start3A_273] : memref<10000x64xf32, #tpu.memory_space<hbm>> -> memref<10000x64xf32, #tpu.memory_space<hbm>>
    %dma_start3A_275 = tpu.memref_slice %arg11[%dma_start3A_264] : memref<10x!tpu.dma_semaphore, #tpu.memory_space<semaphore_mem>> -> memref<1x!tpu.dma_semaphore, #tpu.memory_space<semaphore_mem>>
    %dma_start3A_276 = tpu.memref_squeeze %dma_start3A_275 : memref<1x!tpu.dma_semaphore, #tpu.memory_space<semaphore_mem>> -> memref<!tpu.dma_semaphore, #tpu.memory_space<semaphore_mem>>
    tpu.enqueue_indirect_dma source(%dma_start3A_274 : memref<10000x64xf32, #tpu.memory_space<hbm>>) target(%dma_start3A_268 : memref<100x64xf32, #tpu.memory_space<vmem>>) offsets(%dma_start3A_271 : memref<100xi32, #tpu.memory_space<vmem>>) semaphore(%dma_start3A_276 : memref<!tpu.dma_semaphore, #tpu.memory_space<semaphore_mem>>)
    %dma_start3A_277 = arith.constant 98 : i32
    %dma_start3A_278 = arith.constant 8 : i32
    %dma_start3A_279 = arith.constant 8 : i32
    %dma_start3A_280 = arith.constant 0 : i32
    %dma_start3A_281 = arith.constant 0 : i32
    %dma_start3A_282 = tpu.memref_slice %arg10[%dma_start3A_278, %dma_start3A_280, %dma_start3A_281] : memref<10x100x64xf32, #tpu.memory_space<vmem>> -> memref<1x100x64xf32, #tpu.memory_space<vmem>>
    %dma_start3A_283 = tpu.memref_squeeze %dma_start3A_282 : memref<1x100x64xf32, #tpu.memory_space<vmem>> -> memref<100x64xf32, #tpu.memory_space<vmem>>
    %dma_start3A_284 = arith.constant 0 : i32
    %dma_start3A_285 = tpu.memref_slice %arg8[%dma_start3A_277, %dma_start3A_284] : memref<100x100xi32, #tpu.memory_space<vmem>> -> memref<1x100xi32, #tpu.memory_space<vmem>>
    %dma_start3A_286 = tpu.memref_squeeze %dma_start3A_285 : memref<1x100xi32, #tpu.memory_space<vmem>> -> memref<100xi32, #tpu.memory_space<vmem>>
    %dma_start3A_287 = arith.constant 0 : i32
    %dma_start3A_288 = arith.constant 0 : i32
    %dma_start3A_289 = tpu.memref_slice %arg2[%dma_start3A_287, %dma_start3A_288] : memref<10000x64xf32, #tpu.memory_space<hbm>> -> memref<10000x64xf32, #tpu.memory_space<hbm>>
    %dma_start3A_290 = tpu.memref_slice %arg11[%dma_start3A_279] : memref<10x!tpu.dma_semaphore, #tpu.memory_space<semaphore_mem>> -> memref<1x!tpu.dma_semaphore, #tpu.memory_space<semaphore_mem>>
    %dma_start3A_291 = tpu.memref_squeeze %dma_start3A_290 : memref<1x!tpu.dma_semaphore, #tpu.memory_space<semaphore_mem>> -> memref<!tpu.dma_semaphore, #tpu.memory_space<semaphore_mem>>
    tpu.enqueue_indirect_dma source(%dma_start3A_289 : memref<10000x64xf32, #tpu.memory_space<hbm>>) target(%dma_start3A_283 : memref<100x64xf32, #tpu.memory_space<vmem>>) offsets(%dma_start3A_286 : memref<100xi32, #tpu.memory_space<vmem>>) semaphore(%dma_start3A_291 : memref<!tpu.dma_semaphore, #tpu.memory_space<semaphore_mem>>)
    %dma_start3A_292 = arith.constant 99 : i32
    %dma_start3A_293 = arith.constant 9 : i32
    %dma_start3A_294 = arith.constant 9 : i32
    %dma_start3A_295 = arith.constant 0 : i32
    %dma_start3A_296 = arith.constant 0 : i32
    %dma_start3A_297 = tpu.memref_slice %arg10[%dma_start3A_293, %dma_start3A_295, %dma_start3A_296] : memref<10x100x64xf32, #tpu.memory_space<vmem>> -> memref<1x100x64xf32, #tpu.memory_space<vmem>>
    %dma_start3A_298 = tpu.memref_squeeze %dma_start3A_297 : memref<1x100x64xf32, #tpu.memory_space<vmem>> -> memref<100x64xf32, #tpu.memory_space<vmem>>
    %dma_start3A_299 = arith.constant 0 : i32
    %dma_start3A_300 = tpu.memref_slice %arg8[%dma_start3A_292, %dma_start3A_299] : memref<100x100xi32, #tpu.memory_space<vmem>> -> memref<1x100xi32, #tpu.memory_space<vmem>>
    %dma_start3A_301 = tpu.memref_squeeze %dma_start3A_300 : memref<1x100xi32, #tpu.memory_space<vmem>> -> memref<100xi32, #tpu.memory_space<vmem>>
    %dma_start3A_302 = arith.constant 0 : i32
    %dma_start3A_303 = arith.constant 0 : i32
    %dma_start3A_304 = tpu.memref_slice %arg2[%dma_start3A_302, %dma_start3A_303] : memref<10000x64xf32, #tpu.memory_space<hbm>> -> memref<10000x64xf32, #tpu.memory_space<hbm>>
    %dma_start3A_305 = tpu.memref_slice %arg11[%dma_start3A_294] : memref<10x!tpu.dma_semaphore, #tpu.memory_space<semaphore_mem>> -> memref<1x!tpu.dma_semaphore, #tpu.memory_space<semaphore_mem>>
    %dma_start3A_306 = tpu.memref_squeeze %dma_start3A_305 : memref<1x!tpu.dma_semaphore, #tpu.memory_space<semaphore_mem>> -> memref<!tpu.dma_semaphore, #tpu.memory_space<semaphore_mem>>
    tpu.enqueue_indirect_dma source(%dma_start3A_304 : memref<10000x64xf32, #tpu.memory_space<hbm>>) target(%dma_start3A_298 : memref<100x64xf32, #tpu.memory_space<vmem>>) offsets(%dma_start3A_301 : memref<100xi32, #tpu.memory_space<vmem>>) semaphore(%dma_start3A_306 : memref<!tpu.dma_semaphore, #tpu.memory_space<semaphore_mem>>)
    %dma_wait3A_307 = arith.constant 0 : i32
    %dma_wait3A_308 = arith.constant 90 : i32
    %dma_wait3A_309 = arith.constant 0 : i32
    %dma_wait3A_310 = arith.constant 0 : i32
    %dma_wait3A_311 = arith.constant 0 : i32
    %dma_wait3A_312 = tpu.memref_slice %arg10[%dma_wait3A_307, %dma_wait3A_310, %dma_wait3A_311] : memref<10x100x64xf32, #tpu.memory_space<vmem>> -> memref<1x100x64xf32, #tpu.memory_space<vmem>>
    %dma_wait3A_313 = tpu.memref_squeeze %dma_wait3A_312 : memref<1x100x64xf32, #tpu.memory_space<vmem>> -> memref<100x64xf32, #tpu.memory_space<vmem>>
    %dma_wait3A_314 = arith.constant 0 : i32
    %dma_wait3A_315 = tpu.memref_slice %arg9[%dma_wait3A_308, %dma_wait3A_314] : memref<100x100xi32, #tpu.memory_space<vmem>> -> memref<1x100xi32, #tpu.memory_space<vmem>>
    %dma_wait3A_316 = tpu.memref_squeeze %dma_wait3A_315 : memref<1x100xi32, #tpu.memory_space<vmem>> -> memref<100xi32, #tpu.memory_space<vmem>>
    %dma_wait3A_317 = arith.constant 0 : i32
    %dma_wait3A_318 = arith.constant 0 : i32
    %dma_wait3A_319 = tpu.memref_slice %arg7[%dma_wait3A_317, %dma_wait3A_318] : memref<10240x64xf32, #tpu.memory_space<vmem_shared>> -> memref<10240x64xf32, #tpu.memory_space<vmem_shared>>
    %dma_wait3A_320 = tpu.memref_slice %arg12[%dma_wait3A_309] : memref<10x!tpu.dma_semaphore, #tpu.memory_space<semaphore_mem>> -> memref<1x!tpu.dma_semaphore, #tpu.memory_space<semaphore_mem>>
    %dma_wait3A_321 = tpu.memref_squeeze %dma_wait3A_320 : memref<1x!tpu.dma_semaphore, #tpu.memory_space<semaphore_mem>> -> memref<!tpu.dma_semaphore, #tpu.memory_space<semaphore_mem>>
    tpu.wait_indirect_dma semaphore(%dma_wait3A_321 : memref<!tpu.dma_semaphore, #tpu.memory_space<semaphore_mem>>) src(%dma_wait3A_313 : memref<100x64xf32, #tpu.memory_space<vmem>>) dst(%dma_wait3A_319 : memref<10240x64xf32, #tpu.memory_space<vmem_shared>>)
    %dma_wait3A_322 = arith.constant 1 : i32
    %dma_wait3A_323 = arith.constant 91 : i32
    %dma_wait3A_324 = arith.constant 1 : i32
    %dma_wait3A_325 = arith.constant 0 : i32
    %dma_wait3A_326 = arith.constant 0 : i32
    %dma_wait3A_327 = tpu.memref_slice %arg10[%dma_wait3A_322, %dma_wait3A_325, %dma_wait3A_326] : memref<10x100x64xf32, #tpu.memory_space<vmem>> -> memref<1x100x64xf32, #tpu.memory_space<vmem>>
    %dma_wait3A_328 = tpu.memref_squeeze %dma_wait3A_327 : memref<1x100x64xf32, #tpu.memory_space<vmem>> -> memref<100x64xf32, #tpu.memory_space<vmem>>
    %dma_wait3A_329 = arith.constant 0 : i32
    %dma_wait3A_330 = tpu.memref_slice %arg9[%dma_wait3A_323, %dma_wait3A_329] : memref<100x100xi32, #tpu.memory_space<vmem>> -> memref<1x100xi32, #tpu.memory_space<vmem>>
    %dma_wait3A_331 = tpu.memref_squeeze %dma_wait3A_330 : memref<1x100xi32, #tpu.memory_space<vmem>> -> memref<100xi32, #tpu.memory_space<vmem>>
    %dma_wait3A_332 = arith.constant 0 : i32
    %dma_wait3A_333 = arith.constant 0 : i32
    %dma_wait3A_334 = tpu.memref_slice %arg7[%dma_wait3A_332, %dma_wait3A_333] : memref<10240x64xf32, #tpu.memory_space<vmem_shared>> -> memref<10240x64xf32, #tpu.memory_space<vmem_shared>>
    %dma_wait3A_335 = tpu.memref_slice %arg12[%dma_wait3A_324] : memref<10x!tpu.dma_semaphore, #tpu.memory_space<semaphore_mem>> -> memref<1x!tpu.dma_semaphore, #tpu.memory_space<semaphore_mem>>
    %dma_wait3A_336 = tpu.memref_squeeze %dma_wait3A_335 : memref<1x!tpu.dma_semaphore, #tpu.memory_space<semaphore_mem>> -> memref<!tpu.dma_semaphore, #tpu.memory_space<semaphore_mem>>
    tpu.wait_indirect_dma semaphore(%dma_wait3A_336 : memref<!tpu.dma_semaphore, #tpu.memory_space<semaphore_mem>>) src(%dma_wait3A_328 : memref<100x64xf32, #tpu.memory_space<vmem>>) dst(%dma_wait3A_334 : memref<10240x64xf32, #tpu.memory_space<vmem_shared>>)
    %dma_wait3A_337 = arith.constant 2 : i32
    %dma_wait3A_338 = arith.constant 92 : i32
    %dma_wait3A_339 = arith.constant 2 : i32
    %dma_wait3A_340 = arith.constant 0 : i32
    %dma_wait3A_341 = arith.constant 0 : i32
    %dma_wait3A_342 = tpu.memref_slice %arg10[%dma_wait3A_337, %dma_wait3A_340, %dma_wait3A_341] : memref<10x100x64xf32, #tpu.memory_space<vmem>> -> memref<1x100x64xf32, #tpu.memory_space<vmem>>
    %dma_wait3A_343 = tpu.memref_squeeze %dma_wait3A_342 : memref<1x100x64xf32, #tpu.memory_space<vmem>> -> memref<100x64xf32, #tpu.memory_space<vmem>>
    %dma_wait3A_344 = arith.constant 0 : i32
    %dma_wait3A_345 = tpu.memref_slice %arg9[%dma_wait3A_338, %dma_wait3A_344] : memref<100x100xi32, #tpu.memory_space<vmem>> -> memref<1x100xi32, #tpu.memory_space<vmem>>
    %dma_wait3A_346 = tpu.memref_squeeze %dma_wait3A_345 : memref<1x100xi32, #tpu.memory_space<vmem>> -> memref<100xi32, #tpu.memory_space<vmem>>
    %dma_wait3A_347 = arith.constant 0 : i32
    %dma_wait3A_348 = arith.constant 0 : i32
    %dma_wait3A_349 = tpu.memref_slice %arg7[%dma_wait3A_347, %dma_wait3A_348] : memref<10240x64xf32, #tpu.memory_space<vmem_shared>> -> memref<10240x64xf32, #tpu.memory_space<vmem_shared>>
    %dma_wait3A_350 = tpu.memref_slice %arg12[%dma_wait3A_339] : memref<10x!tpu.dma_semaphore, #tpu.memory_space<semaphore_mem>> -> memref<1x!tpu.dma_semaphore, #tpu.memory_space<semaphore_mem>>
    %dma_wait3A_351 = tpu.memref_squeeze %dma_wait3A_350 : memref<1x!tpu.dma_semaphore, #tpu.memory_space<semaphore_mem>> -> memref<!tpu.dma_semaphore, #tpu.memory_space<semaphore_mem>>
    tpu.wait_indirect_dma semaphore(%dma_wait3A_351 : memref<!tpu.dma_semaphore, #tpu.memory_space<semaphore_mem>>) src(%dma_wait3A_343 : memref<100x64xf32, #tpu.memory_space<vmem>>) dst(%dma_wait3A_349 : memref<10240x64xf32, #tpu.memory_space<vmem_shared>>)
    %dma_wait3A_352 = arith.constant 3 : i32
    %dma_wait3A_353 = arith.constant 93 : i32
    %dma_wait3A_354 = arith.constant 3 : i32
    %dma_wait3A_355 = arith.constant 0 : i32
    %dma_wait3A_356 = arith.constant 0 : i32
    %dma_wait3A_357 = tpu.memref_slice %arg10[%dma_wait3A_352, %dma_wait3A_355, %dma_wait3A_356] : memref<10x100x64xf32, #tpu.memory_space<vmem>> -> memref<1x100x64xf32, #tpu.memory_space<vmem>>
    %dma_wait3A_358 = tpu.memref_squeeze %dma_wait3A_357 : memref<1x100x64xf32, #tpu.memory_space<vmem>> -> memref<100x64xf32, #tpu.memory_space<vmem>>
    %dma_wait3A_359 = arith.constant 0 : i32
    %dma_wait3A_360 = tpu.memref_slice %arg9[%dma_wait3A_353, %dma_wait3A_359] : memref<100x100xi32, #tpu.memory_space<vmem>> -> memref<1x100xi32, #tpu.memory_space<vmem>>
    %dma_wait3A_361 = tpu.memref_squeeze %dma_wait3A_360 : memref<1x100xi32, #tpu.memory_space<vmem>> -> memref<100xi32, #tpu.memory_space<vmem>>
    %dma_wait3A_362 = arith.constant 0 : i32
    %dma_wait3A_363 = arith.constant 0 : i32
    %dma_wait3A_364 = tpu.memref_slice %arg7[%dma_wait3A_362, %dma_wait3A_363] : memref<10240x64xf32, #tpu.memory_space<vmem_shared>> -> memref<10240x64xf32, #tpu.memory_space<vmem_shared>>
    %dma_wait3A_365 = tpu.memref_slice %arg12[%dma_wait3A_354] : memref<10x!tpu.dma_semaphore, #tpu.memory_space<semaphore_mem>> -> memref<1x!tpu.dma_semaphore, #tpu.memory_space<semaphore_mem>>
    %dma_wait3A_366 = tpu.memref_squeeze %dma_wait3A_365 : memref<1x!tpu.dma_semaphore, #tpu.memory_space<semaphore_mem>> -> memref<!tpu.dma_semaphore, #tpu.memory_space<semaphore_mem>>
    tpu.wait_indirect_dma semaphore(%dma_wait3A_366 : memref<!tpu.dma_semaphore, #tpu.memory_space<semaphore_mem>>) src(%dma_wait3A_358 : memref<100x64xf32, #tpu.memory_space<vmem>>) dst(%dma_wait3A_364 : memref<10240x64xf32, #tpu.memory_space<vmem_shared>>)
    %dma_wait3A_367 = arith.constant 4 : i32
    %dma_wait3A_368 = arith.constant 94 : i32
    %dma_wait3A_369 = arith.constant 4 : i32
    %dma_wait3A_370 = arith.constant 0 : i32
    %dma_wait3A_371 = arith.constant 0 : i32
    %dma_wait3A_372 = tpu.memref_slice %arg10[%dma_wait3A_367, %dma_wait3A_370, %dma_wait3A_371] : memref<10x100x64xf32, #tpu.memory_space<vmem>> -> memref<1x100x64xf32, #tpu.memory_space<vmem>>
    %dma_wait3A_373 = tpu.memref_squeeze %dma_wait3A_372 : memref<1x100x64xf32, #tpu.memory_space<vmem>> -> memref<100x64xf32, #tpu.memory_space<vmem>>
    %dma_wait3A_374 = arith.constant 0 : i32
    %dma_wait3A_375 = tpu.memref_slice %arg9[%dma_wait3A_368, %dma_wait3A_374] : memref<100x100xi32, #tpu.memory_space<vmem>> -> memref<1x100xi32, #tpu.memory_space<vmem>>
    %dma_wait3A_376 = tpu.memref_squeeze %dma_wait3A_375 : memref<1x100xi32, #tpu.memory_space<vmem>> -> memref<100xi32, #tpu.memory_space<vmem>>
    %dma_wait3A_377 = arith.constant 0 : i32
    %dma_wait3A_378 = arith.constant 0 : i32
    %dma_wait3A_379 = tpu.memref_slice %arg7[%dma_wait3A_377, %dma_wait3A_378] : memref<10240x64xf32, #tpu.memory_space<vmem_shared>> -> memref<10240x64xf32, #tpu.memory_space<vmem_shared>>
    %dma_wait3A_380 = tpu.memref_slice %arg12[%dma_wait3A_369] : memref<10x!tpu.dma_semaphore, #tpu.memory_space<semaphore_mem>> -> memref<1x!tpu.dma_semaphore, #tpu.memory_space<semaphore_mem>>
    %dma_wait3A_381 = tpu.memref_squeeze %dma_wait3A_380 : memref<1x!tpu.dma_semaphore, #tpu.memory_space<semaphore_mem>> -> memref<!tpu.dma_semaphore, #tpu.memory_space<semaphore_mem>>
    tpu.wait_indirect_dma semaphore(%dma_wait3A_381 : memref<!tpu.dma_semaphore, #tpu.memory_space<semaphore_mem>>) src(%dma_wait3A_373 : memref<100x64xf32, #tpu.memory_space<vmem>>) dst(%dma_wait3A_379 : memref<10240x64xf32, #tpu.memory_space<vmem_shared>>)
    %dma_wait3A_382 = arith.constant 95 : i32
    %dma_wait3A_383 = arith.constant 5 : i32
    %dma_wait3A_384 = arith.constant 5 : i32
    %dma_wait3A_385 = arith.constant 0 : i32
    %dma_wait3A_386 = arith.constant 0 : i32
    %dma_wait3A_387 = tpu.memref_slice %arg10[%dma_wait3A_383, %dma_wait3A_385, %dma_wait3A_386] : memref<10x100x64xf32, #tpu.memory_space<vmem>> -> memref<1x100x64xf32, #tpu.memory_space<vmem>>
    %dma_wait3A_388 = tpu.memref_squeeze %dma_wait3A_387 : memref<1x100x64xf32, #tpu.memory_space<vmem>> -> memref<100x64xf32, #tpu.memory_space<vmem>>
    %dma_wait3A_389 = arith.constant 0 : i32
    %dma_wait3A_390 = tpu.memref_slice %arg8[%dma_wait3A_382, %dma_wait3A_389] : memref<100x100xi32, #tpu.memory_space<vmem>> -> memref<1x100xi32, #tpu.memory_space<vmem>>
    %dma_wait3A_391 = tpu.memref_squeeze %dma_wait3A_390 : memref<1x100xi32, #tpu.memory_space<vmem>> -> memref<100xi32, #tpu.memory_space<vmem>>
    %dma_wait3A_392 = arith.constant 0 : i32
    %dma_wait3A_393 = arith.constant 0 : i32
    %dma_wait3A_394 = tpu.memref_slice %arg2[%dma_wait3A_392, %dma_wait3A_393] : memref<10000x64xf32, #tpu.memory_space<hbm>> -> memref<10000x64xf32, #tpu.memory_space<hbm>>
    %dma_wait3A_395 = tpu.memref_slice %arg11[%dma_wait3A_384] : memref<10x!tpu.dma_semaphore, #tpu.memory_space<semaphore_mem>> -> memref<1x!tpu.dma_semaphore, #tpu.memory_space<semaphore_mem>>
    %dma_wait3A_396 = tpu.memref_squeeze %dma_wait3A_395 : memref<1x!tpu.dma_semaphore, #tpu.memory_space<semaphore_mem>> -> memref<!tpu.dma_semaphore, #tpu.memory_space<semaphore_mem>>
    tpu.wait_indirect_dma semaphore(%dma_wait3A_396 : memref<!tpu.dma_semaphore, #tpu.memory_space<semaphore_mem>>) src(%dma_wait3A_394 : memref<10000x64xf32, #tpu.memory_space<hbm>>) dst(%dma_wait3A_388 : memref<100x64xf32, #tpu.memory_space<vmem>>)
    %dma_wait3A_397 = arith.constant 96 : i32
    %dma_wait3A_398 = arith.constant 6 : i32
    %dma_wait3A_399 = arith.constant 6 : i32
    %dma_wait3A_400 = arith.constant 0 : i32
    %dma_wait3A_401 = arith.constant 0 : i32
    %dma_wait3A_402 = tpu.memref_slice %arg10[%dma_wait3A_398, %dma_wait3A_400, %dma_wait3A_401] : memref<10x100x64xf32, #tpu.memory_space<vmem>> -> memref<1x100x64xf32, #tpu.memory_space<vmem>>
    %dma_wait3A_403 = tpu.memref_squeeze %dma_wait3A_402 : memref<1x100x64xf32, #tpu.memory_space<vmem>> -> memref<100x64xf32, #tpu.memory_space<vmem>>
    %dma_wait3A_404 = arith.constant 0 : i32
    %dma_wait3A_405 = tpu.memref_slice %arg8[%dma_wait3A_397, %dma_wait3A_404] : memref<100x100xi32, #tpu.memory_space<vmem>> -> memref<1x100xi32, #tpu.memory_space<vmem>>
    %dma_wait3A_406 = tpu.memref_squeeze %dma_wait3A_405 : memref<1x100xi32, #tpu.memory_space<vmem>> -> memref<100xi32, #tpu.memory_space<vmem>>
    %dma_wait3A_407 = arith.constant 0 : i32
    %dma_wait3A_408 = arith.constant 0 : i32
    %dma_wait3A_409 = tpu.memref_slice %arg2[%dma_wait3A_407, %dma_wait3A_408] : memref<10000x64xf32, #tpu.memory_space<hbm>> -> memref<10000x64xf32, #tpu.memory_space<hbm>>
    %dma_wait3A_410 = tpu.memref_slice %arg11[%dma_wait3A_399] : memref<10x!tpu.dma_semaphore, #tpu.memory_space<semaphore_mem>> -> memref<1x!tpu.dma_semaphore, #tpu.memory_space<semaphore_mem>>
    %dma_wait3A_411 = tpu.memref_squeeze %dma_wait3A_410 : memref<1x!tpu.dma_semaphore, #tpu.memory_space<semaphore_mem>> -> memref<!tpu.dma_semaphore, #tpu.memory_space<semaphore_mem>>
    tpu.wait_indirect_dma semaphore(%dma_wait3A_411 : memref<!tpu.dma_semaphore, #tpu.memory_space<semaphore_mem>>) src(%dma_wait3A_409 : memref<10000x64xf32, #tpu.memory_space<hbm>>) dst(%dma_wait3A_403 : memref<100x64xf32, #tpu.memory_space<vmem>>)
    %dma_wait3A_412 = arith.constant 97 : i32
    %dma_wait3A_413 = arith.constant 7 : i32
    %dma_wait3A_414 = arith.constant 7 : i32
    %dma_wait3A_415 = arith.constant 0 : i32
    %dma_wait3A_416 = arith.constant 0 : i32
    %dma_wait3A_417 = tpu.memref_slice %arg10[%dma_wait3A_413, %dma_wait3A_415, %dma_wait3A_416] : memref<10x100x64xf32, #tpu.memory_space<vmem>> -> memref<1x100x64xf32, #tpu.memory_space<vmem>>
    %dma_wait3A_418 = tpu.memref_squeeze %dma_wait3A_417 : memref<1x100x64xf32, #tpu.memory_space<vmem>> -> memref<100x64xf32, #tpu.memory_space<vmem>>
    %dma_wait3A_419 = arith.constant 0 : i32
    %dma_wait3A_420 = tpu.memref_slice %arg8[%dma_wait3A_412, %dma_wait3A_419] : memref<100x100xi32, #tpu.memory_space<vmem>> -> memref<1x100xi32, #tpu.memory_space<vmem>>
    %dma_wait3A_421 = tpu.memref_squeeze %dma_wait3A_420 : memref<1x100xi32, #tpu.memory_space<vmem>> -> memref<100xi32, #tpu.memory_space<vmem>>
    %dma_wait3A_422 = arith.constant 0 : i32
    %dma_wait3A_423 = arith.constant 0 : i32
    %dma_wait3A_424 = tpu.memref_slice %arg2[%dma_wait3A_422, %dma_wait3A_423] : memref<10000x64xf32, #tpu.memory_space<hbm>> -> memref<10000x64xf32, #tpu.memory_space<hbm>>
    %dma_wait3A_425 = tpu.memref_slice %arg11[%dma_wait3A_414] : memref<10x!tpu.dma_semaphore, #tpu.memory_space<semaphore_mem>> -> memref<1x!tpu.dma_semaphore, #tpu.memory_space<semaphore_mem>>
    %dma_wait3A_426 = tpu.memref_squeeze %dma_wait3A_425 : memref<1x!tpu.dma_semaphore, #tpu.memory_space<semaphore_mem>> -> memref<!tpu.dma_semaphore, #tpu.memory_space<semaphore_mem>>
    tpu.wait_indirect_dma semaphore(%dma_wait3A_426 : memref<!tpu.dma_semaphore, #tpu.memory_space<semaphore_mem>>) src(%dma_wait3A_424 : memref<10000x64xf32, #tpu.memory_space<hbm>>) dst(%dma_wait3A_418 : memref<100x64xf32, #tpu.memory_space<vmem>>)
    %dma_wait3A_427 = arith.constant 98 : i32
    %dma_wait3A_428 = arith.constant 8 : i32
    %dma_wait3A_429 = arith.constant 8 : i32
    %dma_wait3A_430 = arith.constant 0 : i32
    %dma_wait3A_431 = arith.constant 0 : i32
    %dma_wait3A_432 = tpu.memref_slice %arg10[%dma_wait3A_428, %dma_wait3A_430, %dma_wait3A_431] : memref<10x100x64xf32, #tpu.memory_space<vmem>> -> memref<1x100x64xf32, #tpu.memory_space<vmem>>
    %dma_wait3A_433 = tpu.memref_squeeze %dma_wait3A_432 : memref<1x100x64xf32, #tpu.memory_space<vmem>> -> memref<100x64xf32, #tpu.memory_space<vmem>>
    %dma_wait3A_434 = arith.constant 0 : i32
    %dma_wait3A_435 = tpu.memref_slice %arg8[%dma_wait3A_427, %dma_wait3A_434] : memref<100x100xi32, #tpu.memory_space<vmem>> -> memref<1x100xi32, #tpu.memory_space<vmem>>
    %dma_wait3A_436 = tpu.memref_squeeze %dma_wait3A_435 : memref<1x100xi32, #tpu.memory_space<vmem>> -> memref<100xi32, #tpu.memory_space<vmem>>
    %dma_wait3A_437 = arith.constant 0 : i32
    %dma_wait3A_438 = arith.constant 0 : i32
    %dma_wait3A_439 = tpu.memref_slice %arg2[%dma_wait3A_437, %dma_wait3A_438] : memref<10000x64xf32, #tpu.memory_space<hbm>> -> memref<10000x64xf32, #tpu.memory_space<hbm>>
    %dma_wait3A_440 = tpu.memref_slice %arg11[%dma_wait3A_429] : memref<10x!tpu.dma_semaphore, #tpu.memory_space<semaphore_mem>> -> memref<1x!tpu.dma_semaphore, #tpu.memory_space<semaphore_mem>>
    %dma_wait3A_441 = tpu.memref_squeeze %dma_wait3A_440 : memref<1x!tpu.dma_semaphore, #tpu.memory_space<semaphore_mem>> -> memref<!tpu.dma_semaphore, #tpu.memory_space<semaphore_mem>>
    tpu.wait_indirect_dma semaphore(%dma_wait3A_441 : memref<!tpu.dma_semaphore, #tpu.memory_space<semaphore_mem>>) src(%dma_wait3A_439 : memref<10000x64xf32, #tpu.memory_space<hbm>>) dst(%dma_wait3A_433 : memref<100x64xf32, #tpu.memory_space<vmem>>)
    %dma_wait3A_442 = arith.constant 99 : i32
    %dma_wait3A_443 = arith.constant 9 : i32
    %dma_wait3A_444 = arith.constant 9 : i32
    %dma_wait3A_445 = arith.constant 0 : i32
    %dma_wait3A_446 = arith.constant 0 : i32
    %dma_wait3A_447 = tpu.memref_slice %arg10[%dma_wait3A_443, %dma_wait3A_445, %dma_wait3A_446] : memref<10x100x64xf32, #tpu.memory_space<vmem>> -> memref<1x100x64xf32, #tpu.memory_space<vmem>>
    %dma_wait3A_448 = tpu.memref_squeeze %dma_wait3A_447 : memref<1x100x64xf32, #tpu.memory_space<vmem>> -> memref<100x64xf32, #tpu.memory_space<vmem>>
    %dma_wait3A_449 = arith.constant 0 : i32
    %dma_wait3A_450 = tpu.memref_slice %arg8[%dma_wait3A_442, %dma_wait3A_449] : memref<100x100xi32, #tpu.memory_space<vmem>> -> memref<1x100xi32, #tpu.memory_space<vmem>>
    %dma_wait3A_451 = tpu.memref_squeeze %dma_wait3A_450 : memref<1x100xi32, #tpu.memory_space<vmem>> -> memref<100xi32, #tpu.memory_space<vmem>>
    %dma_wait3A_452 = arith.constant 0 : i32
    %dma_wait3A_453 = arith.constant 0 : i32
    %dma_wait3A_454 = tpu.memref_slice %arg2[%dma_wait3A_452, %dma_wait3A_453] : memref<10000x64xf32, #tpu.memory_space<hbm>> -> memref<10000x64xf32, #tpu.memory_space<hbm>>
    %dma_wait3A_455 = tpu.memref_slice %arg11[%dma_wait3A_444] : memref<10x!tpu.dma_semaphore, #tpu.memory_space<semaphore_mem>> -> memref<1x!tpu.dma_semaphore, #tpu.memory_space<semaphore_mem>>
    %dma_wait3A_456 = tpu.memref_squeeze %dma_wait3A_455 : memref<1x!tpu.dma_semaphore, #tpu.memory_space<semaphore_mem>> -> memref<!tpu.dma_semaphore, #tpu.memory_space<semaphore_mem>>
    tpu.wait_indirect_dma semaphore(%dma_wait3A_456 : memref<!tpu.dma_semaphore, #tpu.memory_space<semaphore_mem>>) src(%dma_wait3A_454 : memref<10000x64xf32, #tpu.memory_space<hbm>>) dst(%dma_wait3A_448 : memref<100x64xf32, #tpu.memory_space<vmem>>)
    %dma_start3A_457 = arith.constant 5 : i32
    %dma_start3A_458 = arith.constant 95 : i32
    %dma_start3A_459 = arith.constant 5 : i32
    %dma_start3A_460 = arith.constant 0 : i32
    %dma_start3A_461 = arith.constant 0 : i32
    %dma_start3A_462 = tpu.memref_slice %arg10[%dma_start3A_457, %dma_start3A_460, %dma_start3A_461] : memref<10x100x64xf32, #tpu.memory_space<vmem>> -> memref<1x100x64xf32, #tpu.memory_space<vmem>>
    %dma_start3A_463 = tpu.memref_squeeze %dma_start3A_462 : memref<1x100x64xf32, #tpu.memory_space<vmem>> -> memref<100x64xf32, #tpu.memory_space<vmem>>
    %dma_start3A_464 = arith.constant 0 : i32
    %dma_start3A_465 = tpu.memref_slice %arg9[%dma_start3A_458, %dma_start3A_464] : memref<100x100xi32, #tpu.memory_space<vmem>> -> memref<1x100xi32, #tpu.memory_space<vmem>>
    %dma_start3A_466 = tpu.memref_squeeze %dma_start3A_465 : memref<1x100xi32, #tpu.memory_space<vmem>> -> memref<100xi32, #tpu.memory_space<vmem>>
    %dma_start3A_467 = arith.constant 0 : i32
    %dma_start3A_468 = arith.constant 0 : i32
    %dma_start3A_469 = tpu.memref_slice %arg7[%dma_start3A_467, %dma_start3A_468] : memref<10240x64xf32, #tpu.memory_space<vmem_shared>> -> memref<10240x64xf32, #tpu.memory_space<vmem_shared>>
    %dma_start3A_470 = tpu.memref_slice %arg12[%dma_start3A_459] : memref<10x!tpu.dma_semaphore, #tpu.memory_space<semaphore_mem>> -> memref<1x!tpu.dma_semaphore, #tpu.memory_space<semaphore_mem>>
    %dma_start3A_471 = tpu.memref_squeeze %dma_start3A_470 : memref<1x!tpu.dma_semaphore, #tpu.memory_space<semaphore_mem>> -> memref<!tpu.dma_semaphore, #tpu.memory_space<semaphore_mem>>
    tpu.enqueue_indirect_dma source(%dma_start3A_463 : memref<100x64xf32, #tpu.memory_space<vmem>>) target(%dma_start3A_469 : memref<10240x64xf32, #tpu.memory_space<vmem_shared>>) offsets(%dma_start3A_466 : memref<100xi32, #tpu.memory_space<vmem>>) semaphore(%dma_start3A_471 : memref<!tpu.dma_semaphore, #tpu.memory_space<semaphore_mem>>) {add = true}
    %dma_start3A_472 = arith.constant 6 : i32
    %dma_start3A_473 = arith.constant 96 : i32
    %dma_start3A_474 = arith.constant 6 : i32
    %dma_start3A_475 = arith.constant 0 : i32
    %dma_start3A_476 = arith.constant 0 : i32
    %dma_start3A_477 = tpu.memref_slice %arg10[%dma_start3A_472, %dma_start3A_475, %dma_start3A_476] : memref<10x100x64xf32, #tpu.memory_space<vmem>> -> memref<1x100x64xf32, #tpu.memory_space<vmem>>
    %dma_start3A_478 = tpu.memref_squeeze %dma_start3A_477 : memref<1x100x64xf32, #tpu.memory_space<vmem>> -> memref<100x64xf32, #tpu.memory_space<vmem>>
    %dma_start3A_479 = arith.constant 0 : i32
    %dma_start3A_480 = tpu.memref_slice %arg9[%dma_start3A_473, %dma_start3A_479] : memref<100x100xi32, #tpu.memory_space<vmem>> -> memref<1x100xi32, #tpu.memory_space<vmem>>
    %dma_start3A_481 = tpu.memref_squeeze %dma_start3A_480 : memref<1x100xi32, #tpu.memory_space<vmem>> -> memref<100xi32, #tpu.memory_space<vmem>>
    %dma_start3A_482 = arith.constant 0 : i32
    %dma_start3A_483 = arith.constant 0 : i32
    %dma_start3A_484 = tpu.memref_slice %arg7[%dma_start3A_482, %dma_start3A_483] : memref<10240x64xf32, #tpu.memory_space<vmem_shared>> -> memref<10240x64xf32, #tpu.memory_space<vmem_shared>>
    %dma_start3A_485 = tpu.memref_slice %arg12[%dma_start3A_474] : memref<10x!tpu.dma_semaphore, #tpu.memory_space<semaphore_mem>> -> memref<1x!tpu.dma_semaphore, #tpu.memory_space<semaphore_mem>>
    %dma_start3A_486 = tpu.memref_squeeze %dma_start3A_485 : memref<1x!tpu.dma_semaphore, #tpu.memory_space<semaphore_mem>> -> memref<!tpu.dma_semaphore, #tpu.memory_space<semaphore_mem>>
    tpu.enqueue_indirect_dma source(%dma_start3A_478 : memref<100x64xf32, #tpu.memory_space<vmem>>) target(%dma_start3A_484 : memref<10240x64xf32, #tpu.memory_space<vmem_shared>>) offsets(%dma_start3A_481 : memref<100xi32, #tpu.memory_space<vmem>>) semaphore(%dma_start3A_486 : memref<!tpu.dma_semaphore, #tpu.memory_space<semaphore_mem>>) {add = true}
    %dma_start3A_487 = arith.constant 7 : i32
    %dma_start3A_488 = arith.constant 97 : i32
    %dma_start3A_489 = arith.constant 7 : i32
    %dma_start3A_490 = arith.constant 0 : i32
    %dma_start3A_491 = arith.constant 0 : i32
    %dma_start3A_492 = tpu.memref_slice %arg10[%dma_start3A_487, %dma_start3A_490, %dma_start3A_491] : memref<10x100x64xf32, #tpu.memory_space<vmem>> -> memref<1x100x64xf32, #tpu.memory_space<vmem>>
    %dma_start3A_493 = tpu.memref_squeeze %dma_start3A_492 : memref<1x100x64xf32, #tpu.memory_space<vmem>> -> memref<100x64xf32, #tpu.memory_space<vmem>>
    %dma_start3A_494 = arith.constant 0 : i32
    %dma_start3A_495 = tpu.memref_slice %arg9[%dma_start3A_488, %dma_start3A_494] : memref<100x100xi32, #tpu.memory_space<vmem>> -> memref<1x100xi32, #tpu.memory_space<vmem>>
    %dma_start3A_496 = tpu.memref_squeeze %dma_start3A_495 : memref<1x100xi32, #tpu.memory_space<vmem>> -> memref<100xi32, #tpu.memory_space<vmem>>
    %dma_start3A_497 = arith.constant 0 : i32
    %dma_start3A_498 = arith.constant 0 : i32
    %dma_start3A_499 = tpu.memref_slice %arg7[%dma_start3A_497, %dma_start3A_498] : memref<10240x64xf32, #tpu.memory_space<vmem_shared>> -> memref<10240x64xf32, #tpu.memory_space<vmem_shared>>
    %dma_start3A_500 = tpu.memref_slice %arg12[%dma_start3A_489] : memref<10x!tpu.dma_semaphore, #tpu.memory_space<semaphore_mem>> -> memref<1x!tpu.dma_semaphore, #tpu.memory_space<semaphore_mem>>
    %dma_start3A_501 = tpu.memref_squeeze %dma_start3A_500 : memref<1x!tpu.dma_semaphore, #tpu.memory_space<semaphore_mem>> -> memref<!tpu.dma_semaphore, #tpu.memory_space<semaphore_mem>>
    tpu.enqueue_indirect_dma source(%dma_start3A_493 : memref<100x64xf32, #tpu.memory_space<vmem>>) target(%dma_start3A_499 : memref<10240x64xf32, #tpu.memory_space<vmem_shared>>) offsets(%dma_start3A_496 : memref<100xi32, #tpu.memory_space<vmem>>) semaphore(%dma_start3A_501 : memref<!tpu.dma_semaphore, #tpu.memory_space<semaphore_mem>>) {add = true}
    %dma_start3A_502 = arith.constant 8 : i32
    %dma_start3A_503 = arith.constant 98 : i32
    %dma_start3A_504 = arith.constant 8 : i32
    %dma_start3A_505 = arith.constant 0 : i32
    %dma_start3A_506 = arith.constant 0 : i32
    %dma_start3A_507 = tpu.memref_slice %arg10[%dma_start3A_502, %dma_start3A_505, %dma_start3A_506] : memref<10x100x64xf32, #tpu.memory_space<vmem>> -> memref<1x100x64xf32, #tpu.memory_space<vmem>>
    %dma_start3A_508 = tpu.memref_squeeze %dma_start3A_507 : memref<1x100x64xf32, #tpu.memory_space<vmem>> -> memref<100x64xf32, #tpu.memory_space<vmem>>
    %dma_start3A_509 = arith.constant 0 : i32
    %dma_start3A_510 = tpu.memref_slice %arg9[%dma_start3A_503, %dma_start3A_509] : memref<100x100xi32, #tpu.memory_space<vmem>> -> memref<1x100xi32, #tpu.memory_space<vmem>>
    %dma_start3A_511 = tpu.memref_squeeze %dma_start3A_510 : memref<1x100xi32, #tpu.memory_space<vmem>> -> memref<100xi32, #tpu.memory_space<vmem>>
    %dma_start3A_512 = arith.constant 0 : i32
    %dma_start3A_513 = arith.constant 0 : i32
    %dma_start3A_514 = tpu.memref_slice %arg7[%dma_start3A_512, %dma_start3A_513] : memref<10240x64xf32, #tpu.memory_space<vmem_shared>> -> memref<10240x64xf32, #tpu.memory_space<vmem_shared>>
    %dma_start3A_515 = tpu.memref_slice %arg12[%dma_start3A_504] : memref<10x!tpu.dma_semaphore, #tpu.memory_space<semaphore_mem>> -> memref<1x!tpu.dma_semaphore, #tpu.memory_space<semaphore_mem>>
    %dma_start3A_516 = tpu.memref_squeeze %dma_start3A_515 : memref<1x!tpu.dma_semaphore, #tpu.memory_space<semaphore_mem>> -> memref<!tpu.dma_semaphore, #tpu.memory_space<semaphore_mem>>
    tpu.enqueue_indirect_dma source(%dma_start3A_508 : memref<100x64xf32, #tpu.memory_space<vmem>>) target(%dma_start3A_514 : memref<10240x64xf32, #tpu.memory_space<vmem_shared>>) offsets(%dma_start3A_511 : memref<100xi32, #tpu.memory_space<vmem>>) semaphore(%dma_start3A_516 : memref<!tpu.dma_semaphore, #tpu.memory_space<semaphore_mem>>) {add = true}
    %dma_start3A_517 = arith.constant 9 : i32
    %dma_start3A_518 = arith.constant 99 : i32
    %dma_start3A_519 = arith.constant 9 : i32
    %dma_start3A_520 = arith.constant 0 : i32
    %dma_start3A_521 = arith.constant 0 : i32
    %dma_start3A_522 = tpu.memref_slice %arg10[%dma_start3A_517, %dma_start3A_520, %dma_start3A_521] : memref<10x100x64xf32, #tpu.memory_space<vmem>> -> memref<1x100x64xf32, #tpu.memory_space<vmem>>
    %dma_start3A_523 = tpu.memref_squeeze %dma_start3A_522 : memref<1x100x64xf32, #tpu.memory_space<vmem>> -> memref<100x64xf32, #tpu.memory_space<vmem>>
    %dma_start3A_524 = arith.constant 0 : i32
    %dma_start3A_525 = tpu.memref_slice %arg9[%dma_start3A_518, %dma_start3A_524] : memref<100x100xi32, #tpu.memory_space<vmem>> -> memref<1x100xi32, #tpu.memory_space<vmem>>
    %dma_start3A_526 = tpu.memref_squeeze %dma_start3A_525 : memref<1x100xi32, #tpu.memory_space<vmem>> -> memref<100xi32, #tpu.memory_space<vmem>>
    %dma_start3A_527 = arith.constant 0 : i32
    %dma_start3A_528 = arith.constant 0 : i32
    %dma_start3A_529 = tpu.memref_slice %arg7[%dma_start3A_527, %dma_start3A_528] : memref<10240x64xf32, #tpu.memory_space<vmem_shared>> -> memref<10240x64xf32, #tpu.memory_space<vmem_shared>>
    %dma_start3A_530 = tpu.memref_slice %arg12[%dma_start3A_519] : memref<10x!tpu.dma_semaphore, #tpu.memory_space<semaphore_mem>> -> memref<1x!tpu.dma_semaphore, #tpu.memory_space<semaphore_mem>>
    %dma_start3A_531 = tpu.memref_squeeze %dma_start3A_530 : memref<1x!tpu.dma_semaphore, #tpu.memory_space<semaphore_mem>> -> memref<!tpu.dma_semaphore, #tpu.memory_space<semaphore_mem>>
    tpu.enqueue_indirect_dma source(%dma_start3A_523 : memref<100x64xf32, #tpu.memory_space<vmem>>) target(%dma_start3A_529 : memref<10240x64xf32, #tpu.memory_space<vmem_shared>>) offsets(%dma_start3A_526 : memref<100xi32, #tpu.memory_space<vmem>>) semaphore(%dma_start3A_531 : memref<!tpu.dma_semaphore, #tpu.memory_space<semaphore_mem>>) {add = true}
    %dma_wait3A_532 = arith.constant 5 : i32
    %dma_wait3A_533 = arith.constant 95 : i32
    %dma_wait3A_534 = arith.constant 5 : i32
    %dma_wait3A_535 = arith.constant 0 : i32
    %dma_wait3A_536 = arith.constant 0 : i32
    %dma_wait3A_537 = tpu.memref_slice %arg10[%dma_wait3A_532, %dma_wait3A_535, %dma_wait3A_536] : memref<10x100x64xf32, #tpu.memory_space<vmem>> -> memref<1x100x64xf32, #tpu.memory_space<vmem>>
    %dma_wait3A_538 = tpu.memref_squeeze %dma_wait3A_537 : memref<1x100x64xf32, #tpu.memory_space<vmem>> -> memref<100x64xf32, #tpu.memory_space<vmem>>
    %dma_wait3A_539 = arith.constant 0 : i32
    %dma_wait3A_540 = tpu.memref_slice %arg9[%dma_wait3A_533, %dma_wait3A_539] : memref<100x100xi32, #tpu.memory_space<vmem>> -> memref<1x100xi32, #tpu.memory_space<vmem>>
    %dma_wait3A_541 = tpu.memref_squeeze %dma_wait3A_540 : memref<1x100xi32, #tpu.memory_space<vmem>> -> memref<100xi32, #tpu.memory_space<vmem>>
    %dma_wait3A_542 = arith.constant 0 : i32
    %dma_wait3A_543 = arith.constant 0 : i32
    %dma_wait3A_544 = tpu.memref_slice %arg7[%dma_wait3A_542, %dma_wait3A_543] : memref<10240x64xf32, #tpu.memory_space<vmem_shared>> -> memref<10240x64xf32, #tpu.memory_space<vmem_shared>>
    %dma_wait3A_545 = tpu.memref_slice %arg12[%dma_wait3A_534] : memref<10x!tpu.dma_semaphore, #tpu.memory_space<semaphore_mem>> -> memref<1x!tpu.dma_semaphore, #tpu.memory_space<semaphore_mem>>
    %dma_wait3A_546 = tpu.memref_squeeze %dma_wait3A_545 : memref<1x!tpu.dma_semaphore, #tpu.memory_space<semaphore_mem>> -> memref<!tpu.dma_semaphore, #tpu.memory_space<semaphore_mem>>
    tpu.wait_indirect_dma semaphore(%dma_wait3A_546 : memref<!tpu.dma_semaphore, #tpu.memory_space<semaphore_mem>>) src(%dma_wait3A_538 : memref<100x64xf32, #tpu.memory_space<vmem>>) dst(%dma_wait3A_544 : memref<10240x64xf32, #tpu.memory_space<vmem_shared>>)
    %dma_wait3A_547 = arith.constant 6 : i32
    %dma_wait3A_548 = arith.constant 96 : i32
    %dma_wait3A_549 = arith.constant 6 : i32
    %dma_wait3A_550 = arith.constant 0 : i32
    %dma_wait3A_551 = arith.constant 0 : i32
    %dma_wait3A_552 = tpu.memref_slice %arg10[%dma_wait3A_547, %dma_wait3A_550, %dma_wait3A_551] : memref<10x100x64xf32, #tpu.memory_space<vmem>> -> memref<1x100x64xf32, #tpu.memory_space<vmem>>
    %dma_wait3A_553 = tpu.memref_squeeze %dma_wait3A_552 : memref<1x100x64xf32, #tpu.memory_space<vmem>> -> memref<100x64xf32, #tpu.memory_space<vmem>>
    %dma_wait3A_554 = arith.constant 0 : i32
    %dma_wait3A_555 = tpu.memref_slice %arg9[%dma_wait3A_548, %dma_wait3A_554] : memref<100x100xi32, #tpu.memory_space<vmem>> -> memref<1x100xi32, #tpu.memory_space<vmem>>
    %dma_wait3A_556 = tpu.memref_squeeze %dma_wait3A_555 : memref<1x100xi32, #tpu.memory_space<vmem>> -> memref<100xi32, #tpu.memory_space<vmem>>
    %dma_wait3A_557 = arith.constant 0 : i32
    %dma_wait3A_558 = arith.constant 0 : i32
    %dma_wait3A_559 = tpu.memref_slice %arg7[%dma_wait3A_557, %dma_wait3A_558] : memref<10240x64xf32, #tpu.memory_space<vmem_shared>> -> memref<10240x64xf32, #tpu.memory_space<vmem_shared>>
    %dma_wait3A_560 = tpu.memref_slice %arg12[%dma_wait3A_549] : memref<10x!tpu.dma_semaphore, #tpu.memory_space<semaphore_mem>> -> memref<1x!tpu.dma_semaphore, #tpu.memory_space<semaphore_mem>>
    %dma_wait3A_561 = tpu.memref_squeeze %dma_wait3A_560 : memref<1x!tpu.dma_semaphore, #tpu.memory_space<semaphore_mem>> -> memref<!tpu.dma_semaphore, #tpu.memory_space<semaphore_mem>>
    tpu.wait_indirect_dma semaphore(%dma_wait3A_561 : memref<!tpu.dma_semaphore, #tpu.memory_space<semaphore_mem>>) src(%dma_wait3A_553 : memref<100x64xf32, #tpu.memory_space<vmem>>) dst(%dma_wait3A_559 : memref<10240x64xf32, #tpu.memory_space<vmem_shared>>)
    %dma_wait3A_562 = arith.constant 7 : i32
    %dma_wait3A_563 = arith.constant 97 : i32
    %dma_wait3A_564 = arith.constant 7 : i32
    %dma_wait3A_565 = arith.constant 0 : i32
    %dma_wait3A_566 = arith.constant 0 : i32
    %dma_wait3A_567 = tpu.memref_slice %arg10[%dma_wait3A_562, %dma_wait3A_565, %dma_wait3A_566] : memref<10x100x64xf32, #tpu.memory_space<vmem>> -> memref<1x100x64xf32, #tpu.memory_space<vmem>>
    %dma_wait3A_568 = tpu.memref_squeeze %dma_wait3A_567 : memref<1x100x64xf32, #tpu.memory_space<vmem>> -> memref<100x64xf32, #tpu.memory_space<vmem>>
    %dma_wait3A_569 = arith.constant 0 : i32
    %dma_wait3A_570 = tpu.memref_slice %arg9[%dma_wait3A_563, %dma_wait3A_569] : memref<100x100xi32, #tpu.memory_space<vmem>> -> memref<1x100xi32, #tpu.memory_space<vmem>>
    %dma_wait3A_571 = tpu.memref_squeeze %dma_wait3A_570 : memref<1x100xi32, #tpu.memory_space<vmem>> -> memref<100xi32, #tpu.memory_space<vmem>>
    %dma_wait3A_572 = arith.constant 0 : i32
    %dma_wait3A_573 = arith.constant 0 : i32
    %dma_wait3A_574 = tpu.memref_slice %arg7[%dma_wait3A_572, %dma_wait3A_573] : memref<10240x64xf32, #tpu.memory_space<vmem_shared>> -> memref<10240x64xf32, #tpu.memory_space<vmem_shared>>
    %dma_wait3A_575 = tpu.memref_slice %arg12[%dma_wait3A_564] : memref<10x!tpu.dma_semaphore, #tpu.memory_space<semaphore_mem>> -> memref<1x!tpu.dma_semaphore, #tpu.memory_space<semaphore_mem>>
    %dma_wait3A_576 = tpu.memref_squeeze %dma_wait3A_575 : memref<1x!tpu.dma_semaphore, #tpu.memory_space<semaphore_mem>> -> memref<!tpu.dma_semaphore, #tpu.memory_space<semaphore_mem>>
    tpu.wait_indirect_dma semaphore(%dma_wait3A_576 : memref<!tpu.dma_semaphore, #tpu.memory_space<semaphore_mem>>) src(%dma_wait3A_568 : memref<100x64xf32, #tpu.memory_space<vmem>>) dst(%dma_wait3A_574 : memref<10240x64xf32, #tpu.memory_space<vmem_shared>>)
    %dma_wait3A_577 = arith.constant 8 : i32
    %dma_wait3A_578 = arith.constant 98 : i32
    %dma_wait3A_579 = arith.constant 8 : i32
    %dma_wait3A_580 = arith.constant 0 : i32
    %dma_wait3A_581 = arith.constant 0 : i32
    %dma_wait3A_582 = tpu.memref_slice %arg10[%dma_wait3A_577, %dma_wait3A_580, %dma_wait3A_581] : memref<10x100x64xf32, #tpu.memory_space<vmem>> -> memref<1x100x64xf32, #tpu.memory_space<vmem>>
    %dma_wait3A_583 = tpu.memref_squeeze %dma_wait3A_582 : memref<1x100x64xf32, #tpu.memory_space<vmem>> -> memref<100x64xf32, #tpu.memory_space<vmem>>
    %dma_wait3A_584 = arith.constant 0 : i32
    %dma_wait3A_585 = tpu.memref_slice %arg9[%dma_wait3A_578, %dma_wait3A_584] : memref<100x100xi32, #tpu.memory_space<vmem>> -> memref<1x100xi32, #tpu.memory_space<vmem>>
    %dma_wait3A_586 = tpu.memref_squeeze %dma_wait3A_585 : memref<1x100xi32, #tpu.memory_space<vmem>> -> memref<100xi32, #tpu.memory_space<vmem>>
    %dma_wait3A_587 = arith.constant 0 : i32
    %dma_wait3A_588 = arith.constant 0 : i32
    %dma_wait3A_589 = tpu.memref_slice %arg7[%dma_wait3A_587, %dma_wait3A_588] : memref<10240x64xf32, #tpu.memory_space<vmem_shared>> -> memref<10240x64xf32, #tpu.memory_space<vmem_shared>>
    %dma_wait3A_590 = tpu.memref_slice %arg12[%dma_wait3A_579] : memref<10x!tpu.dma_semaphore, #tpu.memory_space<semaphore_mem>> -> memref<1x!tpu.dma_semaphore, #tpu.memory_space<semaphore_mem>>
    %dma_wait3A_591 = tpu.memref_squeeze %dma_wait3A_590 : memref<1x!tpu.dma_semaphore, #tpu.memory_space<semaphore_mem>> -> memref<!tpu.dma_semaphore, #tpu.memory_space<semaphore_mem>>
    tpu.wait_indirect_dma semaphore(%dma_wait3A_591 : memref<!tpu.dma_semaphore, #tpu.memory_space<semaphore_mem>>) src(%dma_wait3A_583 : memref<100x64xf32, #tpu.memory_space<vmem>>) dst(%dma_wait3A_589 : memref<10240x64xf32, #tpu.memory_space<vmem_shared>>)
    %dma_wait3A_592 = arith.constant 9 : i32
    %dma_wait3A_593 = arith.constant 99 : i32
    %dma_wait3A_594 = arith.constant 9 : i32
    %dma_wait3A_595 = arith.constant 0 : i32
    %dma_wait3A_596 = arith.constant 0 : i32
    %dma_wait3A_597 = tpu.memref_slice %arg10[%dma_wait3A_592, %dma_wait3A_595, %dma_wait3A_596] : memref<10x100x64xf32, #tpu.memory_space<vmem>> -> memref<1x100x64xf32, #tpu.memory_space<vmem>>
    %dma_wait3A_598 = tpu.memref_squeeze %dma_wait3A_597 : memref<1x100x64xf32, #tpu.memory_space<vmem>> -> memref<100x64xf32, #tpu.memory_space<vmem>>
    %dma_wait3A_599 = arith.constant 0 : i32
    %dma_wait3A_600 = tpu.memref_slice %arg9[%dma_wait3A_593, %dma_wait3A_599] : memref<100x100xi32, #tpu.memory_space<vmem>> -> memref<1x100xi32, #tpu.memory_space<vmem>>
    %dma_wait3A_601 = tpu.memref_squeeze %dma_wait3A_600 : memref<1x100xi32, #tpu.memory_space<vmem>> -> memref<100xi32, #tpu.memory_space<vmem>>
    %dma_wait3A_602 = arith.constant 0 : i32
    %dma_wait3A_603 = arith.constant 0 : i32
    %dma_wait3A_604 = tpu.memref_slice %arg7[%dma_wait3A_602, %dma_wait3A_603] : memref<10240x64xf32, #tpu.memory_space<vmem_shared>> -> memref<10240x64xf32, #tpu.memory_space<vmem_shared>>
    %dma_wait3A_605 = tpu.memref_slice %arg12[%dma_wait3A_594] : memref<10x!tpu.dma_semaphore, #tpu.memory_space<semaphore_mem>> -> memref<1x!tpu.dma_semaphore, #tpu.memory_space<semaphore_mem>>
    %dma_wait3A_606 = tpu.memref_squeeze %dma_wait3A_605 : memref<1x!tpu.dma_semaphore, #tpu.memory_space<semaphore_mem>> -> memref<!tpu.dma_semaphore, #tpu.memory_space<semaphore_mem>>
    tpu.wait_indirect_dma semaphore(%dma_wait3A_606 : memref<!tpu.dma_semaphore, #tpu.memory_space<semaphore_mem>>) src(%dma_wait3A_598 : memref<100x64xf32, #tpu.memory_space<vmem>>) dst(%dma_wait3A_604 : memref<10240x64xf32, #tpu.memory_space<vmem_shared>>)
    %barrier3A_607 = arith.constant 0 : index
    tpu.barrier barrier_id(%barrier3A_607)
    %mul3A_608 = arith.constant 640 : i32
    %mul3A_609 = arith.muli %arg1, %mul3A_608 : i32
    %mul3A_610 = arith.constant 10240 : i32
    %mul3A_611 = arith.muli %arg0, %mul3A_610 : i32
    %mul3A_612 = arith.constant 640 : i32
    %mul3A_613 = arith.muli %arg1, %mul3A_612 : i32
    %add3A_614 = arith.addi %mul3A_611, %mul3A_613 : i32
    "tpu.region"() ({
      %run_scoped3A = tpu.sem_alloc : memref<!tpu.dma_semaphore, #tpu.memory_space<semaphore_mem>>
      %dma_start3A_615 = arith.constant 0 : i32
      %dma_start3A_616 = tpu.memref_slice %arg6[%add3A_614, %dma_start3A_615] : memref<20480x64xf32, #tpu.memory_space<hbm>> -> memref<640x64xf32, #tpu.memory_space<hbm>>
      %dma_start3A_617 = arith.constant 0 : i32
      %dma_start3A_618 = tpu.memref_slice %arg7[%mul3A_609, %dma_start3A_617] : memref<10240x64xf32, #tpu.memory_space<vmem_shared>> -> memref<640x64xf32, #tpu.memory_space<vmem_shared>>
      tpu.enqueue_dma source(%dma_start3A_618 : memref<640x64xf32, #tpu.memory_space<vmem_shared>>) target(%dma_start3A_616 : memref<640x64xf32, #tpu.memory_space<hbm>>) target_semaphore(%run_scoped3A : memref<!tpu.dma_semaphore, #tpu.memory_space<semaphore_mem>>)
      %dma_wait3A_619 = arith.constant 0 : i32
      %dma_wait3A_620 = tpu.memref_slice %arg6[%add3A_614, %dma_wait3A_619] : memref<20480x64xf32, #tpu.memory_space<hbm>> -> memref<640x64xf32, #tpu.memory_space<hbm>>
      %dma_wait3A_621 = arith.constant 0 : i32
      %dma_wait3A_622 = tpu.memref_slice %arg7[%mul3A_609, %dma_wait3A_621] : memref<10240x64xf32, #tpu.memory_space<vmem_shared>> -> memref<640x64xf32, #tpu.memory_space<vmem_shared>>
      tpu.wait_dma2 semaphore(%run_scoped3A : memref<!tpu.dma_semaphore, #tpu.memory_space<semaphore_mem>>) src(%dma_wait3A_622 : memref<640x64xf32, #tpu.memory_space<vmem_shared>>) dst(%dma_wait3A_620 : memref<640x64xf32, #tpu.memory_space<hbm>>)
      tpu.yield
    }) : () -> ()
    return
  }
}

module attributes {stable_mosaic.version = 14 : i64} {
  func.func @_combine_mm_kernel(%arg0: memref<10000x128xf32, #tpu.memory_space<vmem>>, %arg1: memref<20480x128xf32, #tpu.memory_space<vmem>>, %arg2: memref<1x1xf32, #tpu.memory_space<vmem>>, %arg3: memref<1x64xf32, #tpu.memory_space<vmem>>, %arg4: memref<128x64xf32, #tpu.memory_space<vmem>>, %arg5: memref<10000x64xf32, #tpu.memory_space<vmem>>) attributes {dimension_semantics = [], scalar_prefetch = 0 : i64, scratch_operands = 0 : i64, tpu.core_type = #tpu.core_type<tc>} {
    %get3A = arith.constant 0 : index
    %get3A_0 = arith.constant 0 : index
    %get3A_1 = vector.load %arg1[%get3A, %get3A_0] : memref<20480x128xf32, #tpu.memory_space<vmem>>, vector<10000x128xf32>
    %get3A_2 = arith.constant 10240 : index
    %get3A_3 = arith.constant 0 : index
    %get3A_4 = vector.load %arg1[%get3A_2, %get3A_3] : memref<20480x128xf32, #tpu.memory_space<vmem>>, vector<10000x128xf32>
    %add3A = arith.addf %get3A_1, %get3A_4 : vector<10000x128xf32>
    %get3A_5 = arith.constant 0 : index
    %get3A_6 = arith.constant 0 : index
    %get3A_7 = vector.load %arg2[%get3A_5, %get3A_6] : memref<1x1xf32, #tpu.memory_space<vmem>>, vector<1x1xf32>
    %get3A_8 = vector.extract %get3A_7[0, 0] : f32 from vector<1x1xf32>
    %add3A_9 = arith.constant 1.000000e+00 : f32
    %add3A_10 = arith.addf %add3A_9, %get3A_8 : f32
    %get3A_11 = arith.constant 0 : index
    %get3A_12 = arith.constant 0 : index
    %get3A_13 = vector.load %arg0[%get3A_11, %get3A_12] : memref<10000x128xf32, #tpu.memory_space<vmem>>, vector<10000x128xf32>
    %mul3A = vector.broadcast %add3A_10 : f32 to vector<10000x128xf32>
    %mul3A_14 = arith.mulf %mul3A, %get3A_13 : vector<10000x128xf32>
    %add3A_15 = arith.addf %mul3A_14, %add3A : vector<10000x128xf32>
    %get3A_16 = arith.constant 0 : index
    %get3A_17 = arith.constant 0 : index
    %get3A_18 = vector.load %arg4[%get3A_16, %get3A_17] : memref<128x64xf32, #tpu.memory_space<vmem>>, vector<128x64xf32>
    %dot_general3A = arith.constant dense<0.000000e+00> : vector<10000x64xf32>
    %dot_general3A_19 = tpu.matmul %add3A_15, %get3A_18, %dot_general3A {dimension_numbers = #tpu.dot_dimension_numbers<[1], [0], [0], [1], [0, 0, 1, 1], [], []>, transpose_lhs_hint = false} : vector<10000x128xf32>, vector<128x64xf32>, vector<10000x64xf32> -> vector<10000x64xf32>
    %get3A_20 = arith.constant 0 : index
    %get3A_21 = arith.constant 0 : index
    %get3A_22 = vector.load %arg3[%get3A_20, %get3A_21] : memref<1x64xf32, #tpu.memory_space<vmem>>, vector<1x64xf32>
    %add3A_23 = vector.broadcast %get3A_22 : vector<1x64xf32> to vector<10000x64xf32>
    %add3A_24 = arith.addf %dot_general3A_19, %add3A_23 : vector<10000x64xf32>
    %max3A = arith.constant 0.000000e+00 : f32
    %max3A_25 = vector.broadcast %max3A : f32 to vector<10000x64xf32>
    %max3A_26 = arith.maximumf %add3A_24, %max3A_25 : vector<10000x64xf32>
    %swap3A = arith.constant 0 : index
    %swap3A_27 = arith.constant 0 : index
    %swap3A_28 = vector.load %arg5[%swap3A, %swap3A_27] : memref<10000x64xf32, #tpu.memory_space<vmem>>, vector<10000x64xf32>
    tpu.vector_store %arg5[%swap3A, %swap3A_27], %max3A_26 {strides = array<i32>} : memref<10000x64xf32, #tpu.memory_space<vmem>>, vector<10000x64xf32>,
    return
  }
}

module attributes {stable_mosaic.version = 14 : i64} {
  func.func @_combine_mm_kernel(%arg0: memref<10000x64xf32, #tpu.memory_space<vmem>>, %arg1: memref<20480x64xf32, #tpu.memory_space<vmem>>, %arg2: memref<1x1xf32, #tpu.memory_space<vmem>>, %arg3: memref<1x64xf32, #tpu.memory_space<vmem>>, %arg4: memref<64x64xf32, #tpu.memory_space<vmem>>, %arg5: memref<10000x64xf32, #tpu.memory_space<vmem>>) attributes {dimension_semantics = [], scalar_prefetch = 0 : i64, scratch_operands = 0 : i64, tpu.core_type = #tpu.core_type<tc>} {
    %get3A = arith.constant 0 : index
    %get3A_0 = arith.constant 0 : index
    %get3A_1 = vector.load %arg1[%get3A, %get3A_0] : memref<20480x64xf32, #tpu.memory_space<vmem>>, vector<10000x64xf32>
    %get3A_2 = arith.constant 10240 : index
    %get3A_3 = arith.constant 0 : index
    %get3A_4 = vector.load %arg1[%get3A_2, %get3A_3] : memref<20480x64xf32, #tpu.memory_space<vmem>>, vector<10000x64xf32>
    %add3A = arith.addf %get3A_1, %get3A_4 : vector<10000x64xf32>
    %get3A_5 = arith.constant 0 : index
    %get3A_6 = arith.constant 0 : index
    %get3A_7 = vector.load %arg2[%get3A_5, %get3A_6] : memref<1x1xf32, #tpu.memory_space<vmem>>, vector<1x1xf32>
    %get3A_8 = vector.extract %get3A_7[0, 0] : f32 from vector<1x1xf32>
    %add3A_9 = arith.constant 1.000000e+00 : f32
    %add3A_10 = arith.addf %add3A_9, %get3A_8 : f32
    %get3A_11 = arith.constant 0 : index
    %get3A_12 = arith.constant 0 : index
    %get3A_13 = vector.load %arg0[%get3A_11, %get3A_12] : memref<10000x64xf32, #tpu.memory_space<vmem>>, vector<10000x64xf32>
    %mul3A = vector.broadcast %add3A_10 : f32 to vector<10000x64xf32>
    %mul3A_14 = arith.mulf %mul3A, %get3A_13 : vector<10000x64xf32>
    %add3A_15 = arith.addf %mul3A_14, %add3A : vector<10000x64xf32>
    %get3A_16 = arith.constant 0 : index
    %get3A_17 = arith.constant 0 : index
    %get3A_18 = vector.load %arg4[%get3A_16, %get3A_17] : memref<64x64xf32, #tpu.memory_space<vmem>>, vector<64x64xf32>
    %dot_general3A = arith.constant dense<0.000000e+00> : vector<10000x64xf32>
    %dot_general3A_19 = tpu.matmul %add3A_15, %get3A_18, %dot_general3A {dimension_numbers = #tpu.dot_dimension_numbers<[1], [0], [0], [1], [0, 0, 1, 1], [], []>, transpose_lhs_hint = false} : vector<10000x64xf32>, vector<64x64xf32>, vector<10000x64xf32> -> vector<10000x64xf32>
    %get3A_20 = arith.constant 0 : index
    %get3A_21 = arith.constant 0 : index
    %get3A_22 = vector.load %arg3[%get3A_20, %get3A_21] : memref<1x64xf32, #tpu.memory_space<vmem>>, vector<1x64xf32>
    %add3A_23 = vector.broadcast %get3A_22 : vector<1x64xf32> to vector<10000x64xf32>
    %add3A_24 = arith.addf %dot_general3A_19, %add3A_23 : vector<10000x64xf32>
    %max3A = arith.constant 0.000000e+00 : f32
    %max3A_25 = vector.broadcast %max3A : f32 to vector<10000x64xf32>
    %max3A_26 = arith.maximumf %add3A_24, %max3A_25 : vector<10000x64xf32>
    %swap3A = arith.constant 0 : index
    %swap3A_27 = arith.constant 0 : index
    %swap3A_28 = vector.load %arg5[%swap3A, %swap3A_27] : memref<10000x64xf32, #tpu.memory_space<vmem>>, vector<10000x64xf32>
    tpu.vector_store %arg5[%swap3A, %swap3A_27], %max3A_26 {strides = array<i32>} : memref<10000x64xf32, #tpu.memory_space<vmem>>, vector<10000x64xf32>,
    return
  }
}

module attributes {stable_mosaic.version = 14 : i64} {
  func.func @_final_kernel(%arg0: memref<10000x64xf32, #tpu.memory_space<vmem>>, %arg1: memref<20480x64xf32, #tpu.memory_space<vmem>>, %arg2: memref<1x1xf32, #tpu.memory_space<vmem>>, %arg3: memref<1x64xf32, #tpu.memory_space<vmem>>, %arg4: memref<64x64xf32, #tpu.memory_space<vmem>>, %arg5: memref<1x10000xi32, #tpu.memory_space<vmem>>, %arg6: memref<64x10xf32, #tpu.memory_space<vmem>>, %arg7: memref<1x10xf32, #tpu.memory_space<vmem>>, %arg8: memref<1x10xf32, #tpu.memory_space<vmem>>, %arg9: memref<1x1xf32, #tpu.memory_space<vmem>>, %arg10: memref<64x1xf32, #tpu.memory_space<vmem>>) attributes {dimension_semantics = [], scalar_prefetch = 0 : i64, scratch_operands = 0 : i64, tpu.core_type = #tpu.core_type<tc>} {
    %get3A = arith.constant 0 : index
    %get3A_0 = arith.constant 0 : index
    %get3A_1 = vector.load %arg1[%get3A, %get3A_0] : memref<20480x64xf32, #tpu.memory_space<vmem>>, vector<10000x64xf32>
    %get3A_2 = arith.constant 10240 : index
    %get3A_3 = arith.constant 0 : index
    %get3A_4 = vector.load %arg1[%get3A_2, %get3A_3] : memref<20480x64xf32, #tpu.memory_space<vmem>>, vector<10000x64xf32>
    %add3A = arith.addf %get3A_1, %get3A_4 : vector<10000x64xf32>
    %get3A_5 = arith.constant 0 : index
    %get3A_6 = arith.constant 0 : index
    %get3A_7 = vector.load %arg2[%get3A_5, %get3A_6] : memref<1x1xf32, #tpu.memory_space<vmem>>, vector<1x1xf32>
    %get3A_8 = vector.extract %get3A_7[0, 0] : f32 from vector<1x1xf32>
    %add3A_9 = arith.constant 1.000000e+00 : f32
    %add3A_10 = arith.addf %add3A_9, %get3A_8 : f32
    %get3A_11 = arith.constant 0 : index
    %get3A_12 = arith.constant 0 : index
    %get3A_13 = vector.load %arg0[%get3A_11, %get3A_12] : memref<10000x64xf32, #tpu.memory_space<vmem>>, vector<10000x64xf32>
    %mul3A = vector.broadcast %add3A_10 : f32 to vector<10000x64xf32>
    %mul3A_14 = arith.mulf %mul3A, %get3A_13 : vector<10000x64xf32>
    %add3A_15 = arith.addf %mul3A_14, %add3A : vector<10000x64xf32>
    %get3A_16 = arith.constant 0 : index
    %get3A_17 = arith.constant 0 : index
    %get3A_18 = vector.load %arg4[%get3A_16, %get3A_17] : memref<64x64xf32, #tpu.memory_space<vmem>>, vector<64x64xf32>
    %dot_general3A = arith.constant dense<0.000000e+00> : vector<10000x64xf32>
    %dot_general3A_19 = tpu.matmul %add3A_15, %get3A_18, %dot_general3A {dimension_numbers = #tpu.dot_dimension_numbers<[1], [0], [0], [1], [0, 0, 1, 1], [], []>, transpose_lhs_hint = false} : vector<10000x64xf32>, vector<64x64xf32>, vector<10000x64xf32> -> vector<10000x64xf32>
    %get3A_20 = arith.constant 0 : index
    %get3A_21 = arith.constant 0 : index
    %get3A_22 = vector.load %arg3[%get3A_20, %get3A_21] : memref<1x64xf32, #tpu.memory_space<vmem>>, vector<1x64xf32>
    %add3A_23 = vector.broadcast %get3A_22 : vector<1x64xf32> to vector<10000x64xf32>
    %add3A_24 = arith.addf %dot_general3A_19, %add3A_23 : vector<10000x64xf32>
    %max3A = arith.constant 0.000000e+00 : f32
    %max3A_25 = vector.broadcast %max3A : f32 to vector<10000x64xf32>
    %max3A_26 = arith.maximumf %add3A_24, %max3A_25 : vector<10000x64xf32>
    %get3A_27 = arith.constant 0 : index
    %get3A_28 = arith.constant 0 : index
    %get3A_29 = vector.load %arg5[%get3A_27, %get3A_28] : memref<1x10000xi32, #tpu.memory_space<vmem>>, vector<1x10000xi32>
    %iota3A = tpu.iota {dimensions = array<i32: 0>} : vector<64x10000xi32>
    %eq3A = vector.broadcast %get3A_29 : vector<1x10000xi32> to vector<64x10000xi32>
    %eq3A_30 = arith.cmpi eq, %eq3A, %iota3A : vector<64x10000xi32>
    %convert_element_type3A = arith.extui %eq3A_30 : vector<64x10000xi1> to vector<64x10000xi32>
    %convert_element_type3A_31 = arith.sitofp %convert_element_type3A : vector<64x10000xi32> to vector<64x10000xf32>
    %dot_general3A_32 = arith.constant dense<0.000000e+00> : vector<64x64xf32>
    %dot_general3A_33 = tpu.matmul %convert_element_type3A_31, %max3A_26, %dot_general3A_32 {dimension_numbers = #tpu.dot_dimension_numbers<[1], [0], [0], [1], [0, 0, 1, 1], [], []>, precision = #tpu.contract_precision<fp32>, transpose_lhs_hint = false} : vector<64x10000xf32>, vector<10000x64xf32>, vector<64x64xf32> -> vector<64x64xf32>
    %reduce_sum3A = arith.constant dense<0.000000e+00> : vector<64xf32>
    %reduce_sum3A_34 = vector.multi_reduction <add>, %convert_element_type3A_31, %reduce_sum3A [1] : vector<64x10000xf32> to vector<64xf32>
    %broadcast_in_dim3A = vector.shape_cast %reduce_sum3A_34 : vector<64xf32> to vector<64x1xf32>
    %max3A_35 = arith.constant 1.000000e+00 : f32
    %max3A_36 = vector.broadcast %max3A_35 : f32 to vector<64x1xf32>
    %max3A_37 = arith.maximumf %broadcast_in_dim3A, %max3A_36 : vector<64x1xf32>
    %div3A = vector.broadcast %max3A_37 : vector<64x1xf32> to vector<64x64xf32>
    %div3A_38 = arith.divf %dot_general3A_33, %div3A : vector<64x64xf32>
    %get3A_39 = arith.constant 0 : index
    %get3A_40 = arith.constant 0 : index
    %get3A_41 = vector.load %arg6[%get3A_39, %get3A_40] : memref<64x10xf32, #tpu.memory_space<vmem>>, vector<64x10xf32>
    %dot_general3A_42 = arith.constant dense<0.000000e+00> : vector<64x10xf32>
    %dot_general3A_43 = tpu.matmul %div3A_38, %get3A_41, %dot_general3A_42 {dimension_numbers = #tpu.dot_dimension_numbers<[1], [0], [0], [1], [0, 0, 1, 1], [], []>, transpose_lhs_hint = false} : vector<64x64xf32>, vector<64x10xf32>, vector<64x10xf32> -> vector<64x10xf32>
    %get3A_44 = arith.constant 0 : index
    %get3A_45 = arith.constant 0 : index
    %get3A_46 = vector.load %arg7[%get3A_44, %get3A_45] : memref<1x10xf32, #tpu.memory_space<vmem>>, vector<1x10xf32>
    %add3A_47 = vector.broadcast %get3A_46 : vector<1x10xf32> to vector<64x10xf32>
    %add3A_48 = arith.addf %dot_general3A_43, %add3A_47 : vector<64x10xf32>
    %max3A_49 = arith.constant 0.000000e+00 : f32
    %max3A_50 = vector.broadcast %max3A_49 : f32 to vector<64x10xf32>
    %max3A_51 = arith.maximumf %add3A_48, %max3A_50 : vector<64x10xf32>
    %convert_element_type3A_52 = arith.truncf %max3A_51 : vector<64x10xf32> to vector<64x10xbf16>
    %convert_element_type3A_53 = arith.extf %convert_element_type3A_52 : vector<64x10xbf16> to vector<64x10xf32>
    %get3A_54 = arith.constant 0 : index
    %get3A_55 = arith.constant 0 : index
    %get3A_56 = vector.load %arg8[%get3A_54, %get3A_55] : memref<1x10xf32, #tpu.memory_space<vmem>>, vector<1x10xf32>
    %convert_element_type3A_57 = arith.truncf %get3A_56 : vector<1x10xf32> to vector<1x10xbf16>
    %convert_element_type3A_58 = arith.extf %convert_element_type3A_57 : vector<1x10xbf16> to vector<1x10xf32>
    %mul3A_59 = vector.broadcast %convert_element_type3A_58 : vector<1x10xf32> to vector<64x10xf32>
    %mul3A_60 = arith.mulf %convert_element_type3A_53, %mul3A_59 : vector<64x10xf32>
    %reduce_sum3A_61 = arith.constant dense<0.000000e+00> : vector<64xf32>
    %reduce_sum3A_62 = vector.multi_reduction <add>, %mul3A_60, %reduce_sum3A_61 [1] : vector<64x10xf32> to vector<64xf32>
    %broadcast_in_dim3A_63 = vector.shape_cast %reduce_sum3A_62 : vector<64xf32> to vector<64x1xf32>
    %get3A_64 = arith.constant 0 : index
    %get3A_65 = arith.constant 0 : index
    %get3A_66 = vector.load %arg9[%get3A_64, %get3A_65] : memref<1x1xf32, #tpu.memory_space<vmem>>, vector<1x1xf32>
    %add3A_67 = vector.broadcast %get3A_66 : vector<1x1xf32> to vector<64x1xf32>
    %add3A_68 = arith.addf %broadcast_in_dim3A_63, %add3A_67 : vector<64x1xf32>
    %swap3A = arith.constant 0 : index
    %swap3A_69 = arith.constant 0 : index
    %swap3A_70 = vector.load %arg10[%swap3A, %swap3A_69] : memref<64x1xf32, #tpu.memory_space<vmem>>, vector<64x1xf32>
    tpu.vector_store %arg10[%swap3A, %swap3A_69], %add3A_68 {strides = array<i32>} : memref<64x1xf32, #tpu.memory_space<vmem>>, vector<64x1xf32>,
    return
  }
}

</mosaic_0001>

<sc_bundles>
// kernel: kernel.11.cloned.1.call-start
scs
__scs_entry_jumppad:
0x0: {  	(pc) =	sbr.rel $0x88, $3  }
0x1: {  	(tag) =	ssettag $0x0;
	lr =	simm.s32 $0x1  }
0x2: {  	[smem:$0x3F91] =	sst lr;
	_ =	strace $0xD0000000  }
0x3: {  	_ = 	snop  }
0x4: {  	_ = 	snop  }
0x5: {  	_ = 	snop  }
0x6: {  	_ = 	snop  }
0x7: {  	_ = 	snop  }
__scs_overlays_trampoline_lowered:
0x8: {  	[smem:$0x3FA0] =	sst s0  }
0x9: {  	[smem:$0x3FA1] =	sst s1  }
0xa: {  	[smem:$0x3FA2] =	sst s2  }
0xb: {  	[smem:$0x3FA3] =	sst s3  }
0xc: {  	[smem:$0x3FA4] =	sst s4  }
0xd: {  	[smem:$0x3FA5] =	sst s5  }
0xe: {  	[smem:$0x3FA6] =	sst s6  }
0xf: {  	[smem:$0x3FA7] =	sst s7  }
0x10: {  	[smem:$0x3FA8] =	sst s8  }
0x11: {  	[smem:$0x3FA9] =	sst s9;
	s0 =	simm.s32 @!p0 $0x0  }
0x12: {  	s1 =	sld [smem:$0x3F8F];
	s0 =	simm.s32 @p0 $0x1  }
0x13: {  	[smem:$0x3FAA] =	sst s0;
	s0 =	simm.s32 @!p1 $0x0  }
0x14: {  	s2 =	sld [smem:$0x3F8E];
	s0 =	simm.s32 @p1 $0x1  }
0x15: {  	[smem:$0x3FAB] =	sst s0;
	s0 =	simm.s32 @!p2 $0x0  }
0x16: {  	s3 =	sld [smem:$0x3FDB];
	s0 =	simm.s32 @p2 $0x1  }
0x17: {  	s4 =	simm.s32 $0x1BF5;
	[smem:$0x3FAD] =	sst s0  }
0x18: {  	s0 =	sld [smem:$0x3F90];
	_ =	swait.ge [sflag:s4], $0x0  }
0x19: {  	s7 =	sld [smem:$0x3F91]  }
0x1a: {  	s8 =	sadd.s32 $0xFFFFE003, lr  }
0x1b: {  	s9 =	sadd.s32 $0xFFFFFEF7, lr;
	s5 =	simm.s32 $0xFFFFFFFF;
	p2 =	slt.u32 s8, $0xFFFFF086  }
0x1c: {  	p1 =	slt.u32 s9, $0xF7A;
	s5 =	simm.s32 @!p2 $0x0  }
0x1d: {  	s5 =	simm.s32 @p1 $0x1;
	p0 =	seq.s32 s7, s2  }
0x1e: {  	s7 =	smul.u32 @!p0 $0xF7A, s2;
	p2 =	seq.s32 @!p0 s5, $0x0  }
0x1f: {  	s9 =	smul.u32 $0xF7A, s1;
	s8 =	simm.s32 @!p0 $0x1BF5;
	p2 =	por !p2, p0  }
0x20: {  	[sflag:s8] =	ssyncset.s32 @!p0 $0xFFFFF086;
	s6 =	sadd.s32 @!p0 s3, s7;
	s7 =	simm.s32 @!p0 $0x108  }
0x21: {  	s3 =	sadd.s32 s3, s9;
	s6 =	sadd.s32 @!p0 $0x88, s6;
	s7 =	simm.s32 @p2 $0x1082  }
0x22: {  	[simem:s7], [sflag:s8] =	dma.local @!p0 [hbm:s6], $0xF7A  }
0x23: {  	s9 =	sor.u32 $0xD0000000, s2;
	s6 =	simm.s32 $0x108;
	_ =	swait.ge @!p0 [sflag:s8], $0x0  }
0x24: {  	s3 =	sadd.s32 $0x88, s3;
	s6 =	simm.s32 @!p1 $0x1082;
	[sflag:s4] =	ssyncset.s32 $0xFFFFF086  }
0x25: {  	[simem:s6], [sflag:s4] =	dma.local [hbm:s3], $0xF7A  }
0x26: {  	[smem:$0x3F91] =	sst s1;
	(tag) =	ssettag s2;
	_ =	strace s9  }
0x27: {  	s1 =	sld [smem:$0x3FA1]  }
0x28: {  	s2 =	sld [smem:$0x3FA2]  }
0x29: {  	s4 =	sld [smem:$0x3FA4]  }
0x2a: {  	p0 =	seq.s32 s5, $0x0;
	s5 =	sld [smem:$0x3FA5]  }
0x2b: {  	s6 =	sld [smem:$0x3FA6]  }
0x2c: {  	s7 =	sld [smem:$0x3FA7]  }
0x2d: {  	s3 =	simm.s32 $0x108;
	s8 =	sld [smem:$0x3FA8]  }
0x2e: {  	s3 =	simm.s32 @!p0 $0x1082;
	s9 =	sld [smem:$0x3FA9]  }
0x2f: {  	lr =	sadd.s32 s0, s3;
	s0 =	sld [smem:$0x3FA0]  }
0x30: {  	s3 =	sld [smem:$0x3FA3]  }
0x31: {  	[smem:$0x3FAC] =	sst s10  }
0x32: {  	s10 =	sld [smem:$0x3FAA];
	_ =	sdelay $0x3  }
0x33: {  	p0 =	seq.s32 s10, $0x1;
	s10 =	sld [smem:$0x3FAC];
	_ =	sdelay $0x3  }
0x34: {  	[smem:$0x3FAC] =	sst s10  }
0x35: {  	s10 =	sld [smem:$0x3FAB];
	_ =	sdelay $0x3  }
0x36: {  	p1 =	seq.s32 s10, $0x1;
	s10 =	sld [smem:$0x3FAC];
	_ =	sdelay $0x3  }
0x37: {  	[smem:$0x3FAC] =	sst s10  }
0x38: {  	s10 =	sld [smem:$0x3FAD]  }
0x39: {  	_ = 	snop;
	(pc) =	sbr.ind lr, $3  }
0x3a: {  	_ = 	snop  }
0x3b: {  	_ = 	snop  }
0x3c: {  	p2 =	seq.s32 s10, $0x1;
	s10 =	sld [smem:$0x3FAC]  }
0x3d: {  	_ =	shalt  }
0x3e: {  	_ =	shalt  }
0x3f: {  	_ =	shalt  }
0x40: {  	_ =	shalt  }
0x41: {  	_ =	shalt  }
0x42: {  	_ =	shalt  }
0x43: {  	_ =	shalt  }
0x44: {  	_ =	shalt  }
0x45: {  	_ =	shalt  }
0x46: {  	_ =	shalt  }
0x47: {  	_ =	shalt  }
0x48: {  	_ =	shalt  }
0x49: {  	_ =	shalt  }
0x4a: {  	_ =	shalt  }
0x4b: {  	_ =	shalt  }
0x4c: {  	_ =	shalt  }
0x4d: {  	_ =	shalt  }
0x4e: {  	_ =	shalt  }
0x4f: {  	_ =	shalt  }
0x50: {  	_ =	shalt  }
0x51: {  	_ =	shalt  }
0x52: {  	_ =	shalt  }
0x53: {  	_ =	shalt  }
0x54: {  	_ =	shalt  }
0x55: {  	_ =	shalt  }
0x56: {  	_ =	shalt  }
0x57: {  	_ =	shalt  }
0x58: {  	_ =	shalt  }
0x59: {  	_ =	shalt  }
0x5a: {  	_ =	shalt  }
0x5b: {  	_ =	shalt  }
0x5c: {  	_ =	shalt  }
0x5d: {  	_ =	shalt  }
0x5e: {  	_ =	shalt  }
0x5f: {  	_ =	shalt  }
0x60: {  	_ =	shalt  }
0x61: {  	_ =	shalt  }
0x62: {  	_ =	shalt  }
0x63: {  	_ =	shalt  }
0x64: {  	_ =	shalt  }
0x65: {  	_ =	shalt  }
0x66: {  	_ =	shalt  }
0x67: {  	_ =	shalt  }
0x68: {  	_ =	shalt  }
0x69: {  	_ =	shalt  }
0x6a: {  	_ =	shalt  }
0x6b: {  	_ =	shalt  }
0x6c: {  	_ =	shalt  }
0x6d: {  	_ =	shalt  }
0x6e: {  	_ =	shalt  }
0x6f: {  	_ =	shalt  }
0x70: {  	_ =	shalt  }
0x71: {  	_ =	shalt  }
0x72: {  	_ =	shalt  }
0x73: {  	_ =	shalt  }
0x74: {  	_ =	shalt  }
0x75: {  	_ =	shalt  }
0x76: {  	_ =	shalt  }
0x77: {  	_ =	shalt  }
0x78: {  	_ =	shalt  }
0x79: {  	_ =	shalt  }
0x7a: {  	_ =	shalt  }
0x7b: {  	_ =	shalt  }
0x7c: {  	_ =	shalt  }
0x7d: {  	_ =	shalt  }
0x7e: {  	_ =	shalt  }
0x7f: {  	_ =	shalt  }
0x80: {  	_ =	shalt  }
0x81: {  	_ =	shalt  }
0x82: {  	_ =	shalt  }
0x83: {  	_ =	shalt  }
0x84: {  	_ =	shalt  }
0x85: {  	_ =	shalt  }
0x86: {  	_ =	shalt  }
0x87: {  	_ =	shalt  }
.Lfunc_end0:
.L_simem_size_0:
called_computation.1_lowered:
.L_overlay_start_0:
0x88: {  	s2 =	sld [smem:$0x3FD9]  }
0x89: {  	s3 =	sld [smem:$0x3FFE];
	_ =	sdelay $0x1  }
0x8a: {  	s1 =	srdreg.scid  }
0x8b: {  	s0 =	sand.u32 $0x1, s1  }
0x8c: {  	s16 =	sshll.u32 s0, $0xA;
	s2 =	sadd.s32 s3, s2  }
0x8d: {  	s2 =	sadd.s32 s2, s16  }
0x8e: {  	[smem:$0x3FB8] =	sst s2  }
0x8f: {  	_ = 	snop  }
0x90: {  	(tm) =	ssettm $0x1  }
0x91: {  	s17 =	sld [smem:$0x3FFB];
	_ =	sdelay $0x3  }
0x92: {  	_ =	strace s17  }
0x93: {  	s2 =	sld [smem:$0x3FFC];
	_ =	sdelay $0x3  }
0x94: {  	_ =	strace s2  }
0x95: {  	s2 =	sld [smem:$0x3FFD];
	_ =	sdelay $0x3  }
0x96: {  	_ =	strace s2  }
0x97: {  	_ =	strace $0x8FFFFFFF  }
0x98: {  	s18 =	sld [smem:$0x3FDB];
	_ =	sdelay $0x1  }
0x99: {  	s19 =	simm.s32 $_scs_section_size  }
0x9a: {  	s4 =	simm.s32 $_size__tile_overlayer_lowered;
	s5 =	simm.s32 $_tile_overlayer_lowered  }
0x9b: {  	s22 =	simm.s32 $0x1BFF;
	s21 =	sshll.u32 s5, $0x1;
	s2 =	sadd.s32 s19, s18  }
0x9c: {  	s6 =	simm.s32 $0x0;
	s20 =	sshll.u32 s4, $0x1;
	s4 =	sadd.s32 s21, s2  }
0x9d: {  	[timem:s6], [sflag:s22] =	dma.local [hbm:s4], s20  }
0x9e: {  	_ =	swait.ge [sflag:s22], s20  }
0x9f: {  	s3 =	ssub.s32 $0x0, s20;
	[sflag:s22] =	ssyncset.done $0x0  }
0xa0: {  	[sflag:s22] =	ssyncadd.s32 s3;
	_ =	sdelay $0x1  }
0xa1: {  	s23 =	simm.s32 $0x1B8B  }
0xa2: {  	_ =	swait.ge [sflag:s23], $0x1  }
0xa3: {  	[sflag:s23] =	ssyncset.done $0x0  }
0xa4: {  	s25 =	simm.s32 $0x1B8E;
	s24 =	sld [smem:$0x3FFE];
	[sflag:s23] =	ssyncadd.s32 $0xFFFFFFFF  }
0xa5: {  	s26 =	simm.s32 $execute0_lowered;
	[smem:$0x3FD2] =	sst s25  }
0xa6: {  	s4 =	sshll.u32 s26, $0x1;
	_ =	strace $0x80000049;
	[dreg:$0x1] =	wrdreg $0xFFFFFFFF  }
0xa7: {  	s28 =	simm.s32 $_size_execute0_lowered;
	s2 =	sadd.s32 s2, s4;
	[dreg:$0x0] =	wrdreg $0x0  }
0xa8: {  	s4 =	sshll.u32 s28, $0x1;
	[dreg:$0x2] =	wrdreg s2  }
0xa9: {  	[dreg:$0x3] =	wrdreg s4  }
0xaa: {  	[dreg:$0x4] =	wrdreg $0xC0  }
0xab: {  	_ =	task [dreg:s6], $0x5FFFF  }
0xac: {  	[dreg:$0x1] =	wrdreg $0xFFFFFFFF  }
0xad: {  	[dreg:$0x0] =	wrdreg $0x60  }
0xae: {  	[dreg:$0x2] =	wrdreg s24  }
0xaf: {  	[dreg:$0x3] =	wrdreg $0x0  }
0xb0: {  	[dreg:$0x4] =	wrdreg $0x9  }
0xb1: {  	_ =	task.clear_ibuf [dreg:s6], $0x5FFFF;
	_ =	strace $0x90000049  }
0xb2: {  	s29 =	simm.s32 $0x9;
	_ =	strace $0x8000004B  }
0xb3: {  	_ =	swait.ge [sflag:s29], $0x1  }
0xb4: {  	[sflag:s29] =	ssyncadd.s32 $0xFFFFFFFF  }
0xb5: {  	_ =	strace $0x9000004B  }
0xb6: {  	_ =	sfence  }
0xb7: {  	s30 =	sld [smem:$0x0];
	_ =	sdelay $0x2  }
0xb8: {  	s31 =	sshll.u32 s1, $0xD;
	s1 =	sshrl.u32 s1, $0x2  }
0xb9: {  	s3 =	sand.u32 $0x4000, s31;
	s1 =	sadd.s32 s1, s30  }
0xba: {  	s0 =	sor.u32 s3, s0;
	s1 =	sshll.u32 s1, $0x11  }
0xbb: {  	s0 =	sor.u32 s1, s0  }
0xbc: {  	s0 =	sadd.s32 $0x8F2B, s0  }
0xbd: {  	[sflag:s0] =	ssyncadd.remote.s32 $0x1  }
0xbe: {  	_ =	sfence.sel $0xFFFF  }
0xbf: {  	[dreg:$0x0] =	wrdreg $0xFFFFFFFF;
	(pc) =	sbr.abs _section_cstart, $3  }
0xc0: {  	[dreg:$0x1] =	wrdreg $0xFFFFFFFF  }
0xc1: {  	_ =	task.clear_ibuf [dreg:s6], $0x2FFFF;
	_ =	strace $0x9FFFFFFF  }
0xc2: {  	(tm) =	ssettm $0x7FFFFFFF  }
0xc3: {  	_ =	shalt  }
tec
execute0_lowered:
.L_overlay_start_1:
0x0: {  	(tag) =	ssettag $0x1  }
0x1: {  	s0 =	srdreg.scid  }
0x2: {  	s9 =	stileid.u32;
	s3 =	rddreg [dreg:$0x0]  }
0x3: {  	s2 =	rddreg [dreg:$0x1];
	s4 =	simm.s32 $0x0;
	s15 =	simm.s32 $0x64  }
0x4: {  	s19 =	simm.s32 $0xB;
	s21 =	simm.s32 $0xC;
	s23 =	simm.s32 $0xD  }
0x5: {  	s13 =	simm.s32 $0x6;
	s10 =	simm.s32 $0xA;
	s11 =	simm.s32 $0x11  }
0x6: {  	s12 =	simm.s32 $0x12;
	s16 =	simm.s32 $0x13;
	s18 =	simm.s32 $0x14  }
0x7: {  	s30 =	simm.s32 $0x1D240;
	s0 =	sand.u32 $0x1, s0;
	s5 =	smul.u32 $0xA000, s9  }
0x8: {  	[smem:$0x7FF] =	sst s4;
	s6 =	smul.u32 $0x1400, s9;
	s4 =	sadd.s32 $0x2200, s3  }
0x9: {  	s28 =	sshll.u32 s9, $0x6;
	s1 =	sshll.u32 s0, $0x4;
	_ =	strace $0x8000004A  }
0xa: {  	s7 =	smul.u32 $0x14000, s0;
	s0 =	ssub.s32 $0x2, s0;
	s14 =	sor.u32 $0x1C15, s28  }
0xb: {  	s1 =	sor.u32 s9, s1;
	s8 =	sshrl.u32 s5, $0x3;
	s25 =	sshrl.u32 s0, $0x1  }
0xc: {  	s5 =	sadd.s32 s5, s2;
	s9 =	simm.s32 $0x9;
	[dreg:$0x4] =	wrdreg s14  }
0xd: {  	s1 =	smul.u32 $0x514, s1;
	s6 =	sadd.s32 s6, s7;
	s8 =	sadd.s32 s8, s3  }
0xe: {  	s0 =	ssub.s32 s0, s25;
	s22 =	sshrl.u32 s5, $0x3;
	s5 =	simm.s32 $0xF  }
0xf: {  	s7 =	simm.s32 $0x7;
	s26 =	sadd.s32 $0x15C00, s8;
	[dreg:$0x9] =	wrdreg s22  }
0x10: {  	s0 =	smax.u32 s0, $0x1;
	s1 =	sadd.s32 s1, s3;
	[dreg:$0x3] =	wrdreg s26  }
0x11: {  	s8 =	simm.s32 $0x8;
	[dreg:$0x8] =	wrdreg s0;
	s29 =	sadd.s32 $0x9A600, s1  }
0x12: {  	s3 =	sadd.s32 s6, s3;
	s1 =	sadd.s32 $0x90200, s1;
	[dreg:$0x5] =	wrdreg s29  }
0x13: {  	s6 =	simm.s32 $0x10;
	s31 =	sadd.s32 $0x29C00, s3;
	[dreg:$0x6] =	wrdreg s1  }
0x14: {  	s0 =	simm.s32 $0x0;
	s3 =	simm.s32 $0xE;
	[dreg:$0x7] =	wrdreg s31  }
.LBB2_1:
0x15: {  	[dreg:$0xa] =	wrdreg s0  }
0x16: {  	s24 =	simm.s32 $0x15;
	s20 =	rddreg [dreg:$0x3]  }
0x17: {  	[spmem:s22], [sflag:s14] =	dma.local [hbm:s20], $0x1400  }
0x18: {  	_ =	swait.ge [sflag:s24], $0x1400  }
0x19: {  	s1 =	simm.s32 $0x0;
	[sflag:s24] =	ssyncset.done $0x0  }
0x1a: {  	s31 =	simm.s32 $0xA000;
	s29 =	rddreg [dreg:$0x5];
	[sflag:s24] =	ssyncadd.s32 $0xFFFFEC00  }
0x1b: {  	[tilespmem:s31], [sflag:$0x15] =	stream.linear.gather [hbm4b:s29+s1], $0x28A0, $0x38;
	[tilespmem:$0x1EB40] =	vst v63  }
0x1c: {  	_ =	swait.ge [sflag:s24], $0x28A0  }
0x1d: {  	[sflag:s24] =	ssyncset.done $0x0  }
0x1e: {  	s17 =	simm.s32 $0xC8A0;
	s14 =	rddreg [dreg:$0x6];
	[sflag:s24] =	ssyncadd.s32 $0xFFFFD760  }
0x1f: {  	[tilespmem:s17], [sflag:$0x15] =	stream.linear.gather [hbm4b:s14+s1], $0x28A0, $0x38;
	[tilespmem:$0x1EB40] =	vst v63  }
0x20: {  	_ =	swait.ge [sflag:s24], $0x28A0  }
0x21: {  	[sflag:s24] =	ssyncset.done $0x0  }
0x22: {  	[sflag:s24] =	ssyncadd.s32 $0xFFFFD760  }
0x23: {  	s22 =	simm.s32 $0xF140;
	[bflag:$0x0] =	sbarrier.arrive $0xFFFF  }
0x24: {  	[tilespmem:s22], [sflag:$0x1] =	stream.indirect.gather [hbm4b:s4+s15], $0x40, s31, s15, $0xb8;
	[tilespmem:$0x1EB40] =	vst v63  }
0x25: {  	s0 =	simm.s32 $0x10A40;
	s20 =	simm.s32 $0xA068  }
0x26: {  	[tilespmem:s0], [sflag:$0x2] =	stream.indirect.gather [hbm4b:s4+s15], $0x40, s20, s15, $0xb8;
	[tilespmem:$0x1EB40] =	vst v63  }
0x27: {  	s14 =	simm.s32 $0x12340;
	s24 =	simm.s32 $0xA0D0  }
0x28: {  	[tilespmem:s14], [sflag:$0x3] =	stream.indirect.gather [hbm4b:s4+s15], $0x40, s24, s15, $0xb8;
	[tilespmem:$0x1EB40] =	vst v63  }
0x29: {  	s25 =	simm.s32 $0xA138;
	s17 =	simm.s32 $0x13C40  }
0x2a: {  	[tilespmem:s17], [sflag:$0x4] =	stream.indirect.gather [hbm4b:s4+s15], $0x40, s25, s15, $0xb8;
	[tilespmem:$0x1EB40] =	vst v63  }
0x2b: {  	s26 =	simm.s32 $0xA1A0;
	s28 =	simm.s32 $0x1;
	s24 =	simm.s32 $0x15540  }
0x2c: {  	[tilespmem:s24], [sflag:$0x5] =	stream.indirect.gather [hbm4b:s4+s15], $0x40, s26, s15, $0xb8;
	[tilespmem:$0x1EB40] =	vst v63  }
0x2d: {  	_ =	swait.ge [sflag:s28], $0x1900  }
0x2e: {  	[sflag:s28] =	ssyncset.done $0x0  }
0x2f: {  	s29 =	simm.s32 $0x2;
	[sflag:s28] =	ssyncadd.s32 $0xFFFFE700  }
0x30: {  	_ =	swait.ge [sflag:s29], $0x1900  }
0x31: {  	[sflag:s29] =	ssyncset.done $0x0  }
0x32: {  	s31 =	simm.s32 $0x3;
	[sflag:s29] =	ssyncadd.s32 $0xFFFFE700  }
0x33: {  	_ =	swait.ge [sflag:s31], $0x1900  }
0x34: {  	[sflag:s31] =	ssyncset.done $0x0  }
0x35: {  	s20 =	simm.s32 $0x4;
	[sflag:s31] =	ssyncadd.s32 $0xFFFFE700  }
0x36: {  	_ =	swait.ge [sflag:s20], $0x1900  }
0x37: {  	[sflag:s20] =	ssyncset.done $0x0  }
0x38: {  	s25 =	simm.s32 $0x5;
	[sflag:s20] =	ssyncadd.s32 $0xFFFFE700  }
0x39: {  	_ =	swait.ge [sflag:s25], $0x1900  }
0x3a: {  	[sflag:s25] =	ssyncset.done $0x0  }
0x3b: {  	s26 =	simm.s32 $0xC8A0;
	[sflag:s25] =	ssyncadd.s32 $0xFFFFE700  }
0x3c: {  	[spmem:s2] =	stream.indirect.scatter.add.f32 [tilespmem:s22], [sflag:$0xB], $0x40, s26, s15, $0xb8;
	[tilespmem:$0x1EB40] =	vst v63  }
0x3d: {  	s28 =	simm.s32 $0xC908  }
0x3e: {  	[spmem:s2] =	stream.indirect.scatter.add.f32 [tilespmem:s0], [sflag:$0xC], $0x40, s28, s15, $0xb8;
	[tilespmem:$0x1EB40] =	vst v63  }
0x3f: {  	s29 =	simm.s32 $0xC970  }
0x40: {  	[spmem:s2] =	stream.indirect.scatter.add.f32 [tilespmem:s14], [sflag:$0xD], $0x40, s29, s15, $0xb8;
	[tilespmem:$0x1EB40] =	vst v63  }
0x41: {  	s31 =	simm.s32 $0xC9D8  }
0x42: {  	[spmem:s2] =	stream.indirect.scatter.add.f32 [tilespmem:s17], [sflag:$0xE], $0x40, s31, s15, $0xb8;
	[tilespmem:$0x1EB40] =	vst v63  }
0x43: {  	s1 =	simm.s32 $0xCA40  }
0x44: {  	[spmem:s2] =	stream.indirect.scatter.add.f32 [tilespmem:s24], [sflag:$0xF], $0x40, s1, s15, $0xb8;
	[tilespmem:$0x1EB40] =	vst v63  }
0x45: {  	s25 =	simm.s32 $0xA208;
	s1 =	simm.s32 $0x16E40  }
0x46: {  	[tilespmem:s1], [sflag:$0x6] =	stream.indirect.gather [hbm4b:s4+s15], $0x40, s25, s15, $0xb8;
	[tilespmem:$0x1EB40] =	vst v63  }
0x47: {  	s26 =	simm.s32 $0xA270;
	s25 =	simm.s32 $0x18740  }
0x48: {  	[tilespmem:s25], [sflag:$0x7] =	stream.indirect.gather [hbm4b:s4+s15], $0x40, s26, s15, $0xb8;
	[tilespmem:$0x1EB40] =	vst v63  }
0x49: {  	s28 =	simm.s32 $0xA2D8;
	s26 =	simm.s32 $0x1A040  }
0x4a: {  	[tilespmem:s26], [sflag:$0x8] =	stream.indirect.gather [hbm4b:s4+s15], $0x40, s28, s15, $0xb8;
	[tilespmem:$0x1EB40] =	vst v63  }
0x4b: {  	s29 =	simm.s32 $0xA340;
	s28 =	simm.s32 $0x1B940  }
0x4c: {  	[tilespmem:s28], [sflag:$0x9] =	stream.indirect.gather [hbm4b:s4+s15], $0x40, s29, s15, $0xb8;
	[tilespmem:$0x1EB40] =	vst v63  }
0x4d: {  	s31 =	simm.s32 $0xA3A8;
	s29 =	simm.s32 $0x1D240  }
0x4e: {  	[tilespmem:s29], [sflag:$0xA] =	stream.indirect.gather [hbm4b:s4+s15], $0x40, s31, s15, $0xb8;
	[tilespmem:$0x1EB40] =	vst v63  }
0x4f: {  	_ =	swait.ge [sflag:s19], $0x1900  }
0x50: {  	[sflag:s19] =	ssyncset.done $0x0  }
0x51: {  	[sflag:s19] =	ssyncadd.s32 $0xFFFFE700  }
0x52: {  	_ =	swait.ge [sflag:s21], $0x1900  }
0x53: {  	[sflag:s21] =	ssyncset.done $0x0  }
0x54: {  	[sflag:s21] =	ssyncadd.s32 $0xFFFFE700  }
0x55: {  	_ =	swait.ge [sflag:s23], $0x1900  }
0x56: {  	[sflag:s23] =	ssyncset.done $0x0  }
0x57: {  	[sflag:s23] =	ssyncadd.s32 $0xFFFFE700  }
0x58: {  	_ =	swait.ge [sflag:s3], $0x1900  }
0x59: {  	[sflag:s3] =	ssyncset.done $0x0  }
0x5a: {  	[sflag:s3] =	ssyncadd.s32 $0xFFFFE700  }
0x5b: {  	_ =	swait.ge [sflag:s5], $0x1900  }
0x5c: {  	[sflag:s5] =	ssyncset.done $0x0  }
0x5d: {  	[sflag:s5] =	ssyncadd.s32 $0xFFFFE700  }
0x5e: {  	_ =	swait.ge [sflag:s13], $0x1900  }
0x5f: {  	[sflag:s13] =	ssyncset.done $0x0  }
0x60: {  	[sflag:s13] =	ssyncadd.s32 $0xFFFFE700  }
0x61: {  	_ =	swait.ge [sflag:s7], $0x1900  }
0x62: {  	[sflag:s7] =	ssyncset.done $0x0  }
0x63: {  	[sflag:s7] =	ssyncadd.s32 $0xFFFFE700  }
0x64: {  	_ =	swait.ge [sflag:s8], $0x1900  }
0x65: {  	[sflag:s8] =	ssyncset.done $0x0  }
0x66: {  	[sflag:s8] =	ssyncadd.s32 $0xFFFFE700  }
0x67: {  	_ =	swait.ge [sflag:s9], $0x1900  }
0x68: {  	[sflag:s9] =	ssyncset.done $0x0  }
0x69: {  	[sflag:s9] =	ssyncadd.s32 $0xFFFFE700  }
0x6a: {  	_ =	swait.ge [sflag:s10], $0x1900  }
0x6b: {  	[sflag:s10] =	ssyncset.done $0x0  }
0x6c: {  	s31 =	simm.s32 $0xCAA8;
	[sflag:s10] =	ssyncadd.s32 $0xFFFFE700  }
0x6d: {  	[spmem:s2] =	stream.indirect.scatter.add.f32 [tilespmem:s1], [sflag:$0x10], $0x40, s31, s15, $0xb8;
	[tilespmem:$0x1EB40] =	vst v63  }
0x6e: {  	s1 =	simm.s32 $0xCB10  }
0x6f: {  	[spmem:s2] =	stream.indirect.scatter.add.f32 [tilespmem:s25], [sflag:$0x11], $0x40, s1, s15, $0xb8;
	[tilespmem:$0x1EB40] =	vst v63  }
0x70: {  	s25 =	simm.s32 $0xCB78  }
0x71: {  	[spmem:s2] =	stream.indirect.scatter.add.f32 [tilespmem:s26], [sflag:$0x12], $0x40, s25, s15, $0xb8;
	[tilespmem:$0x1EB40] =	vst v63  }
0x72: {  	s31 =	simm.s32 $0xCBE0  }
0x73: {  	[spmem:s2] =	stream.indirect.scatter.add.f32 [tilespmem:s28], [sflag:$0x13], $0x40, s31, s15, $0xb8;
	[tilespmem:$0x1EB40] =	vst v63  }
0x74: {  	s1 =	simm.s32 $0xCC48  }
0x75: {  	[spmem:s2] =	stream.indirect.scatter.add.f32 [tilespmem:s29], [sflag:$0x14], $0x40, s1, s15, $0xb8;
	[tilespmem:$0x1EB40] =	vst v63  }
0x76: {  	s25 =	simm.s32 $0xA410  }
0x77: {  	[tilespmem:s22], [sflag:$0x1] =	stream.indirect.gather [hbm4b:s4+s15], $0x40, s25, s15, $0xb8;
	[tilespmem:$0x1EB40] =	vst v63  }
0x78: {  	s26 =	simm.s32 $0xA478  }
0x79: {  	[tilespmem:s0], [sflag:$0x2] =	stream.indirect.gather [hbm4b:s4+s15], $0x40, s26, s15, $0xb8;
	[tilespmem:$0x1EB40] =	vst v63  }
0x7a: {  	s28 =	simm.s32 $0xA4E0  }
0x7b: {  	[tilespmem:s14], [sflag:$0x3] =	stream.indirect.gather [hbm4b:s4+s15], $0x40, s28, s15, $0xb8;
	[tilespmem:$0x1EB40] =	vst v63  }
0x7c: {  	s29 =	simm.s32 $0xA548  }
0x7d: {  	[tilespmem:s17], [sflag:$0x4] =	stream.indirect.gather [hbm4b:s4+s15], $0x40, s29, s15, $0xb8;
	[tilespmem:$0x1EB40] =	vst v63  }
0x7e: {  	s31 =	simm.s32 $0xA5B0  }
0x7f: {  	[tilespmem:s24], [sflag:$0x5] =	stream.indirect.gather [hbm4b:s4+s15], $0x40, s31, s15, $0xb8;
	[tilespmem:$0x1EB40] =	vst v63  }
0x80: {  	_ =	swait.ge [sflag:s6], $0x1900  }
0x81: {  	[sflag:s6] =	ssyncset.done $0x0  }
0x82: {  	[sflag:s6] =	ssyncadd.s32 $0xFFFFE700  }
0x83: {  	_ =	swait.ge [sflag:s11], $0x1900  }
0x84: {  	[sflag:s11] =	ssyncset.done $0x0  }
0x85: {  	[sflag:s11] =	ssyncadd.s32 $0xFFFFE700  }
0x86: {  	_ =	swait.ge [sflag:s12], $0x1900  }
0x87: {  	[sflag:s12] =	ssyncset.done $0x0  }
0x88: {  	[sflag:s12] =	ssyncadd.s32 $0xFFFFE700  }
0x89: {  	_ =	swait.ge [sflag:s16], $0x1900  }
0x8a: {  	[sflag:s16] =	ssyncset.done $0x0  }
0x8b: {  	[sflag:s16] =	ssyncadd.s32 $0xFFFFE700  }
0x8c: {  	_ =	swait.ge [sflag:s18], $0x1900  }
0x8d: {  	s20 =	simm.s32 $0x1040;
	[sflag:s18] =	ssyncset.done $0x0  }
.LBB2_2:
0x8e: {  	p0 =	sne.s32 s20, $0x8200;
	[sflag:s18] =	ssyncadd.s32 $0xFFFFE700  }
0x8f: {  	s22 =	smov.u32 s20;
	s20 =	sadd.s32 $0x1040, s20;
	s0 =	simm.s32 $0x1  }
0x90: {  	_ =	swait.ge [sflag:s0], $0x1900  }
0x91: {  	[sflag:s0] =	ssyncset.done $0x0  }
0x92: {  	[sflag:s0] =	ssyncadd.s32 $0xFFFFE700;
	s0 =	simm.s32 $0x2  }
0x93: {  	_ =	swait.ge [sflag:s0], $0x1900  }
0x94: {  	[sflag:s0] =	ssyncset.done $0x0  }
0x95: {  	[sflag:s0] =	ssyncadd.s32 $0xFFFFE700;
	s0 =	simm.s32 $0x3  }
0x96: {  	_ =	swait.ge [sflag:s0], $0x1900  }
0x97: {  	[sflag:s0] =	ssyncset.done $0x0  }
0x98: {  	[sflag:s0] =	ssyncadd.s32 $0xFFFFE700;
	s0 =	simm.s32 $0x4  }
0x99: {  	_ =	swait.ge [sflag:s0], $0x1900  }
0x9a: {  	[sflag:s0] =	ssyncset.done $0x0  }
0x9b: {  	[sflag:s0] =	ssyncadd.s32 $0xFFFFE700;
	s0 =	simm.s32 $0x5  }
0x9c: {  	_ =	swait.ge [sflag:s0], $0x1900  }
0x9d: {  	s22 =	sshra.s32 s22, $0x2;
	[sflag:s0] =	ssyncset.done $0x0  }
0x9e: {  	s31 =	simm.s32 $0xF140;
	s24 =	sadd.s32 $0xC8A0, s22;
	[sflag:s0] =	ssyncadd.s32 $0xFFFFE700  }
0x9f: {  	[spmem:s2] =	stream.indirect.scatter.add.f32 [tilespmem:s31], [sflag:$0xB], $0x40, s24, s15, $0xb8;
	[tilespmem:$0x1EB40] =	vst v63  }
0xa0: {  	s0 =	simm.s32 $0x10A40;
	s24 =	sadd.s32 $0xC908, s22  }
0xa1: {  	[spmem:s2] =	stream.indirect.scatter.add.f32 [tilespmem:s0], [sflag:$0xC], $0x40, s24, s15, $0xb8;
	[tilespmem:$0x1EB40] =	vst v63  }
0xa2: {  	s14 =	simm.s32 $0x12340;
	s24 =	sadd.s32 $0xC970, s22  }
0xa3: {  	[spmem:s2] =	stream.indirect.scatter.add.f32 [tilespmem:s14], [sflag:$0xD], $0x40, s24, s15, $0xb8;
	[tilespmem:$0x1EB40] =	vst v63  }
0xa4: {  	s17 =	simm.s32 $0x13C40;
	s24 =	sadd.s32 $0xC9D8, s22  }
0xa5: {  	[spmem:s2] =	stream.indirect.scatter.add.f32 [tilespmem:s17], [sflag:$0xE], $0x40, s24, s15, $0xb8;
	[tilespmem:$0x1EB40] =	vst v63  }
0xa6: {  	s25 =	simm.s32 $0x15540;
	s24 =	sadd.s32 $0xCA40, s22  }
0xa7: {  	[spmem:s2] =	stream.indirect.scatter.add.f32 [tilespmem:s25], [sflag:$0xF], $0x40, s24, s15, $0xb8;
	[tilespmem:$0x1EB40] =	vst v63  }
0xa8: {  	s1 =	simm.s32 $0x16E40;
	s24 =	sadd.s32 $0xA208, s22  }
0xa9: {  	[tilespmem:s1], [sflag:$0x6] =	stream.indirect.gather [hbm4b:s4+s15], $0x40, s24, s15, $0xb8;
	[tilespmem:$0x1EB40] =	vst v63  }
0xaa: {  	s26 =	simm.s32 $0x18740;
	s24 =	sadd.s32 $0xA270, s22  }
0xab: {  	[tilespmem:s26], [sflag:$0x7] =	stream.indirect.gather [hbm4b:s4+s15], $0x40, s24, s15, $0xb8;
	[tilespmem:$0x1EB40] =	vst v63  }
0xac: {  	s28 =	simm.s32 $0x1A040;
	s24 =	sadd.s32 $0xA2D8, s22  }
0xad: {  	[tilespmem:s28], [sflag:$0x8] =	stream.indirect.gather [hbm4b:s4+s15], $0x40, s24, s15, $0xb8;
	[tilespmem:$0x1EB40] =	vst v63  }
0xae: {  	s29 =	simm.s32 $0x1B940;
	s24 =	sadd.s32 $0xA340, s22  }
0xaf: {  	[tilespmem:s29], [sflag:$0x9] =	stream.indirect.gather [hbm4b:s4+s15], $0x40, s24, s15, $0xb8;
	[tilespmem:$0x1EB40] =	vst v63  }
0xb0: {  	s24 =	sadd.s32 $0xA3A8, s22  }
0xb1: {  	[tilespmem:s30], [sflag:$0xA] =	stream.indirect.gather [hbm4b:s4+s15], $0x40, s24, s15, $0xb8;
	[tilespmem:$0x1EB40] =	vst v63  }
0xb2: {  	_ =	swait.ge [sflag:s19], $0x1900  }
0xb3: {  	[sflag:s19] =	ssyncset.done $0x0  }
0xb4: {  	[sflag:s19] =	ssyncadd.s32 $0xFFFFE700  }
0xb5: {  	_ =	swait.ge [sflag:s21], $0x1900  }
0xb6: {  	[sflag:s21] =	ssyncset.done $0x0  }
0xb7: {  	[sflag:s21] =	ssyncadd.s32 $0xFFFFE700  }
0xb8: {  	_ =	swait.ge [sflag:s23], $0x1900  }
0xb9: {  	[sflag:s23] =	ssyncset.done $0x0  }
0xba: {  	[sflag:s23] =	ssyncadd.s32 $0xFFFFE700  }
0xbb: {  	_ =	swait.ge [sflag:s3], $0x1900  }
0xbc: {  	[sflag:s3] =	ssyncset.done $0x0  }
0xbd: {  	[sflag:s3] =	ssyncadd.s32 $0xFFFFE700  }
0xbe: {  	_ =	swait.ge [sflag:s5], $0x1900  }
0xbf: {  	[sflag:s5] =	ssyncset.done $0x0  }
0xc0: {  	[sflag:s5] =	ssyncadd.s32 $0xFFFFE700  }
0xc1: {  	_ =	swait.ge [sflag:s13], $0x1900  }
0xc2: {  	[sflag:s13] =	ssyncset.done $0x0  }
0xc3: {  	[sflag:s13] =	ssyncadd.s32 $0xFFFFE700  }
0xc4: {  	_ =	swait.ge [sflag:s7], $0x1900  }
0xc5: {  	[sflag:s7] =	ssyncset.done $0x0  }
0xc6: {  	[sflag:s7] =	ssyncadd.s32 $0xFFFFE700  }
0xc7: {  	_ =	swait.ge [sflag:s8], $0x1900  }
0xc8: {  	[sflag:s8] =	ssyncset.done $0x0  }
0xc9: {  	[sflag:s8] =	ssyncadd.s32 $0xFFFFE700  }
0xca: {  	_ =	swait.ge [sflag:s9], $0x1900  }
0xcb: {  	[sflag:s9] =	ssyncset.done $0x0  }
0xcc: {  	[sflag:s9] =	ssyncadd.s32 $0xFFFFE700  }
0xcd: {  	_ =	swait.ge [sflag:s10], $0x1900  }
0xce: {  	[sflag:s10] =	ssyncset.done $0x0  }
0xcf: {  	s24 =	sadd.s32 $0xCAA8, s22;
	[sflag:s10] =	ssyncadd.s32 $0xFFFFE700  }
0xd0: {  	[spmem:s2] =	stream.indirect.scatter.add.f32 [tilespmem:s1], [sflag:$0x10], $0x40, s24, s15, $0xb8;
	[tilespmem:$0x1EB40] =	vst v63  }
0xd1: {  	s24 =	sadd.s32 $0xCB10, s22  }
0xd2: {  	[spmem:s2] =	stream.indirect.scatter.add.f32 [tilespmem:s26], [sflag:$0x11], $0x40, s24, s15, $0xb8;
	[tilespmem:$0x1EB40] =	vst v63  }
0xd3: {  	s24 =	sadd.s32 $0xCB78, s22  }
0xd4: {  	[spmem:s2] =	stream.indirect.scatter.add.f32 [tilespmem:s28], [sflag:$0x12], $0x40, s24, s15, $0xb8;
	[tilespmem:$0x1EB40] =	vst v63  }
0xd5: {  	s24 =	sadd.s32 $0xCBE0, s22  }
0xd6: {  	[spmem:s2] =	stream.indirect.scatter.add.f32 [tilespmem:s29], [sflag:$0x13], $0x40, s24, s15, $0xb8;
	[tilespmem:$0x1EB40] =	vst v63  }
0xd7: {  	s24 =	sadd.s32 $0xCC48, s22  }
0xd8: {  	[spmem:s2] =	stream.indirect.scatter.add.f32 [tilespmem:s30], [sflag:$0x14], $0x40, s24, s15, $0xb8;
	[tilespmem:$0x1EB40] =	vst v63  }
0xd9: {  	s1 =	simm.s32 $0xF140;
	s24 =	sadd.s32 $0xA410, s22  }
0xda: {  	[tilespmem:s31], [sflag:$0x1] =	stream.indirect.gather [hbm4b:s4+s15], $0x40, s24, s15, $0xb8;
	[tilespmem:$0x1EB40] =	vst v63  }
0xdb: {  	s24 =	sadd.s32 $0xA478, s22;
	s31 =	simm.s32 $0x10A40  }
0xdc: {  	[tilespmem:s0], [sflag:$0x2] =	stream.indirect.gather [hbm4b:s4+s15], $0x40, s24, s15, $0xb8;
	[tilespmem:$0x1EB40] =	vst v63  }
0xdd: {  	s24 =	sadd.s32 $0xA4E0, s22;
	s0 =	simm.s32 $0x12340  }
0xde: {  	[tilespmem:s14], [sflag:$0x3] =	stream.indirect.gather [hbm4b:s4+s15], $0x40, s24, s15, $0xb8;
	[tilespmem:$0x1EB40] =	vst v63  }
0xdf: {  	s24 =	sadd.s32 $0xA548, s22;
	s14 =	simm.s32 $0x13C40  }
0xe0: {  	[tilespmem:s17], [sflag:$0x4] =	stream.indirect.gather [hbm4b:s4+s15], $0x40, s24, s15, $0xb8;
	[tilespmem:$0x1EB40] =	vst v63  }
0xe1: {  	s22 =	sadd.s32 $0xA5B0, s22;
	s17 =	simm.s32 $0x15540  }
0xe2: {  	[tilespmem:s25], [sflag:$0x5] =	stream.indirect.gather [hbm4b:s4+s15], $0x40, s22, s15, $0xb8;
	[tilespmem:$0x1EB40] =	vst v63  }
0xe3: {  	_ =	swait.ge [sflag:s6], $0x1900  }
0xe4: {  	[sflag:s6] =	ssyncset.done $0x0  }
0xe5: {  	[sflag:s6] =	ssyncadd.s32 $0xFFFFE700  }
0xe6: {  	_ =	swait.ge [sflag:s11], $0x1900  }
0xe7: {  	[sflag:s11] =	ssyncset.done $0x0  }
0xe8: {  	[sflag:s11] =	ssyncadd.s32 $0xFFFFE700  }
0xe9: {  	_ =	swait.ge [sflag:s12], $0x1900  }
0xea: {  	[sflag:s12] =	ssyncset.done $0x0  }
0xeb: {  	[sflag:s12] =	ssyncadd.s32 $0xFFFFE700  }
.Ltmp0:
0xec: {  	_ =	swait.ge [sflag:s16], $0x1900;
	(pc) =	sbr.rel @p0 .LBB2_2-.Ltmp0, $4  }
0xed: {  	[sflag:s16] =	ssyncset.done $0x0  }
0xee: {  	[sflag:s16] =	ssyncadd.s32 $0xFFFFE700  }
0xef: {  	_ =	swait.ge [sflag:s18], $0x1900  }
0xf0: {  	[sflag:s18] =	ssyncset.done $0x0  }
0xf1: {  	[sflag:s18] =	ssyncadd.s32 $0xFFFFE700;
	s20 =	simm.s32 $0x1  }
0xf2: {  	_ =	swait.ge [sflag:s20], $0x1900  }
0xf3: {  	[sflag:s20] =	ssyncset.done $0x0  }
0xf4: {  	s26 =	simm.s32 $0x2;
	[sflag:s20] =	ssyncadd.s32 $0xFFFFE700  }
0xf5: {  	_ =	swait.ge [sflag:s26], $0x1900  }
0xf6: {  	[sflag:s26] =	ssyncset.done $0x0  }
0xf7: {  	s28 =	simm.s32 $0x3;
	[sflag:s26] =	ssyncadd.s32 $0xFFFFE700  }
0xf8: {  	_ =	swait.ge [sflag:s28], $0x1900  }
0xf9: {  	[sflag:s28] =	ssyncset.done $0x0  }
0xfa: {  	s29 =	simm.s32 $0x4;
	[sflag:s28] =	ssyncadd.s32 $0xFFFFE700  }
0xfb: {  	_ =	swait.ge [sflag:s29], $0x1900  }
0xfc: {  	[sflag:s29] =	ssyncset.done $0x0  }
0xfd: {  	s22 =	simm.s32 $0x5;
	[sflag:s29] =	ssyncadd.s32 $0xFFFFE700  }
0xfe: {  	_ =	swait.ge [sflag:s22], $0x1900  }
0xff: {  	[sflag:s22] =	ssyncset.done $0x0  }
0x100: {  	s24 =	simm.s32 $0xED30;
	[sflag:s22] =	ssyncadd.s32 $0xFFFFE700  }
0x101: {  	[spmem:s2] =	stream.indirect.scatter.add.f32 [tilespmem:s1], [sflag:$0xB], $0x40, s24, s15, $0xb8;
	[tilespmem:$0x1EB40] =	vst v63  }
0x102: {  	s25 =	simm.s32 $0xED98  }
0x103: {  	[spmem:s2] =	stream.indirect.scatter.add.f32 [tilespmem:s31], [sflag:$0xC], $0x40, s25, s15, $0xb8;
	[tilespmem:$0x1EB40] =	vst v63  }
0x104: {  	s26 =	simm.s32 $0xEE00  }
0x105: {  	[spmem:s2] =	stream.indirect.scatter.add.f32 [tilespmem:s0], [sflag:$0xD], $0x40, s26, s15, $0xb8;
	[tilespmem:$0x1EB40] =	vst v63  }
0x106: {  	s28 =	simm.s32 $0xEE68  }
0x107: {  	[spmem:s2] =	stream.indirect.scatter.add.f32 [tilespmem:s14], [sflag:$0xE], $0x40, s28, s15, $0xb8;
	[tilespmem:$0x1EB40] =	vst v63  }
0x108: {  	s29 =	simm.s32 $0xEED0  }
0x109: {  	[spmem:s2] =	stream.indirect.scatter.add.f32 [tilespmem:s17], [sflag:$0xF], $0x40, s29, s15, $0xb8;
	[tilespmem:$0x1EB40] =	vst v63  }
0x10a: {  	s20 =	simm.s32 $0xC698;
	s31 =	simm.s32 $0x16E40  }
0x10b: {  	[tilespmem:s31], [sflag:$0x6] =	stream.indirect.gather [hbm4b:s4+s15], $0x40, s20, s15, $0xb8;
	[tilespmem:$0x1EB40] =	vst v63  }
0x10c: {  	s22 =	simm.s32 $0xC700;
	s1 =	simm.s32 $0x18740  }
0x10d: {  	[tilespmem:s1], [sflag:$0x7] =	stream.indirect.gather [hbm4b:s4+s15], $0x40, s22, s15, $0xb8;
	[tilespmem:$0x1EB40] =	vst v63  }
0x10e: {  	s24 =	simm.s32 $0xC768;
	s14 =	simm.s32 $0x1A040  }
0x10f: {  	[tilespmem:s14], [sflag:$0x8] =	stream.indirect.gather [hbm4b:s4+s15], $0x40, s24, s15, $0xb8;
	[tilespmem:$0x1EB40] =	vst v63  }
0x110: {  	s25 =	simm.s32 $0x1B940;
	s26 =	simm.s32 $0xC7D0  }
0x111: {  	[tilespmem:s25], [sflag:$0x9] =	stream.indirect.gather [hbm4b:s4+s15], $0x40, s26, s15, $0xb8;
	[tilespmem:$0x1EB40] =	vst v63  }
0x112: {  	s28 =	simm.s32 $0x1D240;
	s22 =	simm.s32 $0xC838  }
0x113: {  	[tilespmem:s28], [sflag:$0xA] =	stream.indirect.gather [hbm4b:s4+s15], $0x40, s22, s15, $0xb8;
	[tilespmem:$0x1EB40] =	vst v63  }
0x114: {  	_ =	swait.ge [sflag:s19], $0x1900  }
0x115: {  	[sflag:s19] =	ssyncset.done $0x0  }
0x116: {  	[sflag:s19] =	ssyncadd.s32 $0xFFFFE700  }
0x117: {  	_ =	swait.ge [sflag:s21], $0x1900  }
0x118: {  	[sflag:s21] =	ssyncset.done $0x0  }
0x119: {  	[sflag:s21] =	ssyncadd.s32 $0xFFFFE700  }
0x11a: {  	_ =	swait.ge [sflag:s23], $0x1900  }
0x11b: {  	[sflag:s23] =	ssyncset.done $0x0  }
0x11c: {  	[sflag:s23] =	ssyncadd.s32 $0xFFFFE700  }
0x11d: {  	_ =	swait.ge [sflag:s3], $0x1900  }
0x11e: {  	[sflag:s3] =	ssyncset.done $0x0  }
0x11f: {  	[sflag:s3] =	ssyncadd.s32 $0xFFFFE700  }
0x120: {  	_ =	swait.ge [sflag:s5], $0x1900  }
0x121: {  	[sflag:s5] =	ssyncset.done $0x0  }
0x122: {  	[sflag:s5] =	ssyncadd.s32 $0xFFFFE700  }
0x123: {  	_ =	swait.ge [sflag:s13], $0x1900  }
0x124: {  	[sflag:s13] =	ssyncset.done $0x0  }
0x125: {  	[sflag:s13] =	ssyncadd.s32 $0xFFFFE700  }
0x126: {  	_ =	swait.ge [sflag:s7], $0x1900  }
0x127: {  	[sflag:s7] =	ssyncset.done $0x0  }
0x128: {  	[sflag:s7] =	ssyncadd.s32 $0xFFFFE700  }
0x129: {  	_ =	swait.ge [sflag:s8], $0x1900  }
0x12a: {  	[sflag:s8] =	ssyncset.done $0x0  }
0x12b: {  	[sflag:s8] =	ssyncadd.s32 $0xFFFFE700  }
0x12c: {  	_ =	swait.ge [sflag:s9], $0x1900  }
0x12d: {  	[sflag:s9] =	ssyncset.done $0x0  }
0x12e: {  	[sflag:s9] =	ssyncadd.s32 $0xFFFFE700  }
0x12f: {  	_ =	swait.ge [sflag:s10], $0x1900  }
0x130: {  	[sflag:s10] =	ssyncset.done $0x0  }
0x131: {  	s29 =	simm.s32 $0xEF38;
	[sflag:s10] =	ssyncadd.s32 $0xFFFFE700  }
0x132: {  	[spmem:s2] =	stream.indirect.scatter.add.f32 [tilespmem:s31], [sflag:$0x10], $0x40, s29, s15, $0xb8;
	[tilespmem:$0x1EB40] =	vst v63  }
0x133: {  	s31 =	simm.s32 $0xEFA0  }
0x134: {  	[spmem:s2] =	stream.indirect.scatter.add.f32 [tilespmem:s1], [sflag:$0x11], $0x40, s31, s15, $0xb8;
	[tilespmem:$0x1EB40] =	vst v63  }
0x135: {  	s1 =	simm.s32 $0xF008  }
0x136: {  	[spmem:s2] =	stream.indirect.scatter.add.f32 [tilespmem:s14], [sflag:$0x12], $0x40, s1, s15, $0xb8;
	[tilespmem:$0x1EB40] =	vst v63  }
0x137: {  	s22 =	simm.s32 $0xF070  }
0x138: {  	[spmem:s2] =	stream.indirect.scatter.add.f32 [tilespmem:s25], [sflag:$0x13], $0x40, s22, s15, $0xb8;
	[tilespmem:$0x1EB40] =	vst v63  }
0x139: {  	s24 =	simm.s32 $0xF0D8  }
0x13a: {  	[spmem:s2] =	stream.indirect.scatter.add.f32 [tilespmem:s28], [sflag:$0x14], $0x40, s24, s15, $0xb8;
	[tilespmem:$0x1EB40] =	vst v63  }
0x13b: {  	_ =	swait.ge [sflag:s6], $0x1900  }
0x13c: {  	[sflag:s6] =	ssyncset.done $0x0  }
0x13d: {  	[sflag:s6] =	ssyncadd.s32 $0xFFFFE700  }
0x13e: {  	_ =	swait.ge [sflag:s11], $0x1900  }
0x13f: {  	[sflag:s11] =	ssyncset.done $0x0  }
0x140: {  	[sflag:s11] =	ssyncadd.s32 $0xFFFFE700  }
0x141: {  	_ =	swait.ge [sflag:s12], $0x1900  }
0x142: {  	[sflag:s12] =	ssyncset.done $0x0  }
0x143: {  	[sflag:s12] =	ssyncadd.s32 $0xFFFFE700  }
0x144: {  	_ =	swait.ge [sflag:s16], $0x1900  }
0x145: {  	[sflag:s16] =	ssyncset.done $0x0  }
0x146: {  	[sflag:s16] =	ssyncadd.s32 $0xFFFFE700  }
0x147: {  	_ =	swait.ge [sflag:s18], $0x1900  }
0x148: {  	[sflag:s18] =	ssyncset.done $0x0  }
0x149: {  	[sflag:s18] =	ssyncadd.s32 $0xFFFFE700  }
0x14a: {  	[bflag:$0x0] =	sbarrier.arrive $0xFFFF  }
0x14b: {  	s14 =	rddreg [dreg:$0x4]  }
0x14c: {  	s25 =	rddreg [dreg:$0x7]  }
0x14d: {  	s26 =	simm.s32 $0x15;
	s22 =	rddreg [dreg:$0x9]  }
0x14e: {  	[hbm:s25], [sflag:s14] =	dma.local [spmem:s22], $0x1400  }
0x14f: {  	_ =	swait.ge [sflag:s26], $0x1400  }
0x150: {  	s28 =	rddreg [dreg:$0xa]  }
0x151: {  	s29 =	rddreg [dreg:$0x8];
	s0 =	sadd.s32 $0x1, s28  }
0x152: {  	p0 =	sne.s32 s0, s29  }
.Ltmp1:
0x153: {  	_ = 	snop;
	(pc) =	sbr.rel @p0 .LBB2_1-.Ltmp1, $3  }
0x154: {  	_ =	sdelay $0x1  }
0x155: {  	s31 =	simm.s32 $0x15;
	[sflag:s26] =	ssyncset.done $0x0  }
0x156: {  	[sflag:s31] =	ssyncadd.s32 $0xFFFFEC00  }
0x157: {  	_ =	sfence.sel $0x180000  }
0x158: {  	[bflag:$0x0] =	sbarrier.arrive $0xFFFF  }
0x159: {  	_ =	strace $0x9000004A  }
0x15a: {  	s0 =	stileid.u32;
	[bflag:$0x2] =	sbarrier.arrive $0xFFFF  }
0x15b: {  	p0 =	sne.s32 s0, $0x0;
	s0 =	rddreg [dreg:$0x2]  }
0x15c: {  	s0 =	sadd.s32 @!p0 $0x100000, s0  }
0x15d: {  	[sflag:s0] =	ssyncadd.tile.s32 @!p0 $0x1;
	_ =	shalt  }
.Lfunc_end2:
_tile_overlayer_lowered:
.L_overlay_start_2:
0x15e: {  	(tag) =	ssettag $0x2  }
0x15f: {  	s0 =	rddreg [dreg:$0x0];
	s2 =	stileid.u32  }
0x160: {  	s1 =	rddreg [dreg:$0x1];
	p0 =	sne.s32 s2, $0x0  }
0x161: {  	s3 =	rddreg [dreg:$0x2];
	[bflag:$0x3] =	sbarrier.arrive $0xFFFF;
	s2 =	simm.s32 @!p0 $0x1C15  }
0x162: {  	[timem:s3], [sflag:s2] =	dma.local @!p0 [hbm:s0], s1  }
0x163: {  	s0 =	simm.s32 @!p0 $0x15  }
0x164: {  	_ =	swait.ge @!p0 [sflag:s0], s1  }
0x165: {  	s1 =	ssub.s32 @!p0 $0x0, s1;
	[sflag:s0] =	ssyncset.done @!p0 $0x0  }
0x166: {  	[sflag:s0] =	ssyncadd.s32 @!p0 s1  }
0x167: {  	[bflag:$0x3] =	sbarrier.arrive $0xFFFF  }
0x168: {  	_ =	shalt  }

// kernel: kernel.14.cloned.1.call-start
scs
__scs_entry_jumppad:
0x0: {  	(pc) =	sbr.rel $0x88, $3  }
0x1: {  	(tag) =	ssettag $0x0;
	lr =	simm.s32 $0x1  }
0x2: {  	[smem:$0x3F91] =	sst lr;
	_ =	strace $0xD0000000  }
0x3: {  	_ = 	snop  }
0x4: {  	_ = 	snop  }
0x5: {  	_ = 	snop  }
0x6: {  	_ = 	snop  }
0x7: {  	_ = 	snop  }
__scs_overlays_trampoline_lowered:
0x8: {  	[smem:$0x3FA0] =	sst s0  }
0x9: {  	[smem:$0x3FA1] =	sst s1  }
0xa: {  	[smem:$0x3FA2] =	sst s2  }
0xb: {  	[smem:$0x3FA3] =	sst s3  }
0xc: {  	[smem:$0x3FA4] =	sst s4  }
0xd: {  	[smem:$0x3FA5] =	sst s5  }
0xe: {  	[smem:$0x3FA6] =	sst s6  }
0xf: {  	[smem:$0x3FA7] =	sst s7  }
0x10: {  	[smem:$0x3FA8] =	sst s8  }
0x11: {  	[smem:$0x3FA9] =	sst s9;
	s0 =	simm.s32 @!p0 $0x0  }
0x12: {  	s1 =	sld [smem:$0x3F8F];
	s0 =	simm.s32 @p0 $0x1  }
0x13: {  	[smem:$0x3FAA] =	sst s0;
	s0 =	simm.s32 @!p1 $0x0  }
0x14: {  	s2 =	sld [smem:$0x3F8E];
	s0 =	simm.s32 @p1 $0x1  }
0x15: {  	[smem:$0x3FAB] =	sst s0;
	s0 =	simm.s32 @!p2 $0x0  }
0x16: {  	s3 =	sld [smem:$0x3FDB];
	s0 =	simm.s32 @p2 $0x1  }
0x17: {  	s4 =	simm.s32 $0x1BF5;
	[smem:$0x3FAD] =	sst s0  }
0x18: {  	s0 =	sld [smem:$0x3F90];
	_ =	swait.ge [sflag:s4], $0x0  }
0x19: {  	s7 =	sld [smem:$0x3F91]  }
0x1a: {  	s8 =	sadd.s32 $0xFFFFE003, lr  }
0x1b: {  	s9 =	sadd.s32 $0xFFFFFEF7, lr;
	s5 =	simm.s32 $0xFFFFFFFF;
	p2 =	slt.u32 s8, $0xFFFFF086  }
0x1c: {  	p1 =	slt.u32 s9, $0xF7A;
	s5 =	simm.s32 @!p2 $0x0  }
0x1d: {  	s5 =	simm.s32 @p1 $0x1;
	p0 =	seq.s32 s7, s2  }
0x1e: {  	s7 =	smul.u32 @!p0 $0xF7A, s2;
	p2 =	seq.s32 @!p0 s5, $0x0  }
0x1f: {  	s9 =	smul.u32 $0xF7A, s1;
	s8 =	simm.s32 @!p0 $0x1BF5;
	p2 =	por !p2, p0  }
0x20: {  	[sflag:s8] =	ssyncset.s32 @!p0 $0xFFFFF086;
	s6 =	sadd.s32 @!p0 s3, s7;
	s7 =	simm.s32 @!p0 $0x108  }
0x21: {  	s3 =	sadd.s32 s3, s9;
	s6 =	sadd.s32 @!p0 $0x88, s6;
	s7 =	simm.s32 @p2 $0x1082  }
0x22: {  	[simem:s7], [sflag:s8] =	dma.local @!p0 [hbm:s6], $0xF7A  }
0x23: {  	s9 =	sor.u32 $0xD0000000, s2;
	s6 =	simm.s32 $0x108;
	_ =	swait.ge @!p0 [sflag:s8], $0x0  }
0x24: {  	s3 =	sadd.s32 $0x88, s3;
	s6 =	simm.s32 @!p1 $0x1082;
	[sflag:s4] =	ssyncset.s32 $0xFFFFF086  }
0x25: {  	[simem:s6], [sflag:s4] =	dma.local [hbm:s3], $0xF7A  }
0x26: {  	[smem:$0x3F91] =	sst s1;
	(tag) =	ssettag s2;
	_ =	strace s9  }
0x27: {  	s1 =	sld [smem:$0x3FA1]  }
0x28: {  	s2 =	sld [smem:$0x3FA2]  }
0x29: {  	s4 =	sld [smem:$0x3FA4]  }
0x2a: {  	p0 =	seq.s32 s5, $0x0;
	s5 =	sld [smem:$0x3FA5]  }
0x2b: {  	s6 =	sld [smem:$0x3FA6]  }
0x2c: {  	s7 =	sld [smem:$0x3FA7]  }
0x2d: {  	s3 =	simm.s32 $0x108;
	s8 =	sld [smem:$0x3FA8]  }
0x2e: {  	s3 =	simm.s32 @!p0 $0x1082;
	s9 =	sld [smem:$0x3FA9]  }
0x2f: {  	lr =	sadd.s32 s0, s3;
	s0 =	sld [smem:$0x3FA0]  }
0x30: {  	s3 =	sld [smem:$0x3FA3]  }
0x31: {  	[smem:$0x3FAC] =	sst s10  }
0x32: {  	s10 =	sld [smem:$0x3FAA];
	_ =	sdelay $0x3  }
0x33: {  	p0 =	seq.s32 s10, $0x1;
	s10 =	sld [smem:$0x3FAC];
	_ =	sdelay $0x3  }
0x34: {  	[smem:$0x3FAC] =	sst s10  }
0x35: {  	s10 =	sld [smem:$0x3FAB];
	_ =	sdelay $0x3  }
0x36: {  	p1 =	seq.s32 s10, $0x1;
	s10 =	sld [smem:$0x3FAC];
	_ =	sdelay $0x3  }
0x37: {  	[smem:$0x3FAC] =	sst s10  }
0x38: {  	s10 =	sld [smem:$0x3FAD]  }
0x39: {  	_ = 	snop;
	(pc) =	sbr.ind lr, $3  }
0x3a: {  	_ = 	snop  }
0x3b: {  	_ = 	snop  }
0x3c: {  	p2 =	seq.s32 s10, $0x1;
	s10 =	sld [smem:$0x3FAC]  }
0x3d: {  	_ =	shalt  }
0x3e: {  	_ =	shalt  }
0x3f: {  	_ =	shalt  }
0x40: {  	_ =	shalt  }
0x41: {  	_ =	shalt  }
0x42: {  	_ =	shalt  }
0x43: {  	_ =	shalt  }
0x44: {  	_ =	shalt  }
0x45: {  	_ =	shalt  }
0x46: {  	_ =	shalt  }
0x47: {  	_ =	shalt  }
0x48: {  	_ =	shalt  }
0x49: {  	_ =	shalt  }
0x4a: {  	_ =	shalt  }
0x4b: {  	_ =	shalt  }
0x4c: {  	_ =	shalt  }
0x4d: {  	_ =	shalt  }
0x4e: {  	_ =	shalt  }
0x4f: {  	_ =	shalt  }
0x50: {  	_ =	shalt  }
0x51: {  	_ =	shalt  }
0x52: {  	_ =	shalt  }
0x53: {  	_ =	shalt  }
0x54: {  	_ =	shalt  }
0x55: {  	_ =	shalt  }
0x56: {  	_ =	shalt  }
0x57: {  	_ =	shalt  }
0x58: {  	_ =	shalt  }
0x59: {  	_ =	shalt  }
0x5a: {  	_ =	shalt  }
0x5b: {  	_ =	shalt  }
0x5c: {  	_ =	shalt  }
0x5d: {  	_ =	shalt  }
0x5e: {  	_ =	shalt  }
0x5f: {  	_ =	shalt  }
0x60: {  	_ =	shalt  }
0x61: {  	_ =	shalt  }
0x62: {  	_ =	shalt  }
0x63: {  	_ =	shalt  }
0x64: {  	_ =	shalt  }
0x65: {  	_ =	shalt  }
0x66: {  	_ =	shalt  }
0x67: {  	_ =	shalt  }
0x68: {  	_ =	shalt  }
0x69: {  	_ =	shalt  }
0x6a: {  	_ =	shalt  }
0x6b: {  	_ =	shalt  }
0x6c: {  	_ =	shalt  }
0x6d: {  	_ =	shalt  }
0x6e: {  	_ =	shalt  }
0x6f: {  	_ =	shalt  }
0x70: {  	_ =	shalt  }
0x71: {  	_ =	shalt  }
0x72: {  	_ =	shalt  }
0x73: {  	_ =	shalt  }
0x74: {  	_ =	shalt  }
0x75: {  	_ =	shalt  }
0x76: {  	_ =	shalt  }
0x77: {  	_ =	shalt  }
0x78: {  	_ =	shalt  }
0x79: {  	_ =	shalt  }
0x7a: {  	_ =	shalt  }
0x7b: {  	_ =	shalt  }
0x7c: {  	_ =	shalt  }
0x7d: {  	_ =	shalt  }
0x7e: {  	_ =	shalt  }
0x7f: {  	_ =	shalt  }
0x80: {  	_ =	shalt  }
0x81: {  	_ =	shalt  }
0x82: {  	_ =	shalt  }
0x83: {  	_ =	shalt  }
0x84: {  	_ =	shalt  }
0x85: {  	_ =	shalt  }
0x86: {  	_ =	shalt  }
0x87: {  	_ =	shalt  }
.Lfunc_end0:
.L_simem_size_0:
called_computation.2_lowered:
.L_overlay_start_0:
0x88: {  	s2 =	sld [smem:$0x3FD9]  }
0x89: {  	s3 =	sld [smem:$0x3FFE];
	_ =	sdelay $0x1  }
0x8a: {  	s1 =	srdreg.scid  }
0x8b: {  	s0 =	sand.u32 $0x1, s1  }
0x8c: {  	s16 =	sshll.u32 s0, $0xA;
	s2 =	sadd.s32 s3, s2  }
0x8d: {  	s2 =	sadd.s32 s2, s16  }
0x8e: {  	[smem:$0x3FB8] =	sst s2  }
0x8f: {  	_ = 	snop  }
0x90: {  	(tm) =	ssettm $0x1  }
0x91: {  	s17 =	sld [smem:$0x3FFB];
	_ =	sdelay $0x3  }
0x92: {  	_ =	strace s17  }
0x93: {  	s2 =	sld [smem:$0x3FFC];
	_ =	sdelay $0x3  }
0x94: {  	_ =	strace s2  }
0x95: {  	s2 =	sld [smem:$0x3FFD];
	_ =	sdelay $0x3  }
0x96: {  	_ =	strace s2  }
0x97: {  	_ =	strace $0x8FFFFFFF  }
0x98: {  	s18 =	sld [smem:$0x3FDB];
	_ =	sdelay $0x1  }
0x99: {  	s19 =	simm.s32 $_scs_section_size  }
0x9a: {  	s4 =	simm.s32 $_size__tile_overlayer_lowered;
	s5 =	simm.s32 $_tile_overlayer_lowered  }
0x9b: {  	s22 =	simm.s32 $0x1BFF;
	s21 =	sshll.u32 s5, $0x1;
	s2 =	sadd.s32 s19, s18  }
0x9c: {  	s6 =	simm.s32 $0x0;
	s20 =	sshll.u32 s4, $0x1;
	s4 =	sadd.s32 s21, s2  }
0x9d: {  	[timem:s6], [sflag:s22] =	dma.local [hbm:s4], s20  }
0x9e: {  	_ =	swait.ge [sflag:s22], s20  }
0x9f: {  	s3 =	ssub.s32 $0x0, s20;
	[sflag:s22] =	ssyncset.done $0x0  }
0xa0: {  	[sflag:s22] =	ssyncadd.s32 s3;
	_ =	sdelay $0x1  }
0xa1: {  	s23 =	simm.s32 $0x1B8B  }
0xa2: {  	_ =	swait.ge [sflag:s23], $0x1  }
0xa3: {  	[sflag:s23] =	ssyncset.done $0x0  }
0xa4: {  	s25 =	simm.s32 $0x1B8E;
	s24 =	sld [smem:$0x3FFE];
	[sflag:s23] =	ssyncadd.s32 $0xFFFFFFFF  }
0xa5: {  	s26 =	simm.s32 $execute0_lowered;
	[smem:$0x3FD2] =	sst s25  }
0xa6: {  	s4 =	sshll.u32 s26, $0x1;
	_ =	strace $0x8000004C;
	[dreg:$0x1] =	wrdreg $0xFFFFFFFF  }
0xa7: {  	s28 =	simm.s32 $_size_execute0_lowered;
	s2 =	sadd.s32 s2, s4;
	[dreg:$0x0] =	wrdreg $0x0  }
0xa8: {  	s4 =	sshll.u32 s28, $0x1;
	[dreg:$0x2] =	wrdreg s2  }
0xa9: {  	[dreg:$0x3] =	wrdreg s4  }
0xaa: {  	[dreg:$0x4] =	wrdreg $0xC0  }
0xab: {  	_ =	task [dreg:s6], $0x5FFFF  }
0xac: {  	[dreg:$0x1] =	wrdreg $0xFFFFFFFF  }
0xad: {  	[dreg:$0x0] =	wrdreg $0x60  }
0xae: {  	[dreg:$0x2] =	wrdreg s24  }
0xaf: {  	[dreg:$0x3] =	wrdreg $0x0  }
0xb0: {  	[dreg:$0x4] =	wrdreg $0x9  }
0xb1: {  	_ =	task.clear_ibuf [dreg:s6], $0x5FFFF;
	_ =	strace $0x9000004C  }
0xb2: {  	s29 =	simm.s32 $0x9;
	_ =	strace $0x8000004E  }
0xb3: {  	_ =	swait.ge [sflag:s29], $0x1  }
0xb4: {  	[sflag:s29] =	ssyncadd.s32 $0xFFFFFFFF  }
0xb5: {  	_ =	strace $0x9000004E  }
0xb6: {  	_ =	sfence  }
0xb7: {  	s30 =	sld [smem:$0x0];
	_ =	sdelay $0x2  }
0xb8: {  	s31 =	sshll.u32 s1, $0xD;
	s1 =	sshrl.u32 s1, $0x2  }
0xb9: {  	s3 =	sand.u32 $0x4000, s31;
	s1 =	sadd.s32 s1, s30  }
0xba: {  	s0 =	sor.u32 s3, s0;
	s1 =	sshll.u32 s1, $0x11  }
0xbb: {  	s0 =	sor.u32 s1, s0  }
0xbc: {  	s0 =	sadd.s32 $0x8F2B, s0  }
0xbd: {  	[sflag:s0] =	ssyncadd.remote.s32 $0x1  }
0xbe: {  	_ =	sfence.sel $0xFFFF  }
0xbf: {  	[dreg:$0x0] =	wrdreg $0xFFFFFFFF;
	(pc) =	sbr.abs _section_cstart, $3  }
0xc0: {  	[dreg:$0x1] =	wrdreg $0xFFFFFFFF  }
0xc1: {  	_ =	task.clear_ibuf [dreg:s6], $0x2FFFF;
	_ =	strace $0x9FFFFFFF  }
0xc2: {  	(tm) =	ssettm $0x7FFFFFFF  }
0xc3: {  	_ =	shalt  }
tec
execute0_lowered:
.L_overlay_start_1:
0x0: {  	(tag) =	ssettag $0x1  }
0x1: {  	s0 =	srdreg.scid  }
0x2: {  	s9 =	stileid.u32;
	s3 =	rddreg [dreg:$0x0]  }
0x3: {  	s2 =	rddreg [dreg:$0x1];
	s4 =	simm.s32 $0x0;
	s15 =	simm.s32 $0x64  }
0x4: {  	s19 =	simm.s32 $0xB;
	s21 =	simm.s32 $0xC;
	s23 =	simm.s32 $0xD  }
0x5: {  	s13 =	simm.s32 $0x6;
	s10 =	simm.s32 $0xA;
	s11 =	simm.s32 $0x11  }
0x6: {  	s12 =	simm.s32 $0x12;
	s16 =	simm.s32 $0x13;
	s18 =	simm.s32 $0x14  }
0x7: {  	s30 =	simm.s32 $0x1D240;
	s0 =	sand.u32 $0x1, s0;
	s5 =	smul.u32 $0xA000, s9  }
0x8: {  	[smem:$0x7FF] =	sst s4;
	s6 =	smul.u32 $0x1400, s9;
	s4 =	sadd.s32 $0x2200, s3  }
0x9: {  	s28 =	sshll.u32 s9, $0x6;
	s1 =	sshll.u32 s0, $0x4;
	_ =	strace $0x8000004D  }
0xa: {  	s7 =	smul.u32 $0x14000, s0;
	s0 =	ssub.s32 $0x2, s0;
	s14 =	sor.u32 $0x1C15, s28  }
0xb: {  	s1 =	sor.u32 s9, s1;
	s8 =	sshrl.u32 s5, $0x3;
	s25 =	sshrl.u32 s0, $0x1  }
0xc: {  	s5 =	sadd.s32 s5, s2;
	s9 =	simm.s32 $0x9;
	[dreg:$0x4] =	wrdreg s14  }
0xd: {  	s1 =	smul.u32 $0x514, s1;
	s6 =	sadd.s32 s6, s7;
	s8 =	sadd.s32 s8, s3  }
0xe: {  	s0 =	ssub.s32 s0, s25;
	s22 =	sshrl.u32 s5, $0x3;
	s5 =	simm.s32 $0xF  }
0xf: {  	s7 =	simm.s32 $0x7;
	s26 =	sadd.s32 $0x15C00, s8;
	[dreg:$0x9] =	wrdreg s22  }
0x10: {  	s0 =	smax.u32 s0, $0x1;
	s1 =	sadd.s32 s1, s3;
	[dreg:$0x3] =	wrdreg s26  }
0x11: {  	s8 =	simm.s32 $0x8;
	[dreg:$0x8] =	wrdreg s0;
	s29 =	sadd.s32 $0x9A600, s1  }
0x12: {  	s3 =	sadd.s32 s6, s3;
	s1 =	sadd.s32 $0x90200, s1;
	[dreg:$0x5] =	wrdreg s29  }
0x13: {  	s6 =	simm.s32 $0x10;
	s31 =	sadd.s32 $0x29C00, s3;
	[dreg:$0x6] =	wrdreg s1  }
0x14: {  	s0 =	simm.s32 $0x0;
	s3 =	simm.s32 $0xE;
	[dreg:$0x7] =	wrdreg s31  }
.LBB2_1:
0x15: {  	[dreg:$0xa] =	wrdreg s0  }
0x16: {  	s24 =	simm.s32 $0x15;
	s20 =	rddreg [dreg:$0x3]  }
0x17: {  	[spmem:s22], [sflag:s14] =	dma.local [hbm:s20], $0x1400  }
0x18: {  	_ =	swait.ge [sflag:s24], $0x1400  }
0x19: {  	s1 =	simm.s32 $0x0;
	[sflag:s24] =	ssyncset.done $0x0  }
0x1a: {  	s31 =	simm.s32 $0xA000;
	s29 =	rddreg [dreg:$0x5];
	[sflag:s24] =	ssyncadd.s32 $0xFFFFEC00  }
0x1b: {  	[tilespmem:s31], [sflag:$0x15] =	stream.linear.gather [hbm4b:s29+s1], $0x28A0, $0x38;
	[tilespmem:$0x1EB40] =	vst v63  }
0x1c: {  	_ =	swait.ge [sflag:s24], $0x28A0  }
0x1d: {  	[sflag:s24] =	ssyncset.done $0x0  }
0x1e: {  	s17 =	simm.s32 $0xC8A0;
	s14 =	rddreg [dreg:$0x6];
	[sflag:s24] =	ssyncadd.s32 $0xFFFFD760  }
0x1f: {  	[tilespmem:s17], [sflag:$0x15] =	stream.linear.gather [hbm4b:s14+s1], $0x28A0, $0x38;
	[tilespmem:$0x1EB40] =	vst v63  }
0x20: {  	_ =	swait.ge [sflag:s24], $0x28A0  }
0x21: {  	[sflag:s24] =	ssyncset.done $0x0  }
0x22: {  	[sflag:s24] =	ssyncadd.s32 $0xFFFFD760  }
0x23: {  	s22 =	simm.s32 $0xF140;
	[bflag:$0x0] =	sbarrier.arrive $0xFFFF  }
0x24: {  	[tilespmem:s22], [sflag:$0x1] =	stream.indirect.gather [hbm4b:s4+s15], $0x40, s31, s15, $0xb8;
	[tilespmem:$0x1EB40] =	vst v63  }
0x25: {  	s0 =	simm.s32 $0x10A40;
	s20 =	simm.s32 $0xA068  }
0x26: {  	[tilespmem:s0], [sflag:$0x2] =	stream.indirect.gather [hbm4b:s4+s15], $0x40, s20, s15, $0xb8;
	[tilespmem:$0x1EB40] =	vst v63  }
0x27: {  	s14 =	simm.s32 $0x12340;
	s24 =	simm.s32 $0xA0D0  }
0x28: {  	[tilespmem:s14], [sflag:$0x3] =	stream.indirect.gather [hbm4b:s4+s15], $0x40, s24, s15, $0xb8;
	[tilespmem:$0x1EB40] =	vst v63  }
0x29: {  	s25 =	simm.s32 $0xA138;
	s17 =	simm.s32 $0x13C40  }
0x2a: {  	[tilespmem:s17], [sflag:$0x4] =	stream.indirect.gather [hbm4b:s4+s15], $0x40, s25, s15, $0xb8;
	[tilespmem:$0x1EB40] =	vst v63  }
0x2b: {  	s26 =	simm.s32 $0xA1A0;
	s28 =	simm.s32 $0x1;
	s24 =	simm.s32 $0x15540  }
0x2c: {  	[tilespmem:s24], [sflag:$0x5] =	stream.indirect.gather [hbm4b:s4+s15], $0x40, s26, s15, $0xb8;
	[tilespmem:$0x1EB40] =	vst v63  }
0x2d: {  	_ =	swait.ge [sflag:s28], $0x1900  }
0x2e: {  	[sflag:s28] =	ssyncset.done $0x0  }
0x2f: {  	s29 =	simm.s32 $0x2;
	[sflag:s28] =	ssyncadd.s32 $0xFFFFE700  }
0x30: {  	_ =	swait.ge [sflag:s29], $0x1900  }
0x31: {  	[sflag:s29] =	ssyncset.done $0x0  }
0x32: {  	s31 =	simm.s32 $0x3;
	[sflag:s29] =	ssyncadd.s32 $0xFFFFE700  }
0x33: {  	_ =	swait.ge [sflag:s31], $0x1900  }
0x34: {  	[sflag:s31] =	ssyncset.done $0x0  }
0x35: {  	s20 =	simm.s32 $0x4;
	[sflag:s31] =	ssyncadd.s32 $0xFFFFE700  }
0x36: {  	_ =	swait.ge [sflag:s20], $0x1900  }
0x37: {  	[sflag:s20] =	ssyncset.done $0x0  }
0x38: {  	s25 =	simm.s32 $0x5;
	[sflag:s20] =	ssyncadd.s32 $0xFFFFE700  }
0x39: {  	_ =	swait.ge [sflag:s25], $0x1900  }
0x3a: {  	[sflag:s25] =	ssyncset.done $0x0  }
0x3b: {  	s26 =	simm.s32 $0xC8A0;
	[sflag:s25] =	ssyncadd.s32 $0xFFFFE700  }
0x3c: {  	[spmem:s2] =	stream.indirect.scatter.add.f32 [tilespmem:s22], [sflag:$0xB], $0x40, s26, s15, $0xb8;
	[tilespmem:$0x1EB40] =	vst v63  }
0x3d: {  	s28 =	simm.s32 $0xC908  }
0x3e: {  	[spmem:s2] =	stream.indirect.scatter.add.f32 [tilespmem:s0], [sflag:$0xC], $0x40, s28, s15, $0xb8;
	[tilespmem:$0x1EB40] =	vst v63  }
0x3f: {  	s29 =	simm.s32 $0xC970  }
0x40: {  	[spmem:s2] =	stream.indirect.scatter.add.f32 [tilespmem:s14], [sflag:$0xD], $0x40, s29, s15, $0xb8;
	[tilespmem:$0x1EB40] =	vst v63  }
0x41: {  	s31 =	simm.s32 $0xC9D8  }
0x42: {  	[spmem:s2] =	stream.indirect.scatter.add.f32 [tilespmem:s17], [sflag:$0xE], $0x40, s31, s15, $0xb8;
	[tilespmem:$0x1EB40] =	vst v63  }
0x43: {  	s1 =	simm.s32 $0xCA40  }
0x44: {  	[spmem:s2] =	stream.indirect.scatter.add.f32 [tilespmem:s24], [sflag:$0xF], $0x40, s1, s15, $0xb8;
	[tilespmem:$0x1EB40] =	vst v63  }
0x45: {  	s25 =	simm.s32 $0xA208;
	s1 =	simm.s32 $0x16E40  }
0x46: {  	[tilespmem:s1], [sflag:$0x6] =	stream.indirect.gather [hbm4b:s4+s15], $0x40, s25, s15, $0xb8;
	[tilespmem:$0x1EB40] =	vst v63  }
0x47: {  	s26 =	simm.s32 $0xA270;
	s25 =	simm.s32 $0x18740  }
0x48: {  	[tilespmem:s25], [sflag:$0x7] =	stream.indirect.gather [hbm4b:s4+s15], $0x40, s26, s15, $0xb8;
	[tilespmem:$0x1EB40] =	vst v63  }
0x49: {  	s28 =	simm.s32 $0xA2D8;
	s26 =	simm.s32 $0x1A040  }
0x4a: {  	[tilespmem:s26], [sflag:$0x8] =	stream.indirect.gather [hbm4b:s4+s15], $0x40, s28, s15, $0xb8;
	[tilespmem:$0x1EB40] =	vst v63  }
0x4b: {  	s29 =	simm.s32 $0xA340;
	s28 =	simm.s32 $0x1B940  }
0x4c: {  	[tilespmem:s28], [sflag:$0x9] =	stream.indirect.gather [hbm4b:s4+s15], $0x40, s29, s15, $0xb8;
	[tilespmem:$0x1EB40] =	vst v63  }
0x4d: {  	s31 =	simm.s32 $0xA3A8;
	s29 =	simm.s32 $0x1D240  }
0x4e: {  	[tilespmem:s29], [sflag:$0xA] =	stream.indirect.gather [hbm4b:s4+s15], $0x40, s31, s15, $0xb8;
	[tilespmem:$0x1EB40] =	vst v63  }
0x4f: {  	_ =	swait.ge [sflag:s19], $0x1900  }
0x50: {  	[sflag:s19] =	ssyncset.done $0x0  }
0x51: {  	[sflag:s19] =	ssyncadd.s32 $0xFFFFE700  }
0x52: {  	_ =	swait.ge [sflag:s21], $0x1900  }
0x53: {  	[sflag:s21] =	ssyncset.done $0x0  }
0x54: {  	[sflag:s21] =	ssyncadd.s32 $0xFFFFE700  }
0x55: {  	_ =	swait.ge [sflag:s23], $0x1900  }
0x56: {  	[sflag:s23] =	ssyncset.done $0x0  }
0x57: {  	[sflag:s23] =	ssyncadd.s32 $0xFFFFE700  }
0x58: {  	_ =	swait.ge [sflag:s3], $0x1900  }
0x59: {  	[sflag:s3] =	ssyncset.done $0x0  }
0x5a: {  	[sflag:s3] =	ssyncadd.s32 $0xFFFFE700  }
0x5b: {  	_ =	swait.ge [sflag:s5], $0x1900  }
0x5c: {  	[sflag:s5] =	ssyncset.done $0x0  }
0x5d: {  	[sflag:s5] =	ssyncadd.s32 $0xFFFFE700  }
0x5e: {  	_ =	swait.ge [sflag:s13], $0x1900  }
0x5f: {  	[sflag:s13] =	ssyncset.done $0x0  }
0x60: {  	[sflag:s13] =	ssyncadd.s32 $0xFFFFE700  }
0x61: {  	_ =	swait.ge [sflag:s7], $0x1900  }
0x62: {  	[sflag:s7] =	ssyncset.done $0x0  }
0x63: {  	[sflag:s7] =	ssyncadd.s32 $0xFFFFE700  }
0x64: {  	_ =	swait.ge [sflag:s8], $0x1900  }
0x65: {  	[sflag:s8] =	ssyncset.done $0x0  }
0x66: {  	[sflag:s8] =	ssyncadd.s32 $0xFFFFE700  }
0x67: {  	_ =	swait.ge [sflag:s9], $0x1900  }
0x68: {  	[sflag:s9] =	ssyncset.done $0x0  }
0x69: {  	[sflag:s9] =	ssyncadd.s32 $0xFFFFE700  }
0x6a: {  	_ =	swait.ge [sflag:s10], $0x1900  }
0x6b: {  	[sflag:s10] =	ssyncset.done $0x0  }
0x6c: {  	s31 =	simm.s32 $0xCAA8;
	[sflag:s10] =	ssyncadd.s32 $0xFFFFE700  }
0x6d: {  	[spmem:s2] =	stream.indirect.scatter.add.f32 [tilespmem:s1], [sflag:$0x10], $0x40, s31, s15, $0xb8;
	[tilespmem:$0x1EB40] =	vst v63  }
0x6e: {  	s1 =	simm.s32 $0xCB10  }
0x6f: {  	[spmem:s2] =	stream.indirect.scatter.add.f32 [tilespmem:s25], [sflag:$0x11], $0x40, s1, s15, $0xb8;
	[tilespmem:$0x1EB40] =	vst v63  }
0x70: {  	s25 =	simm.s32 $0xCB78  }
0x71: {  	[spmem:s2] =	stream.indirect.scatter.add.f32 [tilespmem:s26], [sflag:$0x12], $0x40, s25, s15, $0xb8;
	[tilespmem:$0x1EB40] =	vst v63  }
0x72: {  	s31 =	simm.s32 $0xCBE0  }
0x73: {  	[spmem:s2] =	stream.indirect.scatter.add.f32 [tilespmem:s28], [sflag:$0x13], $0x40, s31, s15, $0xb8;
	[tilespmem:$0x1EB40] =	vst v63  }
0x74: {  	s1 =	simm.s32 $0xCC48  }
0x75: {  	[spmem:s2] =	stream.indirect.scatter.add.f32 [tilespmem:s29], [sflag:$0x14], $0x40, s1, s15, $0xb8;
	[tilespmem:$0x1EB40] =	vst v63  }
0x76: {  	s25 =	simm.s32 $0xA410  }
0x77: {  	[tilespmem:s22], [sflag:$0x1] =	stream.indirect.gather [hbm4b:s4+s15], $0x40, s25, s15, $0xb8;
	[tilespmem:$0x1EB40] =	vst v63  }
0x78: {  	s26 =	simm.s32 $0xA478  }
0x79: {  	[tilespmem:s0], [sflag:$0x2] =	stream.indirect.gather [hbm4b:s4+s15], $0x40, s26, s15, $0xb8;
	[tilespmem:$0x1EB40] =	vst v63  }
0x7a: {  	s28 =	simm.s32 $0xA4E0  }
0x7b: {  	[tilespmem:s14], [sflag:$0x3] =	stream.indirect.gather [hbm4b:s4+s15], $0x40, s28, s15, $0xb8;
	[tilespmem:$0x1EB40] =	vst v63  }
0x7c: {  	s29 =	simm.s32 $0xA548  }
0x7d: {  	[tilespmem:s17], [sflag:$0x4] =	stream.indirect.gather [hbm4b:s4+s15], $0x40, s29, s15, $0xb8;
	[tilespmem:$0x1EB40] =	vst v63  }
0x7e: {  	s31 =	simm.s32 $0xA5B0  }
0x7f: {  	[tilespmem:s24], [sflag:$0x5] =	stream.indirect.gather [hbm4b:s4+s15], $0x40, s31, s15, $0xb8;
	[tilespmem:$0x1EB40] =	vst v63  }
0x80: {  	_ =	swait.ge [sflag:s6], $0x1900  }
0x81: {  	[sflag:s6] =	ssyncset.done $0x0  }
0x82: {  	[sflag:s6] =	ssyncadd.s32 $0xFFFFE700  }
0x83: {  	_ =	swait.ge [sflag:s11], $0x1900  }
0x84: {  	[sflag:s11] =	ssyncset.done $0x0  }
0x85: {  	[sflag:s11] =	ssyncadd.s32 $0xFFFFE700  }
0x86: {  	_ =	swait.ge [sflag:s12], $0x1900  }
0x87: {  	[sflag:s12] =	ssyncset.done $0x0  }
0x88: {  	[sflag:s12] =	ssyncadd.s32 $0xFFFFE700  }
0x89: {  	_ =	swait.ge [sflag:s16], $0x1900  }
0x8a: {  	[sflag:s16] =	ssyncset.done $0x0  }
0x8b: {  	[sflag:s16] =	ssyncadd.s32 $0xFFFFE700  }
0x8c: {  	_ =	swait.ge [sflag:s18], $0x1900  }
0x8d: {  	s20 =	simm.s32 $0x1040;
	[sflag:s18] =	ssyncset.done $0x0  }
.LBB2_2:
0x8e: {  	p0 =	sne.s32 s20, $0x8200;
	[sflag:s18] =	ssyncadd.s32 $0xFFFFE700  }
0x8f: {  	s22 =	smov.u32 s20;
	s20 =	sadd.s32 $0x1040, s20;
	s0 =	simm.s32 $0x1  }
0x90: {  	_ =	swait.ge [sflag:s0], $0x1900  }
0x91: {  	[sflag:s0] =	ssyncset.done $0x0  }
0x92: {  	[sflag:s0] =	ssyncadd.s32 $0xFFFFE700;
	s0 =	simm.s32 $0x2  }
0x93: {  	_ =	swait.ge [sflag:s0], $0x1900  }
0x94: {  	[sflag:s0] =	ssyncset.done $0x0  }
0x95: {  	[sflag:s0] =	ssyncadd.s32 $0xFFFFE700;
	s0 =	simm.s32 $0x3  }
0x96: {  	_ =	swait.ge [sflag:s0], $0x1900  }
0x97: {  	[sflag:s0] =	ssyncset.done $0x0  }
0x98: {  	[sflag:s0] =	ssyncadd.s32 $0xFFFFE700;
	s0 =	simm.s32 $0x4  }
0x99: {  	_ =	swait.ge [sflag:s0], $0x1900  }
0x9a: {  	[sflag:s0] =	ssyncset.done $0x0  }
0x9b: {  	[sflag:s0] =	ssyncadd.s32 $0xFFFFE700;
	s0 =	simm.s32 $0x5  }
0x9c: {  	_ =	swait.ge [sflag:s0], $0x1900  }
0x9d: {  	s22 =	sshra.s32 s22, $0x2;
	[sflag:s0] =	ssyncset.done $0x0  }
0x9e: {  	s31 =	simm.s32 $0xF140;
	s24 =	sadd.s32 $0xC8A0, s22;
	[sflag:s0] =	ssyncadd.s32 $0xFFFFE700  }
0x9f: {  	[spmem:s2] =	stream.indirect.scatter.add.f32 [tilespmem:s31], [sflag:$0xB], $0x40, s24, s15, $0xb8;
	[tilespmem:$0x1EB40] =	vst v63  }
0xa0: {  	s0 =	simm.s32 $0x10A40;
	s24 =	sadd.s32 $0xC908, s22  }
0xa1: {  	[spmem:s2] =	stream.indirect.scatter.add.f32 [tilespmem:s0], [sflag:$0xC], $0x40, s24, s15, $0xb8;
	[tilespmem:$0x1EB40] =	vst v63  }
0xa2: {  	s14 =	simm.s32 $0x12340;
	s24 =	sadd.s32 $0xC970, s22  }
0xa3: {  	[spmem:s2] =	stream.indirect.scatter.add.f32 [tilespmem:s14], [sflag:$0xD], $0x40, s24, s15, $0xb8;
	[tilespmem:$0x1EB40] =	vst v63  }
0xa4: {  	s17 =	simm.s32 $0x13C40;
	s24 =	sadd.s32 $0xC9D8, s22  }
0xa5: {  	[spmem:s2] =	stream.indirect.scatter.add.f32 [tilespmem:s17], [sflag:$0xE], $0x40, s24, s15, $0xb8;
	[tilespmem:$0x1EB40] =	vst v63  }
0xa6: {  	s25 =	simm.s32 $0x15540;
	s24 =	sadd.s32 $0xCA40, s22  }
0xa7: {  	[spmem:s2] =	stream.indirect.scatter.add.f32 [tilespmem:s25], [sflag:$0xF], $0x40, s24, s15, $0xb8;
	[tilespmem:$0x1EB40] =	vst v63  }
0xa8: {  	s1 =	simm.s32 $0x16E40;
	s24 =	sadd.s32 $0xA208, s22  }
0xa9: {  	[tilespmem:s1], [sflag:$0x6] =	stream.indirect.gather [hbm4b:s4+s15], $0x40, s24, s15, $0xb8;
	[tilespmem:$0x1EB40] =	vst v63  }
0xaa: {  	s26 =	simm.s32 $0x18740;
	s24 =	sadd.s32 $0xA270, s22  }
0xab: {  	[tilespmem:s26], [sflag:$0x7] =	stream.indirect.gather [hbm4b:s4+s15], $0x40, s24, s15, $0xb8;
	[tilespmem:$0x1EB40] =	vst v63  }
0xac: {  	s28 =	simm.s32 $0x1A040;
	s24 =	sadd.s32 $0xA2D8, s22  }
0xad: {  	[tilespmem:s28], [sflag:$0x8] =	stream.indirect.gather [hbm4b:s4+s15], $0x40, s24, s15, $0xb8;
	[tilespmem:$0x1EB40] =	vst v63  }
0xae: {  	s29 =	simm.s32 $0x1B940;
	s24 =	sadd.s32 $0xA340, s22  }
0xaf: {  	[tilespmem:s29], [sflag:$0x9] =	stream.indirect.gather [hbm4b:s4+s15], $0x40, s24, s15, $0xb8;
	[tilespmem:$0x1EB40] =	vst v63  }
0xb0: {  	s24 =	sadd.s32 $0xA3A8, s22  }
0xb1: {  	[tilespmem:s30], [sflag:$0xA] =	stream.indirect.gather [hbm4b:s4+s15], $0x40, s24, s15, $0xb8;
	[tilespmem:$0x1EB40] =	vst v63  }
0xb2: {  	_ =	swait.ge [sflag:s19], $0x1900  }
0xb3: {  	[sflag:s19] =	ssyncset.done $0x0  }
0xb4: {  	[sflag:s19] =	ssyncadd.s32 $0xFFFFE700  }
0xb5: {  	_ =	swait.ge [sflag:s21], $0x1900  }
0xb6: {  	[sflag:s21] =	ssyncset.done $0x0  }
0xb7: {  	[sflag:s21] =	ssyncadd.s32 $0xFFFFE700  }
0xb8: {  	_ =	swait.ge [sflag:s23], $0x1900  }
0xb9: {  	[sflag:s23] =	ssyncset.done $0x0  }
0xba: {  	[sflag:s23] =	ssyncadd.s32 $0xFFFFE700  }
0xbb: {  	_ =	swait.ge [sflag:s3], $0x1900  }
0xbc: {  	[sflag:s3] =	ssyncset.done $0x0  }
0xbd: {  	[sflag:s3] =	ssyncadd.s32 $0xFFFFE700  }
0xbe: {  	_ =	swait.ge [sflag:s5], $0x1900  }
0xbf: {  	[sflag:s5] =	ssyncset.done $0x0  }
0xc0: {  	[sflag:s5] =	ssyncadd.s32 $0xFFFFE700  }
0xc1: {  	_ =	swait.ge [sflag:s13], $0x1900  }
0xc2: {  	[sflag:s13] =	ssyncset.done $0x0  }
0xc3: {  	[sflag:s13] =	ssyncadd.s32 $0xFFFFE700  }
0xc4: {  	_ =	swait.ge [sflag:s7], $0x1900  }
0xc5: {  	[sflag:s7] =	ssyncset.done $0x0  }
0xc6: {  	[sflag:s7] =	ssyncadd.s32 $0xFFFFE700  }
0xc7: {  	_ =	swait.ge [sflag:s8], $0x1900  }
0xc8: {  	[sflag:s8] =	ssyncset.done $0x0  }
0xc9: {  	[sflag:s8] =	ssyncadd.s32 $0xFFFFE700  }
0xca: {  	_ =	swait.ge [sflag:s9], $0x1900  }
0xcb: {  	[sflag:s9] =	ssyncset.done $0x0  }
0xcc: {  	[sflag:s9] =	ssyncadd.s32 $0xFFFFE700  }
0xcd: {  	_ =	swait.ge [sflag:s10], $0x1900  }
0xce: {  	[sflag:s10] =	ssyncset.done $0x0  }
0xcf: {  	s24 =	sadd.s32 $0xCAA8, s22;
	[sflag:s10] =	ssyncadd.s32 $0xFFFFE700  }
0xd0: {  	[spmem:s2] =	stream.indirect.scatter.add.f32 [tilespmem:s1], [sflag:$0x10], $0x40, s24, s15, $0xb8;
	[tilespmem:$0x1EB40] =	vst v63  }
0xd1: {  	s24 =	sadd.s32 $0xCB10, s22  }
0xd2: {  	[spmem:s2] =	stream.indirect.scatter.add.f32 [tilespmem:s26], [sflag:$0x11], $0x40, s24, s15, $0xb8;
	[tilespmem:$0x1EB40] =	vst v63  }
0xd3: {  	s24 =	sadd.s32 $0xCB78, s22  }
0xd4: {  	[spmem:s2] =	stream.indirect.scatter.add.f32 [tilespmem:s28], [sflag:$0x12], $0x40, s24, s15, $0xb8;
	[tilespmem:$0x1EB40] =	vst v63  }
0xd5: {  	s24 =	sadd.s32 $0xCBE0, s22  }
0xd6: {  	[spmem:s2] =	stream.indirect.scatter.add.f32 [tilespmem:s29], [sflag:$0x13], $0x40, s24, s15, $0xb8;
	[tilespmem:$0x1EB40] =	vst v63  }
0xd7: {  	s24 =	sadd.s32 $0xCC48, s22  }
0xd8: {  	[spmem:s2] =	stream.indirect.scatter.add.f32 [tilespmem:s30], [sflag:$0x14], $0x40, s24, s15, $0xb8;
	[tilespmem:$0x1EB40] =	vst v63  }
0xd9: {  	s1 =	simm.s32 $0xF140;
	s24 =	sadd.s32 $0xA410, s22  }
0xda: {  	[tilespmem:s31], [sflag:$0x1] =	stream.indirect.gather [hbm4b:s4+s15], $0x40, s24, s15, $0xb8;
	[tilespmem:$0x1EB40] =	vst v63  }
0xdb: {  	s24 =	sadd.s32 $0xA478, s22;
	s31 =	simm.s32 $0x10A40  }
0xdc: {  	[tilespmem:s0], [sflag:$0x2] =	stream.indirect.gather [hbm4b:s4+s15], $0x40, s24, s15, $0xb8;
	[tilespmem:$0x1EB40] =	vst v63  }
0xdd: {  	s24 =	sadd.s32 $0xA4E0, s22;
	s0 =	simm.s32 $0x12340  }
0xde: {  	[tilespmem:s14], [sflag:$0x3] =	stream.indirect.gather [hbm4b:s4+s15], $0x40, s24, s15, $0xb8;
	[tilespmem:$0x1EB40] =	vst v63  }
0xdf: {  	s24 =	sadd.s32 $0xA548, s22;
	s14 =	simm.s32 $0x13C40  }
0xe0: {  	[tilespmem:s17], [sflag:$0x4] =	stream.indirect.gather [hbm4b:s4+s15], $0x40, s24, s15, $0xb8;
	[tilespmem:$0x1EB40] =	vst v63  }
0xe1: {  	s22 =	sadd.s32 $0xA5B0, s22;
	s17 =	simm.s32 $0x15540  }
0xe2: {  	[tilespmem:s25], [sflag:$0x5] =	stream.indirect.gather [hbm4b:s4+s15], $0x40, s22, s15, $0xb8;
	[tilespmem:$0x1EB40] =	vst v63  }
0xe3: {  	_ =	swait.ge [sflag:s6], $0x1900  }
0xe4: {  	[sflag:s6] =	ssyncset.done $0x0  }
0xe5: {  	[sflag:s6] =	ssyncadd.s32 $0xFFFFE700  }
0xe6: {  	_ =	swait.ge [sflag:s11], $0x1900  }
0xe7: {  	[sflag:s11] =	ssyncset.done $0x0  }
0xe8: {  	[sflag:s11] =	ssyncadd.s32 $0xFFFFE700  }
0xe9: {  	_ =	swait.ge [sflag:s12], $0x1900  }
0xea: {  	[sflag:s12] =	ssyncset.done $0x0  }
0xeb: {  	[sflag:s12] =	ssyncadd.s32 $0xFFFFE700  }
.Ltmp0:
0xec: {  	_ =	swait.ge [sflag:s16], $0x1900;
	(pc) =	sbr.rel @p0 .LBB2_2-.Ltmp0, $4  }
0xed: {  	[sflag:s16] =	ssyncset.done $0x0  }
0xee: {  	[sflag:s16] =	ssyncadd.s32 $0xFFFFE700  }
0xef: {  	_ =	swait.ge [sflag:s18], $0x1900  }
0xf0: {  	[sflag:s18] =	ssyncset.done $0x0  }
0xf1: {  	[sflag:s18] =	ssyncadd.s32 $0xFFFFE700;
	s20 =	simm.s32 $0x1  }
0xf2: {  	_ =	swait.ge [sflag:s20], $0x1900  }
0xf3: {  	[sflag:s20] =	ssyncset.done $0x0  }
0xf4: {  	s26 =	simm.s32 $0x2;
	[sflag:s20] =	ssyncadd.s32 $0xFFFFE700  }
0xf5: {  	_ =	swait.ge [sflag:s26], $0x1900  }
0xf6: {  	[sflag:s26] =	ssyncset.done $0x0  }
0xf7: {  	s28 =	simm.s32 $0x3;
	[sflag:s26] =	ssyncadd.s32 $0xFFFFE700  }
0xf8: {  	_ =	swait.ge [sflag:s28], $0x1900  }
0xf9: {  	[sflag:s28] =	ssyncset.done $0x0  }
0xfa: {  	s29 =	simm.s32 $0x4;
	[sflag:s28] =	ssyncadd.s32 $0xFFFFE700  }
0xfb: {  	_ =	swait.ge [sflag:s29], $0x1900  }
0xfc: {  	[sflag:s29] =	ssyncset.done $0x0  }
0xfd: {  	s22 =	simm.s32 $0x5;
	[sflag:s29] =	ssyncadd.s32 $0xFFFFE700  }
0xfe: {  	_ =	swait.ge [sflag:s22], $0x1900  }
0xff: {  	[sflag:s22] =	ssyncset.done $0x0  }
0x100: {  	s24 =	simm.s32 $0xED30;
	[sflag:s22] =	ssyncadd.s32 $0xFFFFE700  }
0x101: {  	[spmem:s2] =	stream.indirect.scatter.add.f32 [tilespmem:s1], [sflag:$0xB], $0x40, s24, s15, $0xb8;
	[tilespmem:$0x1EB40] =	vst v63  }
0x102: {  	s25 =	simm.s32 $0xED98  }
0x103: {  	[spmem:s2] =	stream.indirect.scatter.add.f32 [tilespmem:s31], [sflag:$0xC], $0x40, s25, s15, $0xb8;
	[tilespmem:$0x1EB40] =	vst v63  }
0x104: {  	s26 =	simm.s32 $0xEE00  }
0x105: {  	[spmem:s2] =	stream.indirect.scatter.add.f32 [tilespmem:s0], [sflag:$0xD], $0x40, s26, s15, $0xb8;
	[tilespmem:$0x1EB40] =	vst v63  }
0x106: {  	s28 =	simm.s32 $0xEE68  }
0x107: {  	[spmem:s2] =	stream.indirect.scatter.add.f32 [tilespmem:s14], [sflag:$0xE], $0x40, s28, s15, $0xb8;
	[tilespmem:$0x1EB40] =	vst v63  }
0x108: {  	s29 =	simm.s32 $0xEED0  }
0x109: {  	[spmem:s2] =	stream.indirect.scatter.add.f32 [tilespmem:s17], [sflag:$0xF], $0x40, s29, s15, $0xb8;
	[tilespmem:$0x1EB40] =	vst v63  }
0x10a: {  	s20 =	simm.s32 $0xC698;
	s31 =	simm.s32 $0x16E40  }
0x10b: {  	[tilespmem:s31], [sflag:$0x6] =	stream.indirect.gather [hbm4b:s4+s15], $0x40, s20, s15, $0xb8;
	[tilespmem:$0x1EB40] =	vst v63  }
0x10c: {  	s22 =	simm.s32 $0xC700;
	s1 =	simm.s32 $0x18740  }
0x10d: {  	[tilespmem:s1], [sflag:$0x7] =	stream.indirect.gather [hbm4b:s4+s15], $0x40, s22, s15, $0xb8;
	[tilespmem:$0x1EB40] =	vst v63  }
0x10e: {  	s24 =	simm.s32 $0xC768;
	s14 =	simm.s32 $0x1A040  }
0x10f: {  	[tilespmem:s14], [sflag:$0x8] =	stream.indirect.gather [hbm4b:s4+s15], $0x40, s24, s15, $0xb8;
	[tilespmem:$0x1EB40] =	vst v63  }
0x110: {  	s25 =	simm.s32 $0x1B940;
	s26 =	simm.s32 $0xC7D0  }
0x111: {  	[tilespmem:s25], [sflag:$0x9] =	stream.indirect.gather [hbm4b:s4+s15], $0x40, s26, s15, $0xb8;
	[tilespmem:$0x1EB40] =	vst v63  }
0x112: {  	s28 =	simm.s32 $0x1D240;
	s22 =	simm.s32 $0xC838  }
0x113: {  	[tilespmem:s28], [sflag:$0xA] =	stream.indirect.gather [hbm4b:s4+s15], $0x40, s22, s15, $0xb8;
	[tilespmem:$0x1EB40] =	vst v63  }
0x114: {  	_ =	swait.ge [sflag:s19], $0x1900  }
0x115: {  	[sflag:s19] =	ssyncset.done $0x0  }
0x116: {  	[sflag:s19] =	ssyncadd.s32 $0xFFFFE700  }
0x117: {  	_ =	swait.ge [sflag:s21], $0x1900  }
0x118: {  	[sflag:s21] =	ssyncset.done $0x0  }
0x119: {  	[sflag:s21] =	ssyncadd.s32 $0xFFFFE700  }
0x11a: {  	_ =	swait.ge [sflag:s23], $0x1900  }
0x11b: {  	[sflag:s23] =	ssyncset.done $0x0  }
0x11c: {  	[sflag:s23] =	ssyncadd.s32 $0xFFFFE700  }
0x11d: {  	_ =	swait.ge [sflag:s3], $0x1900  }
0x11e: {  	[sflag:s3] =	ssyncset.done $0x0  }
0x11f: {  	[sflag:s3] =	ssyncadd.s32 $0xFFFFE700  }
0x120: {  	_ =	swait.ge [sflag:s5], $0x1900  }
0x121: {  	[sflag:s5] =	ssyncset.done $0x0  }
0x122: {  	[sflag:s5] =	ssyncadd.s32 $0xFFFFE700  }
0x123: {  	_ =	swait.ge [sflag:s13], $0x1900  }
0x124: {  	[sflag:s13] =	ssyncset.done $0x0  }
0x125: {  	[sflag:s13] =	ssyncadd.s32 $0xFFFFE700  }
0x126: {  	_ =	swait.ge [sflag:s7], $0x1900  }
0x127: {  	[sflag:s7] =	ssyncset.done $0x0  }
0x128: {  	[sflag:s7] =	ssyncadd.s32 $0xFFFFE700  }
0x129: {  	_ =	swait.ge [sflag:s8], $0x1900  }
0x12a: {  	[sflag:s8] =	ssyncset.done $0x0  }
0x12b: {  	[sflag:s8] =	ssyncadd.s32 $0xFFFFE700  }
0x12c: {  	_ =	swait.ge [sflag:s9], $0x1900  }
0x12d: {  	[sflag:s9] =	ssyncset.done $0x0  }
0x12e: {  	[sflag:s9] =	ssyncadd.s32 $0xFFFFE700  }
0x12f: {  	_ =	swait.ge [sflag:s10], $0x1900  }
0x130: {  	[sflag:s10] =	ssyncset.done $0x0  }
0x131: {  	s29 =	simm.s32 $0xEF38;
	[sflag:s10] =	ssyncadd.s32 $0xFFFFE700  }
0x132: {  	[spmem:s2] =	stream.indirect.scatter.add.f32 [tilespmem:s31], [sflag:$0x10], $0x40, s29, s15, $0xb8;
	[tilespmem:$0x1EB40] =	vst v63  }
0x133: {  	s31 =	simm.s32 $0xEFA0  }
0x134: {  	[spmem:s2] =	stream.indirect.scatter.add.f32 [tilespmem:s1], [sflag:$0x11], $0x40, s31, s15, $0xb8;
	[tilespmem:$0x1EB40] =	vst v63  }
0x135: {  	s1 =	simm.s32 $0xF008  }
0x136: {  	[spmem:s2] =	stream.indirect.scatter.add.f32 [tilespmem:s14], [sflag:$0x12], $0x40, s1, s15, $0xb8;
	[tilespmem:$0x1EB40] =	vst v63  }
0x137: {  	s22 =	simm.s32 $0xF070  }
0x138: {  	[spmem:s2] =	stream.indirect.scatter.add.f32 [tilespmem:s25], [sflag:$0x13], $0x40, s22, s15, $0xb8;
	[tilespmem:$0x1EB40] =	vst v63  }
0x139: {  	s24 =	simm.s32 $0xF0D8  }
0x13a: {  	[spmem:s2] =	stream.indirect.scatter.add.f32 [tilespmem:s28], [sflag:$0x14], $0x40, s24, s15, $0xb8;
	[tilespmem:$0x1EB40] =	vst v63  }
0x13b: {  	_ =	swait.ge [sflag:s6], $0x1900  }
0x13c: {  	[sflag:s6] =	ssyncset.done $0x0  }
0x13d: {  	[sflag:s6] =	ssyncadd.s32 $0xFFFFE700  }
0x13e: {  	_ =	swait.ge [sflag:s11], $0x1900  }
0x13f: {  	[sflag:s11] =	ssyncset.done $0x0  }
0x140: {  	[sflag:s11] =	ssyncadd.s32 $0xFFFFE700  }
0x141: {  	_ =	swait.ge [sflag:s12], $0x1900  }
0x142: {  	[sflag:s12] =	ssyncset.done $0x0  }
0x143: {  	[sflag:s12] =	ssyncadd.s32 $0xFFFFE700  }
0x144: {  	_ =	swait.ge [sflag:s16], $0x1900  }
0x145: {  	[sflag:s16] =	ssyncset.done $0x0  }
0x146: {  	[sflag:s16] =	ssyncadd.s32 $0xFFFFE700  }
0x147: {  	_ =	swait.ge [sflag:s18], $0x1900  }
0x148: {  	[sflag:s18] =	ssyncset.done $0x0  }
0x149: {  	[sflag:s18] =	ssyncadd.s32 $0xFFFFE700  }
0x14a: {  	[bflag:$0x0] =	sbarrier.arrive $0xFFFF  }
0x14b: {  	s14 =	rddreg [dreg:$0x4]  }
0x14c: {  	s25 =	rddreg [dreg:$0x7]  }
0x14d: {  	s26 =	simm.s32 $0x15;
	s22 =	rddreg [dreg:$0x9]  }
0x14e: {  	[hbm:s25], [sflag:s14] =	dma.local [spmem:s22], $0x1400  }
0x14f: {  	_ =	swait.ge [sflag:s26], $0x1400  }
0x150: {  	s28 =	rddreg [dreg:$0xa]  }
0x151: {  	s29 =	rddreg [dreg:$0x8];
	s0 =	sadd.s32 $0x1, s28  }
0x152: {  	p0 =	sne.s32 s0, s29  }
.Ltmp1:
0x153: {  	_ = 	snop;
	(pc) =	sbr.rel @p0 .LBB2_1-.Ltmp1, $3  }
0x154: {  	_ =	sdelay $0x1  }
0x155: {  	s31 =	simm.s32 $0x15;
	[sflag:s26] =	ssyncset.done $0x0  }
0x156: {  	[sflag:s31] =	ssyncadd.s32 $0xFFFFEC00  }
0x157: {  	_ =	sfence.sel $0x180000  }
0x158: {  	[bflag:$0x0] =	sbarrier.arrive $0xFFFF  }
0x159: {  	_ =	strace $0x9000004D  }
0x15a: {  	s0 =	stileid.u32;
	[bflag:$0x2] =	sbarrier.arrive $0xFFFF  }
0x15b: {  	p0 =	sne.s32 s0, $0x0;
	s0 =	rddreg [dreg:$0x2]  }
0x15c: {  	s0 =	sadd.s32 @!p0 $0x100000, s0  }
0x15d: {  	[sflag:s0] =	ssyncadd.tile.s32 @!p0 $0x1;
	_ =	shalt  }
.Lfunc_end2:
_tile_overlayer_lowered:
.L_overlay_start_2:
0x15e: {  	(tag) =	ssettag $0x2  }
0x15f: {  	s0 =	rddreg [dreg:$0x0];
	s2 =	stileid.u32  }
0x160: {  	s1 =	rddreg [dreg:$0x1];
	p0 =	sne.s32 s2, $0x0  }
0x161: {  	s3 =	rddreg [dreg:$0x2];
	[bflag:$0x3] =	sbarrier.arrive $0xFFFF;
	s2 =	simm.s32 @!p0 $0x1C15  }
0x162: {  	[timem:s3], [sflag:s2] =	dma.local @!p0 [hbm:s0], s1  }
0x163: {  	s0 =	simm.s32 @!p0 $0x15  }
0x164: {  	_ =	swait.ge @!p0 [sflag:s0], s1  }
0x165: {  	s1 =	ssub.s32 @!p0 $0x0, s1;
	[sflag:s0] =	ssyncset.done @!p0 $0x0  }
0x166: {  	[sflag:s0] =	ssyncadd.s32 @!p0 s1  }
0x167: {  	[bflag:$0x3] =	sbarrier.arrive $0xFFFF  }
0x168: {  	_ =	shalt  }

// kernel: kernel.8.cloned.1.call-start
scs
__scs_entry_jumppad:
0x0: {  	(pc) =	sbr.rel $0x88, $3  }
0x1: {  	(tag) =	ssettag $0x0;
	lr =	simm.s32 $0x1  }
0x2: {  	[smem:$0x3F91] =	sst lr;
	_ =	strace $0xD0000000  }
0x3: {  	_ = 	snop  }
0x4: {  	_ = 	snop  }
0x5: {  	_ = 	snop  }
0x6: {  	_ = 	snop  }
0x7: {  	_ = 	snop  }
__scs_overlays_trampoline_lowered:
0x8: {  	[smem:$0x3FA0] =	sst s0  }
0x9: {  	[smem:$0x3FA1] =	sst s1  }
0xa: {  	[smem:$0x3FA2] =	sst s2  }
0xb: {  	[smem:$0x3FA3] =	sst s3  }
0xc: {  	[smem:$0x3FA4] =	sst s4  }
0xd: {  	[smem:$0x3FA5] =	sst s5  }
0xe: {  	[smem:$0x3FA6] =	sst s6  }
0xf: {  	[smem:$0x3FA7] =	sst s7  }
0x10: {  	[smem:$0x3FA8] =	sst s8  }
0x11: {  	[smem:$0x3FA9] =	sst s9;
	s0 =	simm.s32 @!p0 $0x0  }
0x12: {  	s1 =	sld [smem:$0x3F8F];
	s0 =	simm.s32 @p0 $0x1  }
0x13: {  	[smem:$0x3FAA] =	sst s0;
	s0 =	simm.s32 @!p1 $0x0  }
0x14: {  	s2 =	sld [smem:$0x3F8E];
	s0 =	simm.s32 @p1 $0x1  }
0x15: {  	[smem:$0x3FAB] =	sst s0;
	s0 =	simm.s32 @!p2 $0x0  }
0x16: {  	s3 =	sld [smem:$0x3FDB];
	s0 =	simm.s32 @p2 $0x1  }
0x17: {  	s4 =	simm.s32 $0x1BF5;
	[smem:$0x3FAD] =	sst s0  }
0x18: {  	s0 =	sld [smem:$0x3F90];
	_ =	swait.ge [sflag:s4], $0x0  }
0x19: {  	s7 =	sld [smem:$0x3F91]  }
0x1a: {  	s8 =	sadd.s32 $0xFFFFE003, lr  }
0x1b: {  	s9 =	sadd.s32 $0xFFFFFEF7, lr;
	s5 =	simm.s32 $0xFFFFFFFF;
	p2 =	slt.u32 s8, $0xFFFFF086  }
0x1c: {  	p1 =	slt.u32 s9, $0xF7A;
	s5 =	simm.s32 @!p2 $0x0  }
0x1d: {  	s5 =	simm.s32 @p1 $0x1;
	p0 =	seq.s32 s7, s2  }
0x1e: {  	s7 =	smul.u32 @!p0 $0xF7A, s2;
	p2 =	seq.s32 @!p0 s5, $0x0  }
0x1f: {  	s9 =	smul.u32 $0xF7A, s1;
	s8 =	simm.s32 @!p0 $0x1BF5;
	p2 =	por !p2, p0  }
0x20: {  	[sflag:s8] =	ssyncset.s32 @!p0 $0xFFFFF086;
	s6 =	sadd.s32 @!p0 s3, s7;
	s7 =	simm.s32 @!p0 $0x108  }
0x21: {  	s3 =	sadd.s32 s3, s9;
	s6 =	sadd.s32 @!p0 $0x88, s6;
	s7 =	simm.s32 @p2 $0x1082  }
0x22: {  	[simem:s7], [sflag:s8] =	dma.local @!p0 [hbm:s6], $0xF7A  }
0x23: {  	s9 =	sor.u32 $0xD0000000, s2;
	s6 =	simm.s32 $0x108;
	_ =	swait.ge @!p0 [sflag:s8], $0x0  }
0x24: {  	s3 =	sadd.s32 $0x88, s3;
	s6 =	simm.s32 @!p1 $0x1082;
	[sflag:s4] =	ssyncset.s32 $0xFFFFF086  }
0x25: {  	[simem:s6], [sflag:s4] =	dma.local [hbm:s3], $0xF7A  }
0x26: {  	[smem:$0x3F91] =	sst s1;
	(tag) =	ssettag s2;
	_ =	strace s9  }
0x27: {  	s1 =	sld [smem:$0x3FA1]  }
0x28: {  	s2 =	sld [smem:$0x3FA2]  }
0x29: {  	s4 =	sld [smem:$0x3FA4]  }
0x2a: {  	p0 =	seq.s32 s5, $0x0;
	s5 =	sld [smem:$0x3FA5]  }
0x2b: {  	s6 =	sld [smem:$0x3FA6]  }
0x2c: {  	s7 =	sld [smem:$0x3FA7]  }
0x2d: {  	s3 =	simm.s32 $0x108;
	s8 =	sld [smem:$0x3FA8]  }
0x2e: {  	s3 =	simm.s32 @!p0 $0x1082;
	s9 =	sld [smem:$0x3FA9]  }
0x2f: {  	lr =	sadd.s32 s0, s3;
	s0 =	sld [smem:$0x3FA0]  }
0x30: {  	s3 =	sld [smem:$0x3FA3]  }
0x31: {  	[smem:$0x3FAC] =	sst s10  }
0x32: {  	s10 =	sld [smem:$0x3FAA];
	_ =	sdelay $0x3  }
0x33: {  	p0 =	seq.s32 s10, $0x1;
	s10 =	sld [smem:$0x3FAC];
	_ =	sdelay $0x3  }
0x34: {  	[smem:$0x3FAC] =	sst s10  }
0x35: {  	s10 =	sld [smem:$0x3FAB];
	_ =	sdelay $0x3  }
0x36: {  	p1 =	seq.s32 s10, $0x1;
	s10 =	sld [smem:$0x3FAC];
	_ =	sdelay $0x3  }
0x37: {  	[smem:$0x3FAC] =	sst s10  }
0x38: {  	s10 =	sld [smem:$0x3FAD]  }
0x39: {  	_ = 	snop;
	(pc) =	sbr.ind lr, $3  }
0x3a: {  	_ = 	snop  }
0x3b: {  	_ = 	snop  }
0x3c: {  	p2 =	seq.s32 s10, $0x1;
	s10 =	sld [smem:$0x3FAC]  }
0x3d: {  	_ =	shalt  }
0x3e: {  	_ =	shalt  }
0x3f: {  	_ =	shalt  }
0x40: {  	_ =	shalt  }
0x41: {  	_ =	shalt  }
0x42: {  	_ =	shalt  }
0x43: {  	_ =	shalt  }
0x44: {  	_ =	shalt  }
0x45: {  	_ =	shalt  }
0x46: {  	_ =	shalt  }
0x47: {  	_ =	shalt  }
0x48: {  	_ =	shalt  }
0x49: {  	_ =	shalt  }
0x4a: {  	_ =	shalt  }
0x4b: {  	_ =	shalt  }
0x4c: {  	_ =	shalt  }
0x4d: {  	_ =	shalt  }
0x4e: {  	_ =	shalt  }
0x4f: {  	_ =	shalt  }
0x50: {  	_ =	shalt  }
0x51: {  	_ =	shalt  }
0x52: {  	_ =	shalt  }
0x53: {  	_ =	shalt  }
0x54: {  	_ =	shalt  }
0x55: {  	_ =	shalt  }
0x56: {  	_ =	shalt  }
0x57: {  	_ =	shalt  }
0x58: {  	_ =	shalt  }
0x59: {  	_ =	shalt  }
0x5a: {  	_ =	shalt  }
0x5b: {  	_ =	shalt  }
0x5c: {  	_ =	shalt  }
0x5d: {  	_ =	shalt  }
0x5e: {  	_ =	shalt  }
0x5f: {  	_ =	shalt  }
0x60: {  	_ =	shalt  }
0x61: {  	_ =	shalt  }
0x62: {  	_ =	shalt  }
0x63: {  	_ =	shalt  }
0x64: {  	_ =	shalt  }
0x65: {  	_ =	shalt  }
0x66: {  	_ =	shalt  }
0x67: {  	_ =	shalt  }
0x68: {  	_ =	shalt  }
0x69: {  	_ =	shalt  }
0x6a: {  	_ =	shalt  }
0x6b: {  	_ =	shalt  }
0x6c: {  	_ =	shalt  }
0x6d: {  	_ =	shalt  }
0x6e: {  	_ =	shalt  }
0x6f: {  	_ =	shalt  }
0x70: {  	_ =	shalt  }
0x71: {  	_ =	shalt  }
0x72: {  	_ =	shalt  }
0x73: {  	_ =	shalt  }
0x74: {  	_ =	shalt  }
0x75: {  	_ =	shalt  }
0x76: {  	_ =	shalt  }
0x77: {  	_ =	shalt  }
0x78: {  	_ =	shalt  }
0x79: {  	_ =	shalt  }
0x7a: {  	_ =	shalt  }
0x7b: {  	_ =	shalt  }
0x7c: {  	_ =	shalt  }
0x7d: {  	_ =	shalt  }
0x7e: {  	_ =	shalt  }
0x7f: {  	_ =	shalt  }
0x80: {  	_ =	shalt  }
0x81: {  	_ =	shalt  }
0x82: {  	_ =	shalt  }
0x83: {  	_ =	shalt  }
0x84: {  	_ =	shalt  }
0x85: {  	_ =	shalt  }
0x86: {  	_ =	shalt  }
0x87: {  	_ =	shalt  }
.Lfunc_end0:
.L_simem_size_0:
called_computation_lowered:
.L_overlay_start_0:
0x88: {  	s2 =	sld [smem:$0x3FD9]  }
0x89: {  	s3 =	sld [smem:$0x3FFE];
	_ =	sdelay $0x1  }
0x8a: {  	s1 =	srdreg.scid  }
0x8b: {  	s0 =	sand.u32 $0x1, s1  }
0x8c: {  	s17 =	sshll.u32 s0, $0xA;
	s2 =	sadd.s32 s3, s2  }
0x8d: {  	s2 =	sadd.s32 s2, s17  }
0x8e: {  	[smem:$0x3FB8] =	sst s2  }
0x8f: {  	_ = 	snop  }
0x90: {  	s2 =	sld [smem:$0x3FC9];
	(tm) =	ssettm $0x1  }
0x91: {  	s18 =	sld [smem:$0x3FFB];
	_ =	sdelay $0x3  }
0x92: {  	_ =	strace s18  }
0x93: {  	s3 =	sld [smem:$0x3FFC];
	_ =	sdelay $0x3  }
0x94: {  	_ =	strace s3  }
0x95: {  	s3 =	sld [smem:$0x3FFD];
	_ =	sdelay $0x3  }
0x96: {  	_ =	strace s3  }
0x97: {  	_ =	strace $0x8FFFFFFF  }
0x98: {  	s19 =	sld [smem:$0x3FDB];
	_ =	sdelay $0x1  }
0x99: {  	s4 =	simm.s32 $_scs_section_size  }
0x9a: {  	s5 =	simm.s32 $_size__tile_overlayer_lowered;
	s6 =	simm.s32 $_tile_overlayer_lowered  }
0x9b: {  	s22 =	simm.s32 $0x1BFF;
	s21 =	sshll.u32 s6, $0x1;
	s3 =	sadd.s32 s4, s19  }
0x9c: {  	s7 =	simm.s32 $0x0;
	s20 =	sshll.u32 s5, $0x1;
	s5 =	sadd.s32 s21, s3  }
0x9d: {  	[timem:s7], [sflag:s22] =	dma.local [hbm:s5], s20  }
0x9e: {  	_ =	swait.ge [sflag:s22], s20  }
0x9f: {  	s4 =	ssub.s32 $0x0, s20;
	[sflag:s22] =	ssyncset.done $0x0  }
0xa0: {  	[sflag:s22] =	ssyncadd.s32 s4;
	_ =	sdelay $0x1  }
0xa1: {  	s23 =	simm.s32 $0x1B8B  }
0xa2: {  	_ =	swait.ge [sflag:s23], $0x1  }
0xa3: {  	[sflag:s23] =	ssyncset.done $0x0  }
0xa4: {  	s25 =	simm.s32 $0x1B8E;
	s24 =	sld [smem:$0x3FFE];
	[sflag:s23] =	ssyncadd.s32 $0xFFFFFFFF  }
0xa5: {  	s26 =	simm.s32 $execute0_lowered;
	[smem:$0x3FD2] =	sst s25  }
0xa6: {  	s5 =	sshll.u32 s26, $0x1;
	_ =	strace $0x80000046;
	[dreg:$0x1] =	wrdreg $0xFFFFFFFF  }
0xa7: {  	s28 =	simm.s32 $_size_execute0_lowered;
	s3 =	sadd.s32 s3, s5;
	[dreg:$0x0] =	wrdreg $0x0  }
0xa8: {  	s5 =	sshll.u32 s28, $0x1;
	[dreg:$0x2] =	wrdreg s3  }
0xa9: {  	[dreg:$0x3] =	wrdreg s5  }
0xaa: {  	[dreg:$0x4] =	wrdreg $0xC0  }
0xab: {  	_ =	task [dreg:s7], $0x5FFFF  }
0xac: {  	[dreg:$0x1] =	wrdreg $0xFFFFFFFF  }
0xad: {  	[dreg:$0x0] =	wrdreg $0x60  }
0xae: {  	[dreg:$0x2] =	wrdreg s2  }
0xaf: {  	[dreg:$0x3] =	wrdreg s24  }
0xb0: {  	[dreg:$0x4] =	wrdreg $0x0  }
0xb1: {  	[dreg:$0x5] =	wrdreg $0x9  }
0xb2: {  	_ =	task.clear_ibuf [dreg:s7], $0x6FFFF;
	_ =	strace $0x90000046  }
0xb3: {  	s29 =	simm.s32 $0x9;
	_ =	strace $0x80000048  }
0xb4: {  	_ =	swait.ge [sflag:s29], $0x1  }
0xb5: {  	[sflag:s29] =	ssyncadd.s32 $0xFFFFFFFF  }
0xb6: {  	_ =	strace $0x90000048  }
0xb7: {  	_ =	sfence  }
0xb8: {  	s30 =	sld [smem:$0x0];
	_ =	sdelay $0x2  }
0xb9: {  	s31 =	sshll.u32 s1, $0xD;
	s1 =	sshrl.u32 s1, $0x2  }
0xba: {  	s3 =	sand.u32 $0x4000, s31;
	s1 =	sadd.s32 s1, s30  }
0xbb: {  	s0 =	sor.u32 s3, s0;
	s1 =	sshll.u32 s1, $0x11  }
0xbc: {  	s0 =	sor.u32 s1, s0  }
0xbd: {  	s0 =	sadd.s32 $0x8F2B, s0  }
0xbe: {  	[sflag:s0] =	ssyncadd.remote.s32 $0x1  }
0xbf: {  	_ =	sfence.sel $0xFFFF  }
0xc0: {  	[dreg:$0x0] =	wrdreg $0xFFFFFFFF;
	(pc) =	sbr.abs _section_cstart, $3  }
0xc1: {  	[dreg:$0x1] =	wrdreg $0xFFFFFFFF  }
0xc2: {  	_ =	task.clear_ibuf [dreg:s7], $0x2FFFF;
	_ =	strace $0x9FFFFFFF  }
0xc3: {  	(tm) =	ssettm $0x7FFFFFFF  }
tec
execute0_lowered:
.L_overlay_start_1:
0x0: {  	(tag) =	ssettag $0x1  }
0x1: {  	s2 =	rddreg [dreg:$0x0]  }
0x2: {  	s0 =	srdreg.scid;
	s5 =	rddreg [dreg:$0x1]  }
0x3: {  	s12 =	stileid.u32;
	s3 =	rddreg [dreg:$0x2]  }
0x4: {  	s4 =	simm.s32 $0x0;
	s13 =	simm.s32 $0x14000;
	s15 =	simm.s32 $0x32  }
0x5: {  	s16 =	simm.s32 $0x19780;
	s18 =	simm.s32 $0x1B080;
	s19 =	simm.s32 $0x1  }
0x6: {  	s20 =	simm.s32 $0x2;
	s21 =	simm.s32 $0x1C980;
	s22 =	simm.s32 $0x1E280  }
0x7: {  	s23 =	simm.s32 $0x5;
	s24 =	simm.s32 $0x6;
	s25 =	simm.s32 $0x3  }
0x8: {  	s28 =	simm.s32 $0x7;
	s29 =	simm.s32 $0x8;
	s14 =	simm.s32 $0x19710  }
0x9: {  	s17 =	simm.s32 $0x19748;
	s30 =	simm.s32 $0x0;
	s6 =	smul.u32 $0x14000, s12  }
0xa: {  	s0 =	sand.u32 $0x1, s0;
	s7 =	smul.u32 $0x2800, s12;
	[smem:$0x7FF] =	sst s4  }
0xb: {  	s31 =	sshll.u32 s12, $0x6;
	s1 =	sshll.u32 s0, $0x4;
	s8 =	smul.u32 $0x28000, s0  }
0xc: {  	_ =	strace $0x80000047;
	s0 =	ssub.s32 $0x2, s0;
	s1 =	sor.u32 s12, s1  }
0xd: {  	s9 =	sshrl.u32 s6, $0x3;
	s26 =	sshrl.u32 s0, $0x1;
	s11 =	sadd.s32 s6, s3  }
0xe: {  	s6 =	sor.u32 $0x1C09, s31;
	s12 =	simm.s32 $0x9;
	s1 =	smul.u32 $0x578, s1  }
0xf: {  	s7 =	sadd.s32 s7, s8;
	s9 =	sadd.s32 s9, s5;
	s0 =	ssub.s32 s0, s26  }
0x10: {  	s11 =	sshrl.u32 s11, $0x3;
	s26 =	simm.s32 $0x4;
	s10 =	sadd.s32 s7, s5  }
0x11: {  	s1 =	sadd.s32 s1, s5;
	s5 =	sadd.s32 $0x18200, s9;
	s9 =	sadd.s32 $0x40200, s10  }
0x12: {  	s10 =	smax.u32 s0, $0x1;
	s7 =	sadd.s32 $0xD200, s1;
	s8 =	sadd.s32 $0x2200, s1  }
.LBB2_1:
0x13: {  	[spmem:s11], [sflag:s6] =	dma.local [hbm:s5], $0x2800  }
0x14: {  	_ =	swait.ge [sflag:s12], $0x2800  }
0x15: {  	[sflag:s12] =	ssyncset.done $0x0  }
0x16: {  	[sflag:s12] =	ssyncadd.s32 $0xFFFFD800  }
0x17: {  	[tilespmem:s13], [sflag:$0x9] =	stream.linear.gather [hbm4b:s7+s4], $0x2BC0, $0x38;
	[tilespmem:$0x1FB80] =	vst v63  }
0x18: {  	_ =	swait.ge [sflag:s12], $0x2BC0  }
0x19: {  	[sflag:s12] =	ssyncset.done $0x0  }
0x1a: {  	s0 =	simm.s32 $0x16BC0;
	[sflag:s12] =	ssyncadd.s32 $0xFFFFD440  }
0x1b: {  	[tilespmem:s0], [sflag:$0x9] =	stream.linear.gather [hbm4b:s8+s4], $0x2BC0, $0x38;
	[tilespmem:$0x1FB80] =	vst v63  }
0x1c: {  	_ =	swait.ge [sflag:s12], $0x2BC0  }
0x1d: {  	[sflag:s12] =	ssyncset.done $0x0  }
0x1e: {  	[sflag:s12] =	ssyncadd.s32 $0xFFFFD440  }
0x1f: {  	[bflag:$0x0] =	sbarrier.arrive $0xFFFF  }
0x20: {  	[tilespmem:s16], [sflag:$0x1] =	stream.indirect.gather [hbm4b:s2+s15], $0x80, s13, s15, $0xb8;
	[tilespmem:$0x1FB80] =	vst v63  }
0x21: {  	s1 =	simm.s32 $0x14038  }
0x22: {  	[tilespmem:s18], [sflag:$0x2] =	stream.indirect.gather [hbm4b:s2+s15], $0x80, s1, s15, $0xb8;
	[tilespmem:$0x1FB80] =	vst v63  }
0x23: {  	_ =	swait.ge [sflag:s19], $0x1900  }
0x24: {  	[sflag:s19] =	ssyncset.done $0x0  }
0x25: {  	[sflag:s19] =	ssyncadd.s32 $0xFFFFE700  }
0x26: {  	_ =	swait.ge [sflag:s20], $0x1900  }
0x27: {  	[sflag:s20] =	ssyncset.done $0x0  }
0x28: {  	s31 =	simm.s32 $0x16BC0;
	[sflag:s20] =	ssyncadd.s32 $0xFFFFE700  }
0x29: {  	[spmem:s3] =	stream.indirect.scatter.add.f32 [tilespmem:s16], [sflag:$0x5], $0x80, s31, s15, $0xb8;
	[tilespmem:$0x1FB80] =	vst v63  }
0x2a: {  	s31 =	simm.s32 $0x16BF8  }
0x2b: {  	[spmem:s3] =	stream.indirect.scatter.add.f32 [tilespmem:s18], [sflag:$0x6], $0x80, s31, s15, $0xb8;
	[tilespmem:$0x1FB80] =	vst v63  }
0x2c: {  	s31 =	simm.s32 $0x14070  }
0x2d: {  	[tilespmem:s21], [sflag:$0x3] =	stream.indirect.gather [hbm4b:s2+s15], $0x80, s31, s15, $0xb8;
	[tilespmem:$0x1FB80] =	vst v63  }
0x2e: {  	s31 =	simm.s32 $0x140A8  }
0x2f: {  	[tilespmem:s22], [sflag:$0x4] =	stream.indirect.gather [hbm4b:s2+s15], $0x80, s31, s15, $0xb8;
	[tilespmem:$0x1FB80] =	vst v63  }
0x30: {  	_ =	swait.ge [sflag:s23], $0x1900  }
0x31: {  	[sflag:s23] =	ssyncset.done $0x0  }
0x32: {  	[sflag:s23] =	ssyncadd.s32 $0xFFFFE700  }
0x33: {  	_ =	swait.ge [sflag:s24], $0x1900  }
0x34: {  	[sflag:s24] =	ssyncset.done $0x0  }
0x35: {  	[sflag:s24] =	ssyncadd.s32 $0xFFFFE700  }
0x36: {  	_ =	swait.ge [sflag:s25], $0x1900  }
0x37: {  	[sflag:s25] =	ssyncset.done $0x0  }
0x38: {  	[sflag:s25] =	ssyncadd.s32 $0xFFFFE700  }
0x39: {  	_ =	swait.ge [sflag:s26], $0x1900  }
0x3a: {  	[sflag:s26] =	ssyncset.done $0x0  }
0x3b: {  	s31 =	simm.s32 $0x16C30;
	[sflag:s26] =	ssyncadd.s32 $0xFFFFE700  }
0x3c: {  	[spmem:s3] =	stream.indirect.scatter.add.f32 [tilespmem:s21], [sflag:$0x7], $0x80, s31, s15, $0xb8;
	[tilespmem:$0x1FB80] =	vst v63  }
0x3d: {  	s31 =	simm.s32 $0x16C68  }
0x3e: {  	[spmem:s3] =	stream.indirect.scatter.add.f32 [tilespmem:s22], [sflag:$0x8], $0x80, s31, s15, $0xb8;
	[tilespmem:$0x1FB80] =	vst v63  }
0x3f: {  	s31 =	simm.s32 $0x140E0  }
0x40: {  	[tilespmem:s16], [sflag:$0x1] =	stream.indirect.gather [hbm4b:s2+s15], $0x80, s31, s15, $0xb8;
	[tilespmem:$0x1FB80] =	vst v63  }
0x41: {  	s31 =	simm.s32 $0x14118  }
0x42: {  	[tilespmem:s18], [sflag:$0x2] =	stream.indirect.gather [hbm4b:s2+s15], $0x80, s31, s15, $0xb8;
	[tilespmem:$0x1FB80] =	vst v63  }
0x43: {  	_ =	swait.ge [sflag:s28], $0x1900  }
0x44: {  	[sflag:s28] =	ssyncset.done $0x0  }
0x45: {  	[sflag:s28] =	ssyncadd.s32 $0xFFFFE700  }
0x46: {  	_ =	swait.ge [sflag:s29], $0x1900  }
0x47: {  	s31 =	simm.s32 $0x380;
	[sflag:s29] =	ssyncset.done $0x0  }
.LBB2_2:
0x48: {  	p0 =	sne.s32 s31, $0xA800  }
0x49: {  	[sflag:s29] =	ssyncadd.s32 $0xFFFFE700;
	s1 =	smov.u32 s31;
	s31 =	sadd.s32 $0x380, s31  }
0x4a: {  	_ =	swait.ge [sflag:s19], $0x1900  }
0x4b: {  	[sflag:s19] =	ssyncset.done $0x0  }
0x4c: {  	[sflag:s19] =	ssyncadd.s32 $0xFFFFE700  }
0x4d: {  	_ =	swait.ge [sflag:s20], $0x1900  }
0x4e: {  	s1 =	sshra.s32 s1, $0x2;
	[sflag:s20] =	ssyncset.done $0x0  }
0x4f: {  	s0 =	sadd.s32 $0x16BC0, s1;
	[sflag:s20] =	ssyncadd.s32 $0xFFFFE700  }
0x50: {  	[spmem:s3] =	stream.indirect.scatter.add.f32 [tilespmem:s16], [sflag:$0x5], $0x80, s0, s15, $0xb8;
	[tilespmem:$0x1FB80] =	vst v63  }
0x51: {  	s0 =	sadd.s32 $0x16BF8, s1  }
0x52: {  	[spmem:s3] =	stream.indirect.scatter.add.f32 [tilespmem:s18], [sflag:$0x6], $0x80, s0, s15, $0xb8;
	[tilespmem:$0x1FB80] =	vst v63  }
0x53: {  	s0 =	sadd.s32 $0x14070, s1  }
0x54: {  	[tilespmem:s21], [sflag:$0x3] =	stream.indirect.gather [hbm4b:s2+s15], $0x80, s0, s15, $0xb8;
	[tilespmem:$0x1FB80] =	vst v63  }
0x55: {  	s0 =	sadd.s32 $0x140A8, s1  }
0x56: {  	[tilespmem:s22], [sflag:$0x4] =	stream.indirect.gather [hbm4b:s2+s15], $0x80, s0, s15, $0xb8;
	[tilespmem:$0x1FB80] =	vst v63  }
0x57: {  	_ =	swait.ge [sflag:s23], $0x1900  }
0x58: {  	[sflag:s23] =	ssyncset.done $0x0  }
0x59: {  	[sflag:s23] =	ssyncadd.s32 $0xFFFFE700  }
0x5a: {  	_ =	swait.ge [sflag:s24], $0x1900  }
0x5b: {  	[sflag:s24] =	ssyncset.done $0x0  }
0x5c: {  	[sflag:s24] =	ssyncadd.s32 $0xFFFFE700  }
0x5d: {  	_ =	swait.ge [sflag:s25], $0x1900  }
0x5e: {  	[sflag:s25] =	ssyncset.done $0x0  }
0x5f: {  	[sflag:s25] =	ssyncadd.s32 $0xFFFFE700  }
0x60: {  	_ =	swait.ge [sflag:s26], $0x1900  }
0x61: {  	[sflag:s26] =	ssyncset.done $0x0  }
0x62: {  	s0 =	sadd.s32 $0x16C30, s1;
	[sflag:s26] =	ssyncadd.s32 $0xFFFFE700  }
0x63: {  	[spmem:s3] =	stream.indirect.scatter.add.f32 [tilespmem:s21], [sflag:$0x7], $0x80, s0, s15, $0xb8;
	[tilespmem:$0x1FB80] =	vst v63  }
0x64: {  	s0 =	sadd.s32 $0x16C68, s1  }
0x65: {  	[spmem:s3] =	stream.indirect.scatter.add.f32 [tilespmem:s22], [sflag:$0x8], $0x80, s0, s15, $0xb8;
	[tilespmem:$0x1FB80] =	vst v63  }
0x66: {  	s0 =	sadd.s32 $0x140E0, s1  }
0x67: {  	[tilespmem:s16], [sflag:$0x1] =	stream.indirect.gather [hbm4b:s2+s15], $0x80, s0, s15, $0xb8;
	[tilespmem:$0x1FB80] =	vst v63  }
0x68: {  	s0 =	sadd.s32 $0x14118, s1  }
0x69: {  	[tilespmem:s18], [sflag:$0x2] =	stream.indirect.gather [hbm4b:s2+s15], $0x80, s0, s15, $0xb8;
	[tilespmem:$0x1FB80] =	vst v63  }
.Ltmp0:
0x6a: {  	_ =	swait.ge [sflag:s28], $0x1900;
	(pc) =	sbr.rel @p0 .LBB2_2-.Ltmp0, $4  }
0x6b: {  	[sflag:s28] =	ssyncset.done $0x0  }
0x6c: {  	[sflag:s28] =	ssyncadd.s32 $0xFFFFE700  }
0x6d: {  	_ =	swait.ge [sflag:s29], $0x1900  }
0x6e: {  	[sflag:s29] =	ssyncset.done $0x0  }
0x6f: {  	[sflag:s29] =	ssyncadd.s32 $0xFFFFE700  }
0x70: {  	_ =	swait.ge [sflag:s19], $0x1900  }
0x71: {  	[sflag:s19] =	ssyncset.done $0x0  }
0x72: {  	[sflag:s19] =	ssyncadd.s32 $0xFFFFE700  }
0x73: {  	_ =	swait.ge [sflag:s20], $0x1900  }
0x74: {  	[sflag:s20] =	ssyncset.done $0x0  }
0x75: {  	s0 =	simm.s32 $0x196A0;
	[sflag:s20] =	ssyncadd.s32 $0xFFFFE700  }
0x76: {  	[spmem:s3] =	stream.indirect.scatter.add.f32 [tilespmem:s16], [sflag:$0x5], $0x80, s0, s15, $0xb8;
	[tilespmem:$0x1FB80] =	vst v63  }
0x77: {  	s31 =	simm.s32 $0x196D8  }
0x78: {  	[spmem:s3] =	stream.indirect.scatter.add.f32 [tilespmem:s18], [sflag:$0x6], $0x80, s31, s15, $0xb8;
	[tilespmem:$0x1FB80] =	vst v63  }
0x79: {  	s1 =	simm.s32 $0x16B50  }
0x7a: {  	[tilespmem:s21], [sflag:$0x3] =	stream.indirect.gather [hbm4b:s2+s15], $0x80, s1, s15, $0xb8;
	[tilespmem:$0x1FB80] =	vst v63  }
0x7b: {  	s31 =	simm.s32 $0x16B88  }
0x7c: {  	[tilespmem:s22], [sflag:$0x4] =	stream.indirect.gather [hbm4b:s2+s15], $0x80, s31, s15, $0xb8;
	[tilespmem:$0x1FB80] =	vst v63  }
0x7d: {  	_ =	swait.ge [sflag:s23], $0x1900  }
0x7e: {  	[sflag:s23] =	ssyncset.done $0x0  }
0x7f: {  	[sflag:s23] =	ssyncadd.s32 $0xFFFFE700  }
0x80: {  	_ =	swait.ge [sflag:s24], $0x1900  }
0x81: {  	[sflag:s24] =	ssyncset.done $0x0  }
0x82: {  	[sflag:s24] =	ssyncadd.s32 $0xFFFFE700  }
0x83: {  	_ =	swait.ge [sflag:s25], $0x1900  }
0x84: {  	[sflag:s25] =	ssyncset.done $0x0  }
0x85: {  	[sflag:s25] =	ssyncadd.s32 $0xFFFFE700  }
0x86: {  	_ =	swait.ge [sflag:s26], $0x1900  }
0x87: {  	[sflag:s26] =	ssyncset.done $0x0  }
0x88: {  	[sflag:s26] =	ssyncadd.s32 $0xFFFFE700  }
0x89: {  	[spmem:s3] =	stream.indirect.scatter.add.f32 [tilespmem:s21], [sflag:$0x7], $0x80, s14, s15, $0xb8;
	[tilespmem:$0x1FB80] =	vst v63  }
0x8a: {  	_ = 	snop  }
0x8b: {  	[spmem:s3] =	stream.indirect.scatter.add.f32 [tilespmem:s22], [sflag:$0x8], $0x80, s17, s15, $0xb8;
	[tilespmem:$0x1FB80] =	vst v63  }
0x8c: {  	_ =	swait.ge [sflag:s28], $0x1900  }
0x8d: {  	[sflag:s28] =	ssyncset.done $0x0  }
0x8e: {  	[sflag:s28] =	ssyncadd.s32 $0xFFFFE700  }
0x8f: {  	_ =	swait.ge [sflag:s29], $0x1900  }
0x90: {  	s30 =	sadd.s32 $0x1, s30;
	[sflag:s29] =	ssyncset.done $0x0  }
0x91: {  	p0 =	sne.s32 s30, s10;
	[sflag:s29] =	ssyncadd.s32 $0xFFFFE700  }
.Ltmp1:
0x92: {  	[bflag:$0x0] =	sbarrier.arrive $0xFFFF;
	(pc) =	sbr.rel @p0 .LBB2_1-.Ltmp1, $4  }
0x93: {  	[hbm:s9], [sflag:s6] =	dma.local [spmem:s11], $0x2800  }
0x94: {  	_ =	swait.ge [sflag:s12], $0x2800  }
0x95: {  	[sflag:s12] =	ssyncset.done $0x0  }
0x96: {  	[sflag:s12] =	ssyncadd.s32 $0xFFFFD800  }
0x97: {  	_ =	sfence.sel $0x180000  }
0x98: {  	[bflag:$0x0] =	sbarrier.arrive $0xFFFF  }
0x99: {  	_ =	strace $0x90000047  }
0x9a: {  	s0 =	stileid.u32;
	[bflag:$0x2] =	sbarrier.arrive $0xFFFF  }
0x9b: {  	p0 =	sne.s32 s0, $0x0;
	s0 =	rddreg [dreg:$0x3]  }
0x9c: {  	s0 =	sadd.s32 @!p0 $0x100000, s0  }
0x9d: {  	[sflag:s0] =	ssyncadd.tile.s32 @!p0 $0x1;
	_ =	shalt  }
.Lfunc_end2:
_tile_overlayer_lowered:
.L_overlay_start_2:
0x9e: {  	(tag) =	ssettag $0x2  }
0x9f: {  	s0 =	rddreg [dreg:$0x0];
	s2 =	stileid.u32  }
0xa0: {  	s1 =	rddreg [dreg:$0x1];
	p0 =	sne.s32 s2, $0x0  }
0xa1: {  	s3 =	rddreg [dreg:$0x2];
	[bflag:$0x3] =	sbarrier.arrive $0xFFFF;
	s2 =	simm.s32 @!p0 $0x1C09  }
0xa2: {  	[timem:s3], [sflag:s2] =	dma.local @!p0 [hbm:s0], s1  }
0xa3: {  	s0 =	simm.s32 @!p0 $0x9  }
0xa4: {  	_ =	swait.ge @!p0 [sflag:s0], s1  }
0xa5: {  	s1 =	ssub.s32 @!p0 $0x0, s1;
	[sflag:s0] =	ssyncset.done @!p0 $0x0  }
0xa6: {  	[sflag:s0] =	ssyncadd.s32 @!p0 s1  }
0xa7: {  	[bflag:$0x3] =	sbarrier.arrive $0xFFFF  }
0xa8: {  	_ =	shalt  }

</sc_bundles>
